<compile_context>
chip_gen: v7x
topology: tpu7x:2x2x1
jax: 0.10.2.dev20260603
libtpu: 0.0.44.dev20260713+nightly
codegen_flags: <defaults>
</compile_context>

<pallas_src>
import jax
import jax.numpy as jnp
from jax import lax
from jax.experimental import pallas as pl
from jax.experimental.pallas import tpu as pltpu
from jax.experimental.pallas import tpu_sc as plsc

BATCH = 16384
D = 32
HID = 64
NC, NS = 2, 16
NW = NC * NS
ROWS_PER_W = BATCH // NW
CHUNK = 128
NCHUNK = ROWS_PER_W // CHUNK
IDX_ROWS = BATCH // CHUNK
LANES = 16
NGROUP = CHUNK // LANES


def _gather_body(idx_hbm, tab, out, idx_v, buf, sem0, sem1):
    wid = lax.axis_index("s") * NC + lax.axis_index("c")
    base = wid * ROWS_PER_W
    pltpu.sync_copy(idx_hbm.at[pl.ds(base, ROWS_PER_W)], idx_v)
    sems = (sem0, sem1)

    def fire(j, p):
        def group(g, carry):
            off = pl.multiple_of(j * CHUNK + g * LANES, LANES)
            v = idx_v[pl.ds(off, LANES)]
            for l in range(LANES):
                r = v[l]
                row = g * LANES + l
                pltpu.make_async_copy(tab.at[pl.ds(r, 1)],
                                      buf.at[p, pl.ds(row, 1)],
                                      sems[p]).start()
            return carry
        lax.fori_loop(0, NGROUP, group, 0)

    def drain_and_copy_out(j, p):
        out_row = wid * NCHUNK + j
        pltpu.make_async_copy(out.at[out_row], buf.at[p], sems[p]).wait()
        pltpu.sync_copy(buf.at[p], out.at[out_row])

    fire(0, 0)
    for j in range(1, NCHUNK):
        fire(j, j % 2)
        drain_and_copy_out(j - 1, (j - 1) % 2)
    drain_and_copy_out(NCHUNK - 1, (NCHUNK - 1) % 2)


def _sc_gather(idx, tab):
    mesh = plsc.VectorSubcoreMesh(core_axis_name="c", subcore_axis_name="s",
                                  num_cores=NC, num_subcores=NS)
    out_t = jax.ShapeDtypeStruct((IDX_ROWS, CHUNK, D), jnp.float32)
    scratch = [
        pltpu.VMEM((ROWS_PER_W,), jnp.int32),
        pltpu.VMEM((2, CHUNK, D), jnp.float32),
        pltpu.SemaphoreType.DMA,
        pltpu.SemaphoreType.DMA,
    ]
    return pl.kernel(_gather_body, out_type=out_t, mesh=mesh,
                     scratch_types=scratch)(idx, tab)


def _mlp_body(u_ref, m_ref, w1_ref, b1_ref, w2_ref, b2_ref, o_ref):
    h = jnp.dot(u_ref[...], w1_ref[0:D, :], preferred_element_type=jnp.float32)
    h = h + jnp.dot(m_ref[...], w1_ref[D:2 * D, :],
                    preferred_element_type=jnp.float32)
    h = jnp.maximum(h + b1_ref[...], 0.0)
    o = jnp.dot(h, w2_ref[...], preferred_element_type=jnp.float32) + b2_ref[...]
    o_ref[...] = jax.nn.sigmoid(o) * 5.5


def _mlp(u_emb, m_emb, w1, b1, w2, b2, block_rows=2048):
    grid = (BATCH // block_rows,)
    return pl.pallas_call(
        _mlp_body,
        grid=grid,
        in_specs=[
            pl.BlockSpec((block_rows, D), lambda i: (i, 0)),
            pl.BlockSpec((block_rows, D), lambda i: (i, 0)),
            pl.BlockSpec((2 * D, HID), lambda i: (0, 0)),
            pl.BlockSpec((1, HID), lambda i: (0, 0)),
            pl.BlockSpec((HID, 1), lambda i: (0, 0)),
            pl.BlockSpec((1, 1), lambda i: (0, 0)),
        ],
        out_specs=pl.BlockSpec((block_rows, 1), lambda i: (i, 0)),
        out_shape=jax.ShapeDtypeStruct((BATCH, 1), jnp.float32),
    )(u_emb, m_emb, w1, b1.reshape(1, HID), w2, b2.reshape(1, 1))


def kernel(cats, u_table, m_table, w1, b1, w2, b2):
    cats = cats.astype(jnp.int32)
    uidx = cats[:, 0]
    midx = cats[:, 1]
    u_emb = _sc_gather(uidx, u_table)
    m_emb = _sc_gather(midx, m_table)
    u_emb = u_emb.reshape(BATCH, D)
    m_emb = m_emb.reshape(BATCH, D)
    return _mlp(u_emb, m_emb, w1, b1, w2, b2)

# --- scband reference (transcript-rebuilt; emitter-appended) ---
"""Pipeline reference for scband-embedding-net-89644557402573 (READ-ONLY COPY).

The authoritative reference and input builder live on the scoring server;
editing this copy changes nothing except your own understanding.
"""

import jax, jax.numpy as jnp
import numpy as np

N_USERS = 1000000
N_MOVIES = 1000000
N_FACTORS = 32
HIDDEN = 64
BATCH = 16384
MAX_RATING = 5.0
MIN_RATING = 0.5


def setup_inputs(seed: int = 0) -> dict:
    key = jax.random.key(seed)
    k1, k2, k3, k4, k5, k6 = jax.random.split(key, 6)
    cats = jax.random.randint(k1, (BATCH, 2), 0, N_USERS, dtype=jnp.int64 if jax.config.jax_enable_x64 else jnp.int32)
    u_table = jax.random.uniform(k2, (N_USERS, N_FACTORS), minval=0.0, maxval=0.05, dtype=jnp.float32)
    m_table = jax.random.uniform(k3, (N_MOVIES, N_FACTORS), minval=0.0, maxval=0.05, dtype=jnp.float32)
    w1 = jax.random.normal(k4, (2 * N_FACTORS, HIDDEN), dtype=jnp.float32) * 0.05
    b1 = jnp.zeros((HIDDEN,), dtype=jnp.float32)
    w2 = jax.random.normal(k5, (HIDDEN, 1), dtype=jnp.float32) * 0.05
    b2 = jnp.zeros((1,), dtype=jnp.float32)
    return {"cats": cats, "u_table": u_table, "m_table": m_table, "w1": w1, "b1": b1, "w2": w2, "b2": b2}


def reference(cats, u_table, m_table, w1, b1, w2, b2):
    users = cats[:, 0]
    movies = cats[:, 1]
    u_emb = jnp.take(u_table, users, axis=0)
    m_emb = jnp.take(m_table, movies, axis=0)
    x = jnp.concatenate([u_emb, m_emb], axis=1)
    # Dropout is identity at inference time
    x = jax.nn.relu(x @ w1 + b1)
    x = x @ w2 + b2
    return jax.nn.sigmoid(x) * (MAX_RATING - MIN_RATING + 1.0) + MIN_RATING - 0.5

if __name__ == "__main__":
    import jax
    _d = setup_inputs()
    print(jax.jit(kernel)(*tuple(_d.values())))

</pallas_src>

<mosaic_0001>
#map = affine_map<(d0, d1) -> (0)>
#map1 = affine_map<(d0, d1) -> (0, 0)>
#map2 = affine_map<(d0, d1) -> (0, 0, 0)>
module attributes {stable_mosaic.version = 14 : i64} {
  func.func @_gather_body(%arg0: i32, %arg1: i32, %arg2: memref<16384xi32, #tpu.memory_space<hbm>>, %arg3: memref<1000000x32xf32, #tpu.memory_space<hbm>>, %arg4: memref<128x128x32xf32, #tpu.memory_space<hbm>>, %arg5: memref<512xi32, #tpu.memory_space<vmem>>, %arg6: memref<2x128x32xf32, #tpu.memory_space<vmem>>, %arg7: memref<!tpu.dma_semaphore, #tpu.memory_space<semaphore_mem>>, %arg8: memref<!tpu.dma_semaphore, #tpu.memory_space<semaphore_mem>>) attributes {dimension_semantics = [#tpu.dimension_semantics<core_parallel>, #tpu.dimension_semantics<subcore_parallel>], iteration_bounds = array<i64: 2, 16>, scalar_prefetch = 0 : i64, scratch_operands = 4 : i64, tpu.core_type = #tpu.core_type<sc_vector_subcore>, window_params = [{transform_indices = #map}, {transform_indices = #map1}, {transform_indices = #map2}]} {
    %mul3A = arith.constant 2 : i32
    %mul3A_0 = arith.muli %arg1, %mul3A : i32
    %add3A = arith.addi %mul3A_0, %arg0 : i32
    %mul3A_1 = arith.constant 512 : i32
    %mul3A_2 = arith.muli %add3A, %mul3A_1 : i32
    "tpu.region"() ({
      %run_scoped3A_112 = tpu.sem_alloc : memref<!tpu.dma_semaphore, #tpu.memory_space<semaphore_mem>>
      %dma_start3A = tpu.memref_slice %arg2[%mul3A_2] : memref<16384xi32, #tpu.memory_space<hbm>> -> memref<512xi32, #tpu.memory_space<hbm>>
      %dma_start3A_113 = tpu.memref_slice %arg2[%mul3A_2] : memref<16384xi32, #tpu.memory_space<hbm>> -> memref<512xi32, #tpu.memory_space<hbm>>
      tpu.enqueue_dma source(%dma_start3A_113 : memref<512xi32, #tpu.memory_space<hbm>>) target(%arg5 : memref<512xi32, #tpu.memory_space<vmem>>) target_semaphore(%run_scoped3A_112 : memref<!tpu.dma_semaphore, #tpu.memory_space<semaphore_mem>>)
      %dma_wait3A_114 = tpu.memref_slice %arg2[%mul3A_2] : memref<16384xi32, #tpu.memory_space<hbm>> -> memref<512xi32, #tpu.memory_space<hbm>>
      %dma_wait3A_115 = tpu.memref_slice %arg2[%mul3A_2] : memref<16384xi32, #tpu.memory_space<hbm>> -> memref<512xi32, #tpu.memory_space<hbm>>
      tpu.wait_dma2 semaphore(%run_scoped3A_112 : memref<!tpu.dma_semaphore, #tpu.memory_space<semaphore_mem>>) src(%dma_wait3A_115 : memref<512xi32, #tpu.memory_space<hbm>>) dst(%arg5 : memref<512xi32, #tpu.memory_space<vmem>>)
      tpu.yield
    }) : () -> ()
    %scan3A = arith.constant 0 : i32
    %scan3A_3 = arith.constant 0 : i32
    %scan3A_4 = arith.constant 8 : i32
    %scan3A_5 = arith.addi %scan3A_3, %scan3A_4 : i32
    %scan3A_6 = arith.constant 1 : i32
    scf.for %scan3A_112 = %scan3A_3 to %scan3A_5 step %scan3A_6  : i32 {
      %mul3A_113 = arith.constant 16 : i32
      %mul3A_114 = arith.muli %scan3A_112, %mul3A_113 : i32
      %add3A_115 = arith.constant 0 : i32
      %add3A_116 = arith.addi %add3A_115, %mul3A_114 : i32
      %multiple_of3A = tpu.assume_multiple %add3A_116, 16 : i32
      %get3A = arith.index_cast %multiple_of3A : i32 to index
      %get3A_117 = tpu.vector_load %arg5[%get3A] {strides = array<i32>} : memref<512xi32, #tpu.memory_space<vmem>>, vector<16xi32>,
      %get3A_118 = vector.shape_cast %get3A_117 : vector<16xi32> to vector<16xi32>
      %slice3A = vector.extract_strided_slice %get3A_118 {offsets = [0], sizes = [1], strides = [1]} : vector<16xi32> to vector<1xi32>
      %squeeze3A = vector.extract %slice3A[0] : i32 from vector<1xi32>
      %mul3A_119 = arith.constant 16 : i32
      %mul3A_120 = arith.muli %scan3A_112, %mul3A_119 : i32
      %add3A_121 = arith.constant 0 : i32
      %add3A_122 = arith.addi %mul3A_120, %add3A_121 : i32
      %dma_start3A = arith.constant 0 : i32
      %dma_start3A_123 = arith.constant 0 : i32
      %dma_start3A_124 = tpu.memref_slice %arg6[%dma_start3A, %add3A_122, %dma_start3A_123] : memref<2x128x32xf32, #tpu.memory_space<vmem>> -> memref<1x1x32xf32, #tpu.memory_space<vmem>>
      %dma_start3A_125 = tpu.memref_squeeze %dma_start3A_124 : memref<1x1x32xf32, #tpu.memory_space<vmem>> -> memref<1x32xf32, #tpu.memory_space<vmem>>
      %dma_start3A_126 = arith.constant 0 : i32
      %dma_start3A_127 = tpu.memref_slice %arg3[%squeeze3A, %dma_start3A_126] : memref<1000000x32xf32, #tpu.memory_space<hbm>> -> memref<1x32xf32, #tpu.memory_space<hbm>>
      %dma_start3A_128 = arith.constant 0 : i32
      %dma_start3A_129 = tpu.memref_slice %arg6[%dma_start3A, %add3A_122, %dma_start3A_128] : memref<2x128x32xf32, #tpu.memory_space<vmem>> -> memref<1x1x32xf32, #tpu.memory_space<vmem>>
      %dma_start3A_130 = tpu.memref_squeeze %dma_start3A_129 : memref<1x1x32xf32, #tpu.memory_space<vmem>> -> memref<1x32xf32, #tpu.memory_space<vmem>>
      %dma_start3A_131 = arith.constant 0 : i32
      %dma_start3A_132 = tpu.memref_slice %arg3[%squeeze3A, %dma_start3A_131] : memref<1000000x32xf32, #tpu.memory_space<hbm>> -> memref<1x32xf32, #tpu.memory_space<hbm>>
      tpu.enqueue_dma source(%dma_start3A_132 : memref<1x32xf32, #tpu.memory_space<hbm>>) target(%dma_start3A_130 : memref<1x32xf32, #tpu.memory_space<vmem>>) target_semaphore(%arg7 : memref<!tpu.dma_semaphore, #tpu.memory_space<semaphore_mem>>)
      %slice3A_133 = vector.extract_strided_slice %get3A_118 {offsets = [1], sizes = [1], strides = [1]} : vector<16xi32> to vector<1xi32>
      %squeeze3A_134 = vector.extract %slice3A_133[0] : i32 from vector<1xi32>
      %mul3A_135 = arith.constant 16 : i32
      %mul3A_136 = arith.muli %scan3A_112, %mul3A_135 : i32
      %add3A_137 = arith.constant 1 : i32
      %add3A_138 = arith.addi %mul3A_136, %add3A_137 : i32
      %dma_start3A_139 = arith.constant 0 : i32
      %dma_start3A_140 = arith.constant 0 : i32
      %dma_start3A_141 = tpu.memref_slice %arg6[%dma_start3A_139, %add3A_138, %dma_start3A_140] : memref<2x128x32xf32, #tpu.memory_space<vmem>> -> memref<1x1x32xf32, #tpu.memory_space<vmem>>
      %dma_start3A_142 = tpu.memref_squeeze %dma_start3A_141 : memref<1x1x32xf32, #tpu.memory_space<vmem>> -> memref<1x32xf32, #tpu.memory_space<vmem>>
      %dma_start3A_143 = arith.constant 0 : i32
      %dma_start3A_144 = tpu.memref_slice %arg3[%squeeze3A_134, %dma_start3A_143] : memref<1000000x32xf32, #tpu.memory_space<hbm>> -> memref<1x32xf32, #tpu.memory_space<hbm>>
      %dma_start3A_145 = arith.constant 0 : i32
      %dma_start3A_146 = tpu.memref_slice %arg6[%dma_start3A_139, %add3A_138, %dma_start3A_145] : memref<2x128x32xf32, #tpu.memory_space<vmem>> -> memref<1x1x32xf32, #tpu.memory_space<vmem>>
      %dma_start3A_147 = tpu.memref_squeeze %dma_start3A_146 : memref<1x1x32xf32, #tpu.memory_space<vmem>> -> memref<1x32xf32, #tpu.memory_space<vmem>>
      %dma_start3A_148 = arith.constant 0 : i32
      %dma_start3A_149 = tpu.memref_slice %arg3[%squeeze3A_134, %dma_start3A_148] : memref<1000000x32xf32, #tpu.memory_space<hbm>> -> memref<1x32xf32, #tpu.memory_space<hbm>>
      tpu.enqueue_dma source(%dma_start3A_149 : memref<1x32xf32, #tpu.memory_space<hbm>>) target(%dma_start3A_147 : memref<1x32xf32, #tpu.memory_space<vmem>>) target_semaphore(%arg7 : memref<!tpu.dma_semaphore, #tpu.memory_space<semaphore_mem>>)
      %slice3A_150 = vector.extract_strided_slice %get3A_118 {offsets = [2], sizes = [1], strides = [1]} : vector<16xi32> to vector<1xi32>
      %squeeze3A_151 = vector.extract %slice3A_150[0] : i32 from vector<1xi32>
      %mul3A_152 = arith.constant 16 : i32
      %mul3A_153 = arith.muli %scan3A_112, %mul3A_152 : i32
      %add3A_154 = arith.constant 2 : i32
      %add3A_155 = arith.addi %mul3A_153, %add3A_154 : i32
      %dma_start3A_156 = arith.constant 0 : i32
      %dma_start3A_157 = arith.constant 0 : i32
      %dma_start3A_158 = tpu.memref_slice %arg6[%dma_start3A_156, %add3A_155, %dma_start3A_157] : memref<2x128x32xf32, #tpu.memory_space<vmem>> -> memref<1x1x32xf32, #tpu.memory_space<vmem>>
      %dma_start3A_159 = tpu.memref_squeeze %dma_start3A_158 : memref<1x1x32xf32, #tpu.memory_space<vmem>> -> memref<1x32xf32, #tpu.memory_space<vmem>>
      %dma_start3A_160 = arith.constant 0 : i32
      %dma_start3A_161 = tpu.memref_slice %arg3[%squeeze3A_151, %dma_start3A_160] : memref<1000000x32xf32, #tpu.memory_space<hbm>> -> memref<1x32xf32, #tpu.memory_space<hbm>>
      %dma_start3A_162 = arith.constant 0 : i32
      %dma_start3A_163 = tpu.memref_slice %arg6[%dma_start3A_156, %add3A_155, %dma_start3A_162] : memref<2x128x32xf32, #tpu.memory_space<vmem>> -> memref<1x1x32xf32, #tpu.memory_space<vmem>>
      %dma_start3A_164 = tpu.memref_squeeze %dma_start3A_163 : memref<1x1x32xf32, #tpu.memory_space<vmem>> -> memref<1x32xf32, #tpu.memory_space<vmem>>
      %dma_start3A_165 = arith.constant 0 : i32
      %dma_start3A_166 = tpu.memref_slice %arg3[%squeeze3A_151, %dma_start3A_165] : memref<1000000x32xf32, #tpu.memory_space<hbm>> -> memref<1x32xf32, #tpu.memory_space<hbm>>
      tpu.enqueue_dma source(%dma_start3A_166 : memref<1x32xf32, #tpu.memory_space<hbm>>) target(%dma_start3A_164 : memref<1x32xf32, #tpu.memory_space<vmem>>) target_semaphore(%arg7 : memref<!tpu.dma_semaphore, #tpu.memory_space<semaphore_mem>>)
      %slice3A_167 = vector.extract_strided_slice %get3A_118 {offsets = [3], sizes = [1], strides = [1]} : vector<16xi32> to vector<1xi32>
      %squeeze3A_168 = vector.extract %slice3A_167[0] : i32 from vector<1xi32>
      %mul3A_169 = arith.constant 16 : i32
      %mul3A_170 = arith.muli %scan3A_112, %mul3A_169 : i32
      %add3A_171 = arith.constant 3 : i32
      %add3A_172 = arith.addi %mul3A_170, %add3A_171 : i32
      %dma_start3A_173 = arith.constant 0 : i32
      %dma_start3A_174 = arith.constant 0 : i32
      %dma_start3A_175 = tpu.memref_slice %arg6[%dma_start3A_173, %add3A_172, %dma_start3A_174] : memref<2x128x32xf32, #tpu.memory_space<vmem>> -> memref<1x1x32xf32, #tpu.memory_space<vmem>>
      %dma_start3A_176 = tpu.memref_squeeze %dma_start3A_175 : memref<1x1x32xf32, #tpu.memory_space<vmem>> -> memref<1x32xf32, #tpu.memory_space<vmem>>
      %dma_start3A_177 = arith.constant 0 : i32
      %dma_start3A_178 = tpu.memref_slice %arg3[%squeeze3A_168, %dma_start3A_177] : memref<1000000x32xf32, #tpu.memory_space<hbm>> -> memref<1x32xf32, #tpu.memory_space<hbm>>
      %dma_start3A_179 = arith.constant 0 : i32
      %dma_start3A_180 = tpu.memref_slice %arg6[%dma_start3A_173, %add3A_172, %dma_start3A_179] : memref<2x128x32xf32, #tpu.memory_space<vmem>> -> memref<1x1x32xf32, #tpu.memory_space<vmem>>
      %dma_start3A_181 = tpu.memref_squeeze %dma_start3A_180 : memref<1x1x32xf32, #tpu.memory_space<vmem>> -> memref<1x32xf32, #tpu.memory_space<vmem>>
      %dma_start3A_182 = arith.constant 0 : i32
      %dma_start3A_183 = tpu.memref_slice %arg3[%squeeze3A_168, %dma_start3A_182] : memref<1000000x32xf32, #tpu.memory_space<hbm>> -> memref<1x32xf32, #tpu.memory_space<hbm>>
      tpu.enqueue_dma source(%dma_start3A_183 : memref<1x32xf32, #tpu.memory_space<hbm>>) target(%dma_start3A_181 : memref<1x32xf32, #tpu.memory_space<vmem>>) target_semaphore(%arg7 : memref<!tpu.dma_semaphore, #tpu.memory_space<semaphore_mem>>)
      %slice3A_184 = vector.extract_strided_slice %get3A_118 {offsets = [4], sizes = [1], strides = [1]} : vector<16xi32> to vector<1xi32>
      %squeeze3A_185 = vector.extract %slice3A_184[0] : i32 from vector<1xi32>
      %mul3A_186 = arith.constant 16 : i32
      %mul3A_187 = arith.muli %scan3A_112, %mul3A_186 : i32
      %add3A_188 = arith.constant 4 : i32
      %add3A_189 = arith.addi %mul3A_187, %add3A_188 : i32
      %dma_start3A_190 = arith.constant 0 : i32
      %dma_start3A_191 = arith.constant 0 : i32
      %dma_start3A_192 = tpu.memref_slice %arg6[%dma_start3A_190, %add3A_189, %dma_start3A_191] : memref<2x128x32xf32, #tpu.memory_space<vmem>> -> memref<1x1x32xf32, #tpu.memory_space<vmem>>
      %dma_start3A_193 = tpu.memref_squeeze %dma_start3A_192 : memref<1x1x32xf32, #tpu.memory_space<vmem>> -> memref<1x32xf32, #tpu.memory_space<vmem>>
      %dma_start3A_194 = arith.constant 0 : i32
      %dma_start3A_195 = tpu.memref_slice %arg3[%squeeze3A_185, %dma_start3A_194] : memref<1000000x32xf32, #tpu.memory_space<hbm>> -> memref<1x32xf32, #tpu.memory_space<hbm>>
      %dma_start3A_196 = arith.constant 0 : i32
      %dma_start3A_197 = tpu.memref_slice %arg6[%dma_start3A_190, %add3A_189, %dma_start3A_196] : memref<2x128x32xf32, #tpu.memory_space<vmem>> -> memref<1x1x32xf32, #tpu.memory_space<vmem>>
      %dma_start3A_198 = tpu.memref_squeeze %dma_start3A_197 : memref<1x1x32xf32, #tpu.memory_space<vmem>> -> memref<1x32xf32, #tpu.memory_space<vmem>>
      %dma_start3A_199 = arith.constant 0 : i32
      %dma_start3A_200 = tpu.memref_slice %arg3[%squeeze3A_185, %dma_start3A_199] : memref<1000000x32xf32, #tpu.memory_space<hbm>> -> memref<1x32xf32, #tpu.memory_space<hbm>>
      tpu.enqueue_dma source(%dma_start3A_200 : memref<1x32xf32, #tpu.memory_space<hbm>>) target(%dma_start3A_198 : memref<1x32xf32, #tpu.memory_space<vmem>>) target_semaphore(%arg7 : memref<!tpu.dma_semaphore, #tpu.memory_space<semaphore_mem>>)
      %slice3A_201 = vector.extract_strided_slice %get3A_118 {offsets = [5], sizes = [1], strides = [1]} : vector<16xi32> to vector<1xi32>
      %squeeze3A_202 = vector.extract %slice3A_201[0] : i32 from vector<1xi32>
      %mul3A_203 = arith.constant 16 : i32
      %mul3A_204 = arith.muli %scan3A_112, %mul3A_203 : i32
      %add3A_205 = arith.constant 5 : i32
      %add3A_206 = arith.addi %mul3A_204, %add3A_205 : i32
      %dma_start3A_207 = arith.constant 0 : i32
      %dma_start3A_208 = arith.constant 0 : i32
      %dma_start3A_209 = tpu.memref_slice %arg6[%dma_start3A_207, %add3A_206, %dma_start3A_208] : memref<2x128x32xf32, #tpu.memory_space<vmem>> -> memref<1x1x32xf32, #tpu.memory_space<vmem>>
      %dma_start3A_210 = tpu.memref_squeeze %dma_start3A_209 : memref<1x1x32xf32, #tpu.memory_space<vmem>> -> memref<1x32xf32, #tpu.memory_space<vmem>>
      %dma_start3A_211 = arith.constant 0 : i32
      %dma_start3A_212 = tpu.memref_slice %arg3[%squeeze3A_202, %dma_start3A_211] : memref<1000000x32xf32, #tpu.memory_space<hbm>> -> memref<1x32xf32, #tpu.memory_space<hbm>>
      %dma_start3A_213 = arith.constant 0 : i32
      %dma_start3A_214 = tpu.memref_slice %arg6[%dma_start3A_207, %add3A_206, %dma_start3A_213] : memref<2x128x32xf32, #tpu.memory_space<vmem>> -> memref<1x1x32xf32, #tpu.memory_space<vmem>>
      %dma_start3A_215 = tpu.memref_squeeze %dma_start3A_214 : memref<1x1x32xf32, #tpu.memory_space<vmem>> -> memref<1x32xf32, #tpu.memory_space<vmem>>
      %dma_start3A_216 = arith.constant 0 : i32
      %dma_start3A_217 = tpu.memref_slice %arg3[%squeeze3A_202, %dma_start3A_216] : memref<1000000x32xf32, #tpu.memory_space<hbm>> -> memref<1x32xf32, #tpu.memory_space<hbm>>
      tpu.enqueue_dma source(%dma_start3A_217 : memref<1x32xf32, #tpu.memory_space<hbm>>) target(%dma_start3A_215 : memref<1x32xf32, #tpu.memory_space<vmem>>) target_semaphore(%arg7 : memref<!tpu.dma_semaphore, #tpu.memory_space<semaphore_mem>>)
      %slice3A_218 = vector.extract_strided_slice %get3A_118 {offsets = [6], sizes = [1], strides = [1]} : vector<16xi32> to vector<1xi32>
      %squeeze3A_219 = vector.extract %slice3A_218[0] : i32 from vector<1xi32>
      %mul3A_220 = arith.constant 16 : i32
      %mul3A_221 = arith.muli %scan3A_112, %mul3A_220 : i32
      %add3A_222 = arith.constant 6 : i32
      %add3A_223 = arith.addi %mul3A_221, %add3A_222 : i32
      %dma_start3A_224 = arith.constant 0 : i32
      %dma_start3A_225 = arith.constant 0 : i32
      %dma_start3A_226 = tpu.memref_slice %arg6[%dma_start3A_224, %add3A_223, %dma_start3A_225] : memref<2x128x32xf32, #tpu.memory_space<vmem>> -> memref<1x1x32xf32, #tpu.memory_space<vmem>>
      %dma_start3A_227 = tpu.memref_squeeze %dma_start3A_226 : memref<1x1x32xf32, #tpu.memory_space<vmem>> -> memref<1x32xf32, #tpu.memory_space<vmem>>
      %dma_start3A_228 = arith.constant 0 : i32
      %dma_start3A_229 = tpu.memref_slice %arg3[%squeeze3A_219, %dma_start3A_228] : memref<1000000x32xf32, #tpu.memory_space<hbm>> -> memref<1x32xf32, #tpu.memory_space<hbm>>
      %dma_start3A_230 = arith.constant 0 : i32
      %dma_start3A_231 = tpu.memref_slice %arg6[%dma_start3A_224, %add3A_223, %dma_start3A_230] : memref<2x128x32xf32, #tpu.memory_space<vmem>> -> memref<1x1x32xf32, #tpu.memory_space<vmem>>
      %dma_start3A_232 = tpu.memref_squeeze %dma_start3A_231 : memref<1x1x32xf32, #tpu.memory_space<vmem>> -> memref<1x32xf32, #tpu.memory_space<vmem>>
      %dma_start3A_233 = arith.constant 0 : i32
      %dma_start3A_234 = tpu.memref_slice %arg3[%squeeze3A_219, %dma_start3A_233] : memref<1000000x32xf32, #tpu.memory_space<hbm>> -> memref<1x32xf32, #tpu.memory_space<hbm>>
      tpu.enqueue_dma source(%dma_start3A_234 : memref<1x32xf32, #tpu.memory_space<hbm>>) target(%dma_start3A_232 : memref<1x32xf32, #tpu.memory_space<vmem>>) target_semaphore(%arg7 : memref<!tpu.dma_semaphore, #tpu.memory_space<semaphore_mem>>)
      %slice3A_235 = vector.extract_strided_slice %get3A_118 {offsets = [7], sizes = [1], strides = [1]} : vector<16xi32> to vector<1xi32>
      %squeeze3A_236 = vector.extract %slice3A_235[0] : i32 from vector<1xi32>
      %mul3A_237 = arith.constant 16 : i32
      %mul3A_238 = arith.muli %scan3A_112, %mul3A_237 : i32
      %add3A_239 = arith.constant 7 : i32
      %add3A_240 = arith.addi %mul3A_238, %add3A_239 : i32
      %dma_start3A_241 = arith.constant 0 : i32
      %dma_start3A_242 = arith.constant 0 : i32
      %dma_start3A_243 = tpu.memref_slice %arg6[%dma_start3A_241, %add3A_240, %dma_start3A_242] : memref<2x128x32xf32, #tpu.memory_space<vmem>> -> memref<1x1x32xf32, #tpu.memory_space<vmem>>
      %dma_start3A_244 = tpu.memref_squeeze %dma_start3A_243 : memref<1x1x32xf32, #tpu.memory_space<vmem>> -> memref<1x32xf32, #tpu.memory_space<vmem>>
      %dma_start3A_245 = arith.constant 0 : i32
      %dma_start3A_246 = tpu.memref_slice %arg3[%squeeze3A_236, %dma_start3A_245] : memref<1000000x32xf32, #tpu.memory_space<hbm>> -> memref<1x32xf32, #tpu.memory_space<hbm>>
      %dma_start3A_247 = arith.constant 0 : i32
      %dma_start3A_248 = tpu.memref_slice %arg6[%dma_start3A_241, %add3A_240, %dma_start3A_247] : memref<2x128x32xf32, #tpu.memory_space<vmem>> -> memref<1x1x32xf32, #tpu.memory_space<vmem>>
      %dma_start3A_249 = tpu.memref_squeeze %dma_start3A_248 : memref<1x1x32xf32, #tpu.memory_space<vmem>> -> memref<1x32xf32, #tpu.memory_space<vmem>>
      %dma_start3A_250 = arith.constant 0 : i32
      %dma_start3A_251 = tpu.memref_slice %arg3[%squeeze3A_236, %dma_start3A_250] : memref<1000000x32xf32, #tpu.memory_space<hbm>> -> memref<1x32xf32, #tpu.memory_space<hbm>>
      tpu.enqueue_dma source(%dma_start3A_251 : memref<1x32xf32, #tpu.memory_space<hbm>>) target(%dma_start3A_249 : memref<1x32xf32, #tpu.memory_space<vmem>>) target_semaphore(%arg7 : memref<!tpu.dma_semaphore, #tpu.memory_space<semaphore_mem>>)
      %slice3A_252 = vector.extract_strided_slice %get3A_118 {offsets = [8], sizes = [1], strides = [1]} : vector<16xi32> to vector<1xi32>
      %squeeze3A_253 = vector.extract %slice3A_252[0] : i32 from vector<1xi32>
      %mul3A_254 = arith.constant 16 : i32
      %mul3A_255 = arith.muli %scan3A_112, %mul3A_254 : i32
      %add3A_256 = arith.constant 8 : i32
      %add3A_257 = arith.addi %mul3A_255, %add3A_256 : i32
      %dma_start3A_258 = arith.constant 0 : i32
      %dma_start3A_259 = arith.constant 0 : i32
      %dma_start3A_260 = tpu.memref_slice %arg6[%dma_start3A_258, %add3A_257, %dma_start3A_259] : memref<2x128x32xf32, #tpu.memory_space<vmem>> -> memref<1x1x32xf32, #tpu.memory_space<vmem>>
      %dma_start3A_261 = tpu.memref_squeeze %dma_start3A_260 : memref<1x1x32xf32, #tpu.memory_space<vmem>> -> memref<1x32xf32, #tpu.memory_space<vmem>>
      %dma_start3A_262 = arith.constant 0 : i32
      %dma_start3A_263 = tpu.memref_slice %arg3[%squeeze3A_253, %dma_start3A_262] : memref<1000000x32xf32, #tpu.memory_space<hbm>> -> memref<1x32xf32, #tpu.memory_space<hbm>>
      %dma_start3A_264 = arith.constant 0 : i32
      %dma_start3A_265 = tpu.memref_slice %arg6[%dma_start3A_258, %add3A_257, %dma_start3A_264] : memref<2x128x32xf32, #tpu.memory_space<vmem>> -> memref<1x1x32xf32, #tpu.memory_space<vmem>>
      %dma_start3A_266 = tpu.memref_squeeze %dma_start3A_265 : memref<1x1x32xf32, #tpu.memory_space<vmem>> -> memref<1x32xf32, #tpu.memory_space<vmem>>
      %dma_start3A_267 = arith.constant 0 : i32
      %dma_start3A_268 = tpu.memref_slice %arg3[%squeeze3A_253, %dma_start3A_267] : memref<1000000x32xf32, #tpu.memory_space<hbm>> -> memref<1x32xf32, #tpu.memory_space<hbm>>
      tpu.enqueue_dma source(%dma_start3A_268 : memref<1x32xf32, #tpu.memory_space<hbm>>) target(%dma_start3A_266 : memref<1x32xf32, #tpu.memory_space<vmem>>) target_semaphore(%arg7 : memref<!tpu.dma_semaphore, #tpu.memory_space<semaphore_mem>>)
      %slice3A_269 = vector.extract_strided_slice %get3A_118 {offsets = [9], sizes = [1], strides = [1]} : vector<16xi32> to vector<1xi32>
      %squeeze3A_270 = vector.extract %slice3A_269[0] : i32 from vector<1xi32>
      %mul3A_271 = arith.constant 16 : i32
      %mul3A_272 = arith.muli %scan3A_112, %mul3A_271 : i32
      %add3A_273 = arith.constant 9 : i32
      %add3A_274 = arith.addi %mul3A_272, %add3A_273 : i32
      %dma_start3A_275 = arith.constant 0 : i32
      %dma_start3A_276 = arith.constant 0 : i32
      %dma_start3A_277 = tpu.memref_slice %arg6[%dma_start3A_275, %add3A_274, %dma_start3A_276] : memref<2x128x32xf32, #tpu.memory_space<vmem>> -> memref<1x1x32xf32, #tpu.memory_space<vmem>>
      %dma_start3A_278 = tpu.memref_squeeze %dma_start3A_277 : memref<1x1x32xf32, #tpu.memory_space<vmem>> -> memref<1x32xf32, #tpu.memory_space<vmem>>
      %dma_start3A_279 = arith.constant 0 : i32
      %dma_start3A_280 = tpu.memref_slice %arg3[%squeeze3A_270, %dma_start3A_279] : memref<1000000x32xf32, #tpu.memory_space<hbm>> -> memref<1x32xf32, #tpu.memory_space<hbm>>
      %dma_start3A_281 = arith.constant 0 : i32
      %dma_start3A_282 = tpu.memref_slice %arg6[%dma_start3A_275, %add3A_274, %dma_start3A_281] : memref<2x128x32xf32, #tpu.memory_space<vmem>> -> memref<1x1x32xf32, #tpu.memory_space<vmem>>
      %dma_start3A_283 = tpu.memref_squeeze %dma_start3A_282 : memref<1x1x32xf32, #tpu.memory_space<vmem>> -> memref<1x32xf32, #tpu.memory_space<vmem>>
      %dma_start3A_284 = arith.constant 0 : i32
      %dma_start3A_285 = tpu.memref_slice %arg3[%squeeze3A_270, %dma_start3A_284] : memref<1000000x32xf32, #tpu.memory_space<hbm>> -> memref<1x32xf32, #tpu.memory_space<hbm>>
      tpu.enqueue_dma source(%dma_start3A_285 : memref<1x32xf32, #tpu.memory_space<hbm>>) target(%dma_start3A_283 : memref<1x32xf32, #tpu.memory_space<vmem>>) target_semaphore(%arg7 : memref<!tpu.dma_semaphore, #tpu.memory_space<semaphore_mem>>)
      %slice3A_286 = vector.extract_strided_slice %get3A_118 {offsets = [10], sizes = [1], strides = [1]} : vector<16xi32> to vector<1xi32>
      %squeeze3A_287 = vector.extract %slice3A_286[0] : i32 from vector<1xi32>
      %mul3A_288 = arith.constant 16 : i32
      %mul3A_289 = arith.muli %scan3A_112, %mul3A_288 : i32
      %add3A_290 = arith.constant 10 : i32
      %add3A_291 = arith.addi %mul3A_289, %add3A_290 : i32
      %dma_start3A_292 = arith.constant 0 : i32
      %dma_start3A_293 = arith.constant 0 : i32
      %dma_start3A_294 = tpu.memref_slice %arg6[%dma_start3A_292, %add3A_291, %dma_start3A_293] : memref<2x128x32xf32, #tpu.memory_space<vmem>> -> memref<1x1x32xf32, #tpu.memory_space<vmem>>
      %dma_start3A_295 = tpu.memref_squeeze %dma_start3A_294 : memref<1x1x32xf32, #tpu.memory_space<vmem>> -> memref<1x32xf32, #tpu.memory_space<vmem>>
      %dma_start3A_296 = arith.constant 0 : i32
      %dma_start3A_297 = tpu.memref_slice %arg3[%squeeze3A_287, %dma_start3A_296] : memref<1000000x32xf32, #tpu.memory_space<hbm>> -> memref<1x32xf32, #tpu.memory_space<hbm>>
      %dma_start3A_298 = arith.constant 0 : i32
      %dma_start3A_299 = tpu.memref_slice %arg6[%dma_start3A_292, %add3A_291, %dma_start3A_298] : memref<2x128x32xf32, #tpu.memory_space<vmem>> -> memref<1x1x32xf32, #tpu.memory_space<vmem>>
      %dma_start3A_300 = tpu.memref_squeeze %dma_start3A_299 : memref<1x1x32xf32, #tpu.memory_space<vmem>> -> memref<1x32xf32, #tpu.memory_space<vmem>>
      %dma_start3A_301 = arith.constant 0 : i32
      %dma_start3A_302 = tpu.memref_slice %arg3[%squeeze3A_287, %dma_start3A_301] : memref<1000000x32xf32, #tpu.memory_space<hbm>> -> memref<1x32xf32, #tpu.memory_space<hbm>>
      tpu.enqueue_dma source(%dma_start3A_302 : memref<1x32xf32, #tpu.memory_space<hbm>>) target(%dma_start3A_300 : memref<1x32xf32, #tpu.memory_space<vmem>>) target_semaphore(%arg7 : memref<!tpu.dma_semaphore, #tpu.memory_space<semaphore_mem>>)
      %slice3A_303 = vector.extract_strided_slice %get3A_118 {offsets = [11], sizes = [1], strides = [1]} : vector<16xi32> to vector<1xi32>
      %squeeze3A_304 = vector.extract %slice3A_303[0] : i32 from vector<1xi32>
      %mul3A_305 = arith.constant 16 : i32
      %mul3A_306 = arith.muli %scan3A_112, %mul3A_305 : i32
      %add3A_307 = arith.constant 11 : i32
      %add3A_308 = arith.addi %mul3A_306, %add3A_307 : i32
      %dma_start3A_309 = arith.constant 0 : i32
      %dma_start3A_310 = arith.constant 0 : i32
      %dma_start3A_311 = tpu.memref_slice %arg6[%dma_start3A_309, %add3A_308, %dma_start3A_310] : memref<2x128x32xf32, #tpu.memory_space<vmem>> -> memref<1x1x32xf32, #tpu.memory_space<vmem>>
      %dma_start3A_312 = tpu.memref_squeeze %dma_start3A_311 : memref<1x1x32xf32, #tpu.memory_space<vmem>> -> memref<1x32xf32, #tpu.memory_space<vmem>>
      %dma_start3A_313 = arith.constant 0 : i32
      %dma_start3A_314 = tpu.memref_slice %arg3[%squeeze3A_304, %dma_start3A_313] : memref<1000000x32xf32, #tpu.memory_space<hbm>> -> memref<1x32xf32, #tpu.memory_space<hbm>>
      %dma_start3A_315 = arith.constant 0 : i32
      %dma_start3A_316 = tpu.memref_slice %arg6[%dma_start3A_309, %add3A_308, %dma_start3A_315] : memref<2x128x32xf32, #tpu.memory_space<vmem>> -> memref<1x1x32xf32, #tpu.memory_space<vmem>>
      %dma_start3A_317 = tpu.memref_squeeze %dma_start3A_316 : memref<1x1x32xf32, #tpu.memory_space<vmem>> -> memref<1x32xf32, #tpu.memory_space<vmem>>
      %dma_start3A_318 = arith.constant 0 : i32
      %dma_start3A_319 = tpu.memref_slice %arg3[%squeeze3A_304, %dma_start3A_318] : memref<1000000x32xf32, #tpu.memory_space<hbm>> -> memref<1x32xf32, #tpu.memory_space<hbm>>
      tpu.enqueue_dma source(%dma_start3A_319 : memref<1x32xf32, #tpu.memory_space<hbm>>) target(%dma_start3A_317 : memref<1x32xf32, #tpu.memory_space<vmem>>) target_semaphore(%arg7 : memref<!tpu.dma_semaphore, #tpu.memory_space<semaphore_mem>>)
      %slice3A_320 = vector.extract_strided_slice %get3A_118 {offsets = [12], sizes = [1], strides = [1]} : vector<16xi32> to vector<1xi32>
      %squeeze3A_321 = vector.extract %slice3A_320[0] : i32 from vector<1xi32>
      %mul3A_322 = arith.constant 16 : i32
      %mul3A_323 = arith.muli %scan3A_112, %mul3A_322 : i32
      %add3A_324 = arith.constant 12 : i32
      %add3A_325 = arith.addi %mul3A_323, %add3A_324 : i32
      %dma_start3A_326 = arith.constant 0 : i32
      %dma_start3A_327 = arith.constant 0 : i32
      %dma_start3A_328 = tpu.memref_slice %arg6[%dma_start3A_326, %add3A_325, %dma_start3A_327] : memref<2x128x32xf32, #tpu.memory_space<vmem>> -> memref<1x1x32xf32, #tpu.memory_space<vmem>>
      %dma_start3A_329 = tpu.memref_squeeze %dma_start3A_328 : memref<1x1x32xf32, #tpu.memory_space<vmem>> -> memref<1x32xf32, #tpu.memory_space<vmem>>
      %dma_start3A_330 = arith.constant 0 : i32
      %dma_start3A_331 = tpu.memref_slice %arg3[%squeeze3A_321, %dma_start3A_330] : memref<1000000x32xf32, #tpu.memory_space<hbm>> -> memref<1x32xf32, #tpu.memory_space<hbm>>
      %dma_start3A_332 = arith.constant 0 : i32
      %dma_start3A_333 = tpu.memref_slice %arg6[%dma_start3A_326, %add3A_325, %dma_start3A_332] : memref<2x128x32xf32, #tpu.memory_space<vmem>> -> memref<1x1x32xf32, #tpu.memory_space<vmem>>
      %dma_start3A_334 = tpu.memref_squeeze %dma_start3A_333 : memref<1x1x32xf32, #tpu.memory_space<vmem>> -> memref<1x32xf32, #tpu.memory_space<vmem>>
      %dma_start3A_335 = arith.constant 0 : i32
      %dma_start3A_336 = tpu.memref_slice %arg3[%squeeze3A_321, %dma_start3A_335] : memref<1000000x32xf32, #tpu.memory_space<hbm>> -> memref<1x32xf32, #tpu.memory_space<hbm>>
      tpu.enqueue_dma source(%dma_start3A_336 : memref<1x32xf32, #tpu.memory_space<hbm>>) target(%dma_start3A_334 : memref<1x32xf32, #tpu.memory_space<vmem>>) target_semaphore(%arg7 : memref<!tpu.dma_semaphore, #tpu.memory_space<semaphore_mem>>)
      %slice3A_337 = vector.extract_strided_slice %get3A_118 {offsets = [13], sizes = [1], strides = [1]} : vector<16xi32> to vector<1xi32>
      %squeeze3A_338 = vector.extract %slice3A_337[0] : i32 from vector<1xi32>
      %mul3A_339 = arith.constant 16 : i32
      %mul3A_340 = arith.muli %scan3A_112, %mul3A_339 : i32
      %add3A_341 = arith.constant 13 : i32
      %add3A_342 = arith.addi %mul3A_340, %add3A_341 : i32
      %dma_start3A_343 = arith.constant 0 : i32
      %dma_start3A_344 = arith.constant 0 : i32
      %dma_start3A_345 = tpu.memref_slice %arg6[%dma_start3A_343, %add3A_342, %dma_start3A_344] : memref<2x128x32xf32, #tpu.memory_space<vmem>> -> memref<1x1x32xf32, #tpu.memory_space<vmem>>
      %dma_start3A_346 = tpu.memref_squeeze %dma_start3A_345 : memref<1x1x32xf32, #tpu.memory_space<vmem>> -> memref<1x32xf32, #tpu.memory_space<vmem>>
      %dma_start3A_347 = arith.constant 0 : i32
      %dma_start3A_348 = tpu.memref_slice %arg3[%squeeze3A_338, %dma_start3A_347] : memref<1000000x32xf32, #tpu.memory_space<hbm>> -> memref<1x32xf32, #tpu.memory_space<hbm>>
      %dma_start3A_349 = arith.constant 0 : i32
      %dma_start3A_350 = tpu.memref_slice %arg6[%dma_start3A_343, %add3A_342, %dma_start3A_349] : memref<2x128x32xf32, #tpu.memory_space<vmem>> -> memref<1x1x32xf32, #tpu.memory_space<vmem>>
      %dma_start3A_351 = tpu.memref_squeeze %dma_start3A_350 : memref<1x1x32xf32, #tpu.memory_space<vmem>> -> memref<1x32xf32, #tpu.memory_space<vmem>>
      %dma_start3A_352 = arith.constant 0 : i32
      %dma_start3A_353 = tpu.memref_slice %arg3[%squeeze3A_338, %dma_start3A_352] : memref<1000000x32xf32, #tpu.memory_space<hbm>> -> memref<1x32xf32, #tpu.memory_space<hbm>>
      tpu.enqueue_dma source(%dma_start3A_353 : memref<1x32xf32, #tpu.memory_space<hbm>>) target(%dma_start3A_351 : memref<1x32xf32, #tpu.memory_space<vmem>>) target_semaphore(%arg7 : memref<!tpu.dma_semaphore, #tpu.memory_space<semaphore_mem>>)
      %slice3A_354 = vector.extract_strided_slice %get3A_118 {offsets = [14], sizes = [1], strides = [1]} : vector<16xi32> to vector<1xi32>
      %squeeze3A_355 = vector.extract %slice3A_354[0] : i32 from vector<1xi32>
      %mul3A_356 = arith.constant 16 : i32
      %mul3A_357 = arith.muli %scan3A_112, %mul3A_356 : i32
      %add3A_358 = arith.constant 14 : i32
      %add3A_359 = arith.addi %mul3A_357, %add3A_358 : i32
      %dma_start3A_360 = arith.constant 0 : i32
      %dma_start3A_361 = arith.constant 0 : i32
      %dma_start3A_362 = tpu.memref_slice %arg6[%dma_start3A_360, %add3A_359, %dma_start3A_361] : memref<2x128x32xf32, #tpu.memory_space<vmem>> -> memref<1x1x32xf32, #tpu.memory_space<vmem>>
      %dma_start3A_363 = tpu.memref_squeeze %dma_start3A_362 : memref<1x1x32xf32, #tpu.memory_space<vmem>> -> memref<1x32xf32, #tpu.memory_space<vmem>>
      %dma_start3A_364 = arith.constant 0 : i32
      %dma_start3A_365 = tpu.memref_slice %arg3[%squeeze3A_355, %dma_start3A_364] : memref<1000000x32xf32, #tpu.memory_space<hbm>> -> memref<1x32xf32, #tpu.memory_space<hbm>>
      %dma_start3A_366 = arith.constant 0 : i32
      %dma_start3A_367 = tpu.memref_slice %arg6[%dma_start3A_360, %add3A_359, %dma_start3A_366] : memref<2x128x32xf32, #tpu.memory_space<vmem>> -> memref<1x1x32xf32, #tpu.memory_space<vmem>>
      %dma_start3A_368 = tpu.memref_squeeze %dma_start3A_367 : memref<1x1x32xf32, #tpu.memory_space<vmem>> -> memref<1x32xf32, #tpu.memory_space<vmem>>
      %dma_start3A_369 = arith.constant 0 : i32
      %dma_start3A_370 = tpu.memref_slice %arg3[%squeeze3A_355, %dma_start3A_369] : memref<1000000x32xf32, #tpu.memory_space<hbm>> -> memref<1x32xf32, #tpu.memory_space<hbm>>
      tpu.enqueue_dma source(%dma_start3A_370 : memref<1x32xf32, #tpu.memory_space<hbm>>) target(%dma_start3A_368 : memref<1x32xf32, #tpu.memory_space<vmem>>) target_semaphore(%arg7 : memref<!tpu.dma_semaphore, #tpu.memory_space<semaphore_mem>>)
      %slice3A_371 = vector.extract_strided_slice %get3A_118 {offsets = [15], sizes = [1], strides = [1]} : vector<16xi32> to vector<1xi32>
      %squeeze3A_372 = vector.extract %slice3A_371[0] : i32 from vector<1xi32>
      %mul3A_373 = arith.constant 16 : i32
      %mul3A_374 = arith.muli %scan3A_112, %mul3A_373 : i32
      %add3A_375 = arith.constant 15 : i32
      %add3A_376 = arith.addi %mul3A_374, %add3A_375 : i32
      %dma_start3A_377 = arith.constant 0 : i32
      %dma_start3A_378 = arith.constant 0 : i32
      %dma_start3A_379 = tpu.memref_slice %arg6[%dma_start3A_377, %add3A_376, %dma_start3A_378] : memref<2x128x32xf32, #tpu.memory_space<vmem>> -> memref<1x1x32xf32, #tpu.memory_space<vmem>>
      %dma_start3A_380 = tpu.memref_squeeze %dma_start3A_379 : memref<1x1x32xf32, #tpu.memory_space<vmem>> -> memref<1x32xf32, #tpu.memory_space<vmem>>
      %dma_start3A_381 = arith.constant 0 : i32
      %dma_start3A_382 = tpu.memref_slice %arg3[%squeeze3A_372, %dma_start3A_381] : memref<1000000x32xf32, #tpu.memory_space<hbm>> -> memref<1x32xf32, #tpu.memory_space<hbm>>
      %dma_start3A_383 = arith.constant 0 : i32
      %dma_start3A_384 = tpu.memref_slice %arg6[%dma_start3A_377, %add3A_376, %dma_start3A_383] : memref<2x128x32xf32, #tpu.memory_space<vmem>> -> memref<1x1x32xf32, #tpu.memory_space<vmem>>
      %dma_start3A_385 = tpu.memref_squeeze %dma_start3A_384 : memref<1x1x32xf32, #tpu.memory_space<vmem>> -> memref<1x32xf32, #tpu.memory_space<vmem>>
      %dma_start3A_386 = arith.constant 0 : i32
      %dma_start3A_387 = tpu.memref_slice %arg3[%squeeze3A_372, %dma_start3A_386] : memref<1000000x32xf32, #tpu.memory_space<hbm>> -> memref<1x32xf32, #tpu.memory_space<hbm>>
      tpu.enqueue_dma source(%dma_start3A_387 : memref<1x32xf32, #tpu.memory_space<hbm>>) target(%dma_start3A_385 : memref<1x32xf32, #tpu.memory_space<vmem>>) target_semaphore(%arg7 : memref<!tpu.dma_semaphore, #tpu.memory_space<semaphore_mem>>)
    }
    %scan3A_7 = arith.constant 8 : i32
    %scan3A_8 = arith.constant 0 : i32
    %scan3A_9 = arith.constant 0 : i32
    %scan3A_10 = arith.constant 8 : i32
    %scan3A_11 = arith.addi %scan3A_9, %scan3A_10 : i32
    %scan3A_12 = arith.constant 1 : i32
    scf.for %scan3A_112 = %scan3A_9 to %scan3A_11 step %scan3A_12  : i32 {
      %mul3A_113 = arith.constant 16 : i32
      %mul3A_114 = arith.muli %scan3A_112, %mul3A_113 : i32
      %add3A_115 = arith.constant 128 : i32
      %add3A_116 = arith.addi %add3A_115, %mul3A_114 : i32
      %multiple_of3A = tpu.assume_multiple %add3A_116, 16 : i32
      %get3A = arith.index_cast %multiple_of3A : i32 to index
      %get3A_117 = tpu.vector_load %arg5[%get3A] {strides = array<i32>} : memref<512xi32, #tpu.memory_space<vmem>>, vector<16xi32>,
      %get3A_118 = vector.shape_cast %get3A_117 : vector<16xi32> to vector<16xi32>
      %slice3A = vector.extract_strided_slice %get3A_118 {offsets = [0], sizes = [1], strides = [1]} : vector<16xi32> to vector<1xi32>
      %squeeze3A = vector.extract %slice3A[0] : i32 from vector<1xi32>
      %mul3A_119 = arith.constant 16 : i32
      %mul3A_120 = arith.muli %scan3A_112, %mul3A_119 : i32
      %add3A_121 = arith.constant 0 : i32
      %add3A_122 = arith.addi %mul3A_120, %add3A_121 : i32
      %dma_start3A = arith.constant 1 : i32
      %dma_start3A_123 = arith.constant 0 : i32
      %dma_start3A_124 = tpu.memref_slice %arg6[%dma_start3A, %add3A_122, %dma_start3A_123] : memref<2x128x32xf32, #tpu.memory_space<vmem>> -> memref<1x1x32xf32, #tpu.memory_space<vmem>>
      %dma_start3A_125 = tpu.memref_squeeze %dma_start3A_124 : memref<1x1x32xf32, #tpu.memory_space<vmem>> -> memref<1x32xf32, #tpu.memory_space<vmem>>
      %dma_start3A_126 = arith.constant 0 : i32
      %dma_start3A_127 = tpu.memref_slice %arg3[%squeeze3A, %dma_start3A_126] : memref<1000000x32xf32, #tpu.memory_space<hbm>> -> memref<1x32xf32, #tpu.memory_space<hbm>>
      %dma_start3A_128 = arith.constant 0 : i32
      %dma_start3A_129 = tpu.memref_slice %arg6[%dma_start3A, %add3A_122, %dma_start3A_128] : memref<2x128x32xf32, #tpu.memory_space<vmem>> -> memref<1x1x32xf32, #tpu.memory_space<vmem>>
      %dma_start3A_130 = tpu.memref_squeeze %dma_start3A_129 : memref<1x1x32xf32, #tpu.memory_space<vmem>> -> memref<1x32xf32, #tpu.memory_space<vmem>>
      %dma_start3A_131 = arith.constant 0 : i32
      %dma_start3A_132 = tpu.memref_slice %arg3[%squeeze3A, %dma_start3A_131] : memref<1000000x32xf32, #tpu.memory_space<hbm>> -> memref<1x32xf32, #tpu.memory_space<hbm>>
      tpu.enqueue_dma source(%dma_start3A_132 : memref<1x32xf32, #tpu.memory_space<hbm>>) target(%dma_start3A_130 : memref<1x32xf32, #tpu.memory_space<vmem>>) target_semaphore(%arg8 : memref<!tpu.dma_semaphore, #tpu.memory_space<semaphore_mem>>)
      %slice3A_133 = vector.extract_strided_slice %get3A_118 {offsets = [1], sizes = [1], strides = [1]} : vector<16xi32> to vector<1xi32>
      %squeeze3A_134 = vector.extract %slice3A_133[0] : i32 from vector<1xi32>
      %mul3A_135 = arith.constant 16 : i32
      %mul3A_136 = arith.muli %scan3A_112, %mul3A_135 : i32
      %add3A_137 = arith.constant 1 : i32
      %add3A_138 = arith.addi %mul3A_136, %add3A_137 : i32
      %dma_start3A_139 = arith.constant 1 : i32
      %dma_start3A_140 = arith.constant 0 : i32
      %dma_start3A_141 = tpu.memref_slice %arg6[%dma_start3A_139, %add3A_138, %dma_start3A_140] : memref<2x128x32xf32, #tpu.memory_space<vmem>> -> memref<1x1x32xf32, #tpu.memory_space<vmem>>
      %dma_start3A_142 = tpu.memref_squeeze %dma_start3A_141 : memref<1x1x32xf32, #tpu.memory_space<vmem>> -> memref<1x32xf32, #tpu.memory_space<vmem>>
      %dma_start3A_143 = arith.constant 0 : i32
      %dma_start3A_144 = tpu.memref_slice %arg3[%squeeze3A_134, %dma_start3A_143] : memref<1000000x32xf32, #tpu.memory_space<hbm>> -> memref<1x32xf32, #tpu.memory_space<hbm>>
      %dma_start3A_145 = arith.constant 0 : i32
      %dma_start3A_146 = tpu.memref_slice %arg6[%dma_start3A_139, %add3A_138, %dma_start3A_145] : memref<2x128x32xf32, #tpu.memory_space<vmem>> -> memref<1x1x32xf32, #tpu.memory_space<vmem>>
      %dma_start3A_147 = tpu.memref_squeeze %dma_start3A_146 : memref<1x1x32xf32, #tpu.memory_space<vmem>> -> memref<1x32xf32, #tpu.memory_space<vmem>>
      %dma_start3A_148 = arith.constant 0 : i32
      %dma_start3A_149 = tpu.memref_slice %arg3[%squeeze3A_134, %dma_start3A_148] : memref<1000000x32xf32, #tpu.memory_space<hbm>> -> memref<1x32xf32, #tpu.memory_space<hbm>>
      tpu.enqueue_dma source(%dma_start3A_149 : memref<1x32xf32, #tpu.memory_space<hbm>>) target(%dma_start3A_147 : memref<1x32xf32, #tpu.memory_space<vmem>>) target_semaphore(%arg8 : memref<!tpu.dma_semaphore, #tpu.memory_space<semaphore_mem>>)
      %slice3A_150 = vector.extract_strided_slice %get3A_118 {offsets = [2], sizes = [1], strides = [1]} : vector<16xi32> to vector<1xi32>
      %squeeze3A_151 = vector.extract %slice3A_150[0] : i32 from vector<1xi32>
      %mul3A_152 = arith.constant 16 : i32
      %mul3A_153 = arith.muli %scan3A_112, %mul3A_152 : i32
      %add3A_154 = arith.constant 2 : i32
      %add3A_155 = arith.addi %mul3A_153, %add3A_154 : i32
      %dma_start3A_156 = arith.constant 1 : i32
      %dma_start3A_157 = arith.constant 0 : i32
      %dma_start3A_158 = tpu.memref_slice %arg6[%dma_start3A_156, %add3A_155, %dma_start3A_157] : memref<2x128x32xf32, #tpu.memory_space<vmem>> -> memref<1x1x32xf32, #tpu.memory_space<vmem>>
      %dma_start3A_159 = tpu.memref_squeeze %dma_start3A_158 : memref<1x1x32xf32, #tpu.memory_space<vmem>> -> memref<1x32xf32, #tpu.memory_space<vmem>>
      %dma_start3A_160 = arith.constant 0 : i32
      %dma_start3A_161 = tpu.memref_slice %arg3[%squeeze3A_151, %dma_start3A_160] : memref<1000000x32xf32, #tpu.memory_space<hbm>> -> memref<1x32xf32, #tpu.memory_space<hbm>>
      %dma_start3A_162 = arith.constant 0 : i32
      %dma_start3A_163 = tpu.memref_slice %arg6[%dma_start3A_156, %add3A_155, %dma_start3A_162] : memref<2x128x32xf32, #tpu.memory_space<vmem>> -> memref<1x1x32xf32, #tpu.memory_space<vmem>>
      %dma_start3A_164 = tpu.memref_squeeze %dma_start3A_163 : memref<1x1x32xf32, #tpu.memory_space<vmem>> -> memref<1x32xf32, #tpu.memory_space<vmem>>
      %dma_start3A_165 = arith.constant 0 : i32
      %dma_start3A_166 = tpu.memref_slice %arg3[%squeeze3A_151, %dma_start3A_165] : memref<1000000x32xf32, #tpu.memory_space<hbm>> -> memref<1x32xf32, #tpu.memory_space<hbm>>
      tpu.enqueue_dma source(%dma_start3A_166 : memref<1x32xf32, #tpu.memory_space<hbm>>) target(%dma_start3A_164 : memref<1x32xf32, #tpu.memory_space<vmem>>) target_semaphore(%arg8 : memref<!tpu.dma_semaphore, #tpu.memory_space<semaphore_mem>>)
      %slice3A_167 = vector.extract_strided_slice %get3A_118 {offsets = [3], sizes = [1], strides = [1]} : vector<16xi32> to vector<1xi32>
      %squeeze3A_168 = vector.extract %slice3A_167[0] : i32 from vector<1xi32>
      %mul3A_169 = arith.constant 16 : i32
      %mul3A_170 = arith.muli %scan3A_112, %mul3A_169 : i32
      %add3A_171 = arith.constant 3 : i32
      %add3A_172 = arith.addi %mul3A_170, %add3A_171 : i32
      %dma_start3A_173 = arith.constant 1 : i32
      %dma_start3A_174 = arith.constant 0 : i32
      %dma_start3A_175 = tpu.memref_slice %arg6[%dma_start3A_173, %add3A_172, %dma_start3A_174] : memref<2x128x32xf32, #tpu.memory_space<vmem>> -> memref<1x1x32xf32, #tpu.memory_space<vmem>>
      %dma_start3A_176 = tpu.memref_squeeze %dma_start3A_175 : memref<1x1x32xf32, #tpu.memory_space<vmem>> -> memref<1x32xf32, #tpu.memory_space<vmem>>
      %dma_start3A_177 = arith.constant 0 : i32
      %dma_start3A_178 = tpu.memref_slice %arg3[%squeeze3A_168, %dma_start3A_177] : memref<1000000x32xf32, #tpu.memory_space<hbm>> -> memref<1x32xf32, #tpu.memory_space<hbm>>
      %dma_start3A_179 = arith.constant 0 : i32
      %dma_start3A_180 = tpu.memref_slice %arg6[%dma_start3A_173, %add3A_172, %dma_start3A_179] : memref<2x128x32xf32, #tpu.memory_space<vmem>> -> memref<1x1x32xf32, #tpu.memory_space<vmem>>
      %dma_start3A_181 = tpu.memref_squeeze %dma_start3A_180 : memref<1x1x32xf32, #tpu.memory_space<vmem>> -> memref<1x32xf32, #tpu.memory_space<vmem>>
      %dma_start3A_182 = arith.constant 0 : i32
      %dma_start3A_183 = tpu.memref_slice %arg3[%squeeze3A_168, %dma_start3A_182] : memref<1000000x32xf32, #tpu.memory_space<hbm>> -> memref<1x32xf32, #tpu.memory_space<hbm>>
      tpu.enqueue_dma source(%dma_start3A_183 : memref<1x32xf32, #tpu.memory_space<hbm>>) target(%dma_start3A_181 : memref<1x32xf32, #tpu.memory_space<vmem>>) target_semaphore(%arg8 : memref<!tpu.dma_semaphore, #tpu.memory_space<semaphore_mem>>)
      %slice3A_184 = vector.extract_strided_slice %get3A_118 {offsets = [4], sizes = [1], strides = [1]} : vector<16xi32> to vector<1xi32>
      %squeeze3A_185 = vector.extract %slice3A_184[0] : i32 from vector<1xi32>
      %mul3A_186 = arith.constant 16 : i32
      %mul3A_187 = arith.muli %scan3A_112, %mul3A_186 : i32
      %add3A_188 = arith.constant 4 : i32
      %add3A_189 = arith.addi %mul3A_187, %add3A_188 : i32
      %dma_start3A_190 = arith.constant 1 : i32
      %dma_start3A_191 = arith.constant 0 : i32
      %dma_start3A_192 = tpu.memref_slice %arg6[%dma_start3A_190, %add3A_189, %dma_start3A_191] : memref<2x128x32xf32, #tpu.memory_space<vmem>> -> memref<1x1x32xf32, #tpu.memory_space<vmem>>
      %dma_start3A_193 = tpu.memref_squeeze %dma_start3A_192 : memref<1x1x32xf32, #tpu.memory_space<vmem>> -> memref<1x32xf32, #tpu.memory_space<vmem>>
      %dma_start3A_194 = arith.constant 0 : i32
      %dma_start3A_195 = tpu.memref_slice %arg3[%squeeze3A_185, %dma_start3A_194] : memref<1000000x32xf32, #tpu.memory_space<hbm>> -> memref<1x32xf32, #tpu.memory_space<hbm>>
      %dma_start3A_196 = arith.constant 0 : i32
      %dma_start3A_197 = tpu.memref_slice %arg6[%dma_start3A_190, %add3A_189, %dma_start3A_196] : memref<2x128x32xf32, #tpu.memory_space<vmem>> -> memref<1x1x32xf32, #tpu.memory_space<vmem>>
      %dma_start3A_198 = tpu.memref_squeeze %dma_start3A_197 : memref<1x1x32xf32, #tpu.memory_space<vmem>> -> memref<1x32xf32, #tpu.memory_space<vmem>>
      %dma_start3A_199 = arith.constant 0 : i32
      %dma_start3A_200 = tpu.memref_slice %arg3[%squeeze3A_185, %dma_start3A_199] : memref<1000000x32xf32, #tpu.memory_space<hbm>> -> memref<1x32xf32, #tpu.memory_space<hbm>>
      tpu.enqueue_dma source(%dma_start3A_200 : memref<1x32xf32, #tpu.memory_space<hbm>>) target(%dma_start3A_198 : memref<1x32xf32, #tpu.memory_space<vmem>>) target_semaphore(%arg8 : memref<!tpu.dma_semaphore, #tpu.memory_space<semaphore_mem>>)
      %slice3A_201 = vector.extract_strided_slice %get3A_118 {offsets = [5], sizes = [1], strides = [1]} : vector<16xi32> to vector<1xi32>
      %squeeze3A_202 = vector.extract %slice3A_201[0] : i32 from vector<1xi32>
      %mul3A_203 = arith.constant 16 : i32
      %mul3A_204 = arith.muli %scan3A_112, %mul3A_203 : i32
      %add3A_205 = arith.constant 5 : i32
      %add3A_206 = arith.addi %mul3A_204, %add3A_205 : i32
      %dma_start3A_207 = arith.constant 1 : i32
      %dma_start3A_208 = arith.constant 0 : i32
      %dma_start3A_209 = tpu.memref_slice %arg6[%dma_start3A_207, %add3A_206, %dma_start3A_208] : memref<2x128x32xf32, #tpu.memory_space<vmem>> -> memref<1x1x32xf32, #tpu.memory_space<vmem>>
      %dma_start3A_210 = tpu.memref_squeeze %dma_start3A_209 : memref<1x1x32xf32, #tpu.memory_space<vmem>> -> memref<1x32xf32, #tpu.memory_space<vmem>>
      %dma_start3A_211 = arith.constant 0 : i32
      %dma_start3A_212 = tpu.memref_slice %arg3[%squeeze3A_202, %dma_start3A_211] : memref<1000000x32xf32, #tpu.memory_space<hbm>> -> memref<1x32xf32, #tpu.memory_space<hbm>>
      %dma_start3A_213 = arith.constant 0 : i32
      %dma_start3A_214 = tpu.memref_slice %arg6[%dma_start3A_207, %add3A_206, %dma_start3A_213] : memref<2x128x32xf32, #tpu.memory_space<vmem>> -> memref<1x1x32xf32, #tpu.memory_space<vmem>>
      %dma_start3A_215 = tpu.memref_squeeze %dma_start3A_214 : memref<1x1x32xf32, #tpu.memory_space<vmem>> -> memref<1x32xf32, #tpu.memory_space<vmem>>
      %dma_start3A_216 = arith.constant 0 : i32
      %dma_start3A_217 = tpu.memref_slice %arg3[%squeeze3A_202, %dma_start3A_216] : memref<1000000x32xf32, #tpu.memory_space<hbm>> -> memref<1x32xf32, #tpu.memory_space<hbm>>
      tpu.enqueue_dma source(%dma_start3A_217 : memref<1x32xf32, #tpu.memory_space<hbm>>) target(%dma_start3A_215 : memref<1x32xf32, #tpu.memory_space<vmem>>) target_semaphore(%arg8 : memref<!tpu.dma_semaphore, #tpu.memory_space<semaphore_mem>>)
      %slice3A_218 = vector.extract_strided_slice %get3A_118 {offsets = [6], sizes = [1], strides = [1]} : vector<16xi32> to vector<1xi32>
      %squeeze3A_219 = vector.extract %slice3A_218[0] : i32 from vector<1xi32>
      %mul3A_220 = arith.constant 16 : i32
      %mul3A_221 = arith.muli %scan3A_112, %mul3A_220 : i32
      %add3A_222 = arith.constant 6 : i32
      %add3A_223 = arith.addi %mul3A_221, %add3A_222 : i32
      %dma_start3A_224 = arith.constant 1 : i32
      %dma_start3A_225 = arith.constant 0 : i32
      %dma_start3A_226 = tpu.memref_slice %arg6[%dma_start3A_224, %add3A_223, %dma_start3A_225] : memref<2x128x32xf32, #tpu.memory_space<vmem>> -> memref<1x1x32xf32, #tpu.memory_space<vmem>>
      %dma_start3A_227 = tpu.memref_squeeze %dma_start3A_226 : memref<1x1x32xf32, #tpu.memory_space<vmem>> -> memref<1x32xf32, #tpu.memory_space<vmem>>
      %dma_start3A_228 = arith.constant 0 : i32
      %dma_start3A_229 = tpu.memref_slice %arg3[%squeeze3A_219, %dma_start3A_228] : memref<1000000x32xf32, #tpu.memory_space<hbm>> -> memref<1x32xf32, #tpu.memory_space<hbm>>
      %dma_start3A_230 = arith.constant 0 : i32
      %dma_start3A_231 = tpu.memref_slice %arg6[%dma_start3A_224, %add3A_223, %dma_start3A_230] : memref<2x128x32xf32, #tpu.memory_space<vmem>> -> memref<1x1x32xf32, #tpu.memory_space<vmem>>
      %dma_start3A_232 = tpu.memref_squeeze %dma_start3A_231 : memref<1x1x32xf32, #tpu.memory_space<vmem>> -> memref<1x32xf32, #tpu.memory_space<vmem>>
      %dma_start3A_233 = arith.constant 0 : i32
      %dma_start3A_234 = tpu.memref_slice %arg3[%squeeze3A_219, %dma_start3A_233] : memref<1000000x32xf32, #tpu.memory_space<hbm>> -> memref<1x32xf32, #tpu.memory_space<hbm>>
      tpu.enqueue_dma source(%dma_start3A_234 : memref<1x32xf32, #tpu.memory_space<hbm>>) target(%dma_start3A_232 : memref<1x32xf32, #tpu.memory_space<vmem>>) target_semaphore(%arg8 : memref<!tpu.dma_semaphore, #tpu.memory_space<semaphore_mem>>)
      %slice3A_235 = vector.extract_strided_slice %get3A_118 {offsets = [7], sizes = [1], strides = [1]} : vector<16xi32> to vector<1xi32>
      %squeeze3A_236 = vector.extract %slice3A_235[0] : i32 from vector<1xi32>
      %mul3A_237 = arith.constant 16 : i32
      %mul3A_238 = arith.muli %scan3A_112, %mul3A_237 : i32
      %add3A_239 = arith.constant 7 : i32
      %add3A_240 = arith.addi %mul3A_238, %add3A_239 : i32
      %dma_start3A_241 = arith.constant 1 : i32
      %dma_start3A_242 = arith.constant 0 : i32
      %dma_start3A_243 = tpu.memref_slice %arg6[%dma_start3A_241, %add3A_240, %dma_start3A_242] : memref<2x128x32xf32, #tpu.memory_space<vmem>> -> memref<1x1x32xf32, #tpu.memory_space<vmem>>
      %dma_start3A_244 = tpu.memref_squeeze %dma_start3A_243 : memref<1x1x32xf32, #tpu.memory_space<vmem>> -> memref<1x32xf32, #tpu.memory_space<vmem>>
      %dma_start3A_245 = arith.constant 0 : i32
      %dma_start3A_246 = tpu.memref_slice %arg3[%squeeze3A_236, %dma_start3A_245] : memref<1000000x32xf32, #tpu.memory_space<hbm>> -> memref<1x32xf32, #tpu.memory_space<hbm>>
      %dma_start3A_247 = arith.constant 0 : i32
      %dma_start3A_248 = tpu.memref_slice %arg6[%dma_start3A_241, %add3A_240, %dma_start3A_247] : memref<2x128x32xf32, #tpu.memory_space<vmem>> -> memref<1x1x32xf32, #tpu.memory_space<vmem>>
      %dma_start3A_249 = tpu.memref_squeeze %dma_start3A_248 : memref<1x1x32xf32, #tpu.memory_space<vmem>> -> memref<1x32xf32, #tpu.memory_space<vmem>>
      %dma_start3A_250 = arith.constant 0 : i32
      %dma_start3A_251 = tpu.memref_slice %arg3[%squeeze3A_236, %dma_start3A_250] : memref<1000000x32xf32, #tpu.memory_space<hbm>> -> memref<1x32xf32, #tpu.memory_space<hbm>>
      tpu.enqueue_dma source(%dma_start3A_251 : memref<1x32xf32, #tpu.memory_space<hbm>>) target(%dma_start3A_249 : memref<1x32xf32, #tpu.memory_space<vmem>>) target_semaphore(%arg8 : memref<!tpu.dma_semaphore, #tpu.memory_space<semaphore_mem>>)
      %slice3A_252 = vector.extract_strided_slice %get3A_118 {offsets = [8], sizes = [1], strides = [1]} : vector<16xi32> to vector<1xi32>
      %squeeze3A_253 = vector.extract %slice3A_252[0] : i32 from vector<1xi32>
      %mul3A_254 = arith.constant 16 : i32
      %mul3A_255 = arith.muli %scan3A_112, %mul3A_254 : i32
      %add3A_256 = arith.constant 8 : i32
      %add3A_257 = arith.addi %mul3A_255, %add3A_256 : i32
      %dma_start3A_258 = arith.constant 1 : i32
      %dma_start3A_259 = arith.constant 0 : i32
      %dma_start3A_260 = tpu.memref_slice %arg6[%dma_start3A_258, %add3A_257, %dma_start3A_259] : memref<2x128x32xf32, #tpu.memory_space<vmem>> -> memref<1x1x32xf32, #tpu.memory_space<vmem>>
      %dma_start3A_261 = tpu.memref_squeeze %dma_start3A_260 : memref<1x1x32xf32, #tpu.memory_space<vmem>> -> memref<1x32xf32, #tpu.memory_space<vmem>>
      %dma_start3A_262 = arith.constant 0 : i32
      %dma_start3A_263 = tpu.memref_slice %arg3[%squeeze3A_253, %dma_start3A_262] : memref<1000000x32xf32, #tpu.memory_space<hbm>> -> memref<1x32xf32, #tpu.memory_space<hbm>>
      %dma_start3A_264 = arith.constant 0 : i32
      %dma_start3A_265 = tpu.memref_slice %arg6[%dma_start3A_258, %add3A_257, %dma_start3A_264] : memref<2x128x32xf32, #tpu.memory_space<vmem>> -> memref<1x1x32xf32, #tpu.memory_space<vmem>>
      %dma_start3A_266 = tpu.memref_squeeze %dma_start3A_265 : memref<1x1x32xf32, #tpu.memory_space<vmem>> -> memref<1x32xf32, #tpu.memory_space<vmem>>
      %dma_start3A_267 = arith.constant 0 : i32
      %dma_start3A_268 = tpu.memref_slice %arg3[%squeeze3A_253, %dma_start3A_267] : memref<1000000x32xf32, #tpu.memory_space<hbm>> -> memref<1x32xf32, #tpu.memory_space<hbm>>
      tpu.enqueue_dma source(%dma_start3A_268 : memref<1x32xf32, #tpu.memory_space<hbm>>) target(%dma_start3A_266 : memref<1x32xf32, #tpu.memory_space<vmem>>) target_semaphore(%arg8 : memref<!tpu.dma_semaphore, #tpu.memory_space<semaphore_mem>>)
      %slice3A_269 = vector.extract_strided_slice %get3A_118 {offsets = [9], sizes = [1], strides = [1]} : vector<16xi32> to vector<1xi32>
      %squeeze3A_270 = vector.extract %slice3A_269[0] : i32 from vector<1xi32>
      %mul3A_271 = arith.constant 16 : i32
      %mul3A_272 = arith.muli %scan3A_112, %mul3A_271 : i32
      %add3A_273 = arith.constant 9 : i32
      %add3A_274 = arith.addi %mul3A_272, %add3A_273 : i32
      %dma_start3A_275 = arith.constant 1 : i32
      %dma_start3A_276 = arith.constant 0 : i32
      %dma_start3A_277 = tpu.memref_slice %arg6[%dma_start3A_275, %add3A_274, %dma_start3A_276] : memref<2x128x32xf32, #tpu.memory_space<vmem>> -> memref<1x1x32xf32, #tpu.memory_space<vmem>>
      %dma_start3A_278 = tpu.memref_squeeze %dma_start3A_277 : memref<1x1x32xf32, #tpu.memory_space<vmem>> -> memref<1x32xf32, #tpu.memory_space<vmem>>
      %dma_start3A_279 = arith.constant 0 : i32
      %dma_start3A_280 = tpu.memref_slice %arg3[%squeeze3A_270, %dma_start3A_279] : memref<1000000x32xf32, #tpu.memory_space<hbm>> -> memref<1x32xf32, #tpu.memory_space<hbm>>
      %dma_start3A_281 = arith.constant 0 : i32
      %dma_start3A_282 = tpu.memref_slice %arg6[%dma_start3A_275, %add3A_274, %dma_start3A_281] : memref<2x128x32xf32, #tpu.memory_space<vmem>> -> memref<1x1x32xf32, #tpu.memory_space<vmem>>
      %dma_start3A_283 = tpu.memref_squeeze %dma_start3A_282 : memref<1x1x32xf32, #tpu.memory_space<vmem>> -> memref<1x32xf32, #tpu.memory_space<vmem>>
      %dma_start3A_284 = arith.constant 0 : i32
      %dma_start3A_285 = tpu.memref_slice %arg3[%squeeze3A_270, %dma_start3A_284] : memref<1000000x32xf32, #tpu.memory_space<hbm>> -> memref<1x32xf32, #tpu.memory_space<hbm>>
      tpu.enqueue_dma source(%dma_start3A_285 : memref<1x32xf32, #tpu.memory_space<hbm>>) target(%dma_start3A_283 : memref<1x32xf32, #tpu.memory_space<vmem>>) target_semaphore(%arg8 : memref<!tpu.dma_semaphore, #tpu.memory_space<semaphore_mem>>)
      %slice3A_286 = vector.extract_strided_slice %get3A_118 {offsets = [10], sizes = [1], strides = [1]} : vector<16xi32> to vector<1xi32>
      %squeeze3A_287 = vector.extract %slice3A_286[0] : i32 from vector<1xi32>
      %mul3A_288 = arith.constant 16 : i32
      %mul3A_289 = arith.muli %scan3A_112, %mul3A_288 : i32
      %add3A_290 = arith.constant 10 : i32
      %add3A_291 = arith.addi %mul3A_289, %add3A_290 : i32
      %dma_start3A_292 = arith.constant 1 : i32
      %dma_start3A_293 = arith.constant 0 : i32
      %dma_start3A_294 = tpu.memref_slice %arg6[%dma_start3A_292, %add3A_291, %dma_start3A_293] : memref<2x128x32xf32, #tpu.memory_space<vmem>> -> memref<1x1x32xf32, #tpu.memory_space<vmem>>
      %dma_start3A_295 = tpu.memref_squeeze %dma_start3A_294 : memref<1x1x32xf32, #tpu.memory_space<vmem>> -> memref<1x32xf32, #tpu.memory_space<vmem>>
      %dma_start3A_296 = arith.constant 0 : i32
      %dma_start3A_297 = tpu.memref_slice %arg3[%squeeze3A_287, %dma_start3A_296] : memref<1000000x32xf32, #tpu.memory_space<hbm>> -> memref<1x32xf32, #tpu.memory_space<hbm>>
      %dma_start3A_298 = arith.constant 0 : i32
      %dma_start3A_299 = tpu.memref_slice %arg6[%dma_start3A_292, %add3A_291, %dma_start3A_298] : memref<2x128x32xf32, #tpu.memory_space<vmem>> -> memref<1x1x32xf32, #tpu.memory_space<vmem>>
      %dma_start3A_300 = tpu.memref_squeeze %dma_start3A_299 : memref<1x1x32xf32, #tpu.memory_space<vmem>> -> memref<1x32xf32, #tpu.memory_space<vmem>>
      %dma_start3A_301 = arith.constant 0 : i32
      %dma_start3A_302 = tpu.memref_slice %arg3[%squeeze3A_287, %dma_start3A_301] : memref<1000000x32xf32, #tpu.memory_space<hbm>> -> memref<1x32xf32, #tpu.memory_space<hbm>>
      tpu.enqueue_dma source(%dma_start3A_302 : memref<1x32xf32, #tpu.memory_space<hbm>>) target(%dma_start3A_300 : memref<1x32xf32, #tpu.memory_space<vmem>>) target_semaphore(%arg8 : memref<!tpu.dma_semaphore, #tpu.memory_space<semaphore_mem>>)
      %slice3A_303 = vector.extract_strided_slice %get3A_118 {offsets = [11], sizes = [1], strides = [1]} : vector<16xi32> to vector<1xi32>
      %squeeze3A_304 = vector.extract %slice3A_303[0] : i32 from vector<1xi32>
      %mul3A_305 = arith.constant 16 : i32
      %mul3A_306 = arith.muli %scan3A_112, %mul3A_305 : i32
      %add3A_307 = arith.constant 11 : i32
      %add3A_308 = arith.addi %mul3A_306, %add3A_307 : i32
      %dma_start3A_309 = arith.constant 1 : i32
      %dma_start3A_310 = arith.constant 0 : i32
      %dma_start3A_311 = tpu.memref_slice %arg6[%dma_start3A_309, %add3A_308, %dma_start3A_310] : memref<2x128x32xf32, #tpu.memory_space<vmem>> -> memref<1x1x32xf32, #tpu.memory_space<vmem>>
      %dma_start3A_312 = tpu.memref_squeeze %dma_start3A_311 : memref<1x1x32xf32, #tpu.memory_space<vmem>> -> memref<1x32xf32, #tpu.memory_space<vmem>>
      %dma_start3A_313 = arith.constant 0 : i32
      %dma_start3A_314 = tpu.memref_slice %arg3[%squeeze3A_304, %dma_start3A_313] : memref<1000000x32xf32, #tpu.memory_space<hbm>> -> memref<1x32xf32, #tpu.memory_space<hbm>>
      %dma_start3A_315 = arith.constant 0 : i32
      %dma_start3A_316 = tpu.memref_slice %arg6[%dma_start3A_309, %add3A_308, %dma_start3A_315] : memref<2x128x32xf32, #tpu.memory_space<vmem>> -> memref<1x1x32xf32, #tpu.memory_space<vmem>>
      %dma_start3A_317 = tpu.memref_squeeze %dma_start3A_316 : memref<1x1x32xf32, #tpu.memory_space<vmem>> -> memref<1x32xf32, #tpu.memory_space<vmem>>
      %dma_start3A_318 = arith.constant 0 : i32
      %dma_start3A_319 = tpu.memref_slice %arg3[%squeeze3A_304, %dma_start3A_318] : memref<1000000x32xf32, #tpu.memory_space<hbm>> -> memref<1x32xf32, #tpu.memory_space<hbm>>
      tpu.enqueue_dma source(%dma_start3A_319 : memref<1x32xf32, #tpu.memory_space<hbm>>) target(%dma_start3A_317 : memref<1x32xf32, #tpu.memory_space<vmem>>) target_semaphore(%arg8 : memref<!tpu.dma_semaphore, #tpu.memory_space<semaphore_mem>>)
      %slice3A_320 = vector.extract_strided_slice %get3A_118 {offsets = [12], sizes = [1], strides = [1]} : vector<16xi32> to vector<1xi32>
      %squeeze3A_321 = vector.extract %slice3A_320[0] : i32 from vector<1xi32>
      %mul3A_322 = arith.constant 16 : i32
      %mul3A_323 = arith.muli %scan3A_112, %mul3A_322 : i32
      %add3A_324 = arith.constant 12 : i32
      %add3A_325 = arith.addi %mul3A_323, %add3A_324 : i32
      %dma_start3A_326 = arith.constant 1 : i32
      %dma_start3A_327 = arith.constant 0 : i32
      %dma_start3A_328 = tpu.memref_slice %arg6[%dma_start3A_326, %add3A_325, %dma_start3A_327] : memref<2x128x32xf32, #tpu.memory_space<vmem>> -> memref<1x1x32xf32, #tpu.memory_space<vmem>>
      %dma_start3A_329 = tpu.memref_squeeze %dma_start3A_328 : memref<1x1x32xf32, #tpu.memory_space<vmem>> -> memref<1x32xf32, #tpu.memory_space<vmem>>
      %dma_start3A_330 = arith.constant 0 : i32
      %dma_start3A_331 = tpu.memref_slice %arg3[%squeeze3A_321, %dma_start3A_330] : memref<1000000x32xf32, #tpu.memory_space<hbm>> -> memref<1x32xf32, #tpu.memory_space<hbm>>
      %dma_start3A_332 = arith.constant 0 : i32
      %dma_start3A_333 = tpu.memref_slice %arg6[%dma_start3A_326, %add3A_325, %dma_start3A_332] : memref<2x128x32xf32, #tpu.memory_space<vmem>> -> memref<1x1x32xf32, #tpu.memory_space<vmem>>
      %dma_start3A_334 = tpu.memref_squeeze %dma_start3A_333 : memref<1x1x32xf32, #tpu.memory_space<vmem>> -> memref<1x32xf32, #tpu.memory_space<vmem>>
      %dma_start3A_335 = arith.constant 0 : i32
      %dma_start3A_336 = tpu.memref_slice %arg3[%squeeze3A_321, %dma_start3A_335] : memref<1000000x32xf32, #tpu.memory_space<hbm>> -> memref<1x32xf32, #tpu.memory_space<hbm>>
      tpu.enqueue_dma source(%dma_start3A_336 : memref<1x32xf32, #tpu.memory_space<hbm>>) target(%dma_start3A_334 : memref<1x32xf32, #tpu.memory_space<vmem>>) target_semaphore(%arg8 : memref<!tpu.dma_semaphore, #tpu.memory_space<semaphore_mem>>)
      %slice3A_337 = vector.extract_strided_slice %get3A_118 {offsets = [13], sizes = [1], strides = [1]} : vector<16xi32> to vector<1xi32>
      %squeeze3A_338 = vector.extract %slice3A_337[0] : i32 from vector<1xi32>
      %mul3A_339 = arith.constant 16 : i32
      %mul3A_340 = arith.muli %scan3A_112, %mul3A_339 : i32
      %add3A_341 = arith.constant 13 : i32
      %add3A_342 = arith.addi %mul3A_340, %add3A_341 : i32
      %dma_start3A_343 = arith.constant 1 : i32
      %dma_start3A_344 = arith.constant 0 : i32
      %dma_start3A_345 = tpu.memref_slice %arg6[%dma_start3A_343, %add3A_342, %dma_start3A_344] : memref<2x128x32xf32, #tpu.memory_space<vmem>> -> memref<1x1x32xf32, #tpu.memory_space<vmem>>
      %dma_start3A_346 = tpu.memref_squeeze %dma_start3A_345 : memref<1x1x32xf32, #tpu.memory_space<vmem>> -> memref<1x32xf32, #tpu.memory_space<vmem>>
      %dma_start3A_347 = arith.constant 0 : i32
      %dma_start3A_348 = tpu.memref_slice %arg3[%squeeze3A_338, %dma_start3A_347] : memref<1000000x32xf32, #tpu.memory_space<hbm>> -> memref<1x32xf32, #tpu.memory_space<hbm>>
      %dma_start3A_349 = arith.constant 0 : i32
      %dma_start3A_350 = tpu.memref_slice %arg6[%dma_start3A_343, %add3A_342, %dma_start3A_349] : memref<2x128x32xf32, #tpu.memory_space<vmem>> -> memref<1x1x32xf32, #tpu.memory_space<vmem>>
      %dma_start3A_351 = tpu.memref_squeeze %dma_start3A_350 : memref<1x1x32xf32, #tpu.memory_space<vmem>> -> memref<1x32xf32, #tpu.memory_space<vmem>>
      %dma_start3A_352 = arith.constant 0 : i32
      %dma_start3A_353 = tpu.memref_slice %arg3[%squeeze3A_338, %dma_start3A_352] : memref<1000000x32xf32, #tpu.memory_space<hbm>> -> memref<1x32xf32, #tpu.memory_space<hbm>>
      tpu.enqueue_dma source(%dma_start3A_353 : memref<1x32xf32, #tpu.memory_space<hbm>>) target(%dma_start3A_351 : memref<1x32xf32, #tpu.memory_space<vmem>>) target_semaphore(%arg8 : memref<!tpu.dma_semaphore, #tpu.memory_space<semaphore_mem>>)
      %slice3A_354 = vector.extract_strided_slice %get3A_118 {offsets = [14], sizes = [1], strides = [1]} : vector<16xi32> to vector<1xi32>
      %squeeze3A_355 = vector.extract %slice3A_354[0] : i32 from vector<1xi32>
      %mul3A_356 = arith.constant 16 : i32
      %mul3A_357 = arith.muli %scan3A_112, %mul3A_356 : i32
      %add3A_358 = arith.constant 14 : i32
      %add3A_359 = arith.addi %mul3A_357, %add3A_358 : i32
      %dma_start3A_360 = arith.constant 1 : i32
      %dma_start3A_361 = arith.constant 0 : i32
      %dma_start3A_362 = tpu.memref_slice %arg6[%dma_start3A_360, %add3A_359, %dma_start3A_361] : memref<2x128x32xf32, #tpu.memory_space<vmem>> -> memref<1x1x32xf32, #tpu.memory_space<vmem>>
      %dma_start3A_363 = tpu.memref_squeeze %dma_start3A_362 : memref<1x1x32xf32, #tpu.memory_space<vmem>> -> memref<1x32xf32, #tpu.memory_space<vmem>>
      %dma_start3A_364 = arith.constant 0 : i32
      %dma_start3A_365 = tpu.memref_slice %arg3[%squeeze3A_355, %dma_start3A_364] : memref<1000000x32xf32, #tpu.memory_space<hbm>> -> memref<1x32xf32, #tpu.memory_space<hbm>>
      %dma_start3A_366 = arith.constant 0 : i32
      %dma_start3A_367 = tpu.memref_slice %arg6[%dma_start3A_360, %add3A_359, %dma_start3A_366] : memref<2x128x32xf32, #tpu.memory_space<vmem>> -> memref<1x1x32xf32, #tpu.memory_space<vmem>>
      %dma_start3A_368 = tpu.memref_squeeze %dma_start3A_367 : memref<1x1x32xf32, #tpu.memory_space<vmem>> -> memref<1x32xf32, #tpu.memory_space<vmem>>
      %dma_start3A_369 = arith.constant 0 : i32
      %dma_start3A_370 = tpu.memref_slice %arg3[%squeeze3A_355, %dma_start3A_369] : memref<1000000x32xf32, #tpu.memory_space<hbm>> -> memref<1x32xf32, #tpu.memory_space<hbm>>
      tpu.enqueue_dma source(%dma_start3A_370 : memref<1x32xf32, #tpu.memory_space<hbm>>) target(%dma_start3A_368 : memref<1x32xf32, #tpu.memory_space<vmem>>) target_semaphore(%arg8 : memref<!tpu.dma_semaphore, #tpu.memory_space<semaphore_mem>>)
      %slice3A_371 = vector.extract_strided_slice %get3A_118 {offsets = [15], sizes = [1], strides = [1]} : vector<16xi32> to vector<1xi32>
      %squeeze3A_372 = vector.extract %slice3A_371[0] : i32 from vector<1xi32>
      %mul3A_373 = arith.constant 16 : i32
      %mul3A_374 = arith.muli %scan3A_112, %mul3A_373 : i32
      %add3A_375 = arith.constant 15 : i32
      %add3A_376 = arith.addi %mul3A_374, %add3A_375 : i32
      %dma_start3A_377 = arith.constant 1 : i32
      %dma_start3A_378 = arith.constant 0 : i32
      %dma_start3A_379 = tpu.memref_slice %arg6[%dma_start3A_377, %add3A_376, %dma_start3A_378] : memref<2x128x32xf32, #tpu.memory_space<vmem>> -> memref<1x1x32xf32, #tpu.memory_space<vmem>>
      %dma_start3A_380 = tpu.memref_squeeze %dma_start3A_379 : memref<1x1x32xf32, #tpu.memory_space<vmem>> -> memref<1x32xf32, #tpu.memory_space<vmem>>
      %dma_start3A_381 = arith.constant 0 : i32
      %dma_start3A_382 = tpu.memref_slice %arg3[%squeeze3A_372, %dma_start3A_381] : memref<1000000x32xf32, #tpu.memory_space<hbm>> -> memref<1x32xf32, #tpu.memory_space<hbm>>
      %dma_start3A_383 = arith.constant 0 : i32
      %dma_start3A_384 = tpu.memref_slice %arg6[%dma_start3A_377, %add3A_376, %dma_start3A_383] : memref<2x128x32xf32, #tpu.memory_space<vmem>> -> memref<1x1x32xf32, #tpu.memory_space<vmem>>
      %dma_start3A_385 = tpu.memref_squeeze %dma_start3A_384 : memref<1x1x32xf32, #tpu.memory_space<vmem>> -> memref<1x32xf32, #tpu.memory_space<vmem>>
      %dma_start3A_386 = arith.constant 0 : i32
      %dma_start3A_387 = tpu.memref_slice %arg3[%squeeze3A_372, %dma_start3A_386] : memref<1000000x32xf32, #tpu.memory_space<hbm>> -> memref<1x32xf32, #tpu.memory_space<hbm>>
      tpu.enqueue_dma source(%dma_start3A_387 : memref<1x32xf32, #tpu.memory_space<hbm>>) target(%dma_start3A_385 : memref<1x32xf32, #tpu.memory_space<vmem>>) target_semaphore(%arg8 : memref<!tpu.dma_semaphore, #tpu.memory_space<semaphore_mem>>)
    }
    %scan3A_13 = arith.constant 8 : i32
    %mul3A_14 = arith.constant 4 : i32
    %mul3A_15 = arith.muli %add3A, %mul3A_14 : i32
    %add3A_16 = arith.constant 0 : i32
    %add3A_17 = arith.addi %mul3A_15, %add3A_16 : i32
    %dma_wait3A = arith.constant 0 : i32
    %dma_wait3A_18 = arith.constant 0 : i32
    %dma_wait3A_19 = arith.constant 0 : i32
    %dma_wait3A_20 = tpu.memref_slice %arg6[%dma_wait3A, %dma_wait3A_18, %dma_wait3A_19] : memref<2x128x32xf32, #tpu.memory_space<vmem>> -> memref<1x128x32xf32, #tpu.memory_space<vmem>>
    %dma_wait3A_21 = tpu.memref_squeeze %dma_wait3A_20 : memref<1x128x32xf32, #tpu.memory_space<vmem>> -> memref<128x32xf32, #tpu.memory_space<vmem>>
    %dma_wait3A_22 = arith.constant 0 : i32
    %dma_wait3A_23 = arith.constant 0 : i32
    %dma_wait3A_24 = tpu.memref_slice %arg4[%add3A_17, %dma_wait3A_22, %dma_wait3A_23] : memref<128x128x32xf32, #tpu.memory_space<hbm>> -> memref<1x128x32xf32, #tpu.memory_space<hbm>>
    %dma_wait3A_25 = tpu.memref_squeeze %dma_wait3A_24 : memref<1x128x32xf32, #tpu.memory_space<hbm>> -> memref<128x32xf32, #tpu.memory_space<hbm>>
    %dma_wait3A_26 = arith.constant 0 : i32
    %dma_wait3A_27 = arith.constant 0 : i32
    %dma_wait3A_28 = tpu.memref_slice %arg6[%dma_wait3A, %dma_wait3A_26, %dma_wait3A_27] : memref<2x128x32xf32, #tpu.memory_space<vmem>> -> memref<1x128x32xf32, #tpu.memory_space<vmem>>
    %dma_wait3A_29 = tpu.memref_squeeze %dma_wait3A_28 : memref<1x128x32xf32, #tpu.memory_space<vmem>> -> memref<128x32xf32, #tpu.memory_space<vmem>>
    %dma_wait3A_30 = arith.constant 0 : i32
    %dma_wait3A_31 = arith.constant 0 : i32
    %dma_wait3A_32 = tpu.memref_slice %arg4[%add3A_17, %dma_wait3A_30, %dma_wait3A_31] : memref<128x128x32xf32, #tpu.memory_space<hbm>> -> memref<1x128x32xf32, #tpu.memory_space<hbm>>
    %dma_wait3A_33 = tpu.memref_squeeze %dma_wait3A_32 : memref<1x128x32xf32, #tpu.memory_space<hbm>> -> memref<128x32xf32, #tpu.memory_space<hbm>>
    tpu.wait_dma2 semaphore(%arg7 : memref<!tpu.dma_semaphore, #tpu.memory_space<semaphore_mem>>) src(%dma_wait3A_33 : memref<128x32xf32, #tpu.memory_space<hbm>>) dst(%dma_wait3A_29 : memref<128x32xf32, #tpu.memory_space<vmem>>)
    %run_scoped3A = arith.constant 0 : i32
    "tpu.region"() ({
      %run_scoped3A_112 = tpu.sem_alloc : memref<!tpu.dma_semaphore, #tpu.memory_space<semaphore_mem>>
      %dma_start3A = arith.constant 0 : i32
      %dma_start3A_113 = arith.constant 0 : i32
      %dma_start3A_114 = tpu.memref_slice %arg6[%run_scoped3A, %dma_start3A, %dma_start3A_113] : memref<2x128x32xf32, #tpu.memory_space<vmem>> -> memref<1x128x32xf32, #tpu.memory_space<vmem>>
      %dma_start3A_115 = tpu.memref_squeeze %dma_start3A_114 : memref<1x128x32xf32, #tpu.memory_space<vmem>> -> memref<128x32xf32, #tpu.memory_space<vmem>>
      %dma_start3A_116 = arith.constant 0 : i32
      %dma_start3A_117 = arith.constant 0 : i32
      %dma_start3A_118 = tpu.memref_slice %arg4[%add3A_17, %dma_start3A_116, %dma_start3A_117] : memref<128x128x32xf32, #tpu.memory_space<hbm>> -> memref<1x128x32xf32, #tpu.memory_space<hbm>>
      %dma_start3A_119 = tpu.memref_squeeze %dma_start3A_118 : memref<1x128x32xf32, #tpu.memory_space<hbm>> -> memref<128x32xf32, #tpu.memory_space<hbm>>
      %dma_start3A_120 = arith.constant 0 : i32
      %dma_start3A_121 = arith.constant 0 : i32
      %dma_start3A_122 = tpu.memref_slice %arg4[%add3A_17, %dma_start3A_120, %dma_start3A_121] : memref<128x128x32xf32, #tpu.memory_space<hbm>> -> memref<1x128x32xf32, #tpu.memory_space<hbm>>
      %dma_start3A_123 = tpu.memref_squeeze %dma_start3A_122 : memref<1x128x32xf32, #tpu.memory_space<hbm>> -> memref<128x32xf32, #tpu.memory_space<hbm>>
      %dma_start3A_124 = arith.constant 0 : i32
      %dma_start3A_125 = arith.constant 0 : i32
      %dma_start3A_126 = tpu.memref_slice %arg6[%run_scoped3A, %dma_start3A_124, %dma_start3A_125] : memref<2x128x32xf32, #tpu.memory_space<vmem>> -> memref<1x128x32xf32, #tpu.memory_space<vmem>>
      %dma_start3A_127 = tpu.memref_squeeze %dma_start3A_126 : memref<1x128x32xf32, #tpu.memory_space<vmem>> -> memref<128x32xf32, #tpu.memory_space<vmem>>
      tpu.enqueue_dma source(%dma_start3A_127 : memref<128x32xf32, #tpu.memory_space<vmem>>) target(%dma_start3A_123 : memref<128x32xf32, #tpu.memory_space<hbm>>) target_semaphore(%run_scoped3A_112 : memref<!tpu.dma_semaphore, #tpu.memory_space<semaphore_mem>>)
      %dma_wait3A_128 = arith.constant 0 : i32
      %dma_wait3A_129 = arith.constant 0 : i32
      %dma_wait3A_130 = tpu.memref_slice %arg6[%run_scoped3A, %dma_wait3A_128, %dma_wait3A_129] : memref<2x128x32xf32, #tpu.memory_space<vmem>> -> memref<1x128x32xf32, #tpu.memory_space<vmem>>
      %dma_wait3A_131 = tpu.memref_squeeze %dma_wait3A_130 : memref<1x128x32xf32, #tpu.memory_space<vmem>> -> memref<128x32xf32, #tpu.memory_space<vmem>>
      %dma_wait3A_132 = arith.constant 0 : i32
      %dma_wait3A_133 = arith.constant 0 : i32
      %dma_wait3A_134 = tpu.memref_slice %arg4[%add3A_17, %dma_wait3A_132, %dma_wait3A_133] : memref<128x128x32xf32, #tpu.memory_space<hbm>> -> memref<1x128x32xf32, #tpu.memory_space<hbm>>
      %dma_wait3A_135 = tpu.memref_squeeze %dma_wait3A_134 : memref<1x128x32xf32, #tpu.memory_space<hbm>> -> memref<128x32xf32, #tpu.memory_space<hbm>>
      %dma_wait3A_136 = arith.constant 0 : i32
      %dma_wait3A_137 = arith.constant 0 : i32
      %dma_wait3A_138 = tpu.memref_slice %arg4[%add3A_17, %dma_wait3A_136, %dma_wait3A_137] : memref<128x128x32xf32, #tpu.memory_space<hbm>> -> memref<1x128x32xf32, #tpu.memory_space<hbm>>
      %dma_wait3A_139 = tpu.memref_squeeze %dma_wait3A_138 : memref<1x128x32xf32, #tpu.memory_space<hbm>> -> memref<128x32xf32, #tpu.memory_space<hbm>>
      %dma_wait3A_140 = arith.constant 0 : i32
      %dma_wait3A_141 = arith.constant 0 : i32
      %dma_wait3A_142 = tpu.memref_slice %arg6[%run_scoped3A, %dma_wait3A_140, %dma_wait3A_141] : memref<2x128x32xf32, #tpu.memory_space<vmem>> -> memref<1x128x32xf32, #tpu.memory_space<vmem>>
      %dma_wait3A_143 = tpu.memref_squeeze %dma_wait3A_142 : memref<1x128x32xf32, #tpu.memory_space<vmem>> -> memref<128x32xf32, #tpu.memory_space<vmem>>
      tpu.wait_dma2 semaphore(%run_scoped3A_112 : memref<!tpu.dma_semaphore, #tpu.memory_space<semaphore_mem>>) src(%dma_wait3A_143 : memref<128x32xf32, #tpu.memory_space<vmem>>) dst(%dma_wait3A_139 : memref<128x32xf32, #tpu.memory_space<hbm>>)
      tpu.yield
    }) : () -> ()
    %scan3A_34 = arith.constant 0 : i32
    %scan3A_35 = arith.constant 0 : i32
    %scan3A_36 = arith.constant 8 : i32
    %scan3A_37 = arith.addi %scan3A_35, %scan3A_36 : i32
    %scan3A_38 = arith.constant 1 : i32
    scf.for %scan3A_112 = %scan3A_35 to %scan3A_37 step %scan3A_38  : i32 {
      %mul3A_113 = arith.constant 16 : i32
      %mul3A_114 = arith.muli %scan3A_112, %mul3A_113 : i32
      %add3A_115 = arith.constant 256 : i32
      %add3A_116 = arith.addi %add3A_115, %mul3A_114 : i32
      %multiple_of3A = tpu.assume_multiple %add3A_116, 16 : i32
      %get3A = arith.index_cast %multiple_of3A : i32 to index
      %get3A_117 = tpu.vector_load %arg5[%get3A] {strides = array<i32>} : memref<512xi32, #tpu.memory_space<vmem>>, vector<16xi32>,
      %get3A_118 = vector.shape_cast %get3A_117 : vector<16xi32> to vector<16xi32>
      %slice3A = vector.extract_strided_slice %get3A_118 {offsets = [0], sizes = [1], strides = [1]} : vector<16xi32> to vector<1xi32>
      %squeeze3A = vector.extract %slice3A[0] : i32 from vector<1xi32>
      %mul3A_119 = arith.constant 16 : i32
      %mul3A_120 = arith.muli %scan3A_112, %mul3A_119 : i32
      %add3A_121 = arith.constant 0 : i32
      %add3A_122 = arith.addi %mul3A_120, %add3A_121 : i32
      %dma_start3A = arith.constant 0 : i32
      %dma_start3A_123 = arith.constant 0 : i32
      %dma_start3A_124 = tpu.memref_slice %arg6[%dma_start3A, %add3A_122, %dma_start3A_123] : memref<2x128x32xf32, #tpu.memory_space<vmem>> -> memref<1x1x32xf32, #tpu.memory_space<vmem>>
      %dma_start3A_125 = tpu.memref_squeeze %dma_start3A_124 : memref<1x1x32xf32, #tpu.memory_space<vmem>> -> memref<1x32xf32, #tpu.memory_space<vmem>>
      %dma_start3A_126 = arith.constant 0 : i32
      %dma_start3A_127 = tpu.memref_slice %arg3[%squeeze3A, %dma_start3A_126] : memref<1000000x32xf32, #tpu.memory_space<hbm>> -> memref<1x32xf32, #tpu.memory_space<hbm>>
      %dma_start3A_128 = arith.constant 0 : i32
      %dma_start3A_129 = tpu.memref_slice %arg6[%dma_start3A, %add3A_122, %dma_start3A_128] : memref<2x128x32xf32, #tpu.memory_space<vmem>> -> memref<1x1x32xf32, #tpu.memory_space<vmem>>
      %dma_start3A_130 = tpu.memref_squeeze %dma_start3A_129 : memref<1x1x32xf32, #tpu.memory_space<vmem>> -> memref<1x32xf32, #tpu.memory_space<vmem>>
      %dma_start3A_131 = arith.constant 0 : i32
      %dma_start3A_132 = tpu.memref_slice %arg3[%squeeze3A, %dma_start3A_131] : memref<1000000x32xf32, #tpu.memory_space<hbm>> -> memref<1x32xf32, #tpu.memory_space<hbm>>
      tpu.enqueue_dma source(%dma_start3A_132 : memref<1x32xf32, #tpu.memory_space<hbm>>) target(%dma_start3A_130 : memref<1x32xf32, #tpu.memory_space<vmem>>) target_semaphore(%arg7 : memref<!tpu.dma_semaphore, #tpu.memory_space<semaphore_mem>>)
      %slice3A_133 = vector.extract_strided_slice %get3A_118 {offsets = [1], sizes = [1], strides = [1]} : vector<16xi32> to vector<1xi32>
      %squeeze3A_134 = vector.extract %slice3A_133[0] : i32 from vector<1xi32>
      %mul3A_135 = arith.constant 16 : i32
      %mul3A_136 = arith.muli %scan3A_112, %mul3A_135 : i32
      %add3A_137 = arith.constant 1 : i32
      %add3A_138 = arith.addi %mul3A_136, %add3A_137 : i32
      %dma_start3A_139 = arith.constant 0 : i32
      %dma_start3A_140 = arith.constant 0 : i32
      %dma_start3A_141 = tpu.memref_slice %arg6[%dma_start3A_139, %add3A_138, %dma_start3A_140] : memref<2x128x32xf32, #tpu.memory_space<vmem>> -> memref<1x1x32xf32, #tpu.memory_space<vmem>>
      %dma_start3A_142 = tpu.memref_squeeze %dma_start3A_141 : memref<1x1x32xf32, #tpu.memory_space<vmem>> -> memref<1x32xf32, #tpu.memory_space<vmem>>
      %dma_start3A_143 = arith.constant 0 : i32
      %dma_start3A_144 = tpu.memref_slice %arg3[%squeeze3A_134, %dma_start3A_143] : memref<1000000x32xf32, #tpu.memory_space<hbm>> -> memref<1x32xf32, #tpu.memory_space<hbm>>
      %dma_start3A_145 = arith.constant 0 : i32
      %dma_start3A_146 = tpu.memref_slice %arg6[%dma_start3A_139, %add3A_138, %dma_start3A_145] : memref<2x128x32xf32, #tpu.memory_space<vmem>> -> memref<1x1x32xf32, #tpu.memory_space<vmem>>
      %dma_start3A_147 = tpu.memref_squeeze %dma_start3A_146 : memref<1x1x32xf32, #tpu.memory_space<vmem>> -> memref<1x32xf32, #tpu.memory_space<vmem>>
      %dma_start3A_148 = arith.constant 0 : i32
      %dma_start3A_149 = tpu.memref_slice %arg3[%squeeze3A_134, %dma_start3A_148] : memref<1000000x32xf32, #tpu.memory_space<hbm>> -> memref<1x32xf32, #tpu.memory_space<hbm>>
      tpu.enqueue_dma source(%dma_start3A_149 : memref<1x32xf32, #tpu.memory_space<hbm>>) target(%dma_start3A_147 : memref<1x32xf32, #tpu.memory_space<vmem>>) target_semaphore(%arg7 : memref<!tpu.dma_semaphore, #tpu.memory_space<semaphore_mem>>)
      %slice3A_150 = vector.extract_strided_slice %get3A_118 {offsets = [2], sizes = [1], strides = [1]} : vector<16xi32> to vector<1xi32>
      %squeeze3A_151 = vector.extract %slice3A_150[0] : i32 from vector<1xi32>
      %mul3A_152 = arith.constant 16 : i32
      %mul3A_153 = arith.muli %scan3A_112, %mul3A_152 : i32
      %add3A_154 = arith.constant 2 : i32
      %add3A_155 = arith.addi %mul3A_153, %add3A_154 : i32
      %dma_start3A_156 = arith.constant 0 : i32
      %dma_start3A_157 = arith.constant 0 : i32
      %dma_start3A_158 = tpu.memref_slice %arg6[%dma_start3A_156, %add3A_155, %dma_start3A_157] : memref<2x128x32xf32, #tpu.memory_space<vmem>> -> memref<1x1x32xf32, #tpu.memory_space<vmem>>
      %dma_start3A_159 = tpu.memref_squeeze %dma_start3A_158 : memref<1x1x32xf32, #tpu.memory_space<vmem>> -> memref<1x32xf32, #tpu.memory_space<vmem>>
      %dma_start3A_160 = arith.constant 0 : i32
      %dma_start3A_161 = tpu.memref_slice %arg3[%squeeze3A_151, %dma_start3A_160] : memref<1000000x32xf32, #tpu.memory_space<hbm>> -> memref<1x32xf32, #tpu.memory_space<hbm>>
      %dma_start3A_162 = arith.constant 0 : i32
      %dma_start3A_163 = tpu.memref_slice %arg6[%dma_start3A_156, %add3A_155, %dma_start3A_162] : memref<2x128x32xf32, #tpu.memory_space<vmem>> -> memref<1x1x32xf32, #tpu.memory_space<vmem>>
      %dma_start3A_164 = tpu.memref_squeeze %dma_start3A_163 : memref<1x1x32xf32, #tpu.memory_space<vmem>> -> memref<1x32xf32, #tpu.memory_space<vmem>>
      %dma_start3A_165 = arith.constant 0 : i32
      %dma_start3A_166 = tpu.memref_slice %arg3[%squeeze3A_151, %dma_start3A_165] : memref<1000000x32xf32, #tpu.memory_space<hbm>> -> memref<1x32xf32, #tpu.memory_space<hbm>>
      tpu.enqueue_dma source(%dma_start3A_166 : memref<1x32xf32, #tpu.memory_space<hbm>>) target(%dma_start3A_164 : memref<1x32xf32, #tpu.memory_space<vmem>>) target_semaphore(%arg7 : memref<!tpu.dma_semaphore, #tpu.memory_space<semaphore_mem>>)
      %slice3A_167 = vector.extract_strided_slice %get3A_118 {offsets = [3], sizes = [1], strides = [1]} : vector<16xi32> to vector<1xi32>
      %squeeze3A_168 = vector.extract %slice3A_167[0] : i32 from vector<1xi32>
      %mul3A_169 = arith.constant 16 : i32
      %mul3A_170 = arith.muli %scan3A_112, %mul3A_169 : i32
      %add3A_171 = arith.constant 3 : i32
      %add3A_172 = arith.addi %mul3A_170, %add3A_171 : i32
      %dma_start3A_173 = arith.constant 0 : i32
      %dma_start3A_174 = arith.constant 0 : i32
      %dma_start3A_175 = tpu.memref_slice %arg6[%dma_start3A_173, %add3A_172, %dma_start3A_174] : memref<2x128x32xf32, #tpu.memory_space<vmem>> -> memref<1x1x32xf32, #tpu.memory_space<vmem>>
      %dma_start3A_176 = tpu.memref_squeeze %dma_start3A_175 : memref<1x1x32xf32, #tpu.memory_space<vmem>> -> memref<1x32xf32, #tpu.memory_space<vmem>>
      %dma_start3A_177 = arith.constant 0 : i32
      %dma_start3A_178 = tpu.memref_slice %arg3[%squeeze3A_168, %dma_start3A_177] : memref<1000000x32xf32, #tpu.memory_space<hbm>> -> memref<1x32xf32, #tpu.memory_space<hbm>>
      %dma_start3A_179 = arith.constant 0 : i32
      %dma_start3A_180 = tpu.memref_slice %arg6[%dma_start3A_173, %add3A_172, %dma_start3A_179] : memref<2x128x32xf32, #tpu.memory_space<vmem>> -> memref<1x1x32xf32, #tpu.memory_space<vmem>>
      %dma_start3A_181 = tpu.memref_squeeze %dma_start3A_180 : memref<1x1x32xf32, #tpu.memory_space<vmem>> -> memref<1x32xf32, #tpu.memory_space<vmem>>
      %dma_start3A_182 = arith.constant 0 : i32
      %dma_start3A_183 = tpu.memref_slice %arg3[%squeeze3A_168, %dma_start3A_182] : memref<1000000x32xf32, #tpu.memory_space<hbm>> -> memref<1x32xf32, #tpu.memory_space<hbm>>
      tpu.enqueue_dma source(%dma_start3A_183 : memref<1x32xf32, #tpu.memory_space<hbm>>) target(%dma_start3A_181 : memref<1x32xf32, #tpu.memory_space<vmem>>) target_semaphore(%arg7 : memref<!tpu.dma_semaphore, #tpu.memory_space<semaphore_mem>>)
      %slice3A_184 = vector.extract_strided_slice %get3A_118 {offsets = [4], sizes = [1], strides = [1]} : vector<16xi32> to vector<1xi32>
      %squeeze3A_185 = vector.extract %slice3A_184[0] : i32 from vector<1xi32>
      %mul3A_186 = arith.constant 16 : i32
      %mul3A_187 = arith.muli %scan3A_112, %mul3A_186 : i32
      %add3A_188 = arith.constant 4 : i32
      %add3A_189 = arith.addi %mul3A_187, %add3A_188 : i32
      %dma_start3A_190 = arith.constant 0 : i32
      %dma_start3A_191 = arith.constant 0 : i32
      %dma_start3A_192 = tpu.memref_slice %arg6[%dma_start3A_190, %add3A_189, %dma_start3A_191] : memref<2x128x32xf32, #tpu.memory_space<vmem>> -> memref<1x1x32xf32, #tpu.memory_space<vmem>>
      %dma_start3A_193 = tpu.memref_squeeze %dma_start3A_192 : memref<1x1x32xf32, #tpu.memory_space<vmem>> -> memref<1x32xf32, #tpu.memory_space<vmem>>
      %dma_start3A_194 = arith.constant 0 : i32
      %dma_start3A_195 = tpu.memref_slice %arg3[%squeeze3A_185, %dma_start3A_194] : memref<1000000x32xf32, #tpu.memory_space<hbm>> -> memref<1x32xf32, #tpu.memory_space<hbm>>
      %dma_start3A_196 = arith.constant 0 : i32
      %dma_start3A_197 = tpu.memref_slice %arg6[%dma_start3A_190, %add3A_189, %dma_start3A_196] : memref<2x128x32xf32, #tpu.memory_space<vmem>> -> memref<1x1x32xf32, #tpu.memory_space<vmem>>
      %dma_start3A_198 = tpu.memref_squeeze %dma_start3A_197 : memref<1x1x32xf32, #tpu.memory_space<vmem>> -> memref<1x32xf32, #tpu.memory_space<vmem>>
      %dma_start3A_199 = arith.constant 0 : i32
      %dma_start3A_200 = tpu.memref_slice %arg3[%squeeze3A_185, %dma_start3A_199] : memref<1000000x32xf32, #tpu.memory_space<hbm>> -> memref<1x32xf32, #tpu.memory_space<hbm>>
      tpu.enqueue_dma source(%dma_start3A_200 : memref<1x32xf32, #tpu.memory_space<hbm>>) target(%dma_start3A_198 : memref<1x32xf32, #tpu.memory_space<vmem>>) target_semaphore(%arg7 : memref<!tpu.dma_semaphore, #tpu.memory_space<semaphore_mem>>)
      %slice3A_201 = vector.extract_strided_slice %get3A_118 {offsets = [5], sizes = [1], strides = [1]} : vector<16xi32> to vector<1xi32>
      %squeeze3A_202 = vector.extract %slice3A_201[0] : i32 from vector<1xi32>
      %mul3A_203 = arith.constant 16 : i32
      %mul3A_204 = arith.muli %scan3A_112, %mul3A_203 : i32
      %add3A_205 = arith.constant 5 : i32
      %add3A_206 = arith.addi %mul3A_204, %add3A_205 : i32
      %dma_start3A_207 = arith.constant 0 : i32
      %dma_start3A_208 = arith.constant 0 : i32
      %dma_start3A_209 = tpu.memref_slice %arg6[%dma_start3A_207, %add3A_206, %dma_start3A_208] : memref<2x128x32xf32, #tpu.memory_space<vmem>> -> memref<1x1x32xf32, #tpu.memory_space<vmem>>
      %dma_start3A_210 = tpu.memref_squeeze %dma_start3A_209 : memref<1x1x32xf32, #tpu.memory_space<vmem>> -> memref<1x32xf32, #tpu.memory_space<vmem>>
      %dma_start3A_211 = arith.constant 0 : i32
      %dma_start3A_212 = tpu.memref_slice %arg3[%squeeze3A_202, %dma_start3A_211] : memref<1000000x32xf32, #tpu.memory_space<hbm>> -> memref<1x32xf32, #tpu.memory_space<hbm>>
      %dma_start3A_213 = arith.constant 0 : i32
      %dma_start3A_214 = tpu.memref_slice %arg6[%dma_start3A_207, %add3A_206, %dma_start3A_213] : memref<2x128x32xf32, #tpu.memory_space<vmem>> -> memref<1x1x32xf32, #tpu.memory_space<vmem>>
      %dma_start3A_215 = tpu.memref_squeeze %dma_start3A_214 : memref<1x1x32xf32, #tpu.memory_space<vmem>> -> memref<1x32xf32, #tpu.memory_space<vmem>>
      %dma_start3A_216 = arith.constant 0 : i32
      %dma_start3A_217 = tpu.memref_slice %arg3[%squeeze3A_202, %dma_start3A_216] : memref<1000000x32xf32, #tpu.memory_space<hbm>> -> memref<1x32xf32, #tpu.memory_space<hbm>>
      tpu.enqueue_dma source(%dma_start3A_217 : memref<1x32xf32, #tpu.memory_space<hbm>>) target(%dma_start3A_215 : memref<1x32xf32, #tpu.memory_space<vmem>>) target_semaphore(%arg7 : memref<!tpu.dma_semaphore, #tpu.memory_space<semaphore_mem>>)
      %slice3A_218 = vector.extract_strided_slice %get3A_118 {offsets = [6], sizes = [1], strides = [1]} : vector<16xi32> to vector<1xi32>
      %squeeze3A_219 = vector.extract %slice3A_218[0] : i32 from vector<1xi32>
      %mul3A_220 = arith.constant 16 : i32
      %mul3A_221 = arith.muli %scan3A_112, %mul3A_220 : i32
      %add3A_222 = arith.constant 6 : i32
      %add3A_223 = arith.addi %mul3A_221, %add3A_222 : i32
      %dma_start3A_224 = arith.constant 0 : i32
      %dma_start3A_225 = arith.constant 0 : i32
      %dma_start3A_226 = tpu.memref_slice %arg6[%dma_start3A_224, %add3A_223, %dma_start3A_225] : memref<2x128x32xf32, #tpu.memory_space<vmem>> -> memref<1x1x32xf32, #tpu.memory_space<vmem>>
      %dma_start3A_227 = tpu.memref_squeeze %dma_start3A_226 : memref<1x1x32xf32, #tpu.memory_space<vmem>> -> memref<1x32xf32, #tpu.memory_space<vmem>>
      %dma_start3A_228 = arith.constant 0 : i32
      %dma_start3A_229 = tpu.memref_slice %arg3[%squeeze3A_219, %dma_start3A_228] : memref<1000000x32xf32, #tpu.memory_space<hbm>> -> memref<1x32xf32, #tpu.memory_space<hbm>>
      %dma_start3A_230 = arith.constant 0 : i32
      %dma_start3A_231 = tpu.memref_slice %arg6[%dma_start3A_224, %add3A_223, %dma_start3A_230] : memref<2x128x32xf32, #tpu.memory_space<vmem>> -> memref<1x1x32xf32, #tpu.memory_space<vmem>>
      %dma_start3A_232 = tpu.memref_squeeze %dma_start3A_231 : memref<1x1x32xf32, #tpu.memory_space<vmem>> -> memref<1x32xf32, #tpu.memory_space<vmem>>
      %dma_start3A_233 = arith.constant 0 : i32
      %dma_start3A_234 = tpu.memref_slice %arg3[%squeeze3A_219, %dma_start3A_233] : memref<1000000x32xf32, #tpu.memory_space<hbm>> -> memref<1x32xf32, #tpu.memory_space<hbm>>
      tpu.enqueue_dma source(%dma_start3A_234 : memref<1x32xf32, #tpu.memory_space<hbm>>) target(%dma_start3A_232 : memref<1x32xf32, #tpu.memory_space<vmem>>) target_semaphore(%arg7 : memref<!tpu.dma_semaphore, #tpu.memory_space<semaphore_mem>>)
      %slice3A_235 = vector.extract_strided_slice %get3A_118 {offsets = [7], sizes = [1], strides = [1]} : vector<16xi32> to vector<1xi32>
      %squeeze3A_236 = vector.extract %slice3A_235[0] : i32 from vector<1xi32>
      %mul3A_237 = arith.constant 16 : i32
      %mul3A_238 = arith.muli %scan3A_112, %mul3A_237 : i32
      %add3A_239 = arith.constant 7 : i32
      %add3A_240 = arith.addi %mul3A_238, %add3A_239 : i32
      %dma_start3A_241 = arith.constant 0 : i32
      %dma_start3A_242 = arith.constant 0 : i32
      %dma_start3A_243 = tpu.memref_slice %arg6[%dma_start3A_241, %add3A_240, %dma_start3A_242] : memref<2x128x32xf32, #tpu.memory_space<vmem>> -> memref<1x1x32xf32, #tpu.memory_space<vmem>>
      %dma_start3A_244 = tpu.memref_squeeze %dma_start3A_243 : memref<1x1x32xf32, #tpu.memory_space<vmem>> -> memref<1x32xf32, #tpu.memory_space<vmem>>
      %dma_start3A_245 = arith.constant 0 : i32
      %dma_start3A_246 = tpu.memref_slice %arg3[%squeeze3A_236, %dma_start3A_245] : memref<1000000x32xf32, #tpu.memory_space<hbm>> -> memref<1x32xf32, #tpu.memory_space<hbm>>
      %dma_start3A_247 = arith.constant 0 : i32
      %dma_start3A_248 = tpu.memref_slice %arg6[%dma_start3A_241, %add3A_240, %dma_start3A_247] : memref<2x128x32xf32, #tpu.memory_space<vmem>> -> memref<1x1x32xf32, #tpu.memory_space<vmem>>
      %dma_start3A_249 = tpu.memref_squeeze %dma_start3A_248 : memref<1x1x32xf32, #tpu.memory_space<vmem>> -> memref<1x32xf32, #tpu.memory_space<vmem>>
      %dma_start3A_250 = arith.constant 0 : i32
      %dma_start3A_251 = tpu.memref_slice %arg3[%squeeze3A_236, %dma_start3A_250] : memref<1000000x32xf32, #tpu.memory_space<hbm>> -> memref<1x32xf32, #tpu.memory_space<hbm>>
      tpu.enqueue_dma source(%dma_start3A_251 : memref<1x32xf32, #tpu.memory_space<hbm>>) target(%dma_start3A_249 : memref<1x32xf32, #tpu.memory_space<vmem>>) target_semaphore(%arg7 : memref<!tpu.dma_semaphore, #tpu.memory_space<semaphore_mem>>)
      %slice3A_252 = vector.extract_strided_slice %get3A_118 {offsets = [8], sizes = [1], strides = [1]} : vector<16xi32> to vector<1xi32>
      %squeeze3A_253 = vector.extract %slice3A_252[0] : i32 from vector<1xi32>
      %mul3A_254 = arith.constant 16 : i32
      %mul3A_255 = arith.muli %scan3A_112, %mul3A_254 : i32
      %add3A_256 = arith.constant 8 : i32
      %add3A_257 = arith.addi %mul3A_255, %add3A_256 : i32
      %dma_start3A_258 = arith.constant 0 : i32
      %dma_start3A_259 = arith.constant 0 : i32
      %dma_start3A_260 = tpu.memref_slice %arg6[%dma_start3A_258, %add3A_257, %dma_start3A_259] : memref<2x128x32xf32, #tpu.memory_space<vmem>> -> memref<1x1x32xf32, #tpu.memory_space<vmem>>
      %dma_start3A_261 = tpu.memref_squeeze %dma_start3A_260 : memref<1x1x32xf32, #tpu.memory_space<vmem>> -> memref<1x32xf32, #tpu.memory_space<vmem>>
      %dma_start3A_262 = arith.constant 0 : i32
      %dma_start3A_263 = tpu.memref_slice %arg3[%squeeze3A_253, %dma_start3A_262] : memref<1000000x32xf32, #tpu.memory_space<hbm>> -> memref<1x32xf32, #tpu.memory_space<hbm>>
      %dma_start3A_264 = arith.constant 0 : i32
      %dma_start3A_265 = tpu.memref_slice %arg6[%dma_start3A_258, %add3A_257, %dma_start3A_264] : memref<2x128x32xf32, #tpu.memory_space<vmem>> -> memref<1x1x32xf32, #tpu.memory_space<vmem>>
      %dma_start3A_266 = tpu.memref_squeeze %dma_start3A_265 : memref<1x1x32xf32, #tpu.memory_space<vmem>> -> memref<1x32xf32, #tpu.memory_space<vmem>>
      %dma_start3A_267 = arith.constant 0 : i32
      %dma_start3A_268 = tpu.memref_slice %arg3[%squeeze3A_253, %dma_start3A_267] : memref<1000000x32xf32, #tpu.memory_space<hbm>> -> memref<1x32xf32, #tpu.memory_space<hbm>>
      tpu.enqueue_dma source(%dma_start3A_268 : memref<1x32xf32, #tpu.memory_space<hbm>>) target(%dma_start3A_266 : memref<1x32xf32, #tpu.memory_space<vmem>>) target_semaphore(%arg7 : memref<!tpu.dma_semaphore, #tpu.memory_space<semaphore_mem>>)
      %slice3A_269 = vector.extract_strided_slice %get3A_118 {offsets = [9], sizes = [1], strides = [1]} : vector<16xi32> to vector<1xi32>
      %squeeze3A_270 = vector.extract %slice3A_269[0] : i32 from vector<1xi32>
      %mul3A_271 = arith.constant 16 : i32
      %mul3A_272 = arith.muli %scan3A_112, %mul3A_271 : i32
      %add3A_273 = arith.constant 9 : i32
      %add3A_274 = arith.addi %mul3A_272, %add3A_273 : i32
      %dma_start3A_275 = arith.constant 0 : i32
      %dma_start3A_276 = arith.constant 0 : i32
      %dma_start3A_277 = tpu.memref_slice %arg6[%dma_start3A_275, %add3A_274, %dma_start3A_276] : memref<2x128x32xf32, #tpu.memory_space<vmem>> -> memref<1x1x32xf32, #tpu.memory_space<vmem>>
      %dma_start3A_278 = tpu.memref_squeeze %dma_start3A_277 : memref<1x1x32xf32, #tpu.memory_space<vmem>> -> memref<1x32xf32, #tpu.memory_space<vmem>>
      %dma_start3A_279 = arith.constant 0 : i32
      %dma_start3A_280 = tpu.memref_slice %arg3[%squeeze3A_270, %dma_start3A_279] : memref<1000000x32xf32, #tpu.memory_space<hbm>> -> memref<1x32xf32, #tpu.memory_space<hbm>>
      %dma_start3A_281 = arith.constant 0 : i32
      %dma_start3A_282 = tpu.memref_slice %arg6[%dma_start3A_275, %add3A_274, %dma_start3A_281] : memref<2x128x32xf32, #tpu.memory_space<vmem>> -> memref<1x1x32xf32, #tpu.memory_space<vmem>>
      %dma_start3A_283 = tpu.memref_squeeze %dma_start3A_282 : memref<1x1x32xf32, #tpu.memory_space<vmem>> -> memref<1x32xf32, #tpu.memory_space<vmem>>
      %dma_start3A_284 = arith.constant 0 : i32
      %dma_start3A_285 = tpu.memref_slice %arg3[%squeeze3A_270, %dma_start3A_284] : memref<1000000x32xf32, #tpu.memory_space<hbm>> -> memref<1x32xf32, #tpu.memory_space<hbm>>
      tpu.enqueue_dma source(%dma_start3A_285 : memref<1x32xf32, #tpu.memory_space<hbm>>) target(%dma_start3A_283 : memref<1x32xf32, #tpu.memory_space<vmem>>) target_semaphore(%arg7 : memref<!tpu.dma_semaphore, #tpu.memory_space<semaphore_mem>>)
      %slice3A_286 = vector.extract_strided_slice %get3A_118 {offsets = [10], sizes = [1], strides = [1]} : vector<16xi32> to vector<1xi32>
      %squeeze3A_287 = vector.extract %slice3A_286[0] : i32 from vector<1xi32>
      %mul3A_288 = arith.constant 16 : i32
      %mul3A_289 = arith.muli %scan3A_112, %mul3A_288 : i32
      %add3A_290 = arith.constant 10 : i32
      %add3A_291 = arith.addi %mul3A_289, %add3A_290 : i32
      %dma_start3A_292 = arith.constant 0 : i32
      %dma_start3A_293 = arith.constant 0 : i32
      %dma_start3A_294 = tpu.memref_slice %arg6[%dma_start3A_292, %add3A_291, %dma_start3A_293] : memref<2x128x32xf32, #tpu.memory_space<vmem>> -> memref<1x1x32xf32, #tpu.memory_space<vmem>>
      %dma_start3A_295 = tpu.memref_squeeze %dma_start3A_294 : memref<1x1x32xf32, #tpu.memory_space<vmem>> -> memref<1x32xf32, #tpu.memory_space<vmem>>
      %dma_start3A_296 = arith.constant 0 : i32
      %dma_start3A_297 = tpu.memref_slice %arg3[%squeeze3A_287, %dma_start3A_296] : memref<1000000x32xf32, #tpu.memory_space<hbm>> -> memref<1x32xf32, #tpu.memory_space<hbm>>
      %dma_start3A_298 = arith.constant 0 : i32
      %dma_start3A_299 = tpu.memref_slice %arg6[%dma_start3A_292, %add3A_291, %dma_start3A_298] : memref<2x128x32xf32, #tpu.memory_space<vmem>> -> memref<1x1x32xf32, #tpu.memory_space<vmem>>
      %dma_start3A_300 = tpu.memref_squeeze %dma_start3A_299 : memref<1x1x32xf32, #tpu.memory_space<vmem>> -> memref<1x32xf32, #tpu.memory_space<vmem>>
      %dma_start3A_301 = arith.constant 0 : i32
      %dma_start3A_302 = tpu.memref_slice %arg3[%squeeze3A_287, %dma_start3A_301] : memref<1000000x32xf32, #tpu.memory_space<hbm>> -> memref<1x32xf32, #tpu.memory_space<hbm>>
      tpu.enqueue_dma source(%dma_start3A_302 : memref<1x32xf32, #tpu.memory_space<hbm>>) target(%dma_start3A_300 : memref<1x32xf32, #tpu.memory_space<vmem>>) target_semaphore(%arg7 : memref<!tpu.dma_semaphore, #tpu.memory_space<semaphore_mem>>)
      %slice3A_303 = vector.extract_strided_slice %get3A_118 {offsets = [11], sizes = [1], strides = [1]} : vector<16xi32> to vector<1xi32>
      %squeeze3A_304 = vector.extract %slice3A_303[0] : i32 from vector<1xi32>
      %mul3A_305 = arith.constant 16 : i32
      %mul3A_306 = arith.muli %scan3A_112, %mul3A_305 : i32
      %add3A_307 = arith.constant 11 : i32
      %add3A_308 = arith.addi %mul3A_306, %add3A_307 : i32
      %dma_start3A_309 = arith.constant 0 : i32
      %dma_start3A_310 = arith.constant 0 : i32
      %dma_start3A_311 = tpu.memref_slice %arg6[%dma_start3A_309, %add3A_308, %dma_start3A_310] : memref<2x128x32xf32, #tpu.memory_space<vmem>> -> memref<1x1x32xf32, #tpu.memory_space<vmem>>
      %dma_start3A_312 = tpu.memref_squeeze %dma_start3A_311 : memref<1x1x32xf32, #tpu.memory_space<vmem>> -> memref<1x32xf32, #tpu.memory_space<vmem>>
      %dma_start3A_313 = arith.constant 0 : i32
      %dma_start3A_314 = tpu.memref_slice %arg3[%squeeze3A_304, %dma_start3A_313] : memref<1000000x32xf32, #tpu.memory_space<hbm>> -> memref<1x32xf32, #tpu.memory_space<hbm>>
      %dma_start3A_315 = arith.constant 0 : i32
      %dma_start3A_316 = tpu.memref_slice %arg6[%dma_start3A_309, %add3A_308, %dma_start3A_315] : memref<2x128x32xf32, #tpu.memory_space<vmem>> -> memref<1x1x32xf32, #tpu.memory_space<vmem>>
      %dma_start3A_317 = tpu.memref_squeeze %dma_start3A_316 : memref<1x1x32xf32, #tpu.memory_space<vmem>> -> memref<1x32xf32, #tpu.memory_space<vmem>>
      %dma_start3A_318 = arith.constant 0 : i32
      %dma_start3A_319 = tpu.memref_slice %arg3[%squeeze3A_304, %dma_start3A_318] : memref<1000000x32xf32, #tpu.memory_space<hbm>> -> memref<1x32xf32, #tpu.memory_space<hbm>>
      tpu.enqueue_dma source(%dma_start3A_319 : memref<1x32xf32, #tpu.memory_space<hbm>>) target(%dma_start3A_317 : memref<1x32xf32, #tpu.memory_space<vmem>>) target_semaphore(%arg7 : memref<!tpu.dma_semaphore, #tpu.memory_space<semaphore_mem>>)
      %slice3A_320 = vector.extract_strided_slice %get3A_118 {offsets = [12], sizes = [1], strides = [1]} : vector<16xi32> to vector<1xi32>
      %squeeze3A_321 = vector.extract %slice3A_320[0] : i32 from vector<1xi32>
      %mul3A_322 = arith.constant 16 : i32
      %mul3A_323 = arith.muli %scan3A_112, %mul3A_322 : i32
      %add3A_324 = arith.constant 12 : i32
      %add3A_325 = arith.addi %mul3A_323, %add3A_324 : i32
      %dma_start3A_326 = arith.constant 0 : i32
      %dma_start3A_327 = arith.constant 0 : i32
      %dma_start3A_328 = tpu.memref_slice %arg6[%dma_start3A_326, %add3A_325, %dma_start3A_327] : memref<2x128x32xf32, #tpu.memory_space<vmem>> -> memref<1x1x32xf32, #tpu.memory_space<vmem>>
      %dma_start3A_329 = tpu.memref_squeeze %dma_start3A_328 : memref<1x1x32xf32, #tpu.memory_space<vmem>> -> memref<1x32xf32, #tpu.memory_space<vmem>>
      %dma_start3A_330 = arith.constant 0 : i32
      %dma_start3A_331 = tpu.memref_slice %arg3[%squeeze3A_321, %dma_start3A_330] : memref<1000000x32xf32, #tpu.memory_space<hbm>> -> memref<1x32xf32, #tpu.memory_space<hbm>>
      %dma_start3A_332 = arith.constant 0 : i32
      %dma_start3A_333 = tpu.memref_slice %arg6[%dma_start3A_326, %add3A_325, %dma_start3A_332] : memref<2x128x32xf32, #tpu.memory_space<vmem>> -> memref<1x1x32xf32, #tpu.memory_space<vmem>>
      %dma_start3A_334 = tpu.memref_squeeze %dma_start3A_333 : memref<1x1x32xf32, #tpu.memory_space<vmem>> -> memref<1x32xf32, #tpu.memory_space<vmem>>
      %dma_start3A_335 = arith.constant 0 : i32
      %dma_start3A_336 = tpu.memref_slice %arg3[%squeeze3A_321, %dma_start3A_335] : memref<1000000x32xf32, #tpu.memory_space<hbm>> -> memref<1x32xf32, #tpu.memory_space<hbm>>
      tpu.enqueue_dma source(%dma_start3A_336 : memref<1x32xf32, #tpu.memory_space<hbm>>) target(%dma_start3A_334 : memref<1x32xf32, #tpu.memory_space<vmem>>) target_semaphore(%arg7 : memref<!tpu.dma_semaphore, #tpu.memory_space<semaphore_mem>>)
      %slice3A_337 = vector.extract_strided_slice %get3A_118 {offsets = [13], sizes = [1], strides = [1]} : vector<16xi32> to vector<1xi32>
      %squeeze3A_338 = vector.extract %slice3A_337[0] : i32 from vector<1xi32>
      %mul3A_339 = arith.constant 16 : i32
      %mul3A_340 = arith.muli %scan3A_112, %mul3A_339 : i32
      %add3A_341 = arith.constant 13 : i32
      %add3A_342 = arith.addi %mul3A_340, %add3A_341 : i32
      %dma_start3A_343 = arith.constant 0 : i32
      %dma_start3A_344 = arith.constant 0 : i32
      %dma_start3A_345 = tpu.memref_slice %arg6[%dma_start3A_343, %add3A_342, %dma_start3A_344] : memref<2x128x32xf32, #tpu.memory_space<vmem>> -> memref<1x1x32xf32, #tpu.memory_space<vmem>>
      %dma_start3A_346 = tpu.memref_squeeze %dma_start3A_345 : memref<1x1x32xf32, #tpu.memory_space<vmem>> -> memref<1x32xf32, #tpu.memory_space<vmem>>
      %dma_start3A_347 = arith.constant 0 : i32
      %dma_start3A_348 = tpu.memref_slice %arg3[%squeeze3A_338, %dma_start3A_347] : memref<1000000x32xf32, #tpu.memory_space<hbm>> -> memref<1x32xf32, #tpu.memory_space<hbm>>
      %dma_start3A_349 = arith.constant 0 : i32
      %dma_start3A_350 = tpu.memref_slice %arg6[%dma_start3A_343, %add3A_342, %dma_start3A_349] : memref<2x128x32xf32, #tpu.memory_space<vmem>> -> memref<1x1x32xf32, #tpu.memory_space<vmem>>
      %dma_start3A_351 = tpu.memref_squeeze %dma_start3A_350 : memref<1x1x32xf32, #tpu.memory_space<vmem>> -> memref<1x32xf32, #tpu.memory_space<vmem>>
      %dma_start3A_352 = arith.constant 0 : i32
      %dma_start3A_353 = tpu.memref_slice %arg3[%squeeze3A_338, %dma_start3A_352] : memref<1000000x32xf32, #tpu.memory_space<hbm>> -> memref<1x32xf32, #tpu.memory_space<hbm>>
      tpu.enqueue_dma source(%dma_start3A_353 : memref<1x32xf32, #tpu.memory_space<hbm>>) target(%dma_start3A_351 : memref<1x32xf32, #tpu.memory_space<vmem>>) target_semaphore(%arg7 : memref<!tpu.dma_semaphore, #tpu.memory_space<semaphore_mem>>)
      %slice3A_354 = vector.extract_strided_slice %get3A_118 {offsets = [14], sizes = [1], strides = [1]} : vector<16xi32> to vector<1xi32>
      %squeeze3A_355 = vector.extract %slice3A_354[0] : i32 from vector<1xi32>
      %mul3A_356 = arith.constant 16 : i32
      %mul3A_357 = arith.muli %scan3A_112, %mul3A_356 : i32
      %add3A_358 = arith.constant 14 : i32
      %add3A_359 = arith.addi %mul3A_357, %add3A_358 : i32
      %dma_start3A_360 = arith.constant 0 : i32
      %dma_start3A_361 = arith.constant 0 : i32
      %dma_start3A_362 = tpu.memref_slice %arg6[%dma_start3A_360, %add3A_359, %dma_start3A_361] : memref<2x128x32xf32, #tpu.memory_space<vmem>> -> memref<1x1x32xf32, #tpu.memory_space<vmem>>
      %dma_start3A_363 = tpu.memref_squeeze %dma_start3A_362 : memref<1x1x32xf32, #tpu.memory_space<vmem>> -> memref<1x32xf32, #tpu.memory_space<vmem>>
      %dma_start3A_364 = arith.constant 0 : i32
      %dma_start3A_365 = tpu.memref_slice %arg3[%squeeze3A_355, %dma_start3A_364] : memref<1000000x32xf32, #tpu.memory_space<hbm>> -> memref<1x32xf32, #tpu.memory_space<hbm>>
      %dma_start3A_366 = arith.constant 0 : i32
      %dma_start3A_367 = tpu.memref_slice %arg6[%dma_start3A_360, %add3A_359, %dma_start3A_366] : memref<2x128x32xf32, #tpu.memory_space<vmem>> -> memref<1x1x32xf32, #tpu.memory_space<vmem>>
      %dma_start3A_368 = tpu.memref_squeeze %dma_start3A_367 : memref<1x1x32xf32, #tpu.memory_space<vmem>> -> memref<1x32xf32, #tpu.memory_space<vmem>>
      %dma_start3A_369 = arith.constant 0 : i32
      %dma_start3A_370 = tpu.memref_slice %arg3[%squeeze3A_355, %dma_start3A_369] : memref<1000000x32xf32, #tpu.memory_space<hbm>> -> memref<1x32xf32, #tpu.memory_space<hbm>>
      tpu.enqueue_dma source(%dma_start3A_370 : memref<1x32xf32, #tpu.memory_space<hbm>>) target(%dma_start3A_368 : memref<1x32xf32, #tpu.memory_space<vmem>>) target_semaphore(%arg7 : memref<!tpu.dma_semaphore, #tpu.memory_space<semaphore_mem>>)
      %slice3A_371 = vector.extract_strided_slice %get3A_118 {offsets = [15], sizes = [1], strides = [1]} : vector<16xi32> to vector<1xi32>
      %squeeze3A_372 = vector.extract %slice3A_371[0] : i32 from vector<1xi32>
      %mul3A_373 = arith.constant 16 : i32
      %mul3A_374 = arith.muli %scan3A_112, %mul3A_373 : i32
      %add3A_375 = arith.constant 15 : i32
      %add3A_376 = arith.addi %mul3A_374, %add3A_375 : i32
      %dma_start3A_377 = arith.constant 0 : i32
      %dma_start3A_378 = arith.constant 0 : i32
      %dma_start3A_379 = tpu.memref_slice %arg6[%dma_start3A_377, %add3A_376, %dma_start3A_378] : memref<2x128x32xf32, #tpu.memory_space<vmem>> -> memref<1x1x32xf32, #tpu.memory_space<vmem>>
      %dma_start3A_380 = tpu.memref_squeeze %dma_start3A_379 : memref<1x1x32xf32, #tpu.memory_space<vmem>> -> memref<1x32xf32, #tpu.memory_space<vmem>>
      %dma_start3A_381 = arith.constant 0 : i32
      %dma_start3A_382 = tpu.memref_slice %arg3[%squeeze3A_372, %dma_start3A_381] : memref<1000000x32xf32, #tpu.memory_space<hbm>> -> memref<1x32xf32, #tpu.memory_space<hbm>>
      %dma_start3A_383 = arith.constant 0 : i32
      %dma_start3A_384 = tpu.memref_slice %arg6[%dma_start3A_377, %add3A_376, %dma_start3A_383] : memref<2x128x32xf32, #tpu.memory_space<vmem>> -> memref<1x1x32xf32, #tpu.memory_space<vmem>>
      %dma_start3A_385 = tpu.memref_squeeze %dma_start3A_384 : memref<1x1x32xf32, #tpu.memory_space<vmem>> -> memref<1x32xf32, #tpu.memory_space<vmem>>
      %dma_start3A_386 = arith.constant 0 : i32
      %dma_start3A_387 = tpu.memref_slice %arg3[%squeeze3A_372, %dma_start3A_386] : memref<1000000x32xf32, #tpu.memory_space<hbm>> -> memref<1x32xf32, #tpu.memory_space<hbm>>
      tpu.enqueue_dma source(%dma_start3A_387 : memref<1x32xf32, #tpu.memory_space<hbm>>) target(%dma_start3A_385 : memref<1x32xf32, #tpu.memory_space<vmem>>) target_semaphore(%arg7 : memref<!tpu.dma_semaphore, #tpu.memory_space<semaphore_mem>>)
    }
    %scan3A_39 = arith.constant 8 : i32
    %mul3A_40 = arith.constant 4 : i32
    %mul3A_41 = arith.muli %add3A, %mul3A_40 : i32
    %add3A_42 = arith.constant 1 : i32
    %add3A_43 = arith.addi %mul3A_41, %add3A_42 : i32
    %dma_wait3A_44 = arith.constant 1 : i32
    %dma_wait3A_45 = arith.constant 0 : i32
    %dma_wait3A_46 = arith.constant 0 : i32
    %dma_wait3A_47 = tpu.memref_slice %arg6[%dma_wait3A_44, %dma_wait3A_45, %dma_wait3A_46] : memref<2x128x32xf32, #tpu.memory_space<vmem>> -> memref<1x128x32xf32, #tpu.memory_space<vmem>>
    %dma_wait3A_48 = tpu.memref_squeeze %dma_wait3A_47 : memref<1x128x32xf32, #tpu.memory_space<vmem>> -> memref<128x32xf32, #tpu.memory_space<vmem>>
    %dma_wait3A_49 = arith.constant 0 : i32
    %dma_wait3A_50 = arith.constant 0 : i32
    %dma_wait3A_51 = tpu.memref_slice %arg4[%add3A_43, %dma_wait3A_49, %dma_wait3A_50] : memref<128x128x32xf32, #tpu.memory_space<hbm>> -> memref<1x128x32xf32, #tpu.memory_space<hbm>>
    %dma_wait3A_52 = tpu.memref_squeeze %dma_wait3A_51 : memref<1x128x32xf32, #tpu.memory_space<hbm>> -> memref<128x32xf32, #tpu.memory_space<hbm>>
    %dma_wait3A_53 = arith.constant 0 : i32
    %dma_wait3A_54 = arith.constant 0 : i32
    %dma_wait3A_55 = tpu.memref_slice %arg6[%dma_wait3A_44, %dma_wait3A_53, %dma_wait3A_54] : memref<2x128x32xf32, #tpu.memory_space<vmem>> -> memref<1x128x32xf32, #tpu.memory_space<vmem>>
    %dma_wait3A_56 = tpu.memref_squeeze %dma_wait3A_55 : memref<1x128x32xf32, #tpu.memory_space<vmem>> -> memref<128x32xf32, #tpu.memory_space<vmem>>
    %dma_wait3A_57 = arith.constant 0 : i32
    %dma_wait3A_58 = arith.constant 0 : i32
    %dma_wait3A_59 = tpu.memref_slice %arg4[%add3A_43, %dma_wait3A_57, %dma_wait3A_58] : memref<128x128x32xf32, #tpu.memory_space<hbm>> -> memref<1x128x32xf32, #tpu.memory_space<hbm>>
    %dma_wait3A_60 = tpu.memref_squeeze %dma_wait3A_59 : memref<1x128x32xf32, #tpu.memory_space<hbm>> -> memref<128x32xf32, #tpu.memory_space<hbm>>
    tpu.wait_dma2 semaphore(%arg8 : memref<!tpu.dma_semaphore, #tpu.memory_space<semaphore_mem>>) src(%dma_wait3A_60 : memref<128x32xf32, #tpu.memory_space<hbm>>) dst(%dma_wait3A_56 : memref<128x32xf32, #tpu.memory_space<vmem>>)
    %run_scoped3A_61 = arith.constant 1 : i32
    "tpu.region"() ({
      %run_scoped3A_112 = tpu.sem_alloc : memref<!tpu.dma_semaphore, #tpu.memory_space<semaphore_mem>>
      %dma_start3A = arith.constant 0 : i32
      %dma_start3A_113 = arith.constant 0 : i32
      %dma_start3A_114 = tpu.memref_slice %arg6[%run_scoped3A_61, %dma_start3A, %dma_start3A_113] : memref<2x128x32xf32, #tpu.memory_space<vmem>> -> memref<1x128x32xf32, #tpu.memory_space<vmem>>
      %dma_start3A_115 = tpu.memref_squeeze %dma_start3A_114 : memref<1x128x32xf32, #tpu.memory_space<vmem>> -> memref<128x32xf32, #tpu.memory_space<vmem>>
      %dma_start3A_116 = arith.constant 0 : i32
      %dma_start3A_117 = arith.constant 0 : i32
      %dma_start3A_118 = tpu.memref_slice %arg4[%add3A_43, %dma_start3A_116, %dma_start3A_117] : memref<128x128x32xf32, #tpu.memory_space<hbm>> -> memref<1x128x32xf32, #tpu.memory_space<hbm>>
      %dma_start3A_119 = tpu.memref_squeeze %dma_start3A_118 : memref<1x128x32xf32, #tpu.memory_space<hbm>> -> memref<128x32xf32, #tpu.memory_space<hbm>>
      %dma_start3A_120 = arith.constant 0 : i32
      %dma_start3A_121 = arith.constant 0 : i32
      %dma_start3A_122 = tpu.memref_slice %arg4[%add3A_43, %dma_start3A_120, %dma_start3A_121] : memref<128x128x32xf32, #tpu.memory_space<hbm>> -> memref<1x128x32xf32, #tpu.memory_space<hbm>>
      %dma_start3A_123 = tpu.memref_squeeze %dma_start3A_122 : memref<1x128x32xf32, #tpu.memory_space<hbm>> -> memref<128x32xf32, #tpu.memory_space<hbm>>
      %dma_start3A_124 = arith.constant 0 : i32
      %dma_start3A_125 = arith.constant 0 : i32
      %dma_start3A_126 = tpu.memref_slice %arg6[%run_scoped3A_61, %dma_start3A_124, %dma_start3A_125] : memref<2x128x32xf32, #tpu.memory_space<vmem>> -> memref<1x128x32xf32, #tpu.memory_space<vmem>>
      %dma_start3A_127 = tpu.memref_squeeze %dma_start3A_126 : memref<1x128x32xf32, #tpu.memory_space<vmem>> -> memref<128x32xf32, #tpu.memory_space<vmem>>
      tpu.enqueue_dma source(%dma_start3A_127 : memref<128x32xf32, #tpu.memory_space<vmem>>) target(%dma_start3A_123 : memref<128x32xf32, #tpu.memory_space<hbm>>) target_semaphore(%run_scoped3A_112 : memref<!tpu.dma_semaphore, #tpu.memory_space<semaphore_mem>>)
      %dma_wait3A_128 = arith.constant 0 : i32
      %dma_wait3A_129 = arith.constant 0 : i32
      %dma_wait3A_130 = tpu.memref_slice %arg6[%run_scoped3A_61, %dma_wait3A_128, %dma_wait3A_129] : memref<2x128x32xf32, #tpu.memory_space<vmem>> -> memref<1x128x32xf32, #tpu.memory_space<vmem>>
      %dma_wait3A_131 = tpu.memref_squeeze %dma_wait3A_130 : memref<1x128x32xf32, #tpu.memory_space<vmem>> -> memref<128x32xf32, #tpu.memory_space<vmem>>
      %dma_wait3A_132 = arith.constant 0 : i32
      %dma_wait3A_133 = arith.constant 0 : i32
      %dma_wait3A_134 = tpu.memref_slice %arg4[%add3A_43, %dma_wait3A_132, %dma_wait3A_133] : memref<128x128x32xf32, #tpu.memory_space<hbm>> -> memref<1x128x32xf32, #tpu.memory_space<hbm>>
      %dma_wait3A_135 = tpu.memref_squeeze %dma_wait3A_134 : memref<1x128x32xf32, #tpu.memory_space<hbm>> -> memref<128x32xf32, #tpu.memory_space<hbm>>
      %dma_wait3A_136 = arith.constant 0 : i32
      %dma_wait3A_137 = arith.constant 0 : i32
      %dma_wait3A_138 = tpu.memref_slice %arg4[%add3A_43, %dma_wait3A_136, %dma_wait3A_137] : memref<128x128x32xf32, #tpu.memory_space<hbm>> -> memref<1x128x32xf32, #tpu.memory_space<hbm>>
      %dma_wait3A_139 = tpu.memref_squeeze %dma_wait3A_138 : memref<1x128x32xf32, #tpu.memory_space<hbm>> -> memref<128x32xf32, #tpu.memory_space<hbm>>
      %dma_wait3A_140 = arith.constant 0 : i32
      %dma_wait3A_141 = arith.constant 0 : i32
      %dma_wait3A_142 = tpu.memref_slice %arg6[%run_scoped3A_61, %dma_wait3A_140, %dma_wait3A_141] : memref<2x128x32xf32, #tpu.memory_space<vmem>> -> memref<1x128x32xf32, #tpu.memory_space<vmem>>
      %dma_wait3A_143 = tpu.memref_squeeze %dma_wait3A_142 : memref<1x128x32xf32, #tpu.memory_space<vmem>> -> memref<128x32xf32, #tpu.memory_space<vmem>>
      tpu.wait_dma2 semaphore(%run_scoped3A_112 : memref<!tpu.dma_semaphore, #tpu.memory_space<semaphore_mem>>) src(%dma_wait3A_143 : memref<128x32xf32, #tpu.memory_space<vmem>>) dst(%dma_wait3A_139 : memref<128x32xf32, #tpu.memory_space<hbm>>)
      tpu.yield
    }) : () -> ()
    %scan3A_62 = arith.constant 0 : i32
    %scan3A_63 = arith.constant 0 : i32
    %scan3A_64 = arith.constant 8 : i32
    %scan3A_65 = arith.addi %scan3A_63, %scan3A_64 : i32
    %scan3A_66 = arith.constant 1 : i32
    scf.for %scan3A_112 = %scan3A_63 to %scan3A_65 step %scan3A_66  : i32 {
      %mul3A_113 = arith.constant 16 : i32
      %mul3A_114 = arith.muli %scan3A_112, %mul3A_113 : i32
      %add3A_115 = arith.constant 384 : i32
      %add3A_116 = arith.addi %add3A_115, %mul3A_114 : i32
      %multiple_of3A = tpu.assume_multiple %add3A_116, 16 : i32
      %get3A = arith.index_cast %multiple_of3A : i32 to index
      %get3A_117 = tpu.vector_load %arg5[%get3A] {strides = array<i32>} : memref<512xi32, #tpu.memory_space<vmem>>, vector<16xi32>,
      %get3A_118 = vector.shape_cast %get3A_117 : vector<16xi32> to vector<16xi32>
      %slice3A = vector.extract_strided_slice %get3A_118 {offsets = [0], sizes = [1], strides = [1]} : vector<16xi32> to vector<1xi32>
      %squeeze3A = vector.extract %slice3A[0] : i32 from vector<1xi32>
      %mul3A_119 = arith.constant 16 : i32
      %mul3A_120 = arith.muli %scan3A_112, %mul3A_119 : i32
      %add3A_121 = arith.constant 0 : i32
      %add3A_122 = arith.addi %mul3A_120, %add3A_121 : i32
      %dma_start3A = arith.constant 1 : i32
      %dma_start3A_123 = arith.constant 0 : i32
      %dma_start3A_124 = tpu.memref_slice %arg6[%dma_start3A, %add3A_122, %dma_start3A_123] : memref<2x128x32xf32, #tpu.memory_space<vmem>> -> memref<1x1x32xf32, #tpu.memory_space<vmem>>
      %dma_start3A_125 = tpu.memref_squeeze %dma_start3A_124 : memref<1x1x32xf32, #tpu.memory_space<vmem>> -> memref<1x32xf32, #tpu.memory_space<vmem>>
      %dma_start3A_126 = arith.constant 0 : i32
      %dma_start3A_127 = tpu.memref_slice %arg3[%squeeze3A, %dma_start3A_126] : memref<1000000x32xf32, #tpu.memory_space<hbm>> -> memref<1x32xf32, #tpu.memory_space<hbm>>
      %dma_start3A_128 = arith.constant 0 : i32
      %dma_start3A_129 = tpu.memref_slice %arg6[%dma_start3A, %add3A_122, %dma_start3A_128] : memref<2x128x32xf32, #tpu.memory_space<vmem>> -> memref<1x1x32xf32, #tpu.memory_space<vmem>>
      %dma_start3A_130 = tpu.memref_squeeze %dma_start3A_129 : memref<1x1x32xf32, #tpu.memory_space<vmem>> -> memref<1x32xf32, #tpu.memory_space<vmem>>
      %dma_start3A_131 = arith.constant 0 : i32
      %dma_start3A_132 = tpu.memref_slice %arg3[%squeeze3A, %dma_start3A_131] : memref<1000000x32xf32, #tpu.memory_space<hbm>> -> memref<1x32xf32, #tpu.memory_space<hbm>>
      tpu.enqueue_dma source(%dma_start3A_132 : memref<1x32xf32, #tpu.memory_space<hbm>>) target(%dma_start3A_130 : memref<1x32xf32, #tpu.memory_space<vmem>>) target_semaphore(%arg8 : memref<!tpu.dma_semaphore, #tpu.memory_space<semaphore_mem>>)
      %slice3A_133 = vector.extract_strided_slice %get3A_118 {offsets = [1], sizes = [1], strides = [1]} : vector<16xi32> to vector<1xi32>
      %squeeze3A_134 = vector.extract %slice3A_133[0] : i32 from vector<1xi32>
      %mul3A_135 = arith.constant 16 : i32
      %mul3A_136 = arith.muli %scan3A_112, %mul3A_135 : i32
      %add3A_137 = arith.constant 1 : i32
      %add3A_138 = arith.addi %mul3A_136, %add3A_137 : i32
      %dma_start3A_139 = arith.constant 1 : i32
      %dma_start3A_140 = arith.constant 0 : i32
      %dma_start3A_141 = tpu.memref_slice %arg6[%dma_start3A_139, %add3A_138, %dma_start3A_140] : memref<2x128x32xf32, #tpu.memory_space<vmem>> -> memref<1x1x32xf32, #tpu.memory_space<vmem>>
      %dma_start3A_142 = tpu.memref_squeeze %dma_start3A_141 : memref<1x1x32xf32, #tpu.memory_space<vmem>> -> memref<1x32xf32, #tpu.memory_space<vmem>>
      %dma_start3A_143 = arith.constant 0 : i32
      %dma_start3A_144 = tpu.memref_slice %arg3[%squeeze3A_134, %dma_start3A_143] : memref<1000000x32xf32, #tpu.memory_space<hbm>> -> memref<1x32xf32, #tpu.memory_space<hbm>>
      %dma_start3A_145 = arith.constant 0 : i32
      %dma_start3A_146 = tpu.memref_slice %arg6[%dma_start3A_139, %add3A_138, %dma_start3A_145] : memref<2x128x32xf32, #tpu.memory_space<vmem>> -> memref<1x1x32xf32, #tpu.memory_space<vmem>>
      %dma_start3A_147 = tpu.memref_squeeze %dma_start3A_146 : memref<1x1x32xf32, #tpu.memory_space<vmem>> -> memref<1x32xf32, #tpu.memory_space<vmem>>
      %dma_start3A_148 = arith.constant 0 : i32
      %dma_start3A_149 = tpu.memref_slice %arg3[%squeeze3A_134, %dma_start3A_148] : memref<1000000x32xf32, #tpu.memory_space<hbm>> -> memref<1x32xf32, #tpu.memory_space<hbm>>
      tpu.enqueue_dma source(%dma_start3A_149 : memref<1x32xf32, #tpu.memory_space<hbm>>) target(%dma_start3A_147 : memref<1x32xf32, #tpu.memory_space<vmem>>) target_semaphore(%arg8 : memref<!tpu.dma_semaphore, #tpu.memory_space<semaphore_mem>>)
      %slice3A_150 = vector.extract_strided_slice %get3A_118 {offsets = [2], sizes = [1], strides = [1]} : vector<16xi32> to vector<1xi32>
      %squeeze3A_151 = vector.extract %slice3A_150[0] : i32 from vector<1xi32>
      %mul3A_152 = arith.constant 16 : i32
      %mul3A_153 = arith.muli %scan3A_112, %mul3A_152 : i32
      %add3A_154 = arith.constant 2 : i32
      %add3A_155 = arith.addi %mul3A_153, %add3A_154 : i32
      %dma_start3A_156 = arith.constant 1 : i32
      %dma_start3A_157 = arith.constant 0 : i32
      %dma_start3A_158 = tpu.memref_slice %arg6[%dma_start3A_156, %add3A_155, %dma_start3A_157] : memref<2x128x32xf32, #tpu.memory_space<vmem>> -> memref<1x1x32xf32, #tpu.memory_space<vmem>>
      %dma_start3A_159 = tpu.memref_squeeze %dma_start3A_158 : memref<1x1x32xf32, #tpu.memory_space<vmem>> -> memref<1x32xf32, #tpu.memory_space<vmem>>
      %dma_start3A_160 = arith.constant 0 : i32
      %dma_start3A_161 = tpu.memref_slice %arg3[%squeeze3A_151, %dma_start3A_160] : memref<1000000x32xf32, #tpu.memory_space<hbm>> -> memref<1x32xf32, #tpu.memory_space<hbm>>
      %dma_start3A_162 = arith.constant 0 : i32
      %dma_start3A_163 = tpu.memref_slice %arg6[%dma_start3A_156, %add3A_155, %dma_start3A_162] : memref<2x128x32xf32, #tpu.memory_space<vmem>> -> memref<1x1x32xf32, #tpu.memory_space<vmem>>
      %dma_start3A_164 = tpu.memref_squeeze %dma_start3A_163 : memref<1x1x32xf32, #tpu.memory_space<vmem>> -> memref<1x32xf32, #tpu.memory_space<vmem>>
      %dma_start3A_165 = arith.constant 0 : i32
      %dma_start3A_166 = tpu.memref_slice %arg3[%squeeze3A_151, %dma_start3A_165] : memref<1000000x32xf32, #tpu.memory_space<hbm>> -> memref<1x32xf32, #tpu.memory_space<hbm>>
      tpu.enqueue_dma source(%dma_start3A_166 : memref<1x32xf32, #tpu.memory_space<hbm>>) target(%dma_start3A_164 : memref<1x32xf32, #tpu.memory_space<vmem>>) target_semaphore(%arg8 : memref<!tpu.dma_semaphore, #tpu.memory_space<semaphore_mem>>)
      %slice3A_167 = vector.extract_strided_slice %get3A_118 {offsets = [3], sizes = [1], strides = [1]} : vector<16xi32> to vector<1xi32>
      %squeeze3A_168 = vector.extract %slice3A_167[0] : i32 from vector<1xi32>
      %mul3A_169 = arith.constant 16 : i32
      %mul3A_170 = arith.muli %scan3A_112, %mul3A_169 : i32
      %add3A_171 = arith.constant 3 : i32
      %add3A_172 = arith.addi %mul3A_170, %add3A_171 : i32
      %dma_start3A_173 = arith.constant 1 : i32
      %dma_start3A_174 = arith.constant 0 : i32
      %dma_start3A_175 = tpu.memref_slice %arg6[%dma_start3A_173, %add3A_172, %dma_start3A_174] : memref<2x128x32xf32, #tpu.memory_space<vmem>> -> memref<1x1x32xf32, #tpu.memory_space<vmem>>
      %dma_start3A_176 = tpu.memref_squeeze %dma_start3A_175 : memref<1x1x32xf32, #tpu.memory_space<vmem>> -> memref<1x32xf32, #tpu.memory_space<vmem>>
      %dma_start3A_177 = arith.constant 0 : i32
      %dma_start3A_178 = tpu.memref_slice %arg3[%squeeze3A_168, %dma_start3A_177] : memref<1000000x32xf32, #tpu.memory_space<hbm>> -> memref<1x32xf32, #tpu.memory_space<hbm>>
      %dma_start3A_179 = arith.constant 0 : i32
      %dma_start3A_180 = tpu.memref_slice %arg6[%dma_start3A_173, %add3A_172, %dma_start3A_179] : memref<2x128x32xf32, #tpu.memory_space<vmem>> -> memref<1x1x32xf32, #tpu.memory_space<vmem>>
      %dma_start3A_181 = tpu.memref_squeeze %dma_start3A_180 : memref<1x1x32xf32, #tpu.memory_space<vmem>> -> memref<1x32xf32, #tpu.memory_space<vmem>>
      %dma_start3A_182 = arith.constant 0 : i32
      %dma_start3A_183 = tpu.memref_slice %arg3[%squeeze3A_168, %dma_start3A_182] : memref<1000000x32xf32, #tpu.memory_space<hbm>> -> memref<1x32xf32, #tpu.memory_space<hbm>>
      tpu.enqueue_dma source(%dma_start3A_183 : memref<1x32xf32, #tpu.memory_space<hbm>>) target(%dma_start3A_181 : memref<1x32xf32, #tpu.memory_space<vmem>>) target_semaphore(%arg8 : memref<!tpu.dma_semaphore, #tpu.memory_space<semaphore_mem>>)
      %slice3A_184 = vector.extract_strided_slice %get3A_118 {offsets = [4], sizes = [1], strides = [1]} : vector<16xi32> to vector<1xi32>
      %squeeze3A_185 = vector.extract %slice3A_184[0] : i32 from vector<1xi32>
      %mul3A_186 = arith.constant 16 : i32
      %mul3A_187 = arith.muli %scan3A_112, %mul3A_186 : i32
      %add3A_188 = arith.constant 4 : i32
      %add3A_189 = arith.addi %mul3A_187, %add3A_188 : i32
      %dma_start3A_190 = arith.constant 1 : i32
      %dma_start3A_191 = arith.constant 0 : i32
      %dma_start3A_192 = tpu.memref_slice %arg6[%dma_start3A_190, %add3A_189, %dma_start3A_191] : memref<2x128x32xf32, #tpu.memory_space<vmem>> -> memref<1x1x32xf32, #tpu.memory_space<vmem>>
      %dma_start3A_193 = tpu.memref_squeeze %dma_start3A_192 : memref<1x1x32xf32, #tpu.memory_space<vmem>> -> memref<1x32xf32, #tpu.memory_space<vmem>>
      %dma_start3A_194 = arith.constant 0 : i32
      %dma_start3A_195 = tpu.memref_slice %arg3[%squeeze3A_185, %dma_start3A_194] : memref<1000000x32xf32, #tpu.memory_space<hbm>> -> memref<1x32xf32, #tpu.memory_space<hbm>>
      %dma_start3A_196 = arith.constant 0 : i32
      %dma_start3A_197 = tpu.memref_slice %arg6[%dma_start3A_190, %add3A_189, %dma_start3A_196] : memref<2x128x32xf32, #tpu.memory_space<vmem>> -> memref<1x1x32xf32, #tpu.memory_space<vmem>>
      %dma_start3A_198 = tpu.memref_squeeze %dma_start3A_197 : memref<1x1x32xf32, #tpu.memory_space<vmem>> -> memref<1x32xf32, #tpu.memory_space<vmem>>
      %dma_start3A_199 = arith.constant 0 : i32
      %dma_start3A_200 = tpu.memref_slice %arg3[%squeeze3A_185, %dma_start3A_199] : memref<1000000x32xf32, #tpu.memory_space<hbm>> -> memref<1x32xf32, #tpu.memory_space<hbm>>
      tpu.enqueue_dma source(%dma_start3A_200 : memref<1x32xf32, #tpu.memory_space<hbm>>) target(%dma_start3A_198 : memref<1x32xf32, #tpu.memory_space<vmem>>) target_semaphore(%arg8 : memref<!tpu.dma_semaphore, #tpu.memory_space<semaphore_mem>>)
      %slice3A_201 = vector.extract_strided_slice %get3A_118 {offsets = [5], sizes = [1], strides = [1]} : vector<16xi32> to vector<1xi32>
      %squeeze3A_202 = vector.extract %slice3A_201[0] : i32 from vector<1xi32>
      %mul3A_203 = arith.constant 16 : i32
      %mul3A_204 = arith.muli %scan3A_112, %mul3A_203 : i32
      %add3A_205 = arith.constant 5 : i32
      %add3A_206 = arith.addi %mul3A_204, %add3A_205 : i32
      %dma_start3A_207 = arith.constant 1 : i32
      %dma_start3A_208 = arith.constant 0 : i32
      %dma_start3A_209 = tpu.memref_slice %arg6[%dma_start3A_207, %add3A_206, %dma_start3A_208] : memref<2x128x32xf32, #tpu.memory_space<vmem>> -> memref<1x1x32xf32, #tpu.memory_space<vmem>>
      %dma_start3A_210 = tpu.memref_squeeze %dma_start3A_209 : memref<1x1x32xf32, #tpu.memory_space<vmem>> -> memref<1x32xf32, #tpu.memory_space<vmem>>
      %dma_start3A_211 = arith.constant 0 : i32
      %dma_start3A_212 = tpu.memref_slice %arg3[%squeeze3A_202, %dma_start3A_211] : memref<1000000x32xf32, #tpu.memory_space<hbm>> -> memref<1x32xf32, #tpu.memory_space<hbm>>
      %dma_start3A_213 = arith.constant 0 : i32
      %dma_start3A_214 = tpu.memref_slice %arg6[%dma_start3A_207, %add3A_206, %dma_start3A_213] : memref<2x128x32xf32, #tpu.memory_space<vmem>> -> memref<1x1x32xf32, #tpu.memory_space<vmem>>
      %dma_start3A_215 = tpu.memref_squeeze %dma_start3A_214 : memref<1x1x32xf32, #tpu.memory_space<vmem>> -> memref<1x32xf32, #tpu.memory_space<vmem>>
      %dma_start3A_216 = arith.constant 0 : i32
      %dma_start3A_217 = tpu.memref_slice %arg3[%squeeze3A_202, %dma_start3A_216] : memref<1000000x32xf32, #tpu.memory_space<hbm>> -> memref<1x32xf32, #tpu.memory_space<hbm>>
      tpu.enqueue_dma source(%dma_start3A_217 : memref<1x32xf32, #tpu.memory_space<hbm>>) target(%dma_start3A_215 : memref<1x32xf32, #tpu.memory_space<vmem>>) target_semaphore(%arg8 : memref<!tpu.dma_semaphore, #tpu.memory_space<semaphore_mem>>)
      %slice3A_218 = vector.extract_strided_slice %get3A_118 {offsets = [6], sizes = [1], strides = [1]} : vector<16xi32> to vector<1xi32>
      %squeeze3A_219 = vector.extract %slice3A_218[0] : i32 from vector<1xi32>
      %mul3A_220 = arith.constant 16 : i32
      %mul3A_221 = arith.muli %scan3A_112, %mul3A_220 : i32
      %add3A_222 = arith.constant 6 : i32
      %add3A_223 = arith.addi %mul3A_221, %add3A_222 : i32
      %dma_start3A_224 = arith.constant 1 : i32
      %dma_start3A_225 = arith.constant 0 : i32
      %dma_start3A_226 = tpu.memref_slice %arg6[%dma_start3A_224, %add3A_223, %dma_start3A_225] : memref<2x128x32xf32, #tpu.memory_space<vmem>> -> memref<1x1x32xf32, #tpu.memory_space<vmem>>
      %dma_start3A_227 = tpu.memref_squeeze %dma_start3A_226 : memref<1x1x32xf32, #tpu.memory_space<vmem>> -> memref<1x32xf32, #tpu.memory_space<vmem>>
      %dma_start3A_228 = arith.constant 0 : i32
      %dma_start3A_229 = tpu.memref_slice %arg3[%squeeze3A_219, %dma_start3A_228] : memref<1000000x32xf32, #tpu.memory_space<hbm>> -> memref<1x32xf32, #tpu.memory_space<hbm>>
      %dma_start3A_230 = arith.constant 0 : i32
      %dma_start3A_231 = tpu.memref_slice %arg6[%dma_start3A_224, %add3A_223, %dma_start3A_230] : memref<2x128x32xf32, #tpu.memory_space<vmem>> -> memref<1x1x32xf32, #tpu.memory_space<vmem>>
      %dma_start3A_232 = tpu.memref_squeeze %dma_start3A_231 : memref<1x1x32xf32, #tpu.memory_space<vmem>> -> memref<1x32xf32, #tpu.memory_space<vmem>>
      %dma_start3A_233 = arith.constant 0 : i32
      %dma_start3A_234 = tpu.memref_slice %arg3[%squeeze3A_219, %dma_start3A_233] : memref<1000000x32xf32, #tpu.memory_space<hbm>> -> memref<1x32xf32, #tpu.memory_space<hbm>>
      tpu.enqueue_dma source(%dma_start3A_234 : memref<1x32xf32, #tpu.memory_space<hbm>>) target(%dma_start3A_232 : memref<1x32xf32, #tpu.memory_space<vmem>>) target_semaphore(%arg8 : memref<!tpu.dma_semaphore, #tpu.memory_space<semaphore_mem>>)
      %slice3A_235 = vector.extract_strided_slice %get3A_118 {offsets = [7], sizes = [1], strides = [1]} : vector<16xi32> to vector<1xi32>
      %squeeze3A_236 = vector.extract %slice3A_235[0] : i32 from vector<1xi32>
      %mul3A_237 = arith.constant 16 : i32
      %mul3A_238 = arith.muli %scan3A_112, %mul3A_237 : i32
      %add3A_239 = arith.constant 7 : i32
      %add3A_240 = arith.addi %mul3A_238, %add3A_239 : i32
      %dma_start3A_241 = arith.constant 1 : i32
      %dma_start3A_242 = arith.constant 0 : i32
      %dma_start3A_243 = tpu.memref_slice %arg6[%dma_start3A_241, %add3A_240, %dma_start3A_242] : memref<2x128x32xf32, #tpu.memory_space<vmem>> -> memref<1x1x32xf32, #tpu.memory_space<vmem>>
      %dma_start3A_244 = tpu.memref_squeeze %dma_start3A_243 : memref<1x1x32xf32, #tpu.memory_space<vmem>> -> memref<1x32xf32, #tpu.memory_space<vmem>>
      %dma_start3A_245 = arith.constant 0 : i32
      %dma_start3A_246 = tpu.memref_slice %arg3[%squeeze3A_236, %dma_start3A_245] : memref<1000000x32xf32, #tpu.memory_space<hbm>> -> memref<1x32xf32, #tpu.memory_space<hbm>>
      %dma_start3A_247 = arith.constant 0 : i32
      %dma_start3A_248 = tpu.memref_slice %arg6[%dma_start3A_241, %add3A_240, %dma_start3A_247] : memref<2x128x32xf32, #tpu.memory_space<vmem>> -> memref<1x1x32xf32, #tpu.memory_space<vmem>>
      %dma_start3A_249 = tpu.memref_squeeze %dma_start3A_248 : memref<1x1x32xf32, #tpu.memory_space<vmem>> -> memref<1x32xf32, #tpu.memory_space<vmem>>
      %dma_start3A_250 = arith.constant 0 : i32
      %dma_start3A_251 = tpu.memref_slice %arg3[%squeeze3A_236, %dma_start3A_250] : memref<1000000x32xf32, #tpu.memory_space<hbm>> -> memref<1x32xf32, #tpu.memory_space<hbm>>
      tpu.enqueue_dma source(%dma_start3A_251 : memref<1x32xf32, #tpu.memory_space<hbm>>) target(%dma_start3A_249 : memref<1x32xf32, #tpu.memory_space<vmem>>) target_semaphore(%arg8 : memref<!tpu.dma_semaphore, #tpu.memory_space<semaphore_mem>>)
      %slice3A_252 = vector.extract_strided_slice %get3A_118 {offsets = [8], sizes = [1], strides = [1]} : vector<16xi32> to vector<1xi32>
      %squeeze3A_253 = vector.extract %slice3A_252[0] : i32 from vector<1xi32>
      %mul3A_254 = arith.constant 16 : i32
      %mul3A_255 = arith.muli %scan3A_112, %mul3A_254 : i32
      %add3A_256 = arith.constant 8 : i32
      %add3A_257 = arith.addi %mul3A_255, %add3A_256 : i32
      %dma_start3A_258 = arith.constant 1 : i32
      %dma_start3A_259 = arith.constant 0 : i32
      %dma_start3A_260 = tpu.memref_slice %arg6[%dma_start3A_258, %add3A_257, %dma_start3A_259] : memref<2x128x32xf32, #tpu.memory_space<vmem>> -> memref<1x1x32xf32, #tpu.memory_space<vmem>>
      %dma_start3A_261 = tpu.memref_squeeze %dma_start3A_260 : memref<1x1x32xf32, #tpu.memory_space<vmem>> -> memref<1x32xf32, #tpu.memory_space<vmem>>
      %dma_start3A_262 = arith.constant 0 : i32
      %dma_start3A_263 = tpu.memref_slice %arg3[%squeeze3A_253, %dma_start3A_262] : memref<1000000x32xf32, #tpu.memory_space<hbm>> -> memref<1x32xf32, #tpu.memory_space<hbm>>
      %dma_start3A_264 = arith.constant 0 : i32
      %dma_start3A_265 = tpu.memref_slice %arg6[%dma_start3A_258, %add3A_257, %dma_start3A_264] : memref<2x128x32xf32, #tpu.memory_space<vmem>> -> memref<1x1x32xf32, #tpu.memory_space<vmem>>
      %dma_start3A_266 = tpu.memref_squeeze %dma_start3A_265 : memref<1x1x32xf32, #tpu.memory_space<vmem>> -> memref<1x32xf32, #tpu.memory_space<vmem>>
      %dma_start3A_267 = arith.constant 0 : i32
      %dma_start3A_268 = tpu.memref_slice %arg3[%squeeze3A_253, %dma_start3A_267] : memref<1000000x32xf32, #tpu.memory_space<hbm>> -> memref<1x32xf32, #tpu.memory_space<hbm>>
      tpu.enqueue_dma source(%dma_start3A_268 : memref<1x32xf32, #tpu.memory_space<hbm>>) target(%dma_start3A_266 : memref<1x32xf32, #tpu.memory_space<vmem>>) target_semaphore(%arg8 : memref<!tpu.dma_semaphore, #tpu.memory_space<semaphore_mem>>)
      %slice3A_269 = vector.extract_strided_slice %get3A_118 {offsets = [9], sizes = [1], strides = [1]} : vector<16xi32> to vector<1xi32>
      %squeeze3A_270 = vector.extract %slice3A_269[0] : i32 from vector<1xi32>
      %mul3A_271 = arith.constant 16 : i32
      %mul3A_272 = arith.muli %scan3A_112, %mul3A_271 : i32
      %add3A_273 = arith.constant 9 : i32
      %add3A_274 = arith.addi %mul3A_272, %add3A_273 : i32
      %dma_start3A_275 = arith.constant 1 : i32
      %dma_start3A_276 = arith.constant 0 : i32
      %dma_start3A_277 = tpu.memref_slice %arg6[%dma_start3A_275, %add3A_274, %dma_start3A_276] : memref<2x128x32xf32, #tpu.memory_space<vmem>> -> memref<1x1x32xf32, #tpu.memory_space<vmem>>
      %dma_start3A_278 = tpu.memref_squeeze %dma_start3A_277 : memref<1x1x32xf32, #tpu.memory_space<vmem>> -> memref<1x32xf32, #tpu.memory_space<vmem>>
      %dma_start3A_279 = arith.constant 0 : i32
      %dma_start3A_280 = tpu.memref_slice %arg3[%squeeze3A_270, %dma_start3A_279] : memref<1000000x32xf32, #tpu.memory_space<hbm>> -> memref<1x32xf32, #tpu.memory_space<hbm>>
      %dma_start3A_281 = arith.constant 0 : i32
      %dma_start3A_282 = tpu.memref_slice %arg6[%dma_start3A_275, %add3A_274, %dma_start3A_281] : memref<2x128x32xf32, #tpu.memory_space<vmem>> -> memref<1x1x32xf32, #tpu.memory_space<vmem>>
      %dma_start3A_283 = tpu.memref_squeeze %dma_start3A_282 : memref<1x1x32xf32, #tpu.memory_space<vmem>> -> memref<1x32xf32, #tpu.memory_space<vmem>>
      %dma_start3A_284 = arith.constant 0 : i32
      %dma_start3A_285 = tpu.memref_slice %arg3[%squeeze3A_270, %dma_start3A_284] : memref<1000000x32xf32, #tpu.memory_space<hbm>> -> memref<1x32xf32, #tpu.memory_space<hbm>>
      tpu.enqueue_dma source(%dma_start3A_285 : memref<1x32xf32, #tpu.memory_space<hbm>>) target(%dma_start3A_283 : memref<1x32xf32, #tpu.memory_space<vmem>>) target_semaphore(%arg8 : memref<!tpu.dma_semaphore, #tpu.memory_space<semaphore_mem>>)
      %slice3A_286 = vector.extract_strided_slice %get3A_118 {offsets = [10], sizes = [1], strides = [1]} : vector<16xi32> to vector<1xi32>
      %squeeze3A_287 = vector.extract %slice3A_286[0] : i32 from vector<1xi32>
      %mul3A_288 = arith.constant 16 : i32
      %mul3A_289 = arith.muli %scan3A_112, %mul3A_288 : i32
      %add3A_290 = arith.constant 10 : i32
      %add3A_291 = arith.addi %mul3A_289, %add3A_290 : i32
      %dma_start3A_292 = arith.constant 1 : i32
      %dma_start3A_293 = arith.constant 0 : i32
      %dma_start3A_294 = tpu.memref_slice %arg6[%dma_start3A_292, %add3A_291, %dma_start3A_293] : memref<2x128x32xf32, #tpu.memory_space<vmem>> -> memref<1x1x32xf32, #tpu.memory_space<vmem>>
      %dma_start3A_295 = tpu.memref_squeeze %dma_start3A_294 : memref<1x1x32xf32, #tpu.memory_space<vmem>> -> memref<1x32xf32, #tpu.memory_space<vmem>>
      %dma_start3A_296 = arith.constant 0 : i32
      %dma_start3A_297 = tpu.memref_slice %arg3[%squeeze3A_287, %dma_start3A_296] : memref<1000000x32xf32, #tpu.memory_space<hbm>> -> memref<1x32xf32, #tpu.memory_space<hbm>>
      %dma_start3A_298 = arith.constant 0 : i32
      %dma_start3A_299 = tpu.memref_slice %arg6[%dma_start3A_292, %add3A_291, %dma_start3A_298] : memref<2x128x32xf32, #tpu.memory_space<vmem>> -> memref<1x1x32xf32, #tpu.memory_space<vmem>>
      %dma_start3A_300 = tpu.memref_squeeze %dma_start3A_299 : memref<1x1x32xf32, #tpu.memory_space<vmem>> -> memref<1x32xf32, #tpu.memory_space<vmem>>
      %dma_start3A_301 = arith.constant 0 : i32
      %dma_start3A_302 = tpu.memref_slice %arg3[%squeeze3A_287, %dma_start3A_301] : memref<1000000x32xf32, #tpu.memory_space<hbm>> -> memref<1x32xf32, #tpu.memory_space<hbm>>
      tpu.enqueue_dma source(%dma_start3A_302 : memref<1x32xf32, #tpu.memory_space<hbm>>) target(%dma_start3A_300 : memref<1x32xf32, #tpu.memory_space<vmem>>) target_semaphore(%arg8 : memref<!tpu.dma_semaphore, #tpu.memory_space<semaphore_mem>>)
      %slice3A_303 = vector.extract_strided_slice %get3A_118 {offsets = [11], sizes = [1], strides = [1]} : vector<16xi32> to vector<1xi32>
      %squeeze3A_304 = vector.extract %slice3A_303[0] : i32 from vector<1xi32>
      %mul3A_305 = arith.constant 16 : i32
      %mul3A_306 = arith.muli %scan3A_112, %mul3A_305 : i32
      %add3A_307 = arith.constant 11 : i32
      %add3A_308 = arith.addi %mul3A_306, %add3A_307 : i32
      %dma_start3A_309 = arith.constant 1 : i32
      %dma_start3A_310 = arith.constant 0 : i32
      %dma_start3A_311 = tpu.memref_slice %arg6[%dma_start3A_309, %add3A_308, %dma_start3A_310] : memref<2x128x32xf32, #tpu.memory_space<vmem>> -> memref<1x1x32xf32, #tpu.memory_space<vmem>>
      %dma_start3A_312 = tpu.memref_squeeze %dma_start3A_311 : memref<1x1x32xf32, #tpu.memory_space<vmem>> -> memref<1x32xf32, #tpu.memory_space<vmem>>
      %dma_start3A_313 = arith.constant 0 : i32
      %dma_start3A_314 = tpu.memref_slice %arg3[%squeeze3A_304, %dma_start3A_313] : memref<1000000x32xf32, #tpu.memory_space<hbm>> -> memref<1x32xf32, #tpu.memory_space<hbm>>
      %dma_start3A_315 = arith.constant 0 : i32
      %dma_start3A_316 = tpu.memref_slice %arg6[%dma_start3A_309, %add3A_308, %dma_start3A_315] : memref<2x128x32xf32, #tpu.memory_space<vmem>> -> memref<1x1x32xf32, #tpu.memory_space<vmem>>
      %dma_start3A_317 = tpu.memref_squeeze %dma_start3A_316 : memref<1x1x32xf32, #tpu.memory_space<vmem>> -> memref<1x32xf32, #tpu.memory_space<vmem>>
      %dma_start3A_318 = arith.constant 0 : i32
      %dma_start3A_319 = tpu.memref_slice %arg3[%squeeze3A_304, %dma_start3A_318] : memref<1000000x32xf32, #tpu.memory_space<hbm>> -> memref<1x32xf32, #tpu.memory_space<hbm>>
      tpu.enqueue_dma source(%dma_start3A_319 : memref<1x32xf32, #tpu.memory_space<hbm>>) target(%dma_start3A_317 : memref<1x32xf32, #tpu.memory_space<vmem>>) target_semaphore(%arg8 : memref<!tpu.dma_semaphore, #tpu.memory_space<semaphore_mem>>)
      %slice3A_320 = vector.extract_strided_slice %get3A_118 {offsets = [12], sizes = [1], strides = [1]} : vector<16xi32> to vector<1xi32>
      %squeeze3A_321 = vector.extract %slice3A_320[0] : i32 from vector<1xi32>
      %mul3A_322 = arith.constant 16 : i32
      %mul3A_323 = arith.muli %scan3A_112, %mul3A_322 : i32
      %add3A_324 = arith.constant 12 : i32
      %add3A_325 = arith.addi %mul3A_323, %add3A_324 : i32
      %dma_start3A_326 = arith.constant 1 : i32
      %dma_start3A_327 = arith.constant 0 : i32
      %dma_start3A_328 = tpu.memref_slice %arg6[%dma_start3A_326, %add3A_325, %dma_start3A_327] : memref<2x128x32xf32, #tpu.memory_space<vmem>> -> memref<1x1x32xf32, #tpu.memory_space<vmem>>
      %dma_start3A_329 = tpu.memref_squeeze %dma_start3A_328 : memref<1x1x32xf32, #tpu.memory_space<vmem>> -> memref<1x32xf32, #tpu.memory_space<vmem>>
      %dma_start3A_330 = arith.constant 0 : i32
      %dma_start3A_331 = tpu.memref_slice %arg3[%squeeze3A_321, %dma_start3A_330] : memref<1000000x32xf32, #tpu.memory_space<hbm>> -> memref<1x32xf32, #tpu.memory_space<hbm>>
      %dma_start3A_332 = arith.constant 0 : i32
      %dma_start3A_333 = tpu.memref_slice %arg6[%dma_start3A_326, %add3A_325, %dma_start3A_332] : memref<2x128x32xf32, #tpu.memory_space<vmem>> -> memref<1x1x32xf32, #tpu.memory_space<vmem>>
      %dma_start3A_334 = tpu.memref_squeeze %dma_start3A_333 : memref<1x1x32xf32, #tpu.memory_space<vmem>> -> memref<1x32xf32, #tpu.memory_space<vmem>>
      %dma_start3A_335 = arith.constant 0 : i32
      %dma_start3A_336 = tpu.memref_slice %arg3[%squeeze3A_321, %dma_start3A_335] : memref<1000000x32xf32, #tpu.memory_space<hbm>> -> memref<1x32xf32, #tpu.memory_space<hbm>>
      tpu.enqueue_dma source(%dma_start3A_336 : memref<1x32xf32, #tpu.memory_space<hbm>>) target(%dma_start3A_334 : memref<1x32xf32, #tpu.memory_space<vmem>>) target_semaphore(%arg8 : memref<!tpu.dma_semaphore, #tpu.memory_space<semaphore_mem>>)
      %slice3A_337 = vector.extract_strided_slice %get3A_118 {offsets = [13], sizes = [1], strides = [1]} : vector<16xi32> to vector<1xi32>
      %squeeze3A_338 = vector.extract %slice3A_337[0] : i32 from vector<1xi32>
      %mul3A_339 = arith.constant 16 : i32
      %mul3A_340 = arith.muli %scan3A_112, %mul3A_339 : i32
      %add3A_341 = arith.constant 13 : i32
      %add3A_342 = arith.addi %mul3A_340, %add3A_341 : i32
      %dma_start3A_343 = arith.constant 1 : i32
      %dma_start3A_344 = arith.constant 0 : i32
      %dma_start3A_345 = tpu.memref_slice %arg6[%dma_start3A_343, %add3A_342, %dma_start3A_344] : memref<2x128x32xf32, #tpu.memory_space<vmem>> -> memref<1x1x32xf32, #tpu.memory_space<vmem>>
      %dma_start3A_346 = tpu.memref_squeeze %dma_start3A_345 : memref<1x1x32xf32, #tpu.memory_space<vmem>> -> memref<1x32xf32, #tpu.memory_space<vmem>>
      %dma_start3A_347 = arith.constant 0 : i32
      %dma_start3A_348 = tpu.memref_slice %arg3[%squeeze3A_338, %dma_start3A_347] : memref<1000000x32xf32, #tpu.memory_space<hbm>> -> memref<1x32xf32, #tpu.memory_space<hbm>>
      %dma_start3A_349 = arith.constant 0 : i32
      %dma_start3A_350 = tpu.memref_slice %arg6[%dma_start3A_343, %add3A_342, %dma_start3A_349] : memref<2x128x32xf32, #tpu.memory_space<vmem>> -> memref<1x1x32xf32, #tpu.memory_space<vmem>>
      %dma_start3A_351 = tpu.memref_squeeze %dma_start3A_350 : memref<1x1x32xf32, #tpu.memory_space<vmem>> -> memref<1x32xf32, #tpu.memory_space<vmem>>
      %dma_start3A_352 = arith.constant 0 : i32
      %dma_start3A_353 = tpu.memref_slice %arg3[%squeeze3A_338, %dma_start3A_352] : memref<1000000x32xf32, #tpu.memory_space<hbm>> -> memref<1x32xf32, #tpu.memory_space<hbm>>
      tpu.enqueue_dma source(%dma_start3A_353 : memref<1x32xf32, #tpu.memory_space<hbm>>) target(%dma_start3A_351 : memref<1x32xf32, #tpu.memory_space<vmem>>) target_semaphore(%arg8 : memref<!tpu.dma_semaphore, #tpu.memory_space<semaphore_mem>>)
      %slice3A_354 = vector.extract_strided_slice %get3A_118 {offsets = [14], sizes = [1], strides = [1]} : vector<16xi32> to vector<1xi32>
      %squeeze3A_355 = vector.extract %slice3A_354[0] : i32 from vector<1xi32>
      %mul3A_356 = arith.constant 16 : i32
      %mul3A_357 = arith.muli %scan3A_112, %mul3A_356 : i32
      %add3A_358 = arith.constant 14 : i32
      %add3A_359 = arith.addi %mul3A_357, %add3A_358 : i32
      %dma_start3A_360 = arith.constant 1 : i32
      %dma_start3A_361 = arith.constant 0 : i32
      %dma_start3A_362 = tpu.memref_slice %arg6[%dma_start3A_360, %add3A_359, %dma_start3A_361] : memref<2x128x32xf32, #tpu.memory_space<vmem>> -> memref<1x1x32xf32, #tpu.memory_space<vmem>>
      %dma_start3A_363 = tpu.memref_squeeze %dma_start3A_362 : memref<1x1x32xf32, #tpu.memory_space<vmem>> -> memref<1x32xf32, #tpu.memory_space<vmem>>
      %dma_start3A_364 = arith.constant 0 : i32
      %dma_start3A_365 = tpu.memref_slice %arg3[%squeeze3A_355, %dma_start3A_364] : memref<1000000x32xf32, #tpu.memory_space<hbm>> -> memref<1x32xf32, #tpu.memory_space<hbm>>
      %dma_start3A_366 = arith.constant 0 : i32
      %dma_start3A_367 = tpu.memref_slice %arg6[%dma_start3A_360, %add3A_359, %dma_start3A_366] : memref<2x128x32xf32, #tpu.memory_space<vmem>> -> memref<1x1x32xf32, #tpu.memory_space<vmem>>
      %dma_start3A_368 = tpu.memref_squeeze %dma_start3A_367 : memref<1x1x32xf32, #tpu.memory_space<vmem>> -> memref<1x32xf32, #tpu.memory_space<vmem>>
      %dma_start3A_369 = arith.constant 0 : i32
      %dma_start3A_370 = tpu.memref_slice %arg3[%squeeze3A_355, %dma_start3A_369] : memref<1000000x32xf32, #tpu.memory_space<hbm>> -> memref<1x32xf32, #tpu.memory_space<hbm>>
      tpu.enqueue_dma source(%dma_start3A_370 : memref<1x32xf32, #tpu.memory_space<hbm>>) target(%dma_start3A_368 : memref<1x32xf32, #tpu.memory_space<vmem>>) target_semaphore(%arg8 : memref<!tpu.dma_semaphore, #tpu.memory_space<semaphore_mem>>)
      %slice3A_371 = vector.extract_strided_slice %get3A_118 {offsets = [15], sizes = [1], strides = [1]} : vector<16xi32> to vector<1xi32>
      %squeeze3A_372 = vector.extract %slice3A_371[0] : i32 from vector<1xi32>
      %mul3A_373 = arith.constant 16 : i32
      %mul3A_374 = arith.muli %scan3A_112, %mul3A_373 : i32
      %add3A_375 = arith.constant 15 : i32
      %add3A_376 = arith.addi %mul3A_374, %add3A_375 : i32
      %dma_start3A_377 = arith.constant 1 : i32
      %dma_start3A_378 = arith.constant 0 : i32
      %dma_start3A_379 = tpu.memref_slice %arg6[%dma_start3A_377, %add3A_376, %dma_start3A_378] : memref<2x128x32xf32, #tpu.memory_space<vmem>> -> memref<1x1x32xf32, #tpu.memory_space<vmem>>
      %dma_start3A_380 = tpu.memref_squeeze %dma_start3A_379 : memref<1x1x32xf32, #tpu.memory_space<vmem>> -> memref<1x32xf32, #tpu.memory_space<vmem>>
      %dma_start3A_381 = arith.constant 0 : i32
      %dma_start3A_382 = tpu.memref_slice %arg3[%squeeze3A_372, %dma_start3A_381] : memref<1000000x32xf32, #tpu.memory_space<hbm>> -> memref<1x32xf32, #tpu.memory_space<hbm>>
      %dma_start3A_383 = arith.constant 0 : i32
      %dma_start3A_384 = tpu.memref_slice %arg6[%dma_start3A_377, %add3A_376, %dma_start3A_383] : memref<2x128x32xf32, #tpu.memory_space<vmem>> -> memref<1x1x32xf32, #tpu.memory_space<vmem>>
      %dma_start3A_385 = tpu.memref_squeeze %dma_start3A_384 : memref<1x1x32xf32, #tpu.memory_space<vmem>> -> memref<1x32xf32, #tpu.memory_space<vmem>>
      %dma_start3A_386 = arith.constant 0 : i32
      %dma_start3A_387 = tpu.memref_slice %arg3[%squeeze3A_372, %dma_start3A_386] : memref<1000000x32xf32, #tpu.memory_space<hbm>> -> memref<1x32xf32, #tpu.memory_space<hbm>>
      tpu.enqueue_dma source(%dma_start3A_387 : memref<1x32xf32, #tpu.memory_space<hbm>>) target(%dma_start3A_385 : memref<1x32xf32, #tpu.memory_space<vmem>>) target_semaphore(%arg8 : memref<!tpu.dma_semaphore, #tpu.memory_space<semaphore_mem>>)
    }
    %scan3A_67 = arith.constant 8 : i32
    %mul3A_68 = arith.constant 4 : i32
    %mul3A_69 = arith.muli %add3A, %mul3A_68 : i32
    %add3A_70 = arith.constant 2 : i32
    %add3A_71 = arith.addi %mul3A_69, %add3A_70 : i32
    %dma_wait3A_72 = arith.constant 0 : i32
    %dma_wait3A_73 = arith.constant 0 : i32
    %dma_wait3A_74 = arith.constant 0 : i32
    %dma_wait3A_75 = tpu.memref_slice %arg6[%dma_wait3A_72, %dma_wait3A_73, %dma_wait3A_74] : memref<2x128x32xf32, #tpu.memory_space<vmem>> -> memref<1x128x32xf32, #tpu.memory_space<vmem>>
    %dma_wait3A_76 = tpu.memref_squeeze %dma_wait3A_75 : memref<1x128x32xf32, #tpu.memory_space<vmem>> -> memref<128x32xf32, #tpu.memory_space<vmem>>
    %dma_wait3A_77 = arith.constant 0 : i32
    %dma_wait3A_78 = arith.constant 0 : i32
    %dma_wait3A_79 = tpu.memref_slice %arg4[%add3A_71, %dma_wait3A_77, %dma_wait3A_78] : memref<128x128x32xf32, #tpu.memory_space<hbm>> -> memref<1x128x32xf32, #tpu.memory_space<hbm>>
    %dma_wait3A_80 = tpu.memref_squeeze %dma_wait3A_79 : memref<1x128x32xf32, #tpu.memory_space<hbm>> -> memref<128x32xf32, #tpu.memory_space<hbm>>
    %dma_wait3A_81 = arith.constant 0 : i32
    %dma_wait3A_82 = arith.constant 0 : i32
    %dma_wait3A_83 = tpu.memref_slice %arg6[%dma_wait3A_72, %dma_wait3A_81, %dma_wait3A_82] : memref<2x128x32xf32, #tpu.memory_space<vmem>> -> memref<1x128x32xf32, #tpu.memory_space<vmem>>
    %dma_wait3A_84 = tpu.memref_squeeze %dma_wait3A_83 : memref<1x128x32xf32, #tpu.memory_space<vmem>> -> memref<128x32xf32, #tpu.memory_space<vmem>>
    %dma_wait3A_85 = arith.constant 0 : i32
    %dma_wait3A_86 = arith.constant 0 : i32
    %dma_wait3A_87 = tpu.memref_slice %arg4[%add3A_71, %dma_wait3A_85, %dma_wait3A_86] : memref<128x128x32xf32, #tpu.memory_space<hbm>> -> memref<1x128x32xf32, #tpu.memory_space<hbm>>
    %dma_wait3A_88 = tpu.memref_squeeze %dma_wait3A_87 : memref<1x128x32xf32, #tpu.memory_space<hbm>> -> memref<128x32xf32, #tpu.memory_space<hbm>>
    tpu.wait_dma2 semaphore(%arg7 : memref<!tpu.dma_semaphore, #tpu.memory_space<semaphore_mem>>) src(%dma_wait3A_88 : memref<128x32xf32, #tpu.memory_space<hbm>>) dst(%dma_wait3A_84 : memref<128x32xf32, #tpu.memory_space<vmem>>)
    %run_scoped3A_89 = arith.constant 0 : i32
    "tpu.region"() ({
      %run_scoped3A_112 = tpu.sem_alloc : memref<!tpu.dma_semaphore, #tpu.memory_space<semaphore_mem>>
      %dma_start3A = arith.constant 0 : i32
      %dma_start3A_113 = arith.constant 0 : i32
      %dma_start3A_114 = tpu.memref_slice %arg6[%run_scoped3A_89, %dma_start3A, %dma_start3A_113] : memref<2x128x32xf32, #tpu.memory_space<vmem>> -> memref<1x128x32xf32, #tpu.memory_space<vmem>>
      %dma_start3A_115 = tpu.memref_squeeze %dma_start3A_114 : memref<1x128x32xf32, #tpu.memory_space<vmem>> -> memref<128x32xf32, #tpu.memory_space<vmem>>
      %dma_start3A_116 = arith.constant 0 : i32
      %dma_start3A_117 = arith.constant 0 : i32
      %dma_start3A_118 = tpu.memref_slice %arg4[%add3A_71, %dma_start3A_116, %dma_start3A_117] : memref<128x128x32xf32, #tpu.memory_space<hbm>> -> memref<1x128x32xf32, #tpu.memory_space<hbm>>
      %dma_start3A_119 = tpu.memref_squeeze %dma_start3A_118 : memref<1x128x32xf32, #tpu.memory_space<hbm>> -> memref<128x32xf32, #tpu.memory_space<hbm>>
      %dma_start3A_120 = arith.constant 0 : i32
      %dma_start3A_121 = arith.constant 0 : i32
      %dma_start3A_122 = tpu.memref_slice %arg4[%add3A_71, %dma_start3A_120, %dma_start3A_121] : memref<128x128x32xf32, #tpu.memory_space<hbm>> -> memref<1x128x32xf32, #tpu.memory_space<hbm>>
      %dma_start3A_123 = tpu.memref_squeeze %dma_start3A_122 : memref<1x128x32xf32, #tpu.memory_space<hbm>> -> memref<128x32xf32, #tpu.memory_space<hbm>>
      %dma_start3A_124 = arith.constant 0 : i32
      %dma_start3A_125 = arith.constant 0 : i32
      %dma_start3A_126 = tpu.memref_slice %arg6[%run_scoped3A_89, %dma_start3A_124, %dma_start3A_125] : memref<2x128x32xf32, #tpu.memory_space<vmem>> -> memref<1x128x32xf32, #tpu.memory_space<vmem>>
      %dma_start3A_127 = tpu.memref_squeeze %dma_start3A_126 : memref<1x128x32xf32, #tpu.memory_space<vmem>> -> memref<128x32xf32, #tpu.memory_space<vmem>>
      tpu.enqueue_dma source(%dma_start3A_127 : memref<128x32xf32, #tpu.memory_space<vmem>>) target(%dma_start3A_123 : memref<128x32xf32, #tpu.memory_space<hbm>>) target_semaphore(%run_scoped3A_112 : memref<!tpu.dma_semaphore, #tpu.memory_space<semaphore_mem>>)
      %dma_wait3A_128 = arith.constant 0 : i32
      %dma_wait3A_129 = arith.constant 0 : i32
      %dma_wait3A_130 = tpu.memref_slice %arg6[%run_scoped3A_89, %dma_wait3A_128, %dma_wait3A_129] : memref<2x128x32xf32, #tpu.memory_space<vmem>> -> memref<1x128x32xf32, #tpu.memory_space<vmem>>
      %dma_wait3A_131 = tpu.memref_squeeze %dma_wait3A_130 : memref<1x128x32xf32, #tpu.memory_space<vmem>> -> memref<128x32xf32, #tpu.memory_space<vmem>>
      %dma_wait3A_132 = arith.constant 0 : i32
      %dma_wait3A_133 = arith.constant 0 : i32
      %dma_wait3A_134 = tpu.memref_slice %arg4[%add3A_71, %dma_wait3A_132, %dma_wait3A_133] : memref<128x128x32xf32, #tpu.memory_space<hbm>> -> memref<1x128x32xf32, #tpu.memory_space<hbm>>
      %dma_wait3A_135 = tpu.memref_squeeze %dma_wait3A_134 : memref<1x128x32xf32, #tpu.memory_space<hbm>> -> memref<128x32xf32, #tpu.memory_space<hbm>>
      %dma_wait3A_136 = arith.constant 0 : i32
      %dma_wait3A_137 = arith.constant 0 : i32
      %dma_wait3A_138 = tpu.memref_slice %arg4[%add3A_71, %dma_wait3A_136, %dma_wait3A_137] : memref<128x128x32xf32, #tpu.memory_space<hbm>> -> memref<1x128x32xf32, #tpu.memory_space<hbm>>
      %dma_wait3A_139 = tpu.memref_squeeze %dma_wait3A_138 : memref<1x128x32xf32, #tpu.memory_space<hbm>> -> memref<128x32xf32, #tpu.memory_space<hbm>>
      %dma_wait3A_140 = arith.constant 0 : i32
      %dma_wait3A_141 = arith.constant 0 : i32
      %dma_wait3A_142 = tpu.memref_slice %arg6[%run_scoped3A_89, %dma_wait3A_140, %dma_wait3A_141] : memref<2x128x32xf32, #tpu.memory_space<vmem>> -> memref<1x128x32xf32, #tpu.memory_space<vmem>>
      %dma_wait3A_143 = tpu.memref_squeeze %dma_wait3A_142 : memref<1x128x32xf32, #tpu.memory_space<vmem>> -> memref<128x32xf32, #tpu.memory_space<vmem>>
      tpu.wait_dma2 semaphore(%run_scoped3A_112 : memref<!tpu.dma_semaphore, #tpu.memory_space<semaphore_mem>>) src(%dma_wait3A_143 : memref<128x32xf32, #tpu.memory_space<vmem>>) dst(%dma_wait3A_139 : memref<128x32xf32, #tpu.memory_space<hbm>>)
      tpu.yield
    }) : () -> ()
    %mul3A_90 = arith.constant 4 : i32
    %mul3A_91 = arith.muli %add3A, %mul3A_90 : i32
    %add3A_92 = arith.constant 3 : i32
    %add3A_93 = arith.addi %mul3A_91, %add3A_92 : i32
    %dma_wait3A_94 = arith.constant 1 : i32
    %dma_wait3A_95 = arith.constant 0 : i32
    %dma_wait3A_96 = arith.constant 0 : i32
    %dma_wait3A_97 = tpu.memref_slice %arg6[%dma_wait3A_94, %dma_wait3A_95, %dma_wait3A_96] : memref<2x128x32xf32, #tpu.memory_space<vmem>> -> memref<1x128x32xf32, #tpu.memory_space<vmem>>
    %dma_wait3A_98 = tpu.memref_squeeze %dma_wait3A_97 : memref<1x128x32xf32, #tpu.memory_space<vmem>> -> memref<128x32xf32, #tpu.memory_space<vmem>>
    %dma_wait3A_99 = arith.constant 0 : i32
    %dma_wait3A_100 = arith.constant 0 : i32
    %dma_wait3A_101 = tpu.memref_slice %arg4[%add3A_93, %dma_wait3A_99, %dma_wait3A_100] : memref<128x128x32xf32, #tpu.memory_space<hbm>> -> memref<1x128x32xf32, #tpu.memory_space<hbm>>
    %dma_wait3A_102 = tpu.memref_squeeze %dma_wait3A_101 : memref<1x128x32xf32, #tpu.memory_space<hbm>> -> memref<128x32xf32, #tpu.memory_space<hbm>>
    %dma_wait3A_103 = arith.constant 0 : i32
    %dma_wait3A_104 = arith.constant 0 : i32
    %dma_wait3A_105 = tpu.memref_slice %arg6[%dma_wait3A_94, %dma_wait3A_103, %dma_wait3A_104] : memref<2x128x32xf32, #tpu.memory_space<vmem>> -> memref<1x128x32xf32, #tpu.memory_space<vmem>>
    %dma_wait3A_106 = tpu.memref_squeeze %dma_wait3A_105 : memref<1x128x32xf32, #tpu.memory_space<vmem>> -> memref<128x32xf32, #tpu.memory_space<vmem>>
    %dma_wait3A_107 = arith.constant 0 : i32
    %dma_wait3A_108 = arith.constant 0 : i32
    %dma_wait3A_109 = tpu.memref_slice %arg4[%add3A_93, %dma_wait3A_107, %dma_wait3A_108] : memref<128x128x32xf32, #tpu.memory_space<hbm>> -> memref<1x128x32xf32, #tpu.memory_space<hbm>>
    %dma_wait3A_110 = tpu.memref_squeeze %dma_wait3A_109 : memref<1x128x32xf32, #tpu.memory_space<hbm>> -> memref<128x32xf32, #tpu.memory_space<hbm>>
    tpu.wait_dma2 semaphore(%arg8 : memref<!tpu.dma_semaphore, #tpu.memory_space<semaphore_mem>>) src(%dma_wait3A_110 : memref<128x32xf32, #tpu.memory_space<hbm>>) dst(%dma_wait3A_106 : memref<128x32xf32, #tpu.memory_space<vmem>>)
    %run_scoped3A_111 = arith.constant 1 : i32
    "tpu.region"() ({
      %run_scoped3A_112 = tpu.sem_alloc : memref<!tpu.dma_semaphore, #tpu.memory_space<semaphore_mem>>
      %dma_start3A = arith.constant 0 : i32
      %dma_start3A_113 = arith.constant 0 : i32
      %dma_start3A_114 = tpu.memref_slice %arg6[%run_scoped3A_111, %dma_start3A, %dma_start3A_113] : memref<2x128x32xf32, #tpu.memory_space<vmem>> -> memref<1x128x32xf32, #tpu.memory_space<vmem>>
      %dma_start3A_115 = tpu.memref_squeeze %dma_start3A_114 : memref<1x128x32xf32, #tpu.memory_space<vmem>> -> memref<128x32xf32, #tpu.memory_space<vmem>>
      %dma_start3A_116 = arith.constant 0 : i32
      %dma_start3A_117 = arith.constant 0 : i32
      %dma_start3A_118 = tpu.memref_slice %arg4[%add3A_93, %dma_start3A_116, %dma_start3A_117] : memref<128x128x32xf32, #tpu.memory_space<hbm>> -> memref<1x128x32xf32, #tpu.memory_space<hbm>>
      %dma_start3A_119 = tpu.memref_squeeze %dma_start3A_118 : memref<1x128x32xf32, #tpu.memory_space<hbm>> -> memref<128x32xf32, #tpu.memory_space<hbm>>
      %dma_start3A_120 = arith.constant 0 : i32
      %dma_start3A_121 = arith.constant 0 : i32
      %dma_start3A_122 = tpu.memref_slice %arg4[%add3A_93, %dma_start3A_120, %dma_start3A_121] : memref<128x128x32xf32, #tpu.memory_space<hbm>> -> memref<1x128x32xf32, #tpu.memory_space<hbm>>
      %dma_start3A_123 = tpu.memref_squeeze %dma_start3A_122 : memref<1x128x32xf32, #tpu.memory_space<hbm>> -> memref<128x32xf32, #tpu.memory_space<hbm>>
      %dma_start3A_124 = arith.constant 0 : i32
      %dma_start3A_125 = arith.constant 0 : i32
      %dma_start3A_126 = tpu.memref_slice %arg6[%run_scoped3A_111, %dma_start3A_124, %dma_start3A_125] : memref<2x128x32xf32, #tpu.memory_space<vmem>> -> memref<1x128x32xf32, #tpu.memory_space<vmem>>
      %dma_start3A_127 = tpu.memref_squeeze %dma_start3A_126 : memref<1x128x32xf32, #tpu.memory_space<vmem>> -> memref<128x32xf32, #tpu.memory_space<vmem>>
      tpu.enqueue_dma source(%dma_start3A_127 : memref<128x32xf32, #tpu.memory_space<vmem>>) target(%dma_start3A_123 : memref<128x32xf32, #tpu.memory_space<hbm>>) target_semaphore(%run_scoped3A_112 : memref<!tpu.dma_semaphore, #tpu.memory_space<semaphore_mem>>)
      %dma_wait3A_128 = arith.constant 0 : i32
      %dma_wait3A_129 = arith.constant 0 : i32
      %dma_wait3A_130 = tpu.memref_slice %arg6[%run_scoped3A_111, %dma_wait3A_128, %dma_wait3A_129] : memref<2x128x32xf32, #tpu.memory_space<vmem>> -> memref<1x128x32xf32, #tpu.memory_space<vmem>>
      %dma_wait3A_131 = tpu.memref_squeeze %dma_wait3A_130 : memref<1x128x32xf32, #tpu.memory_space<vmem>> -> memref<128x32xf32, #tpu.memory_space<vmem>>
      %dma_wait3A_132 = arith.constant 0 : i32
      %dma_wait3A_133 = arith.constant 0 : i32
      %dma_wait3A_134 = tpu.memref_slice %arg4[%add3A_93, %dma_wait3A_132, %dma_wait3A_133] : memref<128x128x32xf32, #tpu.memory_space<hbm>> -> memref<1x128x32xf32, #tpu.memory_space<hbm>>
      %dma_wait3A_135 = tpu.memref_squeeze %dma_wait3A_134 : memref<1x128x32xf32, #tpu.memory_space<hbm>> -> memref<128x32xf32, #tpu.memory_space<hbm>>
      %dma_wait3A_136 = arith.constant 0 : i32
      %dma_wait3A_137 = arith.constant 0 : i32
      %dma_wait3A_138 = tpu.memref_slice %arg4[%add3A_93, %dma_wait3A_136, %dma_wait3A_137] : memref<128x128x32xf32, #tpu.memory_space<hbm>> -> memref<1x128x32xf32, #tpu.memory_space<hbm>>
      %dma_wait3A_139 = tpu.memref_squeeze %dma_wait3A_138 : memref<1x128x32xf32, #tpu.memory_space<hbm>> -> memref<128x32xf32, #tpu.memory_space<hbm>>
      %dma_wait3A_140 = arith.constant 0 : i32
      %dma_wait3A_141 = arith.constant 0 : i32
      %dma_wait3A_142 = tpu.memref_slice %arg6[%run_scoped3A_111, %dma_wait3A_140, %dma_wait3A_141] : memref<2x128x32xf32, #tpu.memory_space<vmem>> -> memref<1x128x32xf32, #tpu.memory_space<vmem>>
      %dma_wait3A_143 = tpu.memref_squeeze %dma_wait3A_142 : memref<1x128x32xf32, #tpu.memory_space<vmem>> -> memref<128x32xf32, #tpu.memory_space<vmem>>
      tpu.wait_dma2 semaphore(%run_scoped3A_112 : memref<!tpu.dma_semaphore, #tpu.memory_space<semaphore_mem>>) src(%dma_wait3A_143 : memref<128x32xf32, #tpu.memory_space<vmem>>) dst(%dma_wait3A_139 : memref<128x32xf32, #tpu.memory_space<hbm>>)
      tpu.yield
    }) : () -> ()
    return
  }
}

#map = affine_map<(d0, d1) -> (0)>
#map1 = affine_map<(d0, d1) -> (0, 0)>
#map2 = affine_map<(d0, d1) -> (0, 0, 0)>
module attributes {stable_mosaic.version = 14 : i64} {
  func.func @_gather_body(%arg0: i32, %arg1: i32, %arg2: memref<16384xi32, #tpu.memory_space<hbm>>, %arg3: memref<1000000x32xf32, #tpu.memory_space<hbm>>, %arg4: memref<128x128x32xf32, #tpu.memory_space<hbm>>, %arg5: memref<512xi32, #tpu.memory_space<vmem>>, %arg6: memref<2x128x32xf32, #tpu.memory_space<vmem>>, %arg7: memref<!tpu.dma_semaphore, #tpu.memory_space<semaphore_mem>>, %arg8: memref<!tpu.dma_semaphore, #tpu.memory_space<semaphore_mem>>) attributes {dimension_semantics = [#tpu.dimension_semantics<core_parallel>, #tpu.dimension_semantics<subcore_parallel>], iteration_bounds = array<i64: 2, 16>, scalar_prefetch = 0 : i64, scratch_operands = 4 : i64, tpu.core_type = #tpu.core_type<sc_vector_subcore>, window_params = [{transform_indices = #map}, {transform_indices = #map1}, {transform_indices = #map2}]} {
    %mul3A = arith.constant 2 : i32
    %mul3A_0 = arith.muli %arg1, %mul3A : i32
    %add3A = arith.addi %mul3A_0, %arg0 : i32
    %mul3A_1 = arith.constant 512 : i32
    %mul3A_2 = arith.muli %add3A, %mul3A_1 : i32
    "tpu.region"() ({
      %run_scoped3A_112 = tpu.sem_alloc : memref<!tpu.dma_semaphore, #tpu.memory_space<semaphore_mem>>
      %dma_start3A = tpu.memref_slice %arg2[%mul3A_2] : memref<16384xi32, #tpu.memory_space<hbm>> -> memref<512xi32, #tpu.memory_space<hbm>>
      %dma_start3A_113 = tpu.memref_slice %arg2[%mul3A_2] : memref<16384xi32, #tpu.memory_space<hbm>> -> memref<512xi32, #tpu.memory_space<hbm>>
      tpu.enqueue_dma source(%dma_start3A_113 : memref<512xi32, #tpu.memory_space<hbm>>) target(%arg5 : memref<512xi32, #tpu.memory_space<vmem>>) target_semaphore(%run_scoped3A_112 : memref<!tpu.dma_semaphore, #tpu.memory_space<semaphore_mem>>)
      %dma_wait3A_114 = tpu.memref_slice %arg2[%mul3A_2] : memref<16384xi32, #tpu.memory_space<hbm>> -> memref<512xi32, #tpu.memory_space<hbm>>
      %dma_wait3A_115 = tpu.memref_slice %arg2[%mul3A_2] : memref<16384xi32, #tpu.memory_space<hbm>> -> memref<512xi32, #tpu.memory_space<hbm>>
      tpu.wait_dma2 semaphore(%run_scoped3A_112 : memref<!tpu.dma_semaphore, #tpu.memory_space<semaphore_mem>>) src(%dma_wait3A_115 : memref<512xi32, #tpu.memory_space<hbm>>) dst(%arg5 : memref<512xi32, #tpu.memory_space<vmem>>)
      tpu.yield
    }) : () -> ()
    %scan3A = arith.constant 0 : i32
    %scan3A_3 = arith.constant 0 : i32
    %scan3A_4 = arith.constant 8 : i32
    %scan3A_5 = arith.addi %scan3A_3, %scan3A_4 : i32
    %scan3A_6 = arith.constant 1 : i32
    scf.for %scan3A_112 = %scan3A_3 to %scan3A_5 step %scan3A_6  : i32 {
      %mul3A_113 = arith.constant 16 : i32
      %mul3A_114 = arith.muli %scan3A_112, %mul3A_113 : i32
      %add3A_115 = arith.constant 0 : i32
      %add3A_116 = arith.addi %add3A_115, %mul3A_114 : i32
      %multiple_of3A = tpu.assume_multiple %add3A_116, 16 : i32
      %get3A = arith.index_cast %multiple_of3A : i32 to index
      %get3A_117 = tpu.vector_load %arg5[%get3A] {strides = array<i32>} : memref<512xi32, #tpu.memory_space<vmem>>, vector<16xi32>,
      %get3A_118 = vector.shape_cast %get3A_117 : vector<16xi32> to vector<16xi32>
      %slice3A = vector.extract_strided_slice %get3A_118 {offsets = [0], sizes = [1], strides = [1]} : vector<16xi32> to vector<1xi32>
      %squeeze3A = vector.extract %slice3A[0] : i32 from vector<1xi32>
      %mul3A_119 = arith.constant 16 : i32
      %mul3A_120 = arith.muli %scan3A_112, %mul3A_119 : i32
      %add3A_121 = arith.constant 0 : i32
      %add3A_122 = arith.addi %mul3A_120, %add3A_121 : i32
      %dma_start3A = arith.constant 0 : i32
      %dma_start3A_123 = arith.constant 0 : i32
      %dma_start3A_124 = tpu.memref_slice %arg6[%dma_start3A, %add3A_122, %dma_start3A_123] : memref<2x128x32xf32, #tpu.memory_space<vmem>> -> memref<1x1x32xf32, #tpu.memory_space<vmem>>
      %dma_start3A_125 = tpu.memref_squeeze %dma_start3A_124 : memref<1x1x32xf32, #tpu.memory_space<vmem>> -> memref<1x32xf32, #tpu.memory_space<vmem>>
      %dma_start3A_126 = arith.constant 0 : i32
      %dma_start3A_127 = tpu.memref_slice %arg3[%squeeze3A, %dma_start3A_126] : memref<1000000x32xf32, #tpu.memory_space<hbm>> -> memref<1x32xf32, #tpu.memory_space<hbm>>
      %dma_start3A_128 = arith.constant 0 : i32
      %dma_start3A_129 = tpu.memref_slice %arg6[%dma_start3A, %add3A_122, %dma_start3A_128] : memref<2x128x32xf32, #tpu.memory_space<vmem>> -> memref<1x1x32xf32, #tpu.memory_space<vmem>>
      %dma_start3A_130 = tpu.memref_squeeze %dma_start3A_129 : memref<1x1x32xf32, #tpu.memory_space<vmem>> -> memref<1x32xf32, #tpu.memory_space<vmem>>
      %dma_start3A_131 = arith.constant 0 : i32
      %dma_start3A_132 = tpu.memref_slice %arg3[%squeeze3A, %dma_start3A_131] : memref<1000000x32xf32, #tpu.memory_space<hbm>> -> memref<1x32xf32, #tpu.memory_space<hbm>>
      tpu.enqueue_dma source(%dma_start3A_132 : memref<1x32xf32, #tpu.memory_space<hbm>>) target(%dma_start3A_130 : memref<1x32xf32, #tpu.memory_space<vmem>>) target_semaphore(%arg7 : memref<!tpu.dma_semaphore, #tpu.memory_space<semaphore_mem>>)
      %slice3A_133 = vector.extract_strided_slice %get3A_118 {offsets = [1], sizes = [1], strides = [1]} : vector<16xi32> to vector<1xi32>
      %squeeze3A_134 = vector.extract %slice3A_133[0] : i32 from vector<1xi32>
      %mul3A_135 = arith.constant 16 : i32
      %mul3A_136 = arith.muli %scan3A_112, %mul3A_135 : i32
      %add3A_137 = arith.constant 1 : i32
      %add3A_138 = arith.addi %mul3A_136, %add3A_137 : i32
      %dma_start3A_139 = arith.constant 0 : i32
      %dma_start3A_140 = arith.constant 0 : i32
      %dma_start3A_141 = tpu.memref_slice %arg6[%dma_start3A_139, %add3A_138, %dma_start3A_140] : memref<2x128x32xf32, #tpu.memory_space<vmem>> -> memref<1x1x32xf32, #tpu.memory_space<vmem>>
      %dma_start3A_142 = tpu.memref_squeeze %dma_start3A_141 : memref<1x1x32xf32, #tpu.memory_space<vmem>> -> memref<1x32xf32, #tpu.memory_space<vmem>>
      %dma_start3A_143 = arith.constant 0 : i32
      %dma_start3A_144 = tpu.memref_slice %arg3[%squeeze3A_134, %dma_start3A_143] : memref<1000000x32xf32, #tpu.memory_space<hbm>> -> memref<1x32xf32, #tpu.memory_space<hbm>>
      %dma_start3A_145 = arith.constant 0 : i32
      %dma_start3A_146 = tpu.memref_slice %arg6[%dma_start3A_139, %add3A_138, %dma_start3A_145] : memref<2x128x32xf32, #tpu.memory_space<vmem>> -> memref<1x1x32xf32, #tpu.memory_space<vmem>>
      %dma_start3A_147 = tpu.memref_squeeze %dma_start3A_146 : memref<1x1x32xf32, #tpu.memory_space<vmem>> -> memref<1x32xf32, #tpu.memory_space<vmem>>
      %dma_start3A_148 = arith.constant 0 : i32
      %dma_start3A_149 = tpu.memref_slice %arg3[%squeeze3A_134, %dma_start3A_148] : memref<1000000x32xf32, #tpu.memory_space<hbm>> -> memref<1x32xf32, #tpu.memory_space<hbm>>
      tpu.enqueue_dma source(%dma_start3A_149 : memref<1x32xf32, #tpu.memory_space<hbm>>) target(%dma_start3A_147 : memref<1x32xf32, #tpu.memory_space<vmem>>) target_semaphore(%arg7 : memref<!tpu.dma_semaphore, #tpu.memory_space<semaphore_mem>>)
      %slice3A_150 = vector.extract_strided_slice %get3A_118 {offsets = [2], sizes = [1], strides = [1]} : vector<16xi32> to vector<1xi32>
      %squeeze3A_151 = vector.extract %slice3A_150[0] : i32 from vector<1xi32>
      %mul3A_152 = arith.constant 16 : i32
      %mul3A_153 = arith.muli %scan3A_112, %mul3A_152 : i32
      %add3A_154 = arith.constant 2 : i32
      %add3A_155 = arith.addi %mul3A_153, %add3A_154 : i32
      %dma_start3A_156 = arith.constant 0 : i32
      %dma_start3A_157 = arith.constant 0 : i32
      %dma_start3A_158 = tpu.memref_slice %arg6[%dma_start3A_156, %add3A_155, %dma_start3A_157] : memref<2x128x32xf32, #tpu.memory_space<vmem>> -> memref<1x1x32xf32, #tpu.memory_space<vmem>>
      %dma_start3A_159 = tpu.memref_squeeze %dma_start3A_158 : memref<1x1x32xf32, #tpu.memory_space<vmem>> -> memref<1x32xf32, #tpu.memory_space<vmem>>
      %dma_start3A_160 = arith.constant 0 : i32
      %dma_start3A_161 = tpu.memref_slice %arg3[%squeeze3A_151, %dma_start3A_160] : memref<1000000x32xf32, #tpu.memory_space<hbm>> -> memref<1x32xf32, #tpu.memory_space<hbm>>
      %dma_start3A_162 = arith.constant 0 : i32
      %dma_start3A_163 = tpu.memref_slice %arg6[%dma_start3A_156, %add3A_155, %dma_start3A_162] : memref<2x128x32xf32, #tpu.memory_space<vmem>> -> memref<1x1x32xf32, #tpu.memory_space<vmem>>
      %dma_start3A_164 = tpu.memref_squeeze %dma_start3A_163 : memref<1x1x32xf32, #tpu.memory_space<vmem>> -> memref<1x32xf32, #tpu.memory_space<vmem>>
      %dma_start3A_165 = arith.constant 0 : i32
      %dma_start3A_166 = tpu.memref_slice %arg3[%squeeze3A_151, %dma_start3A_165] : memref<1000000x32xf32, #tpu.memory_space<hbm>> -> memref<1x32xf32, #tpu.memory_space<hbm>>
      tpu.enqueue_dma source(%dma_start3A_166 : memref<1x32xf32, #tpu.memory_space<hbm>>) target(%dma_start3A_164 : memref<1x32xf32, #tpu.memory_space<vmem>>) target_semaphore(%arg7 : memref<!tpu.dma_semaphore, #tpu.memory_space<semaphore_mem>>)
      %slice3A_167 = vector.extract_strided_slice %get3A_118 {offsets = [3], sizes = [1], strides = [1]} : vector<16xi32> to vector<1xi32>
      %squeeze3A_168 = vector.extract %slice3A_167[0] : i32 from vector<1xi32>
      %mul3A_169 = arith.constant 16 : i32
      %mul3A_170 = arith.muli %scan3A_112, %mul3A_169 : i32
      %add3A_171 = arith.constant 3 : i32
      %add3A_172 = arith.addi %mul3A_170, %add3A_171 : i32
      %dma_start3A_173 = arith.constant 0 : i32
      %dma_start3A_174 = arith.constant 0 : i32
      %dma_start3A_175 = tpu.memref_slice %arg6[%dma_start3A_173, %add3A_172, %dma_start3A_174] : memref<2x128x32xf32, #tpu.memory_space<vmem>> -> memref<1x1x32xf32, #tpu.memory_space<vmem>>
      %dma_start3A_176 = tpu.memref_squeeze %dma_start3A_175 : memref<1x1x32xf32, #tpu.memory_space<vmem>> -> memref<1x32xf32, #tpu.memory_space<vmem>>
      %dma_start3A_177 = arith.constant 0 : i32
      %dma_start3A_178 = tpu.memref_slice %arg3[%squeeze3A_168, %dma_start3A_177] : memref<1000000x32xf32, #tpu.memory_space<hbm>> -> memref<1x32xf32, #tpu.memory_space<hbm>>
      %dma_start3A_179 = arith.constant 0 : i32
      %dma_start3A_180 = tpu.memref_slice %arg6[%dma_start3A_173, %add3A_172, %dma_start3A_179] : memref<2x128x32xf32, #tpu.memory_space<vmem>> -> memref<1x1x32xf32, #tpu.memory_space<vmem>>
      %dma_start3A_181 = tpu.memref_squeeze %dma_start3A_180 : memref<1x1x32xf32, #tpu.memory_space<vmem>> -> memref<1x32xf32, #tpu.memory_space<vmem>>
      %dma_start3A_182 = arith.constant 0 : i32
      %dma_start3A_183 = tpu.memref_slice %arg3[%squeeze3A_168, %dma_start3A_182] : memref<1000000x32xf32, #tpu.memory_space<hbm>> -> memref<1x32xf32, #tpu.memory_space<hbm>>
      tpu.enqueue_dma source(%dma_start3A_183 : memref<1x32xf32, #tpu.memory_space<hbm>>) target(%dma_start3A_181 : memref<1x32xf32, #tpu.memory_space<vmem>>) target_semaphore(%arg7 : memref<!tpu.dma_semaphore, #tpu.memory_space<semaphore_mem>>)
      %slice3A_184 = vector.extract_strided_slice %get3A_118 {offsets = [4], sizes = [1], strides = [1]} : vector<16xi32> to vector<1xi32>
      %squeeze3A_185 = vector.extract %slice3A_184[0] : i32 from vector<1xi32>
      %mul3A_186 = arith.constant 16 : i32
      %mul3A_187 = arith.muli %scan3A_112, %mul3A_186 : i32
      %add3A_188 = arith.constant 4 : i32
      %add3A_189 = arith.addi %mul3A_187, %add3A_188 : i32
      %dma_start3A_190 = arith.constant 0 : i32
      %dma_start3A_191 = arith.constant 0 : i32
      %dma_start3A_192 = tpu.memref_slice %arg6[%dma_start3A_190, %add3A_189, %dma_start3A_191] : memref<2x128x32xf32, #tpu.memory_space<vmem>> -> memref<1x1x32xf32, #tpu.memory_space<vmem>>
      %dma_start3A_193 = tpu.memref_squeeze %dma_start3A_192 : memref<1x1x32xf32, #tpu.memory_space<vmem>> -> memref<1x32xf32, #tpu.memory_space<vmem>>
      %dma_start3A_194 = arith.constant 0 : i32
      %dma_start3A_195 = tpu.memref_slice %arg3[%squeeze3A_185, %dma_start3A_194] : memref<1000000x32xf32, #tpu.memory_space<hbm>> -> memref<1x32xf32, #tpu.memory_space<hbm>>
      %dma_start3A_196 = arith.constant 0 : i32
      %dma_start3A_197 = tpu.memref_slice %arg6[%dma_start3A_190, %add3A_189, %dma_start3A_196] : memref<2x128x32xf32, #tpu.memory_space<vmem>> -> memref<1x1x32xf32, #tpu.memory_space<vmem>>
      %dma_start3A_198 = tpu.memref_squeeze %dma_start3A_197 : memref<1x1x32xf32, #tpu.memory_space<vmem>> -> memref<1x32xf32, #tpu.memory_space<vmem>>
      %dma_start3A_199 = arith.constant 0 : i32
      %dma_start3A_200 = tpu.memref_slice %arg3[%squeeze3A_185, %dma_start3A_199] : memref<1000000x32xf32, #tpu.memory_space<hbm>> -> memref<1x32xf32, #tpu.memory_space<hbm>>
      tpu.enqueue_dma source(%dma_start3A_200 : memref<1x32xf32, #tpu.memory_space<hbm>>) target(%dma_start3A_198 : memref<1x32xf32, #tpu.memory_space<vmem>>) target_semaphore(%arg7 : memref<!tpu.dma_semaphore, #tpu.memory_space<semaphore_mem>>)
      %slice3A_201 = vector.extract_strided_slice %get3A_118 {offsets = [5], sizes = [1], strides = [1]} : vector<16xi32> to vector<1xi32>
      %squeeze3A_202 = vector.extract %slice3A_201[0] : i32 from vector<1xi32>
      %mul3A_203 = arith.constant 16 : i32
      %mul3A_204 = arith.muli %scan3A_112, %mul3A_203 : i32
      %add3A_205 = arith.constant 5 : i32
      %add3A_206 = arith.addi %mul3A_204, %add3A_205 : i32
      %dma_start3A_207 = arith.constant 0 : i32
      %dma_start3A_208 = arith.constant 0 : i32
      %dma_start3A_209 = tpu.memref_slice %arg6[%dma_start3A_207, %add3A_206, %dma_start3A_208] : memref<2x128x32xf32, #tpu.memory_space<vmem>> -> memref<1x1x32xf32, #tpu.memory_space<vmem>>
      %dma_start3A_210 = tpu.memref_squeeze %dma_start3A_209 : memref<1x1x32xf32, #tpu.memory_space<vmem>> -> memref<1x32xf32, #tpu.memory_space<vmem>>
      %dma_start3A_211 = arith.constant 0 : i32
      %dma_start3A_212 = tpu.memref_slice %arg3[%squeeze3A_202, %dma_start3A_211] : memref<1000000x32xf32, #tpu.memory_space<hbm>> -> memref<1x32xf32, #tpu.memory_space<hbm>>
      %dma_start3A_213 = arith.constant 0 : i32
      %dma_start3A_214 = tpu.memref_slice %arg6[%dma_start3A_207, %add3A_206, %dma_start3A_213] : memref<2x128x32xf32, #tpu.memory_space<vmem>> -> memref<1x1x32xf32, #tpu.memory_space<vmem>>
      %dma_start3A_215 = tpu.memref_squeeze %dma_start3A_214 : memref<1x1x32xf32, #tpu.memory_space<vmem>> -> memref<1x32xf32, #tpu.memory_space<vmem>>
      %dma_start3A_216 = arith.constant 0 : i32
      %dma_start3A_217 = tpu.memref_slice %arg3[%squeeze3A_202, %dma_start3A_216] : memref<1000000x32xf32, #tpu.memory_space<hbm>> -> memref<1x32xf32, #tpu.memory_space<hbm>>
      tpu.enqueue_dma source(%dma_start3A_217 : memref<1x32xf32, #tpu.memory_space<hbm>>) target(%dma_start3A_215 : memref<1x32xf32, #tpu.memory_space<vmem>>) target_semaphore(%arg7 : memref<!tpu.dma_semaphore, #tpu.memory_space<semaphore_mem>>)
      %slice3A_218 = vector.extract_strided_slice %get3A_118 {offsets = [6], sizes = [1], strides = [1]} : vector<16xi32> to vector<1xi32>
      %squeeze3A_219 = vector.extract %slice3A_218[0] : i32 from vector<1xi32>
      %mul3A_220 = arith.constant 16 : i32
      %mul3A_221 = arith.muli %scan3A_112, %mul3A_220 : i32
      %add3A_222 = arith.constant 6 : i32
      %add3A_223 = arith.addi %mul3A_221, %add3A_222 : i32
      %dma_start3A_224 = arith.constant 0 : i32
      %dma_start3A_225 = arith.constant 0 : i32
      %dma_start3A_226 = tpu.memref_slice %arg6[%dma_start3A_224, %add3A_223, %dma_start3A_225] : memref<2x128x32xf32, #tpu.memory_space<vmem>> -> memref<1x1x32xf32, #tpu.memory_space<vmem>>
      %dma_start3A_227 = tpu.memref_squeeze %dma_start3A_226 : memref<1x1x32xf32, #tpu.memory_space<vmem>> -> memref<1x32xf32, #tpu.memory_space<vmem>>
      %dma_start3A_228 = arith.constant 0 : i32
      %dma_start3A_229 = tpu.memref_slice %arg3[%squeeze3A_219, %dma_start3A_228] : memref<1000000x32xf32, #tpu.memory_space<hbm>> -> memref<1x32xf32, #tpu.memory_space<hbm>>
      %dma_start3A_230 = arith.constant 0 : i32
      %dma_start3A_231 = tpu.memref_slice %arg6[%dma_start3A_224, %add3A_223, %dma_start3A_230] : memref<2x128x32xf32, #tpu.memory_space<vmem>> -> memref<1x1x32xf32, #tpu.memory_space<vmem>>
      %dma_start3A_232 = tpu.memref_squeeze %dma_start3A_231 : memref<1x1x32xf32, #tpu.memory_space<vmem>> -> memref<1x32xf32, #tpu.memory_space<vmem>>
      %dma_start3A_233 = arith.constant 0 : i32
      %dma_start3A_234 = tpu.memref_slice %arg3[%squeeze3A_219, %dma_start3A_233] : memref<1000000x32xf32, #tpu.memory_space<hbm>> -> memref<1x32xf32, #tpu.memory_space<hbm>>
      tpu.enqueue_dma source(%dma_start3A_234 : memref<1x32xf32, #tpu.memory_space<hbm>>) target(%dma_start3A_232 : memref<1x32xf32, #tpu.memory_space<vmem>>) target_semaphore(%arg7 : memref<!tpu.dma_semaphore, #tpu.memory_space<semaphore_mem>>)
      %slice3A_235 = vector.extract_strided_slice %get3A_118 {offsets = [7], sizes = [1], strides = [1]} : vector<16xi32> to vector<1xi32>
      %squeeze3A_236 = vector.extract %slice3A_235[0] : i32 from vector<1xi32>
      %mul3A_237 = arith.constant 16 : i32
      %mul3A_238 = arith.muli %scan3A_112, %mul3A_237 : i32
      %add3A_239 = arith.constant 7 : i32
      %add3A_240 = arith.addi %mul3A_238, %add3A_239 : i32
      %dma_start3A_241 = arith.constant 0 : i32
      %dma_start3A_242 = arith.constant 0 : i32
      %dma_start3A_243 = tpu.memref_slice %arg6[%dma_start3A_241, %add3A_240, %dma_start3A_242] : memref<2x128x32xf32, #tpu.memory_space<vmem>> -> memref<1x1x32xf32, #tpu.memory_space<vmem>>
      %dma_start3A_244 = tpu.memref_squeeze %dma_start3A_243 : memref<1x1x32xf32, #tpu.memory_space<vmem>> -> memref<1x32xf32, #tpu.memory_space<vmem>>
      %dma_start3A_245 = arith.constant 0 : i32
      %dma_start3A_246 = tpu.memref_slice %arg3[%squeeze3A_236, %dma_start3A_245] : memref<1000000x32xf32, #tpu.memory_space<hbm>> -> memref<1x32xf32, #tpu.memory_space<hbm>>
      %dma_start3A_247 = arith.constant 0 : i32
      %dma_start3A_248 = tpu.memref_slice %arg6[%dma_start3A_241, %add3A_240, %dma_start3A_247] : memref<2x128x32xf32, #tpu.memory_space<vmem>> -> memref<1x1x32xf32, #tpu.memory_space<vmem>>
      %dma_start3A_249 = tpu.memref_squeeze %dma_start3A_248 : memref<1x1x32xf32, #tpu.memory_space<vmem>> -> memref<1x32xf32, #tpu.memory_space<vmem>>
      %dma_start3A_250 = arith.constant 0 : i32
      %dma_start3A_251 = tpu.memref_slice %arg3[%squeeze3A_236, %dma_start3A_250] : memref<1000000x32xf32, #tpu.memory_space<hbm>> -> memref<1x32xf32, #tpu.memory_space<hbm>>
      tpu.enqueue_dma source(%dma_start3A_251 : memref<1x32xf32, #tpu.memory_space<hbm>>) target(%dma_start3A_249 : memref<1x32xf32, #tpu.memory_space<vmem>>) target_semaphore(%arg7 : memref<!tpu.dma_semaphore, #tpu.memory_space<semaphore_mem>>)
      %slice3A_252 = vector.extract_strided_slice %get3A_118 {offsets = [8], sizes = [1], strides = [1]} : vector<16xi32> to vector<1xi32>
      %squeeze3A_253 = vector.extract %slice3A_252[0] : i32 from vector<1xi32>
      %mul3A_254 = arith.constant 16 : i32
      %mul3A_255 = arith.muli %scan3A_112, %mul3A_254 : i32
      %add3A_256 = arith.constant 8 : i32
      %add3A_257 = arith.addi %mul3A_255, %add3A_256 : i32
      %dma_start3A_258 = arith.constant 0 : i32
      %dma_start3A_259 = arith.constant 0 : i32
      %dma_start3A_260 = tpu.memref_slice %arg6[%dma_start3A_258, %add3A_257, %dma_start3A_259] : memref<2x128x32xf32, #tpu.memory_space<vmem>> -> memref<1x1x32xf32, #tpu.memory_space<vmem>>
      %dma_start3A_261 = tpu.memref_squeeze %dma_start3A_260 : memref<1x1x32xf32, #tpu.memory_space<vmem>> -> memref<1x32xf32, #tpu.memory_space<vmem>>
      %dma_start3A_262 = arith.constant 0 : i32
      %dma_start3A_263 = tpu.memref_slice %arg3[%squeeze3A_253, %dma_start3A_262] : memref<1000000x32xf32, #tpu.memory_space<hbm>> -> memref<1x32xf32, #tpu.memory_space<hbm>>
      %dma_start3A_264 = arith.constant 0 : i32
      %dma_start3A_265 = tpu.memref_slice %arg6[%dma_start3A_258, %add3A_257, %dma_start3A_264] : memref<2x128x32xf32, #tpu.memory_space<vmem>> -> memref<1x1x32xf32, #tpu.memory_space<vmem>>
      %dma_start3A_266 = tpu.memref_squeeze %dma_start3A_265 : memref<1x1x32xf32, #tpu.memory_space<vmem>> -> memref<1x32xf32, #tpu.memory_space<vmem>>
      %dma_start3A_267 = arith.constant 0 : i32
      %dma_start3A_268 = tpu.memref_slice %arg3[%squeeze3A_253, %dma_start3A_267] : memref<1000000x32xf32, #tpu.memory_space<hbm>> -> memref<1x32xf32, #tpu.memory_space<hbm>>
      tpu.enqueue_dma source(%dma_start3A_268 : memref<1x32xf32, #tpu.memory_space<hbm>>) target(%dma_start3A_266 : memref<1x32xf32, #tpu.memory_space<vmem>>) target_semaphore(%arg7 : memref<!tpu.dma_semaphore, #tpu.memory_space<semaphore_mem>>)
      %slice3A_269 = vector.extract_strided_slice %get3A_118 {offsets = [9], sizes = [1], strides = [1]} : vector<16xi32> to vector<1xi32>
      %squeeze3A_270 = vector.extract %slice3A_269[0] : i32 from vector<1xi32>
      %mul3A_271 = arith.constant 16 : i32
      %mul3A_272 = arith.muli %scan3A_112, %mul3A_271 : i32
      %add3A_273 = arith.constant 9 : i32
      %add3A_274 = arith.addi %mul3A_272, %add3A_273 : i32
      %dma_start3A_275 = arith.constant 0 : i32
      %dma_start3A_276 = arith.constant 0 : i32
      %dma_start3A_277 = tpu.memref_slice %arg6[%dma_start3A_275, %add3A_274, %dma_start3A_276] : memref<2x128x32xf32, #tpu.memory_space<vmem>> -> memref<1x1x32xf32, #tpu.memory_space<vmem>>
      %dma_start3A_278 = tpu.memref_squeeze %dma_start3A_277 : memref<1x1x32xf32, #tpu.memory_space<vmem>> -> memref<1x32xf32, #tpu.memory_space<vmem>>
      %dma_start3A_279 = arith.constant 0 : i32
      %dma_start3A_280 = tpu.memref_slice %arg3[%squeeze3A_270, %dma_start3A_279] : memref<1000000x32xf32, #tpu.memory_space<hbm>> -> memref<1x32xf32, #tpu.memory_space<hbm>>
      %dma_start3A_281 = arith.constant 0 : i32
      %dma_start3A_282 = tpu.memref_slice %arg6[%dma_start3A_275, %add3A_274, %dma_start3A_281] : memref<2x128x32xf32, #tpu.memory_space<vmem>> -> memref<1x1x32xf32, #tpu.memory_space<vmem>>
      %dma_start3A_283 = tpu.memref_squeeze %dma_start3A_282 : memref<1x1x32xf32, #tpu.memory_space<vmem>> -> memref<1x32xf32, #tpu.memory_space<vmem>>
      %dma_start3A_284 = arith.constant 0 : i32
      %dma_start3A_285 = tpu.memref_slice %arg3[%squeeze3A_270, %dma_start3A_284] : memref<1000000x32xf32, #tpu.memory_space<hbm>> -> memref<1x32xf32, #tpu.memory_space<hbm>>
      tpu.enqueue_dma source(%dma_start3A_285 : memref<1x32xf32, #tpu.memory_space<hbm>>) target(%dma_start3A_283 : memref<1x32xf32, #tpu.memory_space<vmem>>) target_semaphore(%arg7 : memref<!tpu.dma_semaphore, #tpu.memory_space<semaphore_mem>>)
      %slice3A_286 = vector.extract_strided_slice %get3A_118 {offsets = [10], sizes = [1], strides = [1]} : vector<16xi32> to vector<1xi32>
      %squeeze3A_287 = vector.extract %slice3A_286[0] : i32 from vector<1xi32>
      %mul3A_288 = arith.constant 16 : i32
      %mul3A_289 = arith.muli %scan3A_112, %mul3A_288 : i32
      %add3A_290 = arith.constant 10 : i32
      %add3A_291 = arith.addi %mul3A_289, %add3A_290 : i32
      %dma_start3A_292 = arith.constant 0 : i32
      %dma_start3A_293 = arith.constant 0 : i32
      %dma_start3A_294 = tpu.memref_slice %arg6[%dma_start3A_292, %add3A_291, %dma_start3A_293] : memref<2x128x32xf32, #tpu.memory_space<vmem>> -> memref<1x1x32xf32, #tpu.memory_space<vmem>>
      %dma_start3A_295 = tpu.memref_squeeze %dma_start3A_294 : memref<1x1x32xf32, #tpu.memory_space<vmem>> -> memref<1x32xf32, #tpu.memory_space<vmem>>
      %dma_start3A_296 = arith.constant 0 : i32
      %dma_start3A_297 = tpu.memref_slice %arg3[%squeeze3A_287, %dma_start3A_296] : memref<1000000x32xf32, #tpu.memory_space<hbm>> -> memref<1x32xf32, #tpu.memory_space<hbm>>
      %dma_start3A_298 = arith.constant 0 : i32
      %dma_start3A_299 = tpu.memref_slice %arg6[%dma_start3A_292, %add3A_291, %dma_start3A_298] : memref<2x128x32xf32, #tpu.memory_space<vmem>> -> memref<1x1x32xf32, #tpu.memory_space<vmem>>
      %dma_start3A_300 = tpu.memref_squeeze %dma_start3A_299 : memref<1x1x32xf32, #tpu.memory_space<vmem>> -> memref<1x32xf32, #tpu.memory_space<vmem>>
      %dma_start3A_301 = arith.constant 0 : i32
      %dma_start3A_302 = tpu.memref_slice %arg3[%squeeze3A_287, %dma_start3A_301] : memref<1000000x32xf32, #tpu.memory_space<hbm>> -> memref<1x32xf32, #tpu.memory_space<hbm>>
      tpu.enqueue_dma source(%dma_start3A_302 : memref<1x32xf32, #tpu.memory_space<hbm>>) target(%dma_start3A_300 : memref<1x32xf32, #tpu.memory_space<vmem>>) target_semaphore(%arg7 : memref<!tpu.dma_semaphore, #tpu.memory_space<semaphore_mem>>)
      %slice3A_303 = vector.extract_strided_slice %get3A_118 {offsets = [11], sizes = [1], strides = [1]} : vector<16xi32> to vector<1xi32>
      %squeeze3A_304 = vector.extract %slice3A_303[0] : i32 from vector<1xi32>
      %mul3A_305 = arith.constant 16 : i32
      %mul3A_306 = arith.muli %scan3A_112, %mul3A_305 : i32
      %add3A_307 = arith.constant 11 : i32
      %add3A_308 = arith.addi %mul3A_306, %add3A_307 : i32
      %dma_start3A_309 = arith.constant 0 : i32
      %dma_start3A_310 = arith.constant 0 : i32
      %dma_start3A_311 = tpu.memref_slice %arg6[%dma_start3A_309, %add3A_308, %dma_start3A_310] : memref<2x128x32xf32, #tpu.memory_space<vmem>> -> memref<1x1x32xf32, #tpu.memory_space<vmem>>
      %dma_start3A_312 = tpu.memref_squeeze %dma_start3A_311 : memref<1x1x32xf32, #tpu.memory_space<vmem>> -> memref<1x32xf32, #tpu.memory_space<vmem>>
      %dma_start3A_313 = arith.constant 0 : i32
      %dma_start3A_314 = tpu.memref_slice %arg3[%squeeze3A_304, %dma_start3A_313] : memref<1000000x32xf32, #tpu.memory_space<hbm>> -> memref<1x32xf32, #tpu.memory_space<hbm>>
      %dma_start3A_315 = arith.constant 0 : i32
      %dma_start3A_316 = tpu.memref_slice %arg6[%dma_start3A_309, %add3A_308, %dma_start3A_315] : memref<2x128x32xf32, #tpu.memory_space<vmem>> -> memref<1x1x32xf32, #tpu.memory_space<vmem>>
      %dma_start3A_317 = tpu.memref_squeeze %dma_start3A_316 : memref<1x1x32xf32, #tpu.memory_space<vmem>> -> memref<1x32xf32, #tpu.memory_space<vmem>>
      %dma_start3A_318 = arith.constant 0 : i32
      %dma_start3A_319 = tpu.memref_slice %arg3[%squeeze3A_304, %dma_start3A_318] : memref<1000000x32xf32, #tpu.memory_space<hbm>> -> memref<1x32xf32, #tpu.memory_space<hbm>>
      tpu.enqueue_dma source(%dma_start3A_319 : memref<1x32xf32, #tpu.memory_space<hbm>>) target(%dma_start3A_317 : memref<1x32xf32, #tpu.memory_space<vmem>>) target_semaphore(%arg7 : memref<!tpu.dma_semaphore, #tpu.memory_space<semaphore_mem>>)
      %slice3A_320 = vector.extract_strided_slice %get3A_118 {offsets = [12], sizes = [1], strides = [1]} : vector<16xi32> to vector<1xi32>
      %squeeze3A_321 = vector.extract %slice3A_320[0] : i32 from vector<1xi32>
      %mul3A_322 = arith.constant 16 : i32
      %mul3A_323 = arith.muli %scan3A_112, %mul3A_322 : i32
      %add3A_324 = arith.constant 12 : i32
      %add3A_325 = arith.addi %mul3A_323, %add3A_324 : i32
      %dma_start3A_326 = arith.constant 0 : i32
      %dma_start3A_327 = arith.constant 0 : i32
      %dma_start3A_328 = tpu.memref_slice %arg6[%dma_start3A_326, %add3A_325, %dma_start3A_327] : memref<2x128x32xf32, #tpu.memory_space<vmem>> -> memref<1x1x32xf32, #tpu.memory_space<vmem>>
      %dma_start3A_329 = tpu.memref_squeeze %dma_start3A_328 : memref<1x1x32xf32, #tpu.memory_space<vmem>> -> memref<1x32xf32, #tpu.memory_space<vmem>>
      %dma_start3A_330 = arith.constant 0 : i32
      %dma_start3A_331 = tpu.memref_slice %arg3[%squeeze3A_321, %dma_start3A_330] : memref<1000000x32xf32, #tpu.memory_space<hbm>> -> memref<1x32xf32, #tpu.memory_space<hbm>>
      %dma_start3A_332 = arith.constant 0 : i32
      %dma_start3A_333 = tpu.memref_slice %arg6[%dma_start3A_326, %add3A_325, %dma_start3A_332] : memref<2x128x32xf32, #tpu.memory_space<vmem>> -> memref<1x1x32xf32, #tpu.memory_space<vmem>>
      %dma_start3A_334 = tpu.memref_squeeze %dma_start3A_333 : memref<1x1x32xf32, #tpu.memory_space<vmem>> -> memref<1x32xf32, #tpu.memory_space<vmem>>
      %dma_start3A_335 = arith.constant 0 : i32
      %dma_start3A_336 = tpu.memref_slice %arg3[%squeeze3A_321, %dma_start3A_335] : memref<1000000x32xf32, #tpu.memory_space<hbm>> -> memref<1x32xf32, #tpu.memory_space<hbm>>
      tpu.enqueue_dma source(%dma_start3A_336 : memref<1x32xf32, #tpu.memory_space<hbm>>) target(%dma_start3A_334 : memref<1x32xf32, #tpu.memory_space<vmem>>) target_semaphore(%arg7 : memref<!tpu.dma_semaphore, #tpu.memory_space<semaphore_mem>>)
      %slice3A_337 = vector.extract_strided_slice %get3A_118 {offsets = [13], sizes = [1], strides = [1]} : vector<16xi32> to vector<1xi32>
      %squeeze3A_338 = vector.extract %slice3A_337[0] : i32 from vector<1xi32>
      %mul3A_339 = arith.constant 16 : i32
      %mul3A_340 = arith.muli %scan3A_112, %mul3A_339 : i32
      %add3A_341 = arith.constant 13 : i32
      %add3A_342 = arith.addi %mul3A_340, %add3A_341 : i32
      %dma_start3A_343 = arith.constant 0 : i32
      %dma_start3A_344 = arith.constant 0 : i32
      %dma_start3A_345 = tpu.memref_slice %arg6[%dma_start3A_343, %add3A_342, %dma_start3A_344] : memref<2x128x32xf32, #tpu.memory_space<vmem>> -> memref<1x1x32xf32, #tpu.memory_space<vmem>>
      %dma_start3A_346 = tpu.memref_squeeze %dma_start3A_345 : memref<1x1x32xf32, #tpu.memory_space<vmem>> -> memref<1x32xf32, #tpu.memory_space<vmem>>
      %dma_start3A_347 = arith.constant 0 : i32
      %dma_start3A_348 = tpu.memref_slice %arg3[%squeeze3A_338, %dma_start3A_347] : memref<1000000x32xf32, #tpu.memory_space<hbm>> -> memref<1x32xf32, #tpu.memory_space<hbm>>
      %dma_start3A_349 = arith.constant 0 : i32
      %dma_start3A_350 = tpu.memref_slice %arg6[%dma_start3A_343, %add3A_342, %dma_start3A_349] : memref<2x128x32xf32, #tpu.memory_space<vmem>> -> memref<1x1x32xf32, #tpu.memory_space<vmem>>
      %dma_start3A_351 = tpu.memref_squeeze %dma_start3A_350 : memref<1x1x32xf32, #tpu.memory_space<vmem>> -> memref<1x32xf32, #tpu.memory_space<vmem>>
      %dma_start3A_352 = arith.constant 0 : i32
      %dma_start3A_353 = tpu.memref_slice %arg3[%squeeze3A_338, %dma_start3A_352] : memref<1000000x32xf32, #tpu.memory_space<hbm>> -> memref<1x32xf32, #tpu.memory_space<hbm>>
      tpu.enqueue_dma source(%dma_start3A_353 : memref<1x32xf32, #tpu.memory_space<hbm>>) target(%dma_start3A_351 : memref<1x32xf32, #tpu.memory_space<vmem>>) target_semaphore(%arg7 : memref<!tpu.dma_semaphore, #tpu.memory_space<semaphore_mem>>)
      %slice3A_354 = vector.extract_strided_slice %get3A_118 {offsets = [14], sizes = [1], strides = [1]} : vector<16xi32> to vector<1xi32>
      %squeeze3A_355 = vector.extract %slice3A_354[0] : i32 from vector<1xi32>
      %mul3A_356 = arith.constant 16 : i32
      %mul3A_357 = arith.muli %scan3A_112, %mul3A_356 : i32
      %add3A_358 = arith.constant 14 : i32
      %add3A_359 = arith.addi %mul3A_357, %add3A_358 : i32
      %dma_start3A_360 = arith.constant 0 : i32
      %dma_start3A_361 = arith.constant 0 : i32
      %dma_start3A_362 = tpu.memref_slice %arg6[%dma_start3A_360, %add3A_359, %dma_start3A_361] : memref<2x128x32xf32, #tpu.memory_space<vmem>> -> memref<1x1x32xf32, #tpu.memory_space<vmem>>
      %dma_start3A_363 = tpu.memref_squeeze %dma_start3A_362 : memref<1x1x32xf32, #tpu.memory_space<vmem>> -> memref<1x32xf32, #tpu.memory_space<vmem>>
      %dma_start3A_364 = arith.constant 0 : i32
      %dma_start3A_365 = tpu.memref_slice %arg3[%squeeze3A_355, %dma_start3A_364] : memref<1000000x32xf32, #tpu.memory_space<hbm>> -> memref<1x32xf32, #tpu.memory_space<hbm>>
      %dma_start3A_366 = arith.constant 0 : i32
      %dma_start3A_367 = tpu.memref_slice %arg6[%dma_start3A_360, %add3A_359, %dma_start3A_366] : memref<2x128x32xf32, #tpu.memory_space<vmem>> -> memref<1x1x32xf32, #tpu.memory_space<vmem>>
      %dma_start3A_368 = tpu.memref_squeeze %dma_start3A_367 : memref<1x1x32xf32, #tpu.memory_space<vmem>> -> memref<1x32xf32, #tpu.memory_space<vmem>>
      %dma_start3A_369 = arith.constant 0 : i32
      %dma_start3A_370 = tpu.memref_slice %arg3[%squeeze3A_355, %dma_start3A_369] : memref<1000000x32xf32, #tpu.memory_space<hbm>> -> memref<1x32xf32, #tpu.memory_space<hbm>>
      tpu.enqueue_dma source(%dma_start3A_370 : memref<1x32xf32, #tpu.memory_space<hbm>>) target(%dma_start3A_368 : memref<1x32xf32, #tpu.memory_space<vmem>>) target_semaphore(%arg7 : memref<!tpu.dma_semaphore, #tpu.memory_space<semaphore_mem>>)
      %slice3A_371 = vector.extract_strided_slice %get3A_118 {offsets = [15], sizes = [1], strides = [1]} : vector<16xi32> to vector<1xi32>
      %squeeze3A_372 = vector.extract %slice3A_371[0] : i32 from vector<1xi32>
      %mul3A_373 = arith.constant 16 : i32
      %mul3A_374 = arith.muli %scan3A_112, %mul3A_373 : i32
      %add3A_375 = arith.constant 15 : i32
      %add3A_376 = arith.addi %mul3A_374, %add3A_375 : i32
      %dma_start3A_377 = arith.constant 0 : i32
      %dma_start3A_378 = arith.constant 0 : i32
      %dma_start3A_379 = tpu.memref_slice %arg6[%dma_start3A_377, %add3A_376, %dma_start3A_378] : memref<2x128x32xf32, #tpu.memory_space<vmem>> -> memref<1x1x32xf32, #tpu.memory_space<vmem>>
      %dma_start3A_380 = tpu.memref_squeeze %dma_start3A_379 : memref<1x1x32xf32, #tpu.memory_space<vmem>> -> memref<1x32xf32, #tpu.memory_space<vmem>>
      %dma_start3A_381 = arith.constant 0 : i32
      %dma_start3A_382 = tpu.memref_slice %arg3[%squeeze3A_372, %dma_start3A_381] : memref<1000000x32xf32, #tpu.memory_space<hbm>> -> memref<1x32xf32, #tpu.memory_space<hbm>>
      %dma_start3A_383 = arith.constant 0 : i32
      %dma_start3A_384 = tpu.memref_slice %arg6[%dma_start3A_377, %add3A_376, %dma_start3A_383] : memref<2x128x32xf32, #tpu.memory_space<vmem>> -> memref<1x1x32xf32, #tpu.memory_space<vmem>>
      %dma_start3A_385 = tpu.memref_squeeze %dma_start3A_384 : memref<1x1x32xf32, #tpu.memory_space<vmem>> -> memref<1x32xf32, #tpu.memory_space<vmem>>
      %dma_start3A_386 = arith.constant 0 : i32
      %dma_start3A_387 = tpu.memref_slice %arg3[%squeeze3A_372, %dma_start3A_386] : memref<1000000x32xf32, #tpu.memory_space<hbm>> -> memref<1x32xf32, #tpu.memory_space<hbm>>
      tpu.enqueue_dma source(%dma_start3A_387 : memref<1x32xf32, #tpu.memory_space<hbm>>) target(%dma_start3A_385 : memref<1x32xf32, #tpu.memory_space<vmem>>) target_semaphore(%arg7 : memref<!tpu.dma_semaphore, #tpu.memory_space<semaphore_mem>>)
    }
    %scan3A_7 = arith.constant 8 : i32
    %scan3A_8 = arith.constant 0 : i32
    %scan3A_9 = arith.constant 0 : i32
    %scan3A_10 = arith.constant 8 : i32
    %scan3A_11 = arith.addi %scan3A_9, %scan3A_10 : i32
    %scan3A_12 = arith.constant 1 : i32
    scf.for %scan3A_112 = %scan3A_9 to %scan3A_11 step %scan3A_12  : i32 {
      %mul3A_113 = arith.constant 16 : i32
      %mul3A_114 = arith.muli %scan3A_112, %mul3A_113 : i32
      %add3A_115 = arith.constant 128 : i32
      %add3A_116 = arith.addi %add3A_115, %mul3A_114 : i32
      %multiple_of3A = tpu.assume_multiple %add3A_116, 16 : i32
      %get3A = arith.index_cast %multiple_of3A : i32 to index
      %get3A_117 = tpu.vector_load %arg5[%get3A] {strides = array<i32>} : memref<512xi32, #tpu.memory_space<vmem>>, vector<16xi32>,
      %get3A_118 = vector.shape_cast %get3A_117 : vector<16xi32> to vector<16xi32>
      %slice3A = vector.extract_strided_slice %get3A_118 {offsets = [0], sizes = [1], strides = [1]} : vector<16xi32> to vector<1xi32>
      %squeeze3A = vector.extract %slice3A[0] : i32 from vector<1xi32>
      %mul3A_119 = arith.constant 16 : i32
      %mul3A_120 = arith.muli %scan3A_112, %mul3A_119 : i32
      %add3A_121 = arith.constant 0 : i32
      %add3A_122 = arith.addi %mul3A_120, %add3A_121 : i32
      %dma_start3A = arith.constant 1 : i32
      %dma_start3A_123 = arith.constant 0 : i32
      %dma_start3A_124 = tpu.memref_slice %arg6[%dma_start3A, %add3A_122, %dma_start3A_123] : memref<2x128x32xf32, #tpu.memory_space<vmem>> -> memref<1x1x32xf32, #tpu.memory_space<vmem>>
      %dma_start3A_125 = tpu.memref_squeeze %dma_start3A_124 : memref<1x1x32xf32, #tpu.memory_space<vmem>> -> memref<1x32xf32, #tpu.memory_space<vmem>>
      %dma_start3A_126 = arith.constant 0 : i32
      %dma_start3A_127 = tpu.memref_slice %arg3[%squeeze3A, %dma_start3A_126] : memref<1000000x32xf32, #tpu.memory_space<hbm>> -> memref<1x32xf32, #tpu.memory_space<hbm>>
      %dma_start3A_128 = arith.constant 0 : i32
      %dma_start3A_129 = tpu.memref_slice %arg6[%dma_start3A, %add3A_122, %dma_start3A_128] : memref<2x128x32xf32, #tpu.memory_space<vmem>> -> memref<1x1x32xf32, #tpu.memory_space<vmem>>
      %dma_start3A_130 = tpu.memref_squeeze %dma_start3A_129 : memref<1x1x32xf32, #tpu.memory_space<vmem>> -> memref<1x32xf32, #tpu.memory_space<vmem>>
      %dma_start3A_131 = arith.constant 0 : i32
      %dma_start3A_132 = tpu.memref_slice %arg3[%squeeze3A, %dma_start3A_131] : memref<1000000x32xf32, #tpu.memory_space<hbm>> -> memref<1x32xf32, #tpu.memory_space<hbm>>
      tpu.enqueue_dma source(%dma_start3A_132 : memref<1x32xf32, #tpu.memory_space<hbm>>) target(%dma_start3A_130 : memref<1x32xf32, #tpu.memory_space<vmem>>) target_semaphore(%arg8 : memref<!tpu.dma_semaphore, #tpu.memory_space<semaphore_mem>>)
      %slice3A_133 = vector.extract_strided_slice %get3A_118 {offsets = [1], sizes = [1], strides = [1]} : vector<16xi32> to vector<1xi32>
      %squeeze3A_134 = vector.extract %slice3A_133[0] : i32 from vector<1xi32>
      %mul3A_135 = arith.constant 16 : i32
      %mul3A_136 = arith.muli %scan3A_112, %mul3A_135 : i32
      %add3A_137 = arith.constant 1 : i32
      %add3A_138 = arith.addi %mul3A_136, %add3A_137 : i32
      %dma_start3A_139 = arith.constant 1 : i32
      %dma_start3A_140 = arith.constant 0 : i32
      %dma_start3A_141 = tpu.memref_slice %arg6[%dma_start3A_139, %add3A_138, %dma_start3A_140] : memref<2x128x32xf32, #tpu.memory_space<vmem>> -> memref<1x1x32xf32, #tpu.memory_space<vmem>>
      %dma_start3A_142 = tpu.memref_squeeze %dma_start3A_141 : memref<1x1x32xf32, #tpu.memory_space<vmem>> -> memref<1x32xf32, #tpu.memory_space<vmem>>
      %dma_start3A_143 = arith.constant 0 : i32
      %dma_start3A_144 = tpu.memref_slice %arg3[%squeeze3A_134, %dma_start3A_143] : memref<1000000x32xf32, #tpu.memory_space<hbm>> -> memref<1x32xf32, #tpu.memory_space<hbm>>
      %dma_start3A_145 = arith.constant 0 : i32
      %dma_start3A_146 = tpu.memref_slice %arg6[%dma_start3A_139, %add3A_138, %dma_start3A_145] : memref<2x128x32xf32, #tpu.memory_space<vmem>> -> memref<1x1x32xf32, #tpu.memory_space<vmem>>
      %dma_start3A_147 = tpu.memref_squeeze %dma_start3A_146 : memref<1x1x32xf32, #tpu.memory_space<vmem>> -> memref<1x32xf32, #tpu.memory_space<vmem>>
      %dma_start3A_148 = arith.constant 0 : i32
      %dma_start3A_149 = tpu.memref_slice %arg3[%squeeze3A_134, %dma_start3A_148] : memref<1000000x32xf32, #tpu.memory_space<hbm>> -> memref<1x32xf32, #tpu.memory_space<hbm>>
      tpu.enqueue_dma source(%dma_start3A_149 : memref<1x32xf32, #tpu.memory_space<hbm>>) target(%dma_start3A_147 : memref<1x32xf32, #tpu.memory_space<vmem>>) target_semaphore(%arg8 : memref<!tpu.dma_semaphore, #tpu.memory_space<semaphore_mem>>)
      %slice3A_150 = vector.extract_strided_slice %get3A_118 {offsets = [2], sizes = [1], strides = [1]} : vector<16xi32> to vector<1xi32>
      %squeeze3A_151 = vector.extract %slice3A_150[0] : i32 from vector<1xi32>
      %mul3A_152 = arith.constant 16 : i32
      %mul3A_153 = arith.muli %scan3A_112, %mul3A_152 : i32
      %add3A_154 = arith.constant 2 : i32
      %add3A_155 = arith.addi %mul3A_153, %add3A_154 : i32
      %dma_start3A_156 = arith.constant 1 : i32
      %dma_start3A_157 = arith.constant 0 : i32
      %dma_start3A_158 = tpu.memref_slice %arg6[%dma_start3A_156, %add3A_155, %dma_start3A_157] : memref<2x128x32xf32, #tpu.memory_space<vmem>> -> memref<1x1x32xf32, #tpu.memory_space<vmem>>
      %dma_start3A_159 = tpu.memref_squeeze %dma_start3A_158 : memref<1x1x32xf32, #tpu.memory_space<vmem>> -> memref<1x32xf32, #tpu.memory_space<vmem>>
      %dma_start3A_160 = arith.constant 0 : i32
      %dma_start3A_161 = tpu.memref_slice %arg3[%squeeze3A_151, %dma_start3A_160] : memref<1000000x32xf32, #tpu.memory_space<hbm>> -> memref<1x32xf32, #tpu.memory_space<hbm>>
      %dma_start3A_162 = arith.constant 0 : i32
      %dma_start3A_163 = tpu.memref_slice %arg6[%dma_start3A_156, %add3A_155, %dma_start3A_162] : memref<2x128x32xf32, #tpu.memory_space<vmem>> -> memref<1x1x32xf32, #tpu.memory_space<vmem>>
      %dma_start3A_164 = tpu.memref_squeeze %dma_start3A_163 : memref<1x1x32xf32, #tpu.memory_space<vmem>> -> memref<1x32xf32, #tpu.memory_space<vmem>>
      %dma_start3A_165 = arith.constant 0 : i32
      %dma_start3A_166 = tpu.memref_slice %arg3[%squeeze3A_151, %dma_start3A_165] : memref<1000000x32xf32, #tpu.memory_space<hbm>> -> memref<1x32xf32, #tpu.memory_space<hbm>>
      tpu.enqueue_dma source(%dma_start3A_166 : memref<1x32xf32, #tpu.memory_space<hbm>>) target(%dma_start3A_164 : memref<1x32xf32, #tpu.memory_space<vmem>>) target_semaphore(%arg8 : memref<!tpu.dma_semaphore, #tpu.memory_space<semaphore_mem>>)
      %slice3A_167 = vector.extract_strided_slice %get3A_118 {offsets = [3], sizes = [1], strides = [1]} : vector<16xi32> to vector<1xi32>
      %squeeze3A_168 = vector.extract %slice3A_167[0] : i32 from vector<1xi32>
      %mul3A_169 = arith.constant 16 : i32
      %mul3A_170 = arith.muli %scan3A_112, %mul3A_169 : i32
      %add3A_171 = arith.constant 3 : i32
      %add3A_172 = arith.addi %mul3A_170, %add3A_171 : i32
      %dma_start3A_173 = arith.constant 1 : i32
      %dma_start3A_174 = arith.constant 0 : i32
      %dma_start3A_175 = tpu.memref_slice %arg6[%dma_start3A_173, %add3A_172, %dma_start3A_174] : memref<2x128x32xf32, #tpu.memory_space<vmem>> -> memref<1x1x32xf32, #tpu.memory_space<vmem>>
      %dma_start3A_176 = tpu.memref_squeeze %dma_start3A_175 : memref<1x1x32xf32, #tpu.memory_space<vmem>> -> memref<1x32xf32, #tpu.memory_space<vmem>>
      %dma_start3A_177 = arith.constant 0 : i32
      %dma_start3A_178 = tpu.memref_slice %arg3[%squeeze3A_168, %dma_start3A_177] : memref<1000000x32xf32, #tpu.memory_space<hbm>> -> memref<1x32xf32, #tpu.memory_space<hbm>>
      %dma_start3A_179 = arith.constant 0 : i32
      %dma_start3A_180 = tpu.memref_slice %arg6[%dma_start3A_173, %add3A_172, %dma_start3A_179] : memref<2x128x32xf32, #tpu.memory_space<vmem>> -> memref<1x1x32xf32, #tpu.memory_space<vmem>>
      %dma_start3A_181 = tpu.memref_squeeze %dma_start3A_180 : memref<1x1x32xf32, #tpu.memory_space<vmem>> -> memref<1x32xf32, #tpu.memory_space<vmem>>
      %dma_start3A_182 = arith.constant 0 : i32
      %dma_start3A_183 = tpu.memref_slice %arg3[%squeeze3A_168, %dma_start3A_182] : memref<1000000x32xf32, #tpu.memory_space<hbm>> -> memref<1x32xf32, #tpu.memory_space<hbm>>
      tpu.enqueue_dma source(%dma_start3A_183 : memref<1x32xf32, #tpu.memory_space<hbm>>) target(%dma_start3A_181 : memref<1x32xf32, #tpu.memory_space<vmem>>) target_semaphore(%arg8 : memref<!tpu.dma_semaphore, #tpu.memory_space<semaphore_mem>>)
      %slice3A_184 = vector.extract_strided_slice %get3A_118 {offsets = [4], sizes = [1], strides = [1]} : vector<16xi32> to vector<1xi32>
      %squeeze3A_185 = vector.extract %slice3A_184[0] : i32 from vector<1xi32>
      %mul3A_186 = arith.constant 16 : i32
      %mul3A_187 = arith.muli %scan3A_112, %mul3A_186 : i32
      %add3A_188 = arith.constant 4 : i32
      %add3A_189 = arith.addi %mul3A_187, %add3A_188 : i32
      %dma_start3A_190 = arith.constant 1 : i32
      %dma_start3A_191 = arith.constant 0 : i32
      %dma_start3A_192 = tpu.memref_slice %arg6[%dma_start3A_190, %add3A_189, %dma_start3A_191] : memref<2x128x32xf32, #tpu.memory_space<vmem>> -> memref<1x1x32xf32, #tpu.memory_space<vmem>>
      %dma_start3A_193 = tpu.memref_squeeze %dma_start3A_192 : memref<1x1x32xf32, #tpu.memory_space<vmem>> -> memref<1x32xf32, #tpu.memory_space<vmem>>
      %dma_start3A_194 = arith.constant 0 : i32
      %dma_start3A_195 = tpu.memref_slice %arg3[%squeeze3A_185, %dma_start3A_194] : memref<1000000x32xf32, #tpu.memory_space<hbm>> -> memref<1x32xf32, #tpu.memory_space<hbm>>
      %dma_start3A_196 = arith.constant 0 : i32
      %dma_start3A_197 = tpu.memref_slice %arg6[%dma_start3A_190, %add3A_189, %dma_start3A_196] : memref<2x128x32xf32, #tpu.memory_space<vmem>> -> memref<1x1x32xf32, #tpu.memory_space<vmem>>
      %dma_start3A_198 = tpu.memref_squeeze %dma_start3A_197 : memref<1x1x32xf32, #tpu.memory_space<vmem>> -> memref<1x32xf32, #tpu.memory_space<vmem>>
      %dma_start3A_199 = arith.constant 0 : i32
      %dma_start3A_200 = tpu.memref_slice %arg3[%squeeze3A_185, %dma_start3A_199] : memref<1000000x32xf32, #tpu.memory_space<hbm>> -> memref<1x32xf32, #tpu.memory_space<hbm>>
      tpu.enqueue_dma source(%dma_start3A_200 : memref<1x32xf32, #tpu.memory_space<hbm>>) target(%dma_start3A_198 : memref<1x32xf32, #tpu.memory_space<vmem>>) target_semaphore(%arg8 : memref<!tpu.dma_semaphore, #tpu.memory_space<semaphore_mem>>)
      %slice3A_201 = vector.extract_strided_slice %get3A_118 {offsets = [5], sizes = [1], strides = [1]} : vector<16xi32> to vector<1xi32>
      %squeeze3A_202 = vector.extract %slice3A_201[0] : i32 from vector<1xi32>
      %mul3A_203 = arith.constant 16 : i32
      %mul3A_204 = arith.muli %scan3A_112, %mul3A_203 : i32
      %add3A_205 = arith.constant 5 : i32
      %add3A_206 = arith.addi %mul3A_204, %add3A_205 : i32
      %dma_start3A_207 = arith.constant 1 : i32
      %dma_start3A_208 = arith.constant 0 : i32
      %dma_start3A_209 = tpu.memref_slice %arg6[%dma_start3A_207, %add3A_206, %dma_start3A_208] : memref<2x128x32xf32, #tpu.memory_space<vmem>> -> memref<1x1x32xf32, #tpu.memory_space<vmem>>
      %dma_start3A_210 = tpu.memref_squeeze %dma_start3A_209 : memref<1x1x32xf32, #tpu.memory_space<vmem>> -> memref<1x32xf32, #tpu.memory_space<vmem>>
      %dma_start3A_211 = arith.constant 0 : i32
      %dma_start3A_212 = tpu.memref_slice %arg3[%squeeze3A_202, %dma_start3A_211] : memref<1000000x32xf32, #tpu.memory_space<hbm>> -> memref<1x32xf32, #tpu.memory_space<hbm>>
      %dma_start3A_213 = arith.constant 0 : i32
      %dma_start3A_214 = tpu.memref_slice %arg6[%dma_start3A_207, %add3A_206, %dma_start3A_213] : memref<2x128x32xf32, #tpu.memory_space<vmem>> -> memref<1x1x32xf32, #tpu.memory_space<vmem>>
      %dma_start3A_215 = tpu.memref_squeeze %dma_start3A_214 : memref<1x1x32xf32, #tpu.memory_space<vmem>> -> memref<1x32xf32, #tpu.memory_space<vmem>>
      %dma_start3A_216 = arith.constant 0 : i32
      %dma_start3A_217 = tpu.memref_slice %arg3[%squeeze3A_202, %dma_start3A_216] : memref<1000000x32xf32, #tpu.memory_space<hbm>> -> memref<1x32xf32, #tpu.memory_space<hbm>>
      tpu.enqueue_dma source(%dma_start3A_217 : memref<1x32xf32, #tpu.memory_space<hbm>>) target(%dma_start3A_215 : memref<1x32xf32, #tpu.memory_space<vmem>>) target_semaphore(%arg8 : memref<!tpu.dma_semaphore, #tpu.memory_space<semaphore_mem>>)
      %slice3A_218 = vector.extract_strided_slice %get3A_118 {offsets = [6], sizes = [1], strides = [1]} : vector<16xi32> to vector<1xi32>
      %squeeze3A_219 = vector.extract %slice3A_218[0] : i32 from vector<1xi32>
      %mul3A_220 = arith.constant 16 : i32
      %mul3A_221 = arith.muli %scan3A_112, %mul3A_220 : i32
      %add3A_222 = arith.constant 6 : i32
      %add3A_223 = arith.addi %mul3A_221, %add3A_222 : i32
      %dma_start3A_224 = arith.constant 1 : i32
      %dma_start3A_225 = arith.constant 0 : i32
      %dma_start3A_226 = tpu.memref_slice %arg6[%dma_start3A_224, %add3A_223, %dma_start3A_225] : memref<2x128x32xf32, #tpu.memory_space<vmem>> -> memref<1x1x32xf32, #tpu.memory_space<vmem>>
      %dma_start3A_227 = tpu.memref_squeeze %dma_start3A_226 : memref<1x1x32xf32, #tpu.memory_space<vmem>> -> memref<1x32xf32, #tpu.memory_space<vmem>>
      %dma_start3A_228 = arith.constant 0 : i32
      %dma_start3A_229 = tpu.memref_slice %arg3[%squeeze3A_219, %dma_start3A_228] : memref<1000000x32xf32, #tpu.memory_space<hbm>> -> memref<1x32xf32, #tpu.memory_space<hbm>>
      %dma_start3A_230 = arith.constant 0 : i32
      %dma_start3A_231 = tpu.memref_slice %arg6[%dma_start3A_224, %add3A_223, %dma_start3A_230] : memref<2x128x32xf32, #tpu.memory_space<vmem>> -> memref<1x1x32xf32, #tpu.memory_space<vmem>>
      %dma_start3A_232 = tpu.memref_squeeze %dma_start3A_231 : memref<1x1x32xf32, #tpu.memory_space<vmem>> -> memref<1x32xf32, #tpu.memory_space<vmem>>
      %dma_start3A_233 = arith.constant 0 : i32
      %dma_start3A_234 = tpu.memref_slice %arg3[%squeeze3A_219, %dma_start3A_233] : memref<1000000x32xf32, #tpu.memory_space<hbm>> -> memref<1x32xf32, #tpu.memory_space<hbm>>
      tpu.enqueue_dma source(%dma_start3A_234 : memref<1x32xf32, #tpu.memory_space<hbm>>) target(%dma_start3A_232 : memref<1x32xf32, #tpu.memory_space<vmem>>) target_semaphore(%arg8 : memref<!tpu.dma_semaphore, #tpu.memory_space<semaphore_mem>>)
      %slice3A_235 = vector.extract_strided_slice %get3A_118 {offsets = [7], sizes = [1], strides = [1]} : vector<16xi32> to vector<1xi32>
      %squeeze3A_236 = vector.extract %slice3A_235[0] : i32 from vector<1xi32>
      %mul3A_237 = arith.constant 16 : i32
      %mul3A_238 = arith.muli %scan3A_112, %mul3A_237 : i32
      %add3A_239 = arith.constant 7 : i32
      %add3A_240 = arith.addi %mul3A_238, %add3A_239 : i32
      %dma_start3A_241 = arith.constant 1 : i32
      %dma_start3A_242 = arith.constant 0 : i32
      %dma_start3A_243 = tpu.memref_slice %arg6[%dma_start3A_241, %add3A_240, %dma_start3A_242] : memref<2x128x32xf32, #tpu.memory_space<vmem>> -> memref<1x1x32xf32, #tpu.memory_space<vmem>>
      %dma_start3A_244 = tpu.memref_squeeze %dma_start3A_243 : memref<1x1x32xf32, #tpu.memory_space<vmem>> -> memref<1x32xf32, #tpu.memory_space<vmem>>
      %dma_start3A_245 = arith.constant 0 : i32
      %dma_start3A_246 = tpu.memref_slice %arg3[%squeeze3A_236, %dma_start3A_245] : memref<1000000x32xf32, #tpu.memory_space<hbm>> -> memref<1x32xf32, #tpu.memory_space<hbm>>
      %dma_start3A_247 = arith.constant 0 : i32
      %dma_start3A_248 = tpu.memref_slice %arg6[%dma_start3A_241, %add3A_240, %dma_start3A_247] : memref<2x128x32xf32, #tpu.memory_space<vmem>> -> memref<1x1x32xf32, #tpu.memory_space<vmem>>
      %dma_start3A_249 = tpu.memref_squeeze %dma_start3A_248 : memref<1x1x32xf32, #tpu.memory_space<vmem>> -> memref<1x32xf32, #tpu.memory_space<vmem>>
      %dma_start3A_250 = arith.constant 0 : i32
      %dma_start3A_251 = tpu.memref_slice %arg3[%squeeze3A_236, %dma_start3A_250] : memref<1000000x32xf32, #tpu.memory_space<hbm>> -> memref<1x32xf32, #tpu.memory_space<hbm>>
      tpu.enqueue_dma source(%dma_start3A_251 : memref<1x32xf32, #tpu.memory_space<hbm>>) target(%dma_start3A_249 : memref<1x32xf32, #tpu.memory_space<vmem>>) target_semaphore(%arg8 : memref<!tpu.dma_semaphore, #tpu.memory_space<semaphore_mem>>)
      %slice3A_252 = vector.extract_strided_slice %get3A_118 {offsets = [8], sizes = [1], strides = [1]} : vector<16xi32> to vector<1xi32>
      %squeeze3A_253 = vector.extract %slice3A_252[0] : i32 from vector<1xi32>
      %mul3A_254 = arith.constant 16 : i32
      %mul3A_255 = arith.muli %scan3A_112, %mul3A_254 : i32
      %add3A_256 = arith.constant 8 : i32
      %add3A_257 = arith.addi %mul3A_255, %add3A_256 : i32
      %dma_start3A_258 = arith.constant 1 : i32
      %dma_start3A_259 = arith.constant 0 : i32
      %dma_start3A_260 = tpu.memref_slice %arg6[%dma_start3A_258, %add3A_257, %dma_start3A_259] : memref<2x128x32xf32, #tpu.memory_space<vmem>> -> memref<1x1x32xf32, #tpu.memory_space<vmem>>
      %dma_start3A_261 = tpu.memref_squeeze %dma_start3A_260 : memref<1x1x32xf32, #tpu.memory_space<vmem>> -> memref<1x32xf32, #tpu.memory_space<vmem>>
      %dma_start3A_262 = arith.constant 0 : i32
      %dma_start3A_263 = tpu.memref_slice %arg3[%squeeze3A_253, %dma_start3A_262] : memref<1000000x32xf32, #tpu.memory_space<hbm>> -> memref<1x32xf32, #tpu.memory_space<hbm>>
      %dma_start3A_264 = arith.constant 0 : i32
      %dma_start3A_265 = tpu.memref_slice %arg6[%dma_start3A_258, %add3A_257, %dma_start3A_264] : memref<2x128x32xf32, #tpu.memory_space<vmem>> -> memref<1x1x32xf32, #tpu.memory_space<vmem>>
      %dma_start3A_266 = tpu.memref_squeeze %dma_start3A_265 : memref<1x1x32xf32, #tpu.memory_space<vmem>> -> memref<1x32xf32, #tpu.memory_space<vmem>>
      %dma_start3A_267 = arith.constant 0 : i32
      %dma_start3A_268 = tpu.memref_slice %arg3[%squeeze3A_253, %dma_start3A_267] : memref<1000000x32xf32, #tpu.memory_space<hbm>> -> memref<1x32xf32, #tpu.memory_space<hbm>>
      tpu.enqueue_dma source(%dma_start3A_268 : memref<1x32xf32, #tpu.memory_space<hbm>>) target(%dma_start3A_266 : memref<1x32xf32, #tpu.memory_space<vmem>>) target_semaphore(%arg8 : memref<!tpu.dma_semaphore, #tpu.memory_space<semaphore_mem>>)
      %slice3A_269 = vector.extract_strided_slice %get3A_118 {offsets = [9], sizes = [1], strides = [1]} : vector<16xi32> to vector<1xi32>
      %squeeze3A_270 = vector.extract %slice3A_269[0] : i32 from vector<1xi32>
      %mul3A_271 = arith.constant 16 : i32
      %mul3A_272 = arith.muli %scan3A_112, %mul3A_271 : i32
      %add3A_273 = arith.constant 9 : i32
      %add3A_274 = arith.addi %mul3A_272, %add3A_273 : i32
      %dma_start3A_275 = arith.constant 1 : i32
      %dma_start3A_276 = arith.constant 0 : i32
      %dma_start3A_277 = tpu.memref_slice %arg6[%dma_start3A_275, %add3A_274, %dma_start3A_276] : memref<2x128x32xf32, #tpu.memory_space<vmem>> -> memref<1x1x32xf32, #tpu.memory_space<vmem>>
      %dma_start3A_278 = tpu.memref_squeeze %dma_start3A_277 : memref<1x1x32xf32, #tpu.memory_space<vmem>> -> memref<1x32xf32, #tpu.memory_space<vmem>>
      %dma_start3A_279 = arith.constant 0 : i32
      %dma_start3A_280 = tpu.memref_slice %arg3[%squeeze3A_270, %dma_start3A_279] : memref<1000000x32xf32, #tpu.memory_space<hbm>> -> memref<1x32xf32, #tpu.memory_space<hbm>>
      %dma_start3A_281 = arith.constant 0 : i32
      %dma_start3A_282 = tpu.memref_slice %arg6[%dma_start3A_275, %add3A_274, %dma_start3A_281] : memref<2x128x32xf32, #tpu.memory_space<vmem>> -> memref<1x1x32xf32, #tpu.memory_space<vmem>>
      %dma_start3A_283 = tpu.memref_squeeze %dma_start3A_282 : memref<1x1x32xf32, #tpu.memory_space<vmem>> -> memref<1x32xf32, #tpu.memory_space<vmem>>
      %dma_start3A_284 = arith.constant 0 : i32
      %dma_start3A_285 = tpu.memref_slice %arg3[%squeeze3A_270, %dma_start3A_284] : memref<1000000x32xf32, #tpu.memory_space<hbm>> -> memref<1x32xf32, #tpu.memory_space<hbm>>
      tpu.enqueue_dma source(%dma_start3A_285 : memref<1x32xf32, #tpu.memory_space<hbm>>) target(%dma_start3A_283 : memref<1x32xf32, #tpu.memory_space<vmem>>) target_semaphore(%arg8 : memref<!tpu.dma_semaphore, #tpu.memory_space<semaphore_mem>>)
      %slice3A_286 = vector.extract_strided_slice %get3A_118 {offsets = [10], sizes = [1], strides = [1]} : vector<16xi32> to vector<1xi32>
      %squeeze3A_287 = vector.extract %slice3A_286[0] : i32 from vector<1xi32>
      %mul3A_288 = arith.constant 16 : i32
      %mul3A_289 = arith.muli %scan3A_112, %mul3A_288 : i32
      %add3A_290 = arith.constant 10 : i32
      %add3A_291 = arith.addi %mul3A_289, %add3A_290 : i32
      %dma_start3A_292 = arith.constant 1 : i32
      %dma_start3A_293 = arith.constant 0 : i32
      %dma_start3A_294 = tpu.memref_slice %arg6[%dma_start3A_292, %add3A_291, %dma_start3A_293] : memref<2x128x32xf32, #tpu.memory_space<vmem>> -> memref<1x1x32xf32, #tpu.memory_space<vmem>>
      %dma_start3A_295 = tpu.memref_squeeze %dma_start3A_294 : memref<1x1x32xf32, #tpu.memory_space<vmem>> -> memref<1x32xf32, #tpu.memory_space<vmem>>
      %dma_start3A_296 = arith.constant 0 : i32
      %dma_start3A_297 = tpu.memref_slice %arg3[%squeeze3A_287, %dma_start3A_296] : memref<1000000x32xf32, #tpu.memory_space<hbm>> -> memref<1x32xf32, #tpu.memory_space<hbm>>
      %dma_start3A_298 = arith.constant 0 : i32
      %dma_start3A_299 = tpu.memref_slice %arg6[%dma_start3A_292, %add3A_291, %dma_start3A_298] : memref<2x128x32xf32, #tpu.memory_space<vmem>> -> memref<1x1x32xf32, #tpu.memory_space<vmem>>
      %dma_start3A_300 = tpu.memref_squeeze %dma_start3A_299 : memref<1x1x32xf32, #tpu.memory_space<vmem>> -> memref<1x32xf32, #tpu.memory_space<vmem>>
      %dma_start3A_301 = arith.constant 0 : i32
      %dma_start3A_302 = tpu.memref_slice %arg3[%squeeze3A_287, %dma_start3A_301] : memref<1000000x32xf32, #tpu.memory_space<hbm>> -> memref<1x32xf32, #tpu.memory_space<hbm>>
      tpu.enqueue_dma source(%dma_start3A_302 : memref<1x32xf32, #tpu.memory_space<hbm>>) target(%dma_start3A_300 : memref<1x32xf32, #tpu.memory_space<vmem>>) target_semaphore(%arg8 : memref<!tpu.dma_semaphore, #tpu.memory_space<semaphore_mem>>)
      %slice3A_303 = vector.extract_strided_slice %get3A_118 {offsets = [11], sizes = [1], strides = [1]} : vector<16xi32> to vector<1xi32>
      %squeeze3A_304 = vector.extract %slice3A_303[0] : i32 from vector<1xi32>
      %mul3A_305 = arith.constant 16 : i32
      %mul3A_306 = arith.muli %scan3A_112, %mul3A_305 : i32
      %add3A_307 = arith.constant 11 : i32
      %add3A_308 = arith.addi %mul3A_306, %add3A_307 : i32
      %dma_start3A_309 = arith.constant 1 : i32
      %dma_start3A_310 = arith.constant 0 : i32
      %dma_start3A_311 = tpu.memref_slice %arg6[%dma_start3A_309, %add3A_308, %dma_start3A_310] : memref<2x128x32xf32, #tpu.memory_space<vmem>> -> memref<1x1x32xf32, #tpu.memory_space<vmem>>
      %dma_start3A_312 = tpu.memref_squeeze %dma_start3A_311 : memref<1x1x32xf32, #tpu.memory_space<vmem>> -> memref<1x32xf32, #tpu.memory_space<vmem>>
      %dma_start3A_313 = arith.constant 0 : i32
      %dma_start3A_314 = tpu.memref_slice %arg3[%squeeze3A_304, %dma_start3A_313] : memref<1000000x32xf32, #tpu.memory_space<hbm>> -> memref<1x32xf32, #tpu.memory_space<hbm>>
      %dma_start3A_315 = arith.constant 0 : i32
      %dma_start3A_316 = tpu.memref_slice %arg6[%dma_start3A_309, %add3A_308, %dma_start3A_315] : memref<2x128x32xf32, #tpu.memory_space<vmem>> -> memref<1x1x32xf32, #tpu.memory_space<vmem>>
      %dma_start3A_317 = tpu.memref_squeeze %dma_start3A_316 : memref<1x1x32xf32, #tpu.memory_space<vmem>> -> memref<1x32xf32, #tpu.memory_space<vmem>>
      %dma_start3A_318 = arith.constant 0 : i32
      %dma_start3A_319 = tpu.memref_slice %arg3[%squeeze3A_304, %dma_start3A_318] : memref<1000000x32xf32, #tpu.memory_space<hbm>> -> memref<1x32xf32, #tpu.memory_space<hbm>>
      tpu.enqueue_dma source(%dma_start3A_319 : memref<1x32xf32, #tpu.memory_space<hbm>>) target(%dma_start3A_317 : memref<1x32xf32, #tpu.memory_space<vmem>>) target_semaphore(%arg8 : memref<!tpu.dma_semaphore, #tpu.memory_space<semaphore_mem>>)
      %slice3A_320 = vector.extract_strided_slice %get3A_118 {offsets = [12], sizes = [1], strides = [1]} : vector<16xi32> to vector<1xi32>
      %squeeze3A_321 = vector.extract %slice3A_320[0] : i32 from vector<1xi32>
      %mul3A_322 = arith.constant 16 : i32
      %mul3A_323 = arith.muli %scan3A_112, %mul3A_322 : i32
      %add3A_324 = arith.constant 12 : i32
      %add3A_325 = arith.addi %mul3A_323, %add3A_324 : i32
      %dma_start3A_326 = arith.constant 1 : i32
      %dma_start3A_327 = arith.constant 0 : i32
      %dma_start3A_328 = tpu.memref_slice %arg6[%dma_start3A_326, %add3A_325, %dma_start3A_327] : memref<2x128x32xf32, #tpu.memory_space<vmem>> -> memref<1x1x32xf32, #tpu.memory_space<vmem>>
      %dma_start3A_329 = tpu.memref_squeeze %dma_start3A_328 : memref<1x1x32xf32, #tpu.memory_space<vmem>> -> memref<1x32xf32, #tpu.memory_space<vmem>>
      %dma_start3A_330 = arith.constant 0 : i32
      %dma_start3A_331 = tpu.memref_slice %arg3[%squeeze3A_321, %dma_start3A_330] : memref<1000000x32xf32, #tpu.memory_space<hbm>> -> memref<1x32xf32, #tpu.memory_space<hbm>>
      %dma_start3A_332 = arith.constant 0 : i32
      %dma_start3A_333 = tpu.memref_slice %arg6[%dma_start3A_326, %add3A_325, %dma_start3A_332] : memref<2x128x32xf32, #tpu.memory_space<vmem>> -> memref<1x1x32xf32, #tpu.memory_space<vmem>>
      %dma_start3A_334 = tpu.memref_squeeze %dma_start3A_333 : memref<1x1x32xf32, #tpu.memory_space<vmem>> -> memref<1x32xf32, #tpu.memory_space<vmem>>
      %dma_start3A_335 = arith.constant 0 : i32
      %dma_start3A_336 = tpu.memref_slice %arg3[%squeeze3A_321, %dma_start3A_335] : memref<1000000x32xf32, #tpu.memory_space<hbm>> -> memref<1x32xf32, #tpu.memory_space<hbm>>
      tpu.enqueue_dma source(%dma_start3A_336 : memref<1x32xf32, #tpu.memory_space<hbm>>) target(%dma_start3A_334 : memref<1x32xf32, #tpu.memory_space<vmem>>) target_semaphore(%arg8 : memref<!tpu.dma_semaphore, #tpu.memory_space<semaphore_mem>>)
      %slice3A_337 = vector.extract_strided_slice %get3A_118 {offsets = [13], sizes = [1], strides = [1]} : vector<16xi32> to vector<1xi32>
      %squeeze3A_338 = vector.extract %slice3A_337[0] : i32 from vector<1xi32>
      %mul3A_339 = arith.constant 16 : i32
      %mul3A_340 = arith.muli %scan3A_112, %mul3A_339 : i32
      %add3A_341 = arith.constant 13 : i32
      %add3A_342 = arith.addi %mul3A_340, %add3A_341 : i32
      %dma_start3A_343 = arith.constant 1 : i32
      %dma_start3A_344 = arith.constant 0 : i32
      %dma_start3A_345 = tpu.memref_slice %arg6[%dma_start3A_343, %add3A_342, %dma_start3A_344] : memref<2x128x32xf32, #tpu.memory_space<vmem>> -> memref<1x1x32xf32, #tpu.memory_space<vmem>>
      %dma_start3A_346 = tpu.memref_squeeze %dma_start3A_345 : memref<1x1x32xf32, #tpu.memory_space<vmem>> -> memref<1x32xf32, #tpu.memory_space<vmem>>
      %dma_start3A_347 = arith.constant 0 : i32
      %dma_start3A_348 = tpu.memref_slice %arg3[%squeeze3A_338, %dma_start3A_347] : memref<1000000x32xf32, #tpu.memory_space<hbm>> -> memref<1x32xf32, #tpu.memory_space<hbm>>
      %dma_start3A_349 = arith.constant 0 : i32
      %dma_start3A_350 = tpu.memref_slice %arg6[%dma_start3A_343, %add3A_342, %dma_start3A_349] : memref<2x128x32xf32, #tpu.memory_space<vmem>> -> memref<1x1x32xf32, #tpu.memory_space<vmem>>
      %dma_start3A_351 = tpu.memref_squeeze %dma_start3A_350 : memref<1x1x32xf32, #tpu.memory_space<vmem>> -> memref<1x32xf32, #tpu.memory_space<vmem>>
      %dma_start3A_352 = arith.constant 0 : i32
      %dma_start3A_353 = tpu.memref_slice %arg3[%squeeze3A_338, %dma_start3A_352] : memref<1000000x32xf32, #tpu.memory_space<hbm>> -> memref<1x32xf32, #tpu.memory_space<hbm>>
      tpu.enqueue_dma source(%dma_start3A_353 : memref<1x32xf32, #tpu.memory_space<hbm>>) target(%dma_start3A_351 : memref<1x32xf32, #tpu.memory_space<vmem>>) target_semaphore(%arg8 : memref<!tpu.dma_semaphore, #tpu.memory_space<semaphore_mem>>)
      %slice3A_354 = vector.extract_strided_slice %get3A_118 {offsets = [14], sizes = [1], strides = [1]} : vector<16xi32> to vector<1xi32>
      %squeeze3A_355 = vector.extract %slice3A_354[0] : i32 from vector<1xi32>
      %mul3A_356 = arith.constant 16 : i32
      %mul3A_357 = arith.muli %scan3A_112, %mul3A_356 : i32
      %add3A_358 = arith.constant 14 : i32
      %add3A_359 = arith.addi %mul3A_357, %add3A_358 : i32
      %dma_start3A_360 = arith.constant 1 : i32
      %dma_start3A_361 = arith.constant 0 : i32
      %dma_start3A_362 = tpu.memref_slice %arg6[%dma_start3A_360, %add3A_359, %dma_start3A_361] : memref<2x128x32xf32, #tpu.memory_space<vmem>> -> memref<1x1x32xf32, #tpu.memory_space<vmem>>
      %dma_start3A_363 = tpu.memref_squeeze %dma_start3A_362 : memref<1x1x32xf32, #tpu.memory_space<vmem>> -> memref<1x32xf32, #tpu.memory_space<vmem>>
      %dma_start3A_364 = arith.constant 0 : i32
      %dma_start3A_365 = tpu.memref_slice %arg3[%squeeze3A_355, %dma_start3A_364] : memref<1000000x32xf32, #tpu.memory_space<hbm>> -> memref<1x32xf32, #tpu.memory_space<hbm>>
      %dma_start3A_366 = arith.constant 0 : i32
      %dma_start3A_367 = tpu.memref_slice %arg6[%dma_start3A_360, %add3A_359, %dma_start3A_366] : memref<2x128x32xf32, #tpu.memory_space<vmem>> -> memref<1x1x32xf32, #tpu.memory_space<vmem>>
      %dma_start3A_368 = tpu.memref_squeeze %dma_start3A_367 : memref<1x1x32xf32, #tpu.memory_space<vmem>> -> memref<1x32xf32, #tpu.memory_space<vmem>>
      %dma_start3A_369 = arith.constant 0 : i32
      %dma_start3A_370 = tpu.memref_slice %arg3[%squeeze3A_355, %dma_start3A_369] : memref<1000000x32xf32, #tpu.memory_space<hbm>> -> memref<1x32xf32, #tpu.memory_space<hbm>>
      tpu.enqueue_dma source(%dma_start3A_370 : memref<1x32xf32, #tpu.memory_space<hbm>>) target(%dma_start3A_368 : memref<1x32xf32, #tpu.memory_space<vmem>>) target_semaphore(%arg8 : memref<!tpu.dma_semaphore, #tpu.memory_space<semaphore_mem>>)
      %slice3A_371 = vector.extract_strided_slice %get3A_118 {offsets = [15], sizes = [1], strides = [1]} : vector<16xi32> to vector<1xi32>
      %squeeze3A_372 = vector.extract %slice3A_371[0] : i32 from vector<1xi32>
      %mul3A_373 = arith.constant 16 : i32
      %mul3A_374 = arith.muli %scan3A_112, %mul3A_373 : i32
      %add3A_375 = arith.constant 15 : i32
      %add3A_376 = arith.addi %mul3A_374, %add3A_375 : i32
      %dma_start3A_377 = arith.constant 1 : i32
      %dma_start3A_378 = arith.constant 0 : i32
      %dma_start3A_379 = tpu.memref_slice %arg6[%dma_start3A_377, %add3A_376, %dma_start3A_378] : memref<2x128x32xf32, #tpu.memory_space<vmem>> -> memref<1x1x32xf32, #tpu.memory_space<vmem>>
      %dma_start3A_380 = tpu.memref_squeeze %dma_start3A_379 : memref<1x1x32xf32, #tpu.memory_space<vmem>> -> memref<1x32xf32, #tpu.memory_space<vmem>>
      %dma_start3A_381 = arith.constant 0 : i32
      %dma_start3A_382 = tpu.memref_slice %arg3[%squeeze3A_372, %dma_start3A_381] : memref<1000000x32xf32, #tpu.memory_space<hbm>> -> memref<1x32xf32, #tpu.memory_space<hbm>>
      %dma_start3A_383 = arith.constant 0 : i32
      %dma_start3A_384 = tpu.memref_slice %arg6[%dma_start3A_377, %add3A_376, %dma_start3A_383] : memref<2x128x32xf32, #tpu.memory_space<vmem>> -> memref<1x1x32xf32, #tpu.memory_space<vmem>>
      %dma_start3A_385 = tpu.memref_squeeze %dma_start3A_384 : memref<1x1x32xf32, #tpu.memory_space<vmem>> -> memref<1x32xf32, #tpu.memory_space<vmem>>
      %dma_start3A_386 = arith.constant 0 : i32
      %dma_start3A_387 = tpu.memref_slice %arg3[%squeeze3A_372, %dma_start3A_386] : memref<1000000x32xf32, #tpu.memory_space<hbm>> -> memref<1x32xf32, #tpu.memory_space<hbm>>
      tpu.enqueue_dma source(%dma_start3A_387 : memref<1x32xf32, #tpu.memory_space<hbm>>) target(%dma_start3A_385 : memref<1x32xf32, #tpu.memory_space<vmem>>) target_semaphore(%arg8 : memref<!tpu.dma_semaphore, #tpu.memory_space<semaphore_mem>>)
    }
    %scan3A_13 = arith.constant 8 : i32
    %mul3A_14 = arith.constant 4 : i32
    %mul3A_15 = arith.muli %add3A, %mul3A_14 : i32
    %add3A_16 = arith.constant 0 : i32
    %add3A_17 = arith.addi %mul3A_15, %add3A_16 : i32
    %dma_wait3A = arith.constant 0 : i32
    %dma_wait3A_18 = arith.constant 0 : i32
    %dma_wait3A_19 = arith.constant 0 : i32
    %dma_wait3A_20 = tpu.memref_slice %arg6[%dma_wait3A, %dma_wait3A_18, %dma_wait3A_19] : memref<2x128x32xf32, #tpu.memory_space<vmem>> -> memref<1x128x32xf32, #tpu.memory_space<vmem>>
    %dma_wait3A_21 = tpu.memref_squeeze %dma_wait3A_20 : memref<1x128x32xf32, #tpu.memory_space<vmem>> -> memref<128x32xf32, #tpu.memory_space<vmem>>
    %dma_wait3A_22 = arith.constant 0 : i32
    %dma_wait3A_23 = arith.constant 0 : i32
    %dma_wait3A_24 = tpu.memref_slice %arg4[%add3A_17, %dma_wait3A_22, %dma_wait3A_23] : memref<128x128x32xf32, #tpu.memory_space<hbm>> -> memref<1x128x32xf32, #tpu.memory_space<hbm>>
    %dma_wait3A_25 = tpu.memref_squeeze %dma_wait3A_24 : memref<1x128x32xf32, #tpu.memory_space<hbm>> -> memref<128x32xf32, #tpu.memory_space<hbm>>
    %dma_wait3A_26 = arith.constant 0 : i32
    %dma_wait3A_27 = arith.constant 0 : i32
    %dma_wait3A_28 = tpu.memref_slice %arg6[%dma_wait3A, %dma_wait3A_26, %dma_wait3A_27] : memref<2x128x32xf32, #tpu.memory_space<vmem>> -> memref<1x128x32xf32, #tpu.memory_space<vmem>>
    %dma_wait3A_29 = tpu.memref_squeeze %dma_wait3A_28 : memref<1x128x32xf32, #tpu.memory_space<vmem>> -> memref<128x32xf32, #tpu.memory_space<vmem>>
    %dma_wait3A_30 = arith.constant 0 : i32
    %dma_wait3A_31 = arith.constant 0 : i32
    %dma_wait3A_32 = tpu.memref_slice %arg4[%add3A_17, %dma_wait3A_30, %dma_wait3A_31] : memref<128x128x32xf32, #tpu.memory_space<hbm>> -> memref<1x128x32xf32, #tpu.memory_space<hbm>>
    %dma_wait3A_33 = tpu.memref_squeeze %dma_wait3A_32 : memref<1x128x32xf32, #tpu.memory_space<hbm>> -> memref<128x32xf32, #tpu.memory_space<hbm>>
    tpu.wait_dma2 semaphore(%arg7 : memref<!tpu.dma_semaphore, #tpu.memory_space<semaphore_mem>>) src(%dma_wait3A_33 : memref<128x32xf32, #tpu.memory_space<hbm>>) dst(%dma_wait3A_29 : memref<128x32xf32, #tpu.memory_space<vmem>>)
    %run_scoped3A = arith.constant 0 : i32
    "tpu.region"() ({
      %run_scoped3A_112 = tpu.sem_alloc : memref<!tpu.dma_semaphore, #tpu.memory_space<semaphore_mem>>
      %dma_start3A = arith.constant 0 : i32
      %dma_start3A_113 = arith.constant 0 : i32
      %dma_start3A_114 = tpu.memref_slice %arg6[%run_scoped3A, %dma_start3A, %dma_start3A_113] : memref<2x128x32xf32, #tpu.memory_space<vmem>> -> memref<1x128x32xf32, #tpu.memory_space<vmem>>
      %dma_start3A_115 = tpu.memref_squeeze %dma_start3A_114 : memref<1x128x32xf32, #tpu.memory_space<vmem>> -> memref<128x32xf32, #tpu.memory_space<vmem>>
      %dma_start3A_116 = arith.constant 0 : i32
      %dma_start3A_117 = arith.constant 0 : i32
      %dma_start3A_118 = tpu.memref_slice %arg4[%add3A_17, %dma_start3A_116, %dma_start3A_117] : memref<128x128x32xf32, #tpu.memory_space<hbm>> -> memref<1x128x32xf32, #tpu.memory_space<hbm>>
      %dma_start3A_119 = tpu.memref_squeeze %dma_start3A_118 : memref<1x128x32xf32, #tpu.memory_space<hbm>> -> memref<128x32xf32, #tpu.memory_space<hbm>>
      %dma_start3A_120 = arith.constant 0 : i32
      %dma_start3A_121 = arith.constant 0 : i32
      %dma_start3A_122 = tpu.memref_slice %arg4[%add3A_17, %dma_start3A_120, %dma_start3A_121] : memref<128x128x32xf32, #tpu.memory_space<hbm>> -> memref<1x128x32xf32, #tpu.memory_space<hbm>>
      %dma_start3A_123 = tpu.memref_squeeze %dma_start3A_122 : memref<1x128x32xf32, #tpu.memory_space<hbm>> -> memref<128x32xf32, #tpu.memory_space<hbm>>
      %dma_start3A_124 = arith.constant 0 : i32
      %dma_start3A_125 = arith.constant 0 : i32
      %dma_start3A_126 = tpu.memref_slice %arg6[%run_scoped3A, %dma_start3A_124, %dma_start3A_125] : memref<2x128x32xf32, #tpu.memory_space<vmem>> -> memref<1x128x32xf32, #tpu.memory_space<vmem>>
      %dma_start3A_127 = tpu.memref_squeeze %dma_start3A_126 : memref<1x128x32xf32, #tpu.memory_space<vmem>> -> memref<128x32xf32, #tpu.memory_space<vmem>>
      tpu.enqueue_dma source(%dma_start3A_127 : memref<128x32xf32, #tpu.memory_space<vmem>>) target(%dma_start3A_123 : memref<128x32xf32, #tpu.memory_space<hbm>>) target_semaphore(%run_scoped3A_112 : memref<!tpu.dma_semaphore, #tpu.memory_space<semaphore_mem>>)
      %dma_wait3A_128 = arith.constant 0 : i32
      %dma_wait3A_129 = arith.constant 0 : i32
      %dma_wait3A_130 = tpu.memref_slice %arg6[%run_scoped3A, %dma_wait3A_128, %dma_wait3A_129] : memref<2x128x32xf32, #tpu.memory_space<vmem>> -> memref<1x128x32xf32, #tpu.memory_space<vmem>>
      %dma_wait3A_131 = tpu.memref_squeeze %dma_wait3A_130 : memref<1x128x32xf32, #tpu.memory_space<vmem>> -> memref<128x32xf32, #tpu.memory_space<vmem>>
      %dma_wait3A_132 = arith.constant 0 : i32
      %dma_wait3A_133 = arith.constant 0 : i32
      %dma_wait3A_134 = tpu.memref_slice %arg4[%add3A_17, %dma_wait3A_132, %dma_wait3A_133] : memref<128x128x32xf32, #tpu.memory_space<hbm>> -> memref<1x128x32xf32, #tpu.memory_space<hbm>>
      %dma_wait3A_135 = tpu.memref_squeeze %dma_wait3A_134 : memref<1x128x32xf32, #tpu.memory_space<hbm>> -> memref<128x32xf32, #tpu.memory_space<hbm>>
      %dma_wait3A_136 = arith.constant 0 : i32
      %dma_wait3A_137 = arith.constant 0 : i32
      %dma_wait3A_138 = tpu.memref_slice %arg4[%add3A_17, %dma_wait3A_136, %dma_wait3A_137] : memref<128x128x32xf32, #tpu.memory_space<hbm>> -> memref<1x128x32xf32, #tpu.memory_space<hbm>>
      %dma_wait3A_139 = tpu.memref_squeeze %dma_wait3A_138 : memref<1x128x32xf32, #tpu.memory_space<hbm>> -> memref<128x32xf32, #tpu.memory_space<hbm>>
      %dma_wait3A_140 = arith.constant 0 : i32
      %dma_wait3A_141 = arith.constant 0 : i32
      %dma_wait3A_142 = tpu.memref_slice %arg6[%run_scoped3A, %dma_wait3A_140, %dma_wait3A_141] : memref<2x128x32xf32, #tpu.memory_space<vmem>> -> memref<1x128x32xf32, #tpu.memory_space<vmem>>
      %dma_wait3A_143 = tpu.memref_squeeze %dma_wait3A_142 : memref<1x128x32xf32, #tpu.memory_space<vmem>> -> memref<128x32xf32, #tpu.memory_space<vmem>>
      tpu.wait_dma2 semaphore(%run_scoped3A_112 : memref<!tpu.dma_semaphore, #tpu.memory_space<semaphore_mem>>) src(%dma_wait3A_143 : memref<128x32xf32, #tpu.memory_space<vmem>>) dst(%dma_wait3A_139 : memref<128x32xf32, #tpu.memory_space<hbm>>)
      tpu.yield
    }) : () -> ()
    %scan3A_34 = arith.constant 0 : i32
    %scan3A_35 = arith.constant 0 : i32
    %scan3A_36 = arith.constant 8 : i32
    %scan3A_37 = arith.addi %scan3A_35, %scan3A_36 : i32
    %scan3A_38 = arith.constant 1 : i32
    scf.for %scan3A_112 = %scan3A_35 to %scan3A_37 step %scan3A_38  : i32 {
      %mul3A_113 = arith.constant 16 : i32
      %mul3A_114 = arith.muli %scan3A_112, %mul3A_113 : i32
      %add3A_115 = arith.constant 256 : i32
      %add3A_116 = arith.addi %add3A_115, %mul3A_114 : i32
      %multiple_of3A = tpu.assume_multiple %add3A_116, 16 : i32
      %get3A = arith.index_cast %multiple_of3A : i32 to index
      %get3A_117 = tpu.vector_load %arg5[%get3A] {strides = array<i32>} : memref<512xi32, #tpu.memory_space<vmem>>, vector<16xi32>,
      %get3A_118 = vector.shape_cast %get3A_117 : vector<16xi32> to vector<16xi32>
      %slice3A = vector.extract_strided_slice %get3A_118 {offsets = [0], sizes = [1], strides = [1]} : vector<16xi32> to vector<1xi32>
      %squeeze3A = vector.extract %slice3A[0] : i32 from vector<1xi32>
      %mul3A_119 = arith.constant 16 : i32
      %mul3A_120 = arith.muli %scan3A_112, %mul3A_119 : i32
      %add3A_121 = arith.constant 0 : i32
      %add3A_122 = arith.addi %mul3A_120, %add3A_121 : i32
      %dma_start3A = arith.constant 0 : i32
      %dma_start3A_123 = arith.constant 0 : i32
      %dma_start3A_124 = tpu.memref_slice %arg6[%dma_start3A, %add3A_122, %dma_start3A_123] : memref<2x128x32xf32, #tpu.memory_space<vmem>> -> memref<1x1x32xf32, #tpu.memory_space<vmem>>
      %dma_start3A_125 = tpu.memref_squeeze %dma_start3A_124 : memref<1x1x32xf32, #tpu.memory_space<vmem>> -> memref<1x32xf32, #tpu.memory_space<vmem>>
      %dma_start3A_126 = arith.constant 0 : i32
      %dma_start3A_127 = tpu.memref_slice %arg3[%squeeze3A, %dma_start3A_126] : memref<1000000x32xf32, #tpu.memory_space<hbm>> -> memref<1x32xf32, #tpu.memory_space<hbm>>
      %dma_start3A_128 = arith.constant 0 : i32
      %dma_start3A_129 = tpu.memref_slice %arg6[%dma_start3A, %add3A_122, %dma_start3A_128] : memref<2x128x32xf32, #tpu.memory_space<vmem>> -> memref<1x1x32xf32, #tpu.memory_space<vmem>>
      %dma_start3A_130 = tpu.memref_squeeze %dma_start3A_129 : memref<1x1x32xf32, #tpu.memory_space<vmem>> -> memref<1x32xf32, #tpu.memory_space<vmem>>
      %dma_start3A_131 = arith.constant 0 : i32
      %dma_start3A_132 = tpu.memref_slice %arg3[%squeeze3A, %dma_start3A_131] : memref<1000000x32xf32, #tpu.memory_space<hbm>> -> memref<1x32xf32, #tpu.memory_space<hbm>>
      tpu.enqueue_dma source(%dma_start3A_132 : memref<1x32xf32, #tpu.memory_space<hbm>>) target(%dma_start3A_130 : memref<1x32xf32, #tpu.memory_space<vmem>>) target_semaphore(%arg7 : memref<!tpu.dma_semaphore, #tpu.memory_space<semaphore_mem>>)
      %slice3A_133 = vector.extract_strided_slice %get3A_118 {offsets = [1], sizes = [1], strides = [1]} : vector<16xi32> to vector<1xi32>
      %squeeze3A_134 = vector.extract %slice3A_133[0] : i32 from vector<1xi32>
      %mul3A_135 = arith.constant 16 : i32
      %mul3A_136 = arith.muli %scan3A_112, %mul3A_135 : i32
      %add3A_137 = arith.constant 1 : i32
      %add3A_138 = arith.addi %mul3A_136, %add3A_137 : i32
      %dma_start3A_139 = arith.constant 0 : i32
      %dma_start3A_140 = arith.constant 0 : i32
      %dma_start3A_141 = tpu.memref_slice %arg6[%dma_start3A_139, %add3A_138, %dma_start3A_140] : memref<2x128x32xf32, #tpu.memory_space<vmem>> -> memref<1x1x32xf32, #tpu.memory_space<vmem>>
      %dma_start3A_142 = tpu.memref_squeeze %dma_start3A_141 : memref<1x1x32xf32, #tpu.memory_space<vmem>> -> memref<1x32xf32, #tpu.memory_space<vmem>>
      %dma_start3A_143 = arith.constant 0 : i32
      %dma_start3A_144 = tpu.memref_slice %arg3[%squeeze3A_134, %dma_start3A_143] : memref<1000000x32xf32, #tpu.memory_space<hbm>> -> memref<1x32xf32, #tpu.memory_space<hbm>>
      %dma_start3A_145 = arith.constant 0 : i32
      %dma_start3A_146 = tpu.memref_slice %arg6[%dma_start3A_139, %add3A_138, %dma_start3A_145] : memref<2x128x32xf32, #tpu.memory_space<vmem>> -> memref<1x1x32xf32, #tpu.memory_space<vmem>>
      %dma_start3A_147 = tpu.memref_squeeze %dma_start3A_146 : memref<1x1x32xf32, #tpu.memory_space<vmem>> -> memref<1x32xf32, #tpu.memory_space<vmem>>
      %dma_start3A_148 = arith.constant 0 : i32
      %dma_start3A_149 = tpu.memref_slice %arg3[%squeeze3A_134, %dma_start3A_148] : memref<1000000x32xf32, #tpu.memory_space<hbm>> -> memref<1x32xf32, #tpu.memory_space<hbm>>
      tpu.enqueue_dma source(%dma_start3A_149 : memref<1x32xf32, #tpu.memory_space<hbm>>) target(%dma_start3A_147 : memref<1x32xf32, #tpu.memory_space<vmem>>) target_semaphore(%arg7 : memref<!tpu.dma_semaphore, #tpu.memory_space<semaphore_mem>>)
      %slice3A_150 = vector.extract_strided_slice %get3A_118 {offsets = [2], sizes = [1], strides = [1]} : vector<16xi32> to vector<1xi32>
      %squeeze3A_151 = vector.extract %slice3A_150[0] : i32 from vector<1xi32>
      %mul3A_152 = arith.constant 16 : i32
      %mul3A_153 = arith.muli %scan3A_112, %mul3A_152 : i32
      %add3A_154 = arith.constant 2 : i32
      %add3A_155 = arith.addi %mul3A_153, %add3A_154 : i32
      %dma_start3A_156 = arith.constant 0 : i32
      %dma_start3A_157 = arith.constant 0 : i32
      %dma_start3A_158 = tpu.memref_slice %arg6[%dma_start3A_156, %add3A_155, %dma_start3A_157] : memref<2x128x32xf32, #tpu.memory_space<vmem>> -> memref<1x1x32xf32, #tpu.memory_space<vmem>>
      %dma_start3A_159 = tpu.memref_squeeze %dma_start3A_158 : memref<1x1x32xf32, #tpu.memory_space<vmem>> -> memref<1x32xf32, #tpu.memory_space<vmem>>
      %dma_start3A_160 = arith.constant 0 : i32
      %dma_start3A_161 = tpu.memref_slice %arg3[%squeeze3A_151, %dma_start3A_160] : memref<1000000x32xf32, #tpu.memory_space<hbm>> -> memref<1x32xf32, #tpu.memory_space<hbm>>
      %dma_start3A_162 = arith.constant 0 : i32
      %dma_start3A_163 = tpu.memref_slice %arg6[%dma_start3A_156, %add3A_155, %dma_start3A_162] : memref<2x128x32xf32, #tpu.memory_space<vmem>> -> memref<1x1x32xf32, #tpu.memory_space<vmem>>
      %dma_start3A_164 = tpu.memref_squeeze %dma_start3A_163 : memref<1x1x32xf32, #tpu.memory_space<vmem>> -> memref<1x32xf32, #tpu.memory_space<vmem>>
      %dma_start3A_165 = arith.constant 0 : i32
      %dma_start3A_166 = tpu.memref_slice %arg3[%squeeze3A_151, %dma_start3A_165] : memref<1000000x32xf32, #tpu.memory_space<hbm>> -> memref<1x32xf32, #tpu.memory_space<hbm>>
      tpu.enqueue_dma source(%dma_start3A_166 : memref<1x32xf32, #tpu.memory_space<hbm>>) target(%dma_start3A_164 : memref<1x32xf32, #tpu.memory_space<vmem>>) target_semaphore(%arg7 : memref<!tpu.dma_semaphore, #tpu.memory_space<semaphore_mem>>)
      %slice3A_167 = vector.extract_strided_slice %get3A_118 {offsets = [3], sizes = [1], strides = [1]} : vector<16xi32> to vector<1xi32>
      %squeeze3A_168 = vector.extract %slice3A_167[0] : i32 from vector<1xi32>
      %mul3A_169 = arith.constant 16 : i32
      %mul3A_170 = arith.muli %scan3A_112, %mul3A_169 : i32
      %add3A_171 = arith.constant 3 : i32
      %add3A_172 = arith.addi %mul3A_170, %add3A_171 : i32
      %dma_start3A_173 = arith.constant 0 : i32
      %dma_start3A_174 = arith.constant 0 : i32
      %dma_start3A_175 = tpu.memref_slice %arg6[%dma_start3A_173, %add3A_172, %dma_start3A_174] : memref<2x128x32xf32, #tpu.memory_space<vmem>> -> memref<1x1x32xf32, #tpu.memory_space<vmem>>
      %dma_start3A_176 = tpu.memref_squeeze %dma_start3A_175 : memref<1x1x32xf32, #tpu.memory_space<vmem>> -> memref<1x32xf32, #tpu.memory_space<vmem>>
      %dma_start3A_177 = arith.constant 0 : i32
      %dma_start3A_178 = tpu.memref_slice %arg3[%squeeze3A_168, %dma_start3A_177] : memref<1000000x32xf32, #tpu.memory_space<hbm>> -> memref<1x32xf32, #tpu.memory_space<hbm>>
      %dma_start3A_179 = arith.constant 0 : i32
      %dma_start3A_180 = tpu.memref_slice %arg6[%dma_start3A_173, %add3A_172, %dma_start3A_179] : memref<2x128x32xf32, #tpu.memory_space<vmem>> -> memref<1x1x32xf32, #tpu.memory_space<vmem>>
      %dma_start3A_181 = tpu.memref_squeeze %dma_start3A_180 : memref<1x1x32xf32, #tpu.memory_space<vmem>> -> memref<1x32xf32, #tpu.memory_space<vmem>>
      %dma_start3A_182 = arith.constant 0 : i32
      %dma_start3A_183 = tpu.memref_slice %arg3[%squeeze3A_168, %dma_start3A_182] : memref<1000000x32xf32, #tpu.memory_space<hbm>> -> memref<1x32xf32, #tpu.memory_space<hbm>>
      tpu.enqueue_dma source(%dma_start3A_183 : memref<1x32xf32, #tpu.memory_space<hbm>>) target(%dma_start3A_181 : memref<1x32xf32, #tpu.memory_space<vmem>>) target_semaphore(%arg7 : memref<!tpu.dma_semaphore, #tpu.memory_space<semaphore_mem>>)
      %slice3A_184 = vector.extract_strided_slice %get3A_118 {offsets = [4], sizes = [1], strides = [1]} : vector<16xi32> to vector<1xi32>
      %squeeze3A_185 = vector.extract %slice3A_184[0] : i32 from vector<1xi32>
      %mul3A_186 = arith.constant 16 : i32
      %mul3A_187 = arith.muli %scan3A_112, %mul3A_186 : i32
      %add3A_188 = arith.constant 4 : i32
      %add3A_189 = arith.addi %mul3A_187, %add3A_188 : i32
      %dma_start3A_190 = arith.constant 0 : i32
      %dma_start3A_191 = arith.constant 0 : i32
      %dma_start3A_192 = tpu.memref_slice %arg6[%dma_start3A_190, %add3A_189, %dma_start3A_191] : memref<2x128x32xf32, #tpu.memory_space<vmem>> -> memref<1x1x32xf32, #tpu.memory_space<vmem>>
      %dma_start3A_193 = tpu.memref_squeeze %dma_start3A_192 : memref<1x1x32xf32, #tpu.memory_space<vmem>> -> memref<1x32xf32, #tpu.memory_space<vmem>>
      %dma_start3A_194 = arith.constant 0 : i32
      %dma_start3A_195 = tpu.memref_slice %arg3[%squeeze3A_185, %dma_start3A_194] : memref<1000000x32xf32, #tpu.memory_space<hbm>> -> memref<1x32xf32, #tpu.memory_space<hbm>>
      %dma_start3A_196 = arith.constant 0 : i32
      %dma_start3A_197 = tpu.memref_slice %arg6[%dma_start3A_190, %add3A_189, %dma_start3A_196] : memref<2x128x32xf32, #tpu.memory_space<vmem>> -> memref<1x1x32xf32, #tpu.memory_space<vmem>>
      %dma_start3A_198 = tpu.memref_squeeze %dma_start3A_197 : memref<1x1x32xf32, #tpu.memory_space<vmem>> -> memref<1x32xf32, #tpu.memory_space<vmem>>
      %dma_start3A_199 = arith.constant 0 : i32
      %dma_start3A_200 = tpu.memref_slice %arg3[%squeeze3A_185, %dma_start3A_199] : memref<1000000x32xf32, #tpu.memory_space<hbm>> -> memref<1x32xf32, #tpu.memory_space<hbm>>
      tpu.enqueue_dma source(%dma_start3A_200 : memref<1x32xf32, #tpu.memory_space<hbm>>) target(%dma_start3A_198 : memref<1x32xf32, #tpu.memory_space<vmem>>) target_semaphore(%arg7 : memref<!tpu.dma_semaphore, #tpu.memory_space<semaphore_mem>>)
      %slice3A_201 = vector.extract_strided_slice %get3A_118 {offsets = [5], sizes = [1], strides = [1]} : vector<16xi32> to vector<1xi32>
      %squeeze3A_202 = vector.extract %slice3A_201[0] : i32 from vector<1xi32>
      %mul3A_203 = arith.constant 16 : i32
      %mul3A_204 = arith.muli %scan3A_112, %mul3A_203 : i32
      %add3A_205 = arith.constant 5 : i32
      %add3A_206 = arith.addi %mul3A_204, %add3A_205 : i32
      %dma_start3A_207 = arith.constant 0 : i32
      %dma_start3A_208 = arith.constant 0 : i32
      %dma_start3A_209 = tpu.memref_slice %arg6[%dma_start3A_207, %add3A_206, %dma_start3A_208] : memref<2x128x32xf32, #tpu.memory_space<vmem>> -> memref<1x1x32xf32, #tpu.memory_space<vmem>>
      %dma_start3A_210 = tpu.memref_squeeze %dma_start3A_209 : memref<1x1x32xf32, #tpu.memory_space<vmem>> -> memref<1x32xf32, #tpu.memory_space<vmem>>
      %dma_start3A_211 = arith.constant 0 : i32
      %dma_start3A_212 = tpu.memref_slice %arg3[%squeeze3A_202, %dma_start3A_211] : memref<1000000x32xf32, #tpu.memory_space<hbm>> -> memref<1x32xf32, #tpu.memory_space<hbm>>
      %dma_start3A_213 = arith.constant 0 : i32
      %dma_start3A_214 = tpu.memref_slice %arg6[%dma_start3A_207, %add3A_206, %dma_start3A_213] : memref<2x128x32xf32, #tpu.memory_space<vmem>> -> memref<1x1x32xf32, #tpu.memory_space<vmem>>
      %dma_start3A_215 = tpu.memref_squeeze %dma_start3A_214 : memref<1x1x32xf32, #tpu.memory_space<vmem>> -> memref<1x32xf32, #tpu.memory_space<vmem>>
      %dma_start3A_216 = arith.constant 0 : i32
      %dma_start3A_217 = tpu.memref_slice %arg3[%squeeze3A_202, %dma_start3A_216] : memref<1000000x32xf32, #tpu.memory_space<hbm>> -> memref<1x32xf32, #tpu.memory_space<hbm>>
      tpu.enqueue_dma source(%dma_start3A_217 : memref<1x32xf32, #tpu.memory_space<hbm>>) target(%dma_start3A_215 : memref<1x32xf32, #tpu.memory_space<vmem>>) target_semaphore(%arg7 : memref<!tpu.dma_semaphore, #tpu.memory_space<semaphore_mem>>)
      %slice3A_218 = vector.extract_strided_slice %get3A_118 {offsets = [6], sizes = [1], strides = [1]} : vector<16xi32> to vector<1xi32>
      %squeeze3A_219 = vector.extract %slice3A_218[0] : i32 from vector<1xi32>
      %mul3A_220 = arith.constant 16 : i32
      %mul3A_221 = arith.muli %scan3A_112, %mul3A_220 : i32
      %add3A_222 = arith.constant 6 : i32
      %add3A_223 = arith.addi %mul3A_221, %add3A_222 : i32
      %dma_start3A_224 = arith.constant 0 : i32
      %dma_start3A_225 = arith.constant 0 : i32
      %dma_start3A_226 = tpu.memref_slice %arg6[%dma_start3A_224, %add3A_223, %dma_start3A_225] : memref<2x128x32xf32, #tpu.memory_space<vmem>> -> memref<1x1x32xf32, #tpu.memory_space<vmem>>
      %dma_start3A_227 = tpu.memref_squeeze %dma_start3A_226 : memref<1x1x32xf32, #tpu.memory_space<vmem>> -> memref<1x32xf32, #tpu.memory_space<vmem>>
      %dma_start3A_228 = arith.constant 0 : i32
      %dma_start3A_229 = tpu.memref_slice %arg3[%squeeze3A_219, %dma_start3A_228] : memref<1000000x32xf32, #tpu.memory_space<hbm>> -> memref<1x32xf32, #tpu.memory_space<hbm>>
      %dma_start3A_230 = arith.constant 0 : i32
      %dma_start3A_231 = tpu.memref_slice %arg6[%dma_start3A_224, %add3A_223, %dma_start3A_230] : memref<2x128x32xf32, #tpu.memory_space<vmem>> -> memref<1x1x32xf32, #tpu.memory_space<vmem>>
      %dma_start3A_232 = tpu.memref_squeeze %dma_start3A_231 : memref<1x1x32xf32, #tpu.memory_space<vmem>> -> memref<1x32xf32, #tpu.memory_space<vmem>>
      %dma_start3A_233 = arith.constant 0 : i32
      %dma_start3A_234 = tpu.memref_slice %arg3[%squeeze3A_219, %dma_start3A_233] : memref<1000000x32xf32, #tpu.memory_space<hbm>> -> memref<1x32xf32, #tpu.memory_space<hbm>>
      tpu.enqueue_dma source(%dma_start3A_234 : memref<1x32xf32, #tpu.memory_space<hbm>>) target(%dma_start3A_232 : memref<1x32xf32, #tpu.memory_space<vmem>>) target_semaphore(%arg7 : memref<!tpu.dma_semaphore, #tpu.memory_space<semaphore_mem>>)
      %slice3A_235 = vector.extract_strided_slice %get3A_118 {offsets = [7], sizes = [1], strides = [1]} : vector<16xi32> to vector<1xi32>
      %squeeze3A_236 = vector.extract %slice3A_235[0] : i32 from vector<1xi32>
      %mul3A_237 = arith.constant 16 : i32
      %mul3A_238 = arith.muli %scan3A_112, %mul3A_237 : i32
      %add3A_239 = arith.constant 7 : i32
      %add3A_240 = arith.addi %mul3A_238, %add3A_239 : i32
      %dma_start3A_241 = arith.constant 0 : i32
      %dma_start3A_242 = arith.constant 0 : i32
      %dma_start3A_243 = tpu.memref_slice %arg6[%dma_start3A_241, %add3A_240, %dma_start3A_242] : memref<2x128x32xf32, #tpu.memory_space<vmem>> -> memref<1x1x32xf32, #tpu.memory_space<vmem>>
      %dma_start3A_244 = tpu.memref_squeeze %dma_start3A_243 : memref<1x1x32xf32, #tpu.memory_space<vmem>> -> memref<1x32xf32, #tpu.memory_space<vmem>>
      %dma_start3A_245 = arith.constant 0 : i32
      %dma_start3A_246 = tpu.memref_slice %arg3[%squeeze3A_236, %dma_start3A_245] : memref<1000000x32xf32, #tpu.memory_space<hbm>> -> memref<1x32xf32, #tpu.memory_space<hbm>>
      %dma_start3A_247 = arith.constant 0 : i32
      %dma_start3A_248 = tpu.memref_slice %arg6[%dma_start3A_241, %add3A_240, %dma_start3A_247] : memref<2x128x32xf32, #tpu.memory_space<vmem>> -> memref<1x1x32xf32, #tpu.memory_space<vmem>>
      %dma_start3A_249 = tpu.memref_squeeze %dma_start3A_248 : memref<1x1x32xf32, #tpu.memory_space<vmem>> -> memref<1x32xf32, #tpu.memory_space<vmem>>
      %dma_start3A_250 = arith.constant 0 : i32
      %dma_start3A_251 = tpu.memref_slice %arg3[%squeeze3A_236, %dma_start3A_250] : memref<1000000x32xf32, #tpu.memory_space<hbm>> -> memref<1x32xf32, #tpu.memory_space<hbm>>
      tpu.enqueue_dma source(%dma_start3A_251 : memref<1x32xf32, #tpu.memory_space<hbm>>) target(%dma_start3A_249 : memref<1x32xf32, #tpu.memory_space<vmem>>) target_semaphore(%arg7 : memref<!tpu.dma_semaphore, #tpu.memory_space<semaphore_mem>>)
      %slice3A_252 = vector.extract_strided_slice %get3A_118 {offsets = [8], sizes = [1], strides = [1]} : vector<16xi32> to vector<1xi32>
      %squeeze3A_253 = vector.extract %slice3A_252[0] : i32 from vector<1xi32>
      %mul3A_254 = arith.constant 16 : i32
      %mul3A_255 = arith.muli %scan3A_112, %mul3A_254 : i32
      %add3A_256 = arith.constant 8 : i32
      %add3A_257 = arith.addi %mul3A_255, %add3A_256 : i32
      %dma_start3A_258 = arith.constant 0 : i32
      %dma_start3A_259 = arith.constant 0 : i32
      %dma_start3A_260 = tpu.memref_slice %arg6[%dma_start3A_258, %add3A_257, %dma_start3A_259] : memref<2x128x32xf32, #tpu.memory_space<vmem>> -> memref<1x1x32xf32, #tpu.memory_space<vmem>>
      %dma_start3A_261 = tpu.memref_squeeze %dma_start3A_260 : memref<1x1x32xf32, #tpu.memory_space<vmem>> -> memref<1x32xf32, #tpu.memory_space<vmem>>
      %dma_start3A_262 = arith.constant 0 : i32
      %dma_start3A_263 = tpu.memref_slice %arg3[%squeeze3A_253, %dma_start3A_262] : memref<1000000x32xf32, #tpu.memory_space<hbm>> -> memref<1x32xf32, #tpu.memory_space<hbm>>
      %dma_start3A_264 = arith.constant 0 : i32
      %dma_start3A_265 = tpu.memref_slice %arg6[%dma_start3A_258, %add3A_257, %dma_start3A_264] : memref<2x128x32xf32, #tpu.memory_space<vmem>> -> memref<1x1x32xf32, #tpu.memory_space<vmem>>
      %dma_start3A_266 = tpu.memref_squeeze %dma_start3A_265 : memref<1x1x32xf32, #tpu.memory_space<vmem>> -> memref<1x32xf32, #tpu.memory_space<vmem>>
      %dma_start3A_267 = arith.constant 0 : i32
      %dma_start3A_268 = tpu.memref_slice %arg3[%squeeze3A_253, %dma_start3A_267] : memref<1000000x32xf32, #tpu.memory_space<hbm>> -> memref<1x32xf32, #tpu.memory_space<hbm>>
      tpu.enqueue_dma source(%dma_start3A_268 : memref<1x32xf32, #tpu.memory_space<hbm>>) target(%dma_start3A_266 : memref<1x32xf32, #tpu.memory_space<vmem>>) target_semaphore(%arg7 : memref<!tpu.dma_semaphore, #tpu.memory_space<semaphore_mem>>)
      %slice3A_269 = vector.extract_strided_slice %get3A_118 {offsets = [9], sizes = [1], strides = [1]} : vector<16xi32> to vector<1xi32>
      %squeeze3A_270 = vector.extract %slice3A_269[0] : i32 from vector<1xi32>
      %mul3A_271 = arith.constant 16 : i32
      %mul3A_272 = arith.muli %scan3A_112, %mul3A_271 : i32
      %add3A_273 = arith.constant 9 : i32
      %add3A_274 = arith.addi %mul3A_272, %add3A_273 : i32
      %dma_start3A_275 = arith.constant 0 : i32
      %dma_start3A_276 = arith.constant 0 : i32
      %dma_start3A_277 = tpu.memref_slice %arg6[%dma_start3A_275, %add3A_274, %dma_start3A_276] : memref<2x128x32xf32, #tpu.memory_space<vmem>> -> memref<1x1x32xf32, #tpu.memory_space<vmem>>
      %dma_start3A_278 = tpu.memref_squeeze %dma_start3A_277 : memref<1x1x32xf32, #tpu.memory_space<vmem>> -> memref<1x32xf32, #tpu.memory_space<vmem>>
      %dma_start3A_279 = arith.constant 0 : i32
      %dma_start3A_280 = tpu.memref_slice %arg3[%squeeze3A_270, %dma_start3A_279] : memref<1000000x32xf32, #tpu.memory_space<hbm>> -> memref<1x32xf32, #tpu.memory_space<hbm>>
      %dma_start3A_281 = arith.constant 0 : i32
      %dma_start3A_282 = tpu.memref_slice %arg6[%dma_start3A_275, %add3A_274, %dma_start3A_281] : memref<2x128x32xf32, #tpu.memory_space<vmem>> -> memref<1x1x32xf32, #tpu.memory_space<vmem>>
      %dma_start3A_283 = tpu.memref_squeeze %dma_start3A_282 : memref<1x1x32xf32, #tpu.memory_space<vmem>> -> memref<1x32xf32, #tpu.memory_space<vmem>>
      %dma_start3A_284 = arith.constant 0 : i32
      %dma_start3A_285 = tpu.memref_slice %arg3[%squeeze3A_270, %dma_start3A_284] : memref<1000000x32xf32, #tpu.memory_space<hbm>> -> memref<1x32xf32, #tpu.memory_space<hbm>>
      tpu.enqueue_dma source(%dma_start3A_285 : memref<1x32xf32, #tpu.memory_space<hbm>>) target(%dma_start3A_283 : memref<1x32xf32, #tpu.memory_space<vmem>>) target_semaphore(%arg7 : memref<!tpu.dma_semaphore, #tpu.memory_space<semaphore_mem>>)
      %slice3A_286 = vector.extract_strided_slice %get3A_118 {offsets = [10], sizes = [1], strides = [1]} : vector<16xi32> to vector<1xi32>
      %squeeze3A_287 = vector.extract %slice3A_286[0] : i32 from vector<1xi32>
      %mul3A_288 = arith.constant 16 : i32
      %mul3A_289 = arith.muli %scan3A_112, %mul3A_288 : i32
      %add3A_290 = arith.constant 10 : i32
      %add3A_291 = arith.addi %mul3A_289, %add3A_290 : i32
      %dma_start3A_292 = arith.constant 0 : i32
      %dma_start3A_293 = arith.constant 0 : i32
      %dma_start3A_294 = tpu.memref_slice %arg6[%dma_start3A_292, %add3A_291, %dma_start3A_293] : memref<2x128x32xf32, #tpu.memory_space<vmem>> -> memref<1x1x32xf32, #tpu.memory_space<vmem>>
      %dma_start3A_295 = tpu.memref_squeeze %dma_start3A_294 : memref<1x1x32xf32, #tpu.memory_space<vmem>> -> memref<1x32xf32, #tpu.memory_space<vmem>>
      %dma_start3A_296 = arith.constant 0 : i32
      %dma_start3A_297 = tpu.memref_slice %arg3[%squeeze3A_287, %dma_start3A_296] : memref<1000000x32xf32, #tpu.memory_space<hbm>> -> memref<1x32xf32, #tpu.memory_space<hbm>>
      %dma_start3A_298 = arith.constant 0 : i32
      %dma_start3A_299 = tpu.memref_slice %arg6[%dma_start3A_292, %add3A_291, %dma_start3A_298] : memref<2x128x32xf32, #tpu.memory_space<vmem>> -> memref<1x1x32xf32, #tpu.memory_space<vmem>>
      %dma_start3A_300 = tpu.memref_squeeze %dma_start3A_299 : memref<1x1x32xf32, #tpu.memory_space<vmem>> -> memref<1x32xf32, #tpu.memory_space<vmem>>
      %dma_start3A_301 = arith.constant 0 : i32
      %dma_start3A_302 = tpu.memref_slice %arg3[%squeeze3A_287, %dma_start3A_301] : memref<1000000x32xf32, #tpu.memory_space<hbm>> -> memref<1x32xf32, #tpu.memory_space<hbm>>
      tpu.enqueue_dma source(%dma_start3A_302 : memref<1x32xf32, #tpu.memory_space<hbm>>) target(%dma_start3A_300 : memref<1x32xf32, #tpu.memory_space<vmem>>) target_semaphore(%arg7 : memref<!tpu.dma_semaphore, #tpu.memory_space<semaphore_mem>>)
      %slice3A_303 = vector.extract_strided_slice %get3A_118 {offsets = [11], sizes = [1], strides = [1]} : vector<16xi32> to vector<1xi32>
      %squeeze3A_304 = vector.extract %slice3A_303[0] : i32 from vector<1xi32>
      %mul3A_305 = arith.constant 16 : i32
      %mul3A_306 = arith.muli %scan3A_112, %mul3A_305 : i32
      %add3A_307 = arith.constant 11 : i32
      %add3A_308 = arith.addi %mul3A_306, %add3A_307 : i32
      %dma_start3A_309 = arith.constant 0 : i32
      %dma_start3A_310 = arith.constant 0 : i32
      %dma_start3A_311 = tpu.memref_slice %arg6[%dma_start3A_309, %add3A_308, %dma_start3A_310] : memref<2x128x32xf32, #tpu.memory_space<vmem>> -> memref<1x1x32xf32, #tpu.memory_space<vmem>>
      %dma_start3A_312 = tpu.memref_squeeze %dma_start3A_311 : memref<1x1x32xf32, #tpu.memory_space<vmem>> -> memref<1x32xf32, #tpu.memory_space<vmem>>
      %dma_start3A_313 = arith.constant 0 : i32
      %dma_start3A_314 = tpu.memref_slice %arg3[%squeeze3A_304, %dma_start3A_313] : memref<1000000x32xf32, #tpu.memory_space<hbm>> -> memref<1x32xf32, #tpu.memory_space<hbm>>
      %dma_start3A_315 = arith.constant 0 : i32
      %dma_start3A_316 = tpu.memref_slice %arg6[%dma_start3A_309, %add3A_308, %dma_start3A_315] : memref<2x128x32xf32, #tpu.memory_space<vmem>> -> memref<1x1x32xf32, #tpu.memory_space<vmem>>
      %dma_start3A_317 = tpu.memref_squeeze %dma_start3A_316 : memref<1x1x32xf32, #tpu.memory_space<vmem>> -> memref<1x32xf32, #tpu.memory_space<vmem>>
      %dma_start3A_318 = arith.constant 0 : i32
      %dma_start3A_319 = tpu.memref_slice %arg3[%squeeze3A_304, %dma_start3A_318] : memref<1000000x32xf32, #tpu.memory_space<hbm>> -> memref<1x32xf32, #tpu.memory_space<hbm>>
      tpu.enqueue_dma source(%dma_start3A_319 : memref<1x32xf32, #tpu.memory_space<hbm>>) target(%dma_start3A_317 : memref<1x32xf32, #tpu.memory_space<vmem>>) target_semaphore(%arg7 : memref<!tpu.dma_semaphore, #tpu.memory_space<semaphore_mem>>)
      %slice3A_320 = vector.extract_strided_slice %get3A_118 {offsets = [12], sizes = [1], strides = [1]} : vector<16xi32> to vector<1xi32>
      %squeeze3A_321 = vector.extract %slice3A_320[0] : i32 from vector<1xi32>
      %mul3A_322 = arith.constant 16 : i32
      %mul3A_323 = arith.muli %scan3A_112, %mul3A_322 : i32
      %add3A_324 = arith.constant 12 : i32
      %add3A_325 = arith.addi %mul3A_323, %add3A_324 : i32
      %dma_start3A_326 = arith.constant 0 : i32
      %dma_start3A_327 = arith.constant 0 : i32
      %dma_start3A_328 = tpu.memref_slice %arg6[%dma_start3A_326, %add3A_325, %dma_start3A_327] : memref<2x128x32xf32, #tpu.memory_space<vmem>> -> memref<1x1x32xf32, #tpu.memory_space<vmem>>
      %dma_start3A_329 = tpu.memref_squeeze %dma_start3A_328 : memref<1x1x32xf32, #tpu.memory_space<vmem>> -> memref<1x32xf32, #tpu.memory_space<vmem>>
      %dma_start3A_330 = arith.constant 0 : i32
      %dma_start3A_331 = tpu.memref_slice %arg3[%squeeze3A_321, %dma_start3A_330] : memref<1000000x32xf32, #tpu.memory_space<hbm>> -> memref<1x32xf32, #tpu.memory_space<hbm>>
      %dma_start3A_332 = arith.constant 0 : i32
      %dma_start3A_333 = tpu.memref_slice %arg6[%dma_start3A_326, %add3A_325, %dma_start3A_332] : memref<2x128x32xf32, #tpu.memory_space<vmem>> -> memref<1x1x32xf32, #tpu.memory_space<vmem>>
      %dma_start3A_334 = tpu.memref_squeeze %dma_start3A_333 : memref<1x1x32xf32, #tpu.memory_space<vmem>> -> memref<1x32xf32, #tpu.memory_space<vmem>>
      %dma_start3A_335 = arith.constant 0 : i32
      %dma_start3A_336 = tpu.memref_slice %arg3[%squeeze3A_321, %dma_start3A_335] : memref<1000000x32xf32, #tpu.memory_space<hbm>> -> memref<1x32xf32, #tpu.memory_space<hbm>>
      tpu.enqueue_dma source(%dma_start3A_336 : memref<1x32xf32, #tpu.memory_space<hbm>>) target(%dma_start3A_334 : memref<1x32xf32, #tpu.memory_space<vmem>>) target_semaphore(%arg7 : memref<!tpu.dma_semaphore, #tpu.memory_space<semaphore_mem>>)
      %slice3A_337 = vector.extract_strided_slice %get3A_118 {offsets = [13], sizes = [1], strides = [1]} : vector<16xi32> to vector<1xi32>
      %squeeze3A_338 = vector.extract %slice3A_337[0] : i32 from vector<1xi32>
      %mul3A_339 = arith.constant 16 : i32
      %mul3A_340 = arith.muli %scan3A_112, %mul3A_339 : i32
      %add3A_341 = arith.constant 13 : i32
      %add3A_342 = arith.addi %mul3A_340, %add3A_341 : i32
      %dma_start3A_343 = arith.constant 0 : i32
      %dma_start3A_344 = arith.constant 0 : i32
      %dma_start3A_345 = tpu.memref_slice %arg6[%dma_start3A_343, %add3A_342, %dma_start3A_344] : memref<2x128x32xf32, #tpu.memory_space<vmem>> -> memref<1x1x32xf32, #tpu.memory_space<vmem>>
      %dma_start3A_346 = tpu.memref_squeeze %dma_start3A_345 : memref<1x1x32xf32, #tpu.memory_space<vmem>> -> memref<1x32xf32, #tpu.memory_space<vmem>>
      %dma_start3A_347 = arith.constant 0 : i32
      %dma_start3A_348 = tpu.memref_slice %arg3[%squeeze3A_338, %dma_start3A_347] : memref<1000000x32xf32, #tpu.memory_space<hbm>> -> memref<1x32xf32, #tpu.memory_space<hbm>>
      %dma_start3A_349 = arith.constant 0 : i32
      %dma_start3A_350 = tpu.memref_slice %arg6[%dma_start3A_343, %add3A_342, %dma_start3A_349] : memref<2x128x32xf32, #tpu.memory_space<vmem>> -> memref<1x1x32xf32, #tpu.memory_space<vmem>>
      %dma_start3A_351 = tpu.memref_squeeze %dma_start3A_350 : memref<1x1x32xf32, #tpu.memory_space<vmem>> -> memref<1x32xf32, #tpu.memory_space<vmem>>
      %dma_start3A_352 = arith.constant 0 : i32
      %dma_start3A_353 = tpu.memref_slice %arg3[%squeeze3A_338, %dma_start3A_352] : memref<1000000x32xf32, #tpu.memory_space<hbm>> -> memref<1x32xf32, #tpu.memory_space<hbm>>
      tpu.enqueue_dma source(%dma_start3A_353 : memref<1x32xf32, #tpu.memory_space<hbm>>) target(%dma_start3A_351 : memref<1x32xf32, #tpu.memory_space<vmem>>) target_semaphore(%arg7 : memref<!tpu.dma_semaphore, #tpu.memory_space<semaphore_mem>>)
      %slice3A_354 = vector.extract_strided_slice %get3A_118 {offsets = [14], sizes = [1], strides = [1]} : vector<16xi32> to vector<1xi32>
      %squeeze3A_355 = vector.extract %slice3A_354[0] : i32 from vector<1xi32>
      %mul3A_356 = arith.constant 16 : i32
      %mul3A_357 = arith.muli %scan3A_112, %mul3A_356 : i32
      %add3A_358 = arith.constant 14 : i32
      %add3A_359 = arith.addi %mul3A_357, %add3A_358 : i32
      %dma_start3A_360 = arith.constant 0 : i32
      %dma_start3A_361 = arith.constant 0 : i32
      %dma_start3A_362 = tpu.memref_slice %arg6[%dma_start3A_360, %add3A_359, %dma_start3A_361] : memref<2x128x32xf32, #tpu.memory_space<vmem>> -> memref<1x1x32xf32, #tpu.memory_space<vmem>>
      %dma_start3A_363 = tpu.memref_squeeze %dma_start3A_362 : memref<1x1x32xf32, #tpu.memory_space<vmem>> -> memref<1x32xf32, #tpu.memory_space<vmem>>
      %dma_start3A_364 = arith.constant 0 : i32
      %dma_start3A_365 = tpu.memref_slice %arg3[%squeeze3A_355, %dma_start3A_364] : memref<1000000x32xf32, #tpu.memory_space<hbm>> -> memref<1x32xf32, #tpu.memory_space<hbm>>
      %dma_start3A_366 = arith.constant 0 : i32
      %dma_start3A_367 = tpu.memref_slice %arg6[%dma_start3A_360, %add3A_359, %dma_start3A_366] : memref<2x128x32xf32, #tpu.memory_space<vmem>> -> memref<1x1x32xf32, #tpu.memory_space<vmem>>
      %dma_start3A_368 = tpu.memref_squeeze %dma_start3A_367 : memref<1x1x32xf32, #tpu.memory_space<vmem>> -> memref<1x32xf32, #tpu.memory_space<vmem>>
      %dma_start3A_369 = arith.constant 0 : i32
      %dma_start3A_370 = tpu.memref_slice %arg3[%squeeze3A_355, %dma_start3A_369] : memref<1000000x32xf32, #tpu.memory_space<hbm>> -> memref<1x32xf32, #tpu.memory_space<hbm>>
      tpu.enqueue_dma source(%dma_start3A_370 : memref<1x32xf32, #tpu.memory_space<hbm>>) target(%dma_start3A_368 : memref<1x32xf32, #tpu.memory_space<vmem>>) target_semaphore(%arg7 : memref<!tpu.dma_semaphore, #tpu.memory_space<semaphore_mem>>)
      %slice3A_371 = vector.extract_strided_slice %get3A_118 {offsets = [15], sizes = [1], strides = [1]} : vector<16xi32> to vector<1xi32>
      %squeeze3A_372 = vector.extract %slice3A_371[0] : i32 from vector<1xi32>
      %mul3A_373 = arith.constant 16 : i32
      %mul3A_374 = arith.muli %scan3A_112, %mul3A_373 : i32
      %add3A_375 = arith.constant 15 : i32
      %add3A_376 = arith.addi %mul3A_374, %add3A_375 : i32
      %dma_start3A_377 = arith.constant 0 : i32
      %dma_start3A_378 = arith.constant 0 : i32
      %dma_start3A_379 = tpu.memref_slice %arg6[%dma_start3A_377, %add3A_376, %dma_start3A_378] : memref<2x128x32xf32, #tpu.memory_space<vmem>> -> memref<1x1x32xf32, #tpu.memory_space<vmem>>
      %dma_start3A_380 = tpu.memref_squeeze %dma_start3A_379 : memref<1x1x32xf32, #tpu.memory_space<vmem>> -> memref<1x32xf32, #tpu.memory_space<vmem>>
      %dma_start3A_381 = arith.constant 0 : i32
      %dma_start3A_382 = tpu.memref_slice %arg3[%squeeze3A_372, %dma_start3A_381] : memref<1000000x32xf32, #tpu.memory_space<hbm>> -> memref<1x32xf32, #tpu.memory_space<hbm>>
      %dma_start3A_383 = arith.constant 0 : i32
      %dma_start3A_384 = tpu.memref_slice %arg6[%dma_start3A_377, %add3A_376, %dma_start3A_383] : memref<2x128x32xf32, #tpu.memory_space<vmem>> -> memref<1x1x32xf32, #tpu.memory_space<vmem>>
      %dma_start3A_385 = tpu.memref_squeeze %dma_start3A_384 : memref<1x1x32xf32, #tpu.memory_space<vmem>> -> memref<1x32xf32, #tpu.memory_space<vmem>>
      %dma_start3A_386 = arith.constant 0 : i32
      %dma_start3A_387 = tpu.memref_slice %arg3[%squeeze3A_372, %dma_start3A_386] : memref<1000000x32xf32, #tpu.memory_space<hbm>> -> memref<1x32xf32, #tpu.memory_space<hbm>>
      tpu.enqueue_dma source(%dma_start3A_387 : memref<1x32xf32, #tpu.memory_space<hbm>>) target(%dma_start3A_385 : memref<1x32xf32, #tpu.memory_space<vmem>>) target_semaphore(%arg7 : memref<!tpu.dma_semaphore, #tpu.memory_space<semaphore_mem>>)
    }
    %scan3A_39 = arith.constant 8 : i32
    %mul3A_40 = arith.constant 4 : i32
    %mul3A_41 = arith.muli %add3A, %mul3A_40 : i32
    %add3A_42 = arith.constant 1 : i32
    %add3A_43 = arith.addi %mul3A_41, %add3A_42 : i32
    %dma_wait3A_44 = arith.constant 1 : i32
    %dma_wait3A_45 = arith.constant 0 : i32
    %dma_wait3A_46 = arith.constant 0 : i32
    %dma_wait3A_47 = tpu.memref_slice %arg6[%dma_wait3A_44, %dma_wait3A_45, %dma_wait3A_46] : memref<2x128x32xf32, #tpu.memory_space<vmem>> -> memref<1x128x32xf32, #tpu.memory_space<vmem>>
    %dma_wait3A_48 = tpu.memref_squeeze %dma_wait3A_47 : memref<1x128x32xf32, #tpu.memory_space<vmem>> -> memref<128x32xf32, #tpu.memory_space<vmem>>
    %dma_wait3A_49 = arith.constant 0 : i32
    %dma_wait3A_50 = arith.constant 0 : i32
    %dma_wait3A_51 = tpu.memref_slice %arg4[%add3A_43, %dma_wait3A_49, %dma_wait3A_50] : memref<128x128x32xf32, #tpu.memory_space<hbm>> -> memref<1x128x32xf32, #tpu.memory_space<hbm>>
    %dma_wait3A_52 = tpu.memref_squeeze %dma_wait3A_51 : memref<1x128x32xf32, #tpu.memory_space<hbm>> -> memref<128x32xf32, #tpu.memory_space<hbm>>
    %dma_wait3A_53 = arith.constant 0 : i32
    %dma_wait3A_54 = arith.constant 0 : i32
    %dma_wait3A_55 = tpu.memref_slice %arg6[%dma_wait3A_44, %dma_wait3A_53, %dma_wait3A_54] : memref<2x128x32xf32, #tpu.memory_space<vmem>> -> memref<1x128x32xf32, #tpu.memory_space<vmem>>
    %dma_wait3A_56 = tpu.memref_squeeze %dma_wait3A_55 : memref<1x128x32xf32, #tpu.memory_space<vmem>> -> memref<128x32xf32, #tpu.memory_space<vmem>>
    %dma_wait3A_57 = arith.constant 0 : i32
    %dma_wait3A_58 = arith.constant 0 : i32
    %dma_wait3A_59 = tpu.memref_slice %arg4[%add3A_43, %dma_wait3A_57, %dma_wait3A_58] : memref<128x128x32xf32, #tpu.memory_space<hbm>> -> memref<1x128x32xf32, #tpu.memory_space<hbm>>
    %dma_wait3A_60 = tpu.memref_squeeze %dma_wait3A_59 : memref<1x128x32xf32, #tpu.memory_space<hbm>> -> memref<128x32xf32, #tpu.memory_space<hbm>>
    tpu.wait_dma2 semaphore(%arg8 : memref<!tpu.dma_semaphore, #tpu.memory_space<semaphore_mem>>) src(%dma_wait3A_60 : memref<128x32xf32, #tpu.memory_space<hbm>>) dst(%dma_wait3A_56 : memref<128x32xf32, #tpu.memory_space<vmem>>)
    %run_scoped3A_61 = arith.constant 1 : i32
    "tpu.region"() ({
      %run_scoped3A_112 = tpu.sem_alloc : memref<!tpu.dma_semaphore, #tpu.memory_space<semaphore_mem>>
      %dma_start3A = arith.constant 0 : i32
      %dma_start3A_113 = arith.constant 0 : i32
      %dma_start3A_114 = tpu.memref_slice %arg6[%run_scoped3A_61, %dma_start3A, %dma_start3A_113] : memref<2x128x32xf32, #tpu.memory_space<vmem>> -> memref<1x128x32xf32, #tpu.memory_space<vmem>>
      %dma_start3A_115 = tpu.memref_squeeze %dma_start3A_114 : memref<1x128x32xf32, #tpu.memory_space<vmem>> -> memref<128x32xf32, #tpu.memory_space<vmem>>
      %dma_start3A_116 = arith.constant 0 : i32
      %dma_start3A_117 = arith.constant 0 : i32
      %dma_start3A_118 = tpu.memref_slice %arg4[%add3A_43, %dma_start3A_116, %dma_start3A_117] : memref<128x128x32xf32, #tpu.memory_space<hbm>> -> memref<1x128x32xf32, #tpu.memory_space<hbm>>
      %dma_start3A_119 = tpu.memref_squeeze %dma_start3A_118 : memref<1x128x32xf32, #tpu.memory_space<hbm>> -> memref<128x32xf32, #tpu.memory_space<hbm>>
      %dma_start3A_120 = arith.constant 0 : i32
      %dma_start3A_121 = arith.constant 0 : i32
      %dma_start3A_122 = tpu.memref_slice %arg4[%add3A_43, %dma_start3A_120, %dma_start3A_121] : memref<128x128x32xf32, #tpu.memory_space<hbm>> -> memref<1x128x32xf32, #tpu.memory_space<hbm>>
      %dma_start3A_123 = tpu.memref_squeeze %dma_start3A_122 : memref<1x128x32xf32, #tpu.memory_space<hbm>> -> memref<128x32xf32, #tpu.memory_space<hbm>>
      %dma_start3A_124 = arith.constant 0 : i32
      %dma_start3A_125 = arith.constant 0 : i32
      %dma_start3A_126 = tpu.memref_slice %arg6[%run_scoped3A_61, %dma_start3A_124, %dma_start3A_125] : memref<2x128x32xf32, #tpu.memory_space<vmem>> -> memref<1x128x32xf32, #tpu.memory_space<vmem>>
      %dma_start3A_127 = tpu.memref_squeeze %dma_start3A_126 : memref<1x128x32xf32, #tpu.memory_space<vmem>> -> memref<128x32xf32, #tpu.memory_space<vmem>>
      tpu.enqueue_dma source(%dma_start3A_127 : memref<128x32xf32, #tpu.memory_space<vmem>>) target(%dma_start3A_123 : memref<128x32xf32, #tpu.memory_space<hbm>>) target_semaphore(%run_scoped3A_112 : memref<!tpu.dma_semaphore, #tpu.memory_space<semaphore_mem>>)
      %dma_wait3A_128 = arith.constant 0 : i32
      %dma_wait3A_129 = arith.constant 0 : i32
      %dma_wait3A_130 = tpu.memref_slice %arg6[%run_scoped3A_61, %dma_wait3A_128, %dma_wait3A_129] : memref<2x128x32xf32, #tpu.memory_space<vmem>> -> memref<1x128x32xf32, #tpu.memory_space<vmem>>
      %dma_wait3A_131 = tpu.memref_squeeze %dma_wait3A_130 : memref<1x128x32xf32, #tpu.memory_space<vmem>> -> memref<128x32xf32, #tpu.memory_space<vmem>>
      %dma_wait3A_132 = arith.constant 0 : i32
      %dma_wait3A_133 = arith.constant 0 : i32
      %dma_wait3A_134 = tpu.memref_slice %arg4[%add3A_43, %dma_wait3A_132, %dma_wait3A_133] : memref<128x128x32xf32, #tpu.memory_space<hbm>> -> memref<1x128x32xf32, #tpu.memory_space<hbm>>
      %dma_wait3A_135 = tpu.memref_squeeze %dma_wait3A_134 : memref<1x128x32xf32, #tpu.memory_space<hbm>> -> memref<128x32xf32, #tpu.memory_space<hbm>>
      %dma_wait3A_136 = arith.constant 0 : i32
      %dma_wait3A_137 = arith.constant 0 : i32
      %dma_wait3A_138 = tpu.memref_slice %arg4[%add3A_43, %dma_wait3A_136, %dma_wait3A_137] : memref<128x128x32xf32, #tpu.memory_space<hbm>> -> memref<1x128x32xf32, #tpu.memory_space<hbm>>
      %dma_wait3A_139 = tpu.memref_squeeze %dma_wait3A_138 : memref<1x128x32xf32, #tpu.memory_space<hbm>> -> memref<128x32xf32, #tpu.memory_space<hbm>>
      %dma_wait3A_140 = arith.constant 0 : i32
      %dma_wait3A_141 = arith.constant 0 : i32
      %dma_wait3A_142 = tpu.memref_slice %arg6[%run_scoped3A_61, %dma_wait3A_140, %dma_wait3A_141] : memref<2x128x32xf32, #tpu.memory_space<vmem>> -> memref<1x128x32xf32, #tpu.memory_space<vmem>>
      %dma_wait3A_143 = tpu.memref_squeeze %dma_wait3A_142 : memref<1x128x32xf32, #tpu.memory_space<vmem>> -> memref<128x32xf32, #tpu.memory_space<vmem>>
      tpu.wait_dma2 semaphore(%run_scoped3A_112 : memref<!tpu.dma_semaphore, #tpu.memory_space<semaphore_mem>>) src(%dma_wait3A_143 : memref<128x32xf32, #tpu.memory_space<vmem>>) dst(%dma_wait3A_139 : memref<128x32xf32, #tpu.memory_space<hbm>>)
      tpu.yield
    }) : () -> ()
    %scan3A_62 = arith.constant 0 : i32
    %scan3A_63 = arith.constant 0 : i32
    %scan3A_64 = arith.constant 8 : i32
    %scan3A_65 = arith.addi %scan3A_63, %scan3A_64 : i32
    %scan3A_66 = arith.constant 1 : i32
    scf.for %scan3A_112 = %scan3A_63 to %scan3A_65 step %scan3A_66  : i32 {
      %mul3A_113 = arith.constant 16 : i32
      %mul3A_114 = arith.muli %scan3A_112, %mul3A_113 : i32
      %add3A_115 = arith.constant 384 : i32
      %add3A_116 = arith.addi %add3A_115, %mul3A_114 : i32
      %multiple_of3A = tpu.assume_multiple %add3A_116, 16 : i32
      %get3A = arith.index_cast %multiple_of3A : i32 to index
      %get3A_117 = tpu.vector_load %arg5[%get3A] {strides = array<i32>} : memref<512xi32, #tpu.memory_space<vmem>>, vector<16xi32>,
      %get3A_118 = vector.shape_cast %get3A_117 : vector<16xi32> to vector<16xi32>
      %slice3A = vector.extract_strided_slice %get3A_118 {offsets = [0], sizes = [1], strides = [1]} : vector<16xi32> to vector<1xi32>
      %squeeze3A = vector.extract %slice3A[0] : i32 from vector<1xi32>
      %mul3A_119 = arith.constant 16 : i32
      %mul3A_120 = arith.muli %scan3A_112, %mul3A_119 : i32
      %add3A_121 = arith.constant 0 : i32
      %add3A_122 = arith.addi %mul3A_120, %add3A_121 : i32
      %dma_start3A = arith.constant 1 : i32
      %dma_start3A_123 = arith.constant 0 : i32
      %dma_start3A_124 = tpu.memref_slice %arg6[%dma_start3A, %add3A_122, %dma_start3A_123] : memref<2x128x32xf32, #tpu.memory_space<vmem>> -> memref<1x1x32xf32, #tpu.memory_space<vmem>>
      %dma_start3A_125 = tpu.memref_squeeze %dma_start3A_124 : memref<1x1x32xf32, #tpu.memory_space<vmem>> -> memref<1x32xf32, #tpu.memory_space<vmem>>
      %dma_start3A_126 = arith.constant 0 : i32
      %dma_start3A_127 = tpu.memref_slice %arg3[%squeeze3A, %dma_start3A_126] : memref<1000000x32xf32, #tpu.memory_space<hbm>> -> memref<1x32xf32, #tpu.memory_space<hbm>>
      %dma_start3A_128 = arith.constant 0 : i32
      %dma_start3A_129 = tpu.memref_slice %arg6[%dma_start3A, %add3A_122, %dma_start3A_128] : memref<2x128x32xf32, #tpu.memory_space<vmem>> -> memref<1x1x32xf32, #tpu.memory_space<vmem>>
      %dma_start3A_130 = tpu.memref_squeeze %dma_start3A_129 : memref<1x1x32xf32, #tpu.memory_space<vmem>> -> memref<1x32xf32, #tpu.memory_space<vmem>>
      %dma_start3A_131 = arith.constant 0 : i32
      %dma_start3A_132 = tpu.memref_slice %arg3[%squeeze3A, %dma_start3A_131] : memref<1000000x32xf32, #tpu.memory_space<hbm>> -> memref<1x32xf32, #tpu.memory_space<hbm>>
      tpu.enqueue_dma source(%dma_start3A_132 : memref<1x32xf32, #tpu.memory_space<hbm>>) target(%dma_start3A_130 : memref<1x32xf32, #tpu.memory_space<vmem>>) target_semaphore(%arg8 : memref<!tpu.dma_semaphore, #tpu.memory_space<semaphore_mem>>)
      %slice3A_133 = vector.extract_strided_slice %get3A_118 {offsets = [1], sizes = [1], strides = [1]} : vector<16xi32> to vector<1xi32>
      %squeeze3A_134 = vector.extract %slice3A_133[0] : i32 from vector<1xi32>
      %mul3A_135 = arith.constant 16 : i32
      %mul3A_136 = arith.muli %scan3A_112, %mul3A_135 : i32
      %add3A_137 = arith.constant 1 : i32
      %add3A_138 = arith.addi %mul3A_136, %add3A_137 : i32
      %dma_start3A_139 = arith.constant 1 : i32
      %dma_start3A_140 = arith.constant 0 : i32
      %dma_start3A_141 = tpu.memref_slice %arg6[%dma_start3A_139, %add3A_138, %dma_start3A_140] : memref<2x128x32xf32, #tpu.memory_space<vmem>> -> memref<1x1x32xf32, #tpu.memory_space<vmem>>
      %dma_start3A_142 = tpu.memref_squeeze %dma_start3A_141 : memref<1x1x32xf32, #tpu.memory_space<vmem>> -> memref<1x32xf32, #tpu.memory_space<vmem>>
      %dma_start3A_143 = arith.constant 0 : i32
      %dma_start3A_144 = tpu.memref_slice %arg3[%squeeze3A_134, %dma_start3A_143] : memref<1000000x32xf32, #tpu.memory_space<hbm>> -> memref<1x32xf32, #tpu.memory_space<hbm>>
      %dma_start3A_145 = arith.constant 0 : i32
      %dma_start3A_146 = tpu.memref_slice %arg6[%dma_start3A_139, %add3A_138, %dma_start3A_145] : memref<2x128x32xf32, #tpu.memory_space<vmem>> -> memref<1x1x32xf32, #tpu.memory_space<vmem>>
      %dma_start3A_147 = tpu.memref_squeeze %dma_start3A_146 : memref<1x1x32xf32, #tpu.memory_space<vmem>> -> memref<1x32xf32, #tpu.memory_space<vmem>>
      %dma_start3A_148 = arith.constant 0 : i32
      %dma_start3A_149 = tpu.memref_slice %arg3[%squeeze3A_134, %dma_start3A_148] : memref<1000000x32xf32, #tpu.memory_space<hbm>> -> memref<1x32xf32, #tpu.memory_space<hbm>>
      tpu.enqueue_dma source(%dma_start3A_149 : memref<1x32xf32, #tpu.memory_space<hbm>>) target(%dma_start3A_147 : memref<1x32xf32, #tpu.memory_space<vmem>>) target_semaphore(%arg8 : memref<!tpu.dma_semaphore, #tpu.memory_space<semaphore_mem>>)
      %slice3A_150 = vector.extract_strided_slice %get3A_118 {offsets = [2], sizes = [1], strides = [1]} : vector<16xi32> to vector<1xi32>
      %squeeze3A_151 = vector.extract %slice3A_150[0] : i32 from vector<1xi32>
      %mul3A_152 = arith.constant 16 : i32
      %mul3A_153 = arith.muli %scan3A_112, %mul3A_152 : i32
      %add3A_154 = arith.constant 2 : i32
      %add3A_155 = arith.addi %mul3A_153, %add3A_154 : i32
      %dma_start3A_156 = arith.constant 1 : i32
      %dma_start3A_157 = arith.constant 0 : i32
      %dma_start3A_158 = tpu.memref_slice %arg6[%dma_start3A_156, %add3A_155, %dma_start3A_157] : memref<2x128x32xf32, #tpu.memory_space<vmem>> -> memref<1x1x32xf32, #tpu.memory_space<vmem>>
      %dma_start3A_159 = tpu.memref_squeeze %dma_start3A_158 : memref<1x1x32xf32, #tpu.memory_space<vmem>> -> memref<1x32xf32, #tpu.memory_space<vmem>>
      %dma_start3A_160 = arith.constant 0 : i32
      %dma_start3A_161 = tpu.memref_slice %arg3[%squeeze3A_151, %dma_start3A_160] : memref<1000000x32xf32, #tpu.memory_space<hbm>> -> memref<1x32xf32, #tpu.memory_space<hbm>>
      %dma_start3A_162 = arith.constant 0 : i32
      %dma_start3A_163 = tpu.memref_slice %arg6[%dma_start3A_156, %add3A_155, %dma_start3A_162] : memref<2x128x32xf32, #tpu.memory_space<vmem>> -> memref<1x1x32xf32, #tpu.memory_space<vmem>>
      %dma_start3A_164 = tpu.memref_squeeze %dma_start3A_163 : memref<1x1x32xf32, #tpu.memory_space<vmem>> -> memref<1x32xf32, #tpu.memory_space<vmem>>
      %dma_start3A_165 = arith.constant 0 : i32
      %dma_start3A_166 = tpu.memref_slice %arg3[%squeeze3A_151, %dma_start3A_165] : memref<1000000x32xf32, #tpu.memory_space<hbm>> -> memref<1x32xf32, #tpu.memory_space<hbm>>
      tpu.enqueue_dma source(%dma_start3A_166 : memref<1x32xf32, #tpu.memory_space<hbm>>) target(%dma_start3A_164 : memref<1x32xf32, #tpu.memory_space<vmem>>) target_semaphore(%arg8 : memref<!tpu.dma_semaphore, #tpu.memory_space<semaphore_mem>>)
      %slice3A_167 = vector.extract_strided_slice %get3A_118 {offsets = [3], sizes = [1], strides = [1]} : vector<16xi32> to vector<1xi32>
      %squeeze3A_168 = vector.extract %slice3A_167[0] : i32 from vector<1xi32>
      %mul3A_169 = arith.constant 16 : i32
      %mul3A_170 = arith.muli %scan3A_112, %mul3A_169 : i32
      %add3A_171 = arith.constant 3 : i32
      %add3A_172 = arith.addi %mul3A_170, %add3A_171 : i32
      %dma_start3A_173 = arith.constant 1 : i32
      %dma_start3A_174 = arith.constant 0 : i32
      %dma_start3A_175 = tpu.memref_slice %arg6[%dma_start3A_173, %add3A_172, %dma_start3A_174] : memref<2x128x32xf32, #tpu.memory_space<vmem>> -> memref<1x1x32xf32, #tpu.memory_space<vmem>>
      %dma_start3A_176 = tpu.memref_squeeze %dma_start3A_175 : memref<1x1x32xf32, #tpu.memory_space<vmem>> -> memref<1x32xf32, #tpu.memory_space<vmem>>
      %dma_start3A_177 = arith.constant 0 : i32
      %dma_start3A_178 = tpu.memref_slice %arg3[%squeeze3A_168, %dma_start3A_177] : memref<1000000x32xf32, #tpu.memory_space<hbm>> -> memref<1x32xf32, #tpu.memory_space<hbm>>
      %dma_start3A_179 = arith.constant 0 : i32
      %dma_start3A_180 = tpu.memref_slice %arg6[%dma_start3A_173, %add3A_172, %dma_start3A_179] : memref<2x128x32xf32, #tpu.memory_space<vmem>> -> memref<1x1x32xf32, #tpu.memory_space<vmem>>
      %dma_start3A_181 = tpu.memref_squeeze %dma_start3A_180 : memref<1x1x32xf32, #tpu.memory_space<vmem>> -> memref<1x32xf32, #tpu.memory_space<vmem>>
      %dma_start3A_182 = arith.constant 0 : i32
      %dma_start3A_183 = tpu.memref_slice %arg3[%squeeze3A_168, %dma_start3A_182] : memref<1000000x32xf32, #tpu.memory_space<hbm>> -> memref<1x32xf32, #tpu.memory_space<hbm>>
      tpu.enqueue_dma source(%dma_start3A_183 : memref<1x32xf32, #tpu.memory_space<hbm>>) target(%dma_start3A_181 : memref<1x32xf32, #tpu.memory_space<vmem>>) target_semaphore(%arg8 : memref<!tpu.dma_semaphore, #tpu.memory_space<semaphore_mem>>)
      %slice3A_184 = vector.extract_strided_slice %get3A_118 {offsets = [4], sizes = [1], strides = [1]} : vector<16xi32> to vector<1xi32>
      %squeeze3A_185 = vector.extract %slice3A_184[0] : i32 from vector<1xi32>
      %mul3A_186 = arith.constant 16 : i32
      %mul3A_187 = arith.muli %scan3A_112, %mul3A_186 : i32
      %add3A_188 = arith.constant 4 : i32
      %add3A_189 = arith.addi %mul3A_187, %add3A_188 : i32
      %dma_start3A_190 = arith.constant 1 : i32
      %dma_start3A_191 = arith.constant 0 : i32
      %dma_start3A_192 = tpu.memref_slice %arg6[%dma_start3A_190, %add3A_189, %dma_start3A_191] : memref<2x128x32xf32, #tpu.memory_space<vmem>> -> memref<1x1x32xf32, #tpu.memory_space<vmem>>
      %dma_start3A_193 = tpu.memref_squeeze %dma_start3A_192 : memref<1x1x32xf32, #tpu.memory_space<vmem>> -> memref<1x32xf32, #tpu.memory_space<vmem>>
      %dma_start3A_194 = arith.constant 0 : i32
      %dma_start3A_195 = tpu.memref_slice %arg3[%squeeze3A_185, %dma_start3A_194] : memref<1000000x32xf32, #tpu.memory_space<hbm>> -> memref<1x32xf32, #tpu.memory_space<hbm>>
      %dma_start3A_196 = arith.constant 0 : i32
      %dma_start3A_197 = tpu.memref_slice %arg6[%dma_start3A_190, %add3A_189, %dma_start3A_196] : memref<2x128x32xf32, #tpu.memory_space<vmem>> -> memref<1x1x32xf32, #tpu.memory_space<vmem>>
      %dma_start3A_198 = tpu.memref_squeeze %dma_start3A_197 : memref<1x1x32xf32, #tpu.memory_space<vmem>> -> memref<1x32xf32, #tpu.memory_space<vmem>>
      %dma_start3A_199 = arith.constant 0 : i32
      %dma_start3A_200 = tpu.memref_slice %arg3[%squeeze3A_185, %dma_start3A_199] : memref<1000000x32xf32, #tpu.memory_space<hbm>> -> memref<1x32xf32, #tpu.memory_space<hbm>>
      tpu.enqueue_dma source(%dma_start3A_200 : memref<1x32xf32, #tpu.memory_space<hbm>>) target(%dma_start3A_198 : memref<1x32xf32, #tpu.memory_space<vmem>>) target_semaphore(%arg8 : memref<!tpu.dma_semaphore, #tpu.memory_space<semaphore_mem>>)
      %slice3A_201 = vector.extract_strided_slice %get3A_118 {offsets = [5], sizes = [1], strides = [1]} : vector<16xi32> to vector<1xi32>
      %squeeze3A_202 = vector.extract %slice3A_201[0] : i32 from vector<1xi32>
      %mul3A_203 = arith.constant 16 : i32
      %mul3A_204 = arith.muli %scan3A_112, %mul3A_203 : i32
      %add3A_205 = arith.constant 5 : i32
      %add3A_206 = arith.addi %mul3A_204, %add3A_205 : i32
      %dma_start3A_207 = arith.constant 1 : i32
      %dma_start3A_208 = arith.constant 0 : i32
      %dma_start3A_209 = tpu.memref_slice %arg6[%dma_start3A_207, %add3A_206, %dma_start3A_208] : memref<2x128x32xf32, #tpu.memory_space<vmem>> -> memref<1x1x32xf32, #tpu.memory_space<vmem>>
      %dma_start3A_210 = tpu.memref_squeeze %dma_start3A_209 : memref<1x1x32xf32, #tpu.memory_space<vmem>> -> memref<1x32xf32, #tpu.memory_space<vmem>>
      %dma_start3A_211 = arith.constant 0 : i32
      %dma_start3A_212 = tpu.memref_slice %arg3[%squeeze3A_202, %dma_start3A_211] : memref<1000000x32xf32, #tpu.memory_space<hbm>> -> memref<1x32xf32, #tpu.memory_space<hbm>>
      %dma_start3A_213 = arith.constant 0 : i32
      %dma_start3A_214 = tpu.memref_slice %arg6[%dma_start3A_207, %add3A_206, %dma_start3A_213] : memref<2x128x32xf32, #tpu.memory_space<vmem>> -> memref<1x1x32xf32, #tpu.memory_space<vmem>>
      %dma_start3A_215 = tpu.memref_squeeze %dma_start3A_214 : memref<1x1x32xf32, #tpu.memory_space<vmem>> -> memref<1x32xf32, #tpu.memory_space<vmem>>
      %dma_start3A_216 = arith.constant 0 : i32
      %dma_start3A_217 = tpu.memref_slice %arg3[%squeeze3A_202, %dma_start3A_216] : memref<1000000x32xf32, #tpu.memory_space<hbm>> -> memref<1x32xf32, #tpu.memory_space<hbm>>
      tpu.enqueue_dma source(%dma_start3A_217 : memref<1x32xf32, #tpu.memory_space<hbm>>) target(%dma_start3A_215 : memref<1x32xf32, #tpu.memory_space<vmem>>) target_semaphore(%arg8 : memref<!tpu.dma_semaphore, #tpu.memory_space<semaphore_mem>>)
      %slice3A_218 = vector.extract_strided_slice %get3A_118 {offsets = [6], sizes = [1], strides = [1]} : vector<16xi32> to vector<1xi32>
      %squeeze3A_219 = vector.extract %slice3A_218[0] : i32 from vector<1xi32>
      %mul3A_220 = arith.constant 16 : i32
      %mul3A_221 = arith.muli %scan3A_112, %mul3A_220 : i32
      %add3A_222 = arith.constant 6 : i32
      %add3A_223 = arith.addi %mul3A_221, %add3A_222 : i32
      %dma_start3A_224 = arith.constant 1 : i32
      %dma_start3A_225 = arith.constant 0 : i32
      %dma_start3A_226 = tpu.memref_slice %arg6[%dma_start3A_224, %add3A_223, %dma_start3A_225] : memref<2x128x32xf32, #tpu.memory_space<vmem>> -> memref<1x1x32xf32, #tpu.memory_space<vmem>>
      %dma_start3A_227 = tpu.memref_squeeze %dma_start3A_226 : memref<1x1x32xf32, #tpu.memory_space<vmem>> -> memref<1x32xf32, #tpu.memory_space<vmem>>
      %dma_start3A_228 = arith.constant 0 : i32
      %dma_start3A_229 = tpu.memref_slice %arg3[%squeeze3A_219, %dma_start3A_228] : memref<1000000x32xf32, #tpu.memory_space<hbm>> -> memref<1x32xf32, #tpu.memory_space<hbm>>
      %dma_start3A_230 = arith.constant 0 : i32
      %dma_start3A_231 = tpu.memref_slice %arg6[%dma_start3A_224, %add3A_223, %dma_start3A_230] : memref<2x128x32xf32, #tpu.memory_space<vmem>> -> memref<1x1x32xf32, #tpu.memory_space<vmem>>
      %dma_start3A_232 = tpu.memref_squeeze %dma_start3A_231 : memref<1x1x32xf32, #tpu.memory_space<vmem>> -> memref<1x32xf32, #tpu.memory_space<vmem>>
      %dma_start3A_233 = arith.constant 0 : i32
      %dma_start3A_234 = tpu.memref_slice %arg3[%squeeze3A_219, %dma_start3A_233] : memref<1000000x32xf32, #tpu.memory_space<hbm>> -> memref<1x32xf32, #tpu.memory_space<hbm>>
      tpu.enqueue_dma source(%dma_start3A_234 : memref<1x32xf32, #tpu.memory_space<hbm>>) target(%dma_start3A_232 : memref<1x32xf32, #tpu.memory_space<vmem>>) target_semaphore(%arg8 : memref<!tpu.dma_semaphore, #tpu.memory_space<semaphore_mem>>)
      %slice3A_235 = vector.extract_strided_slice %get3A_118 {offsets = [7], sizes = [1], strides = [1]} : vector<16xi32> to vector<1xi32>
      %squeeze3A_236 = vector.extract %slice3A_235[0] : i32 from vector<1xi32>
      %mul3A_237 = arith.constant 16 : i32
      %mul3A_238 = arith.muli %scan3A_112, %mul3A_237 : i32
      %add3A_239 = arith.constant 7 : i32
      %add3A_240 = arith.addi %mul3A_238, %add3A_239 : i32
      %dma_start3A_241 = arith.constant 1 : i32
      %dma_start3A_242 = arith.constant 0 : i32
      %dma_start3A_243 = tpu.memref_slice %arg6[%dma_start3A_241, %add3A_240, %dma_start3A_242] : memref<2x128x32xf32, #tpu.memory_space<vmem>> -> memref<1x1x32xf32, #tpu.memory_space<vmem>>
      %dma_start3A_244 = tpu.memref_squeeze %dma_start3A_243 : memref<1x1x32xf32, #tpu.memory_space<vmem>> -> memref<1x32xf32, #tpu.memory_space<vmem>>
      %dma_start3A_245 = arith.constant 0 : i32
      %dma_start3A_246 = tpu.memref_slice %arg3[%squeeze3A_236, %dma_start3A_245] : memref<1000000x32xf32, #tpu.memory_space<hbm>> -> memref<1x32xf32, #tpu.memory_space<hbm>>
      %dma_start3A_247 = arith.constant 0 : i32
      %dma_start3A_248 = tpu.memref_slice %arg6[%dma_start3A_241, %add3A_240, %dma_start3A_247] : memref<2x128x32xf32, #tpu.memory_space<vmem>> -> memref<1x1x32xf32, #tpu.memory_space<vmem>>
      %dma_start3A_249 = tpu.memref_squeeze %dma_start3A_248 : memref<1x1x32xf32, #tpu.memory_space<vmem>> -> memref<1x32xf32, #tpu.memory_space<vmem>>
      %dma_start3A_250 = arith.constant 0 : i32
      %dma_start3A_251 = tpu.memref_slice %arg3[%squeeze3A_236, %dma_start3A_250] : memref<1000000x32xf32, #tpu.memory_space<hbm>> -> memref<1x32xf32, #tpu.memory_space<hbm>>
      tpu.enqueue_dma source(%dma_start3A_251 : memref<1x32xf32, #tpu.memory_space<hbm>>) target(%dma_start3A_249 : memref<1x32xf32, #tpu.memory_space<vmem>>) target_semaphore(%arg8 : memref<!tpu.dma_semaphore, #tpu.memory_space<semaphore_mem>>)
      %slice3A_252 = vector.extract_strided_slice %get3A_118 {offsets = [8], sizes = [1], strides = [1]} : vector<16xi32> to vector<1xi32>
      %squeeze3A_253 = vector.extract %slice3A_252[0] : i32 from vector<1xi32>
      %mul3A_254 = arith.constant 16 : i32
      %mul3A_255 = arith.muli %scan3A_112, %mul3A_254 : i32
      %add3A_256 = arith.constant 8 : i32
      %add3A_257 = arith.addi %mul3A_255, %add3A_256 : i32
      %dma_start3A_258 = arith.constant 1 : i32
      %dma_start3A_259 = arith.constant 0 : i32
      %dma_start3A_260 = tpu.memref_slice %arg6[%dma_start3A_258, %add3A_257, %dma_start3A_259] : memref<2x128x32xf32, #tpu.memory_space<vmem>> -> memref<1x1x32xf32, #tpu.memory_space<vmem>>
      %dma_start3A_261 = tpu.memref_squeeze %dma_start3A_260 : memref<1x1x32xf32, #tpu.memory_space<vmem>> -> memref<1x32xf32, #tpu.memory_space<vmem>>
      %dma_start3A_262 = arith.constant 0 : i32
      %dma_start3A_263 = tpu.memref_slice %arg3[%squeeze3A_253, %dma_start3A_262] : memref<1000000x32xf32, #tpu.memory_space<hbm>> -> memref<1x32xf32, #tpu.memory_space<hbm>>
      %dma_start3A_264 = arith.constant 0 : i32
      %dma_start3A_265 = tpu.memref_slice %arg6[%dma_start3A_258, %add3A_257, %dma_start3A_264] : memref<2x128x32xf32, #tpu.memory_space<vmem>> -> memref<1x1x32xf32, #tpu.memory_space<vmem>>
      %dma_start3A_266 = tpu.memref_squeeze %dma_start3A_265 : memref<1x1x32xf32, #tpu.memory_space<vmem>> -> memref<1x32xf32, #tpu.memory_space<vmem>>
      %dma_start3A_267 = arith.constant 0 : i32
      %dma_start3A_268 = tpu.memref_slice %arg3[%squeeze3A_253, %dma_start3A_267] : memref<1000000x32xf32, #tpu.memory_space<hbm>> -> memref<1x32xf32, #tpu.memory_space<hbm>>
      tpu.enqueue_dma source(%dma_start3A_268 : memref<1x32xf32, #tpu.memory_space<hbm>>) target(%dma_start3A_266 : memref<1x32xf32, #tpu.memory_space<vmem>>) target_semaphore(%arg8 : memref<!tpu.dma_semaphore, #tpu.memory_space<semaphore_mem>>)
      %slice3A_269 = vector.extract_strided_slice %get3A_118 {offsets = [9], sizes = [1], strides = [1]} : vector<16xi32> to vector<1xi32>
      %squeeze3A_270 = vector.extract %slice3A_269[0] : i32 from vector<1xi32>
      %mul3A_271 = arith.constant 16 : i32
      %mul3A_272 = arith.muli %scan3A_112, %mul3A_271 : i32
      %add3A_273 = arith.constant 9 : i32
      %add3A_274 = arith.addi %mul3A_272, %add3A_273 : i32
      %dma_start3A_275 = arith.constant 1 : i32
      %dma_start3A_276 = arith.constant 0 : i32
      %dma_start3A_277 = tpu.memref_slice %arg6[%dma_start3A_275, %add3A_274, %dma_start3A_276] : memref<2x128x32xf32, #tpu.memory_space<vmem>> -> memref<1x1x32xf32, #tpu.memory_space<vmem>>
      %dma_start3A_278 = tpu.memref_squeeze %dma_start3A_277 : memref<1x1x32xf32, #tpu.memory_space<vmem>> -> memref<1x32xf32, #tpu.memory_space<vmem>>
      %dma_start3A_279 = arith.constant 0 : i32
      %dma_start3A_280 = tpu.memref_slice %arg3[%squeeze3A_270, %dma_start3A_279] : memref<1000000x32xf32, #tpu.memory_space<hbm>> -> memref<1x32xf32, #tpu.memory_space<hbm>>
      %dma_start3A_281 = arith.constant 0 : i32
      %dma_start3A_282 = tpu.memref_slice %arg6[%dma_start3A_275, %add3A_274, %dma_start3A_281] : memref<2x128x32xf32, #tpu.memory_space<vmem>> -> memref<1x1x32xf32, #tpu.memory_space<vmem>>
      %dma_start3A_283 = tpu.memref_squeeze %dma_start3A_282 : memref<1x1x32xf32, #tpu.memory_space<vmem>> -> memref<1x32xf32, #tpu.memory_space<vmem>>
      %dma_start3A_284 = arith.constant 0 : i32
      %dma_start3A_285 = tpu.memref_slice %arg3[%squeeze3A_270, %dma_start3A_284] : memref<1000000x32xf32, #tpu.memory_space<hbm>> -> memref<1x32xf32, #tpu.memory_space<hbm>>
      tpu.enqueue_dma source(%dma_start3A_285 : memref<1x32xf32, #tpu.memory_space<hbm>>) target(%dma_start3A_283 : memref<1x32xf32, #tpu.memory_space<vmem>>) target_semaphore(%arg8 : memref<!tpu.dma_semaphore, #tpu.memory_space<semaphore_mem>>)
      %slice3A_286 = vector.extract_strided_slice %get3A_118 {offsets = [10], sizes = [1], strides = [1]} : vector<16xi32> to vector<1xi32>
      %squeeze3A_287 = vector.extract %slice3A_286[0] : i32 from vector<1xi32>
      %mul3A_288 = arith.constant 16 : i32
      %mul3A_289 = arith.muli %scan3A_112, %mul3A_288 : i32
      %add3A_290 = arith.constant 10 : i32
      %add3A_291 = arith.addi %mul3A_289, %add3A_290 : i32
      %dma_start3A_292 = arith.constant 1 : i32
      %dma_start3A_293 = arith.constant 0 : i32
      %dma_start3A_294 = tpu.memref_slice %arg6[%dma_start3A_292, %add3A_291, %dma_start3A_293] : memref<2x128x32xf32, #tpu.memory_space<vmem>> -> memref<1x1x32xf32, #tpu.memory_space<vmem>>
      %dma_start3A_295 = tpu.memref_squeeze %dma_start3A_294 : memref<1x1x32xf32, #tpu.memory_space<vmem>> -> memref<1x32xf32, #tpu.memory_space<vmem>>
      %dma_start3A_296 = arith.constant 0 : i32
      %dma_start3A_297 = tpu.memref_slice %arg3[%squeeze3A_287, %dma_start3A_296] : memref<1000000x32xf32, #tpu.memory_space<hbm>> -> memref<1x32xf32, #tpu.memory_space<hbm>>
      %dma_start3A_298 = arith.constant 0 : i32
      %dma_start3A_299 = tpu.memref_slice %arg6[%dma_start3A_292, %add3A_291, %dma_start3A_298] : memref<2x128x32xf32, #tpu.memory_space<vmem>> -> memref<1x1x32xf32, #tpu.memory_space<vmem>>
      %dma_start3A_300 = tpu.memref_squeeze %dma_start3A_299 : memref<1x1x32xf32, #tpu.memory_space<vmem>> -> memref<1x32xf32, #tpu.memory_space<vmem>>
      %dma_start3A_301 = arith.constant 0 : i32
      %dma_start3A_302 = tpu.memref_slice %arg3[%squeeze3A_287, %dma_start3A_301] : memref<1000000x32xf32, #tpu.memory_space<hbm>> -> memref<1x32xf32, #tpu.memory_space<hbm>>
      tpu.enqueue_dma source(%dma_start3A_302 : memref<1x32xf32, #tpu.memory_space<hbm>>) target(%dma_start3A_300 : memref<1x32xf32, #tpu.memory_space<vmem>>) target_semaphore(%arg8 : memref<!tpu.dma_semaphore, #tpu.memory_space<semaphore_mem>>)
      %slice3A_303 = vector.extract_strided_slice %get3A_118 {offsets = [11], sizes = [1], strides = [1]} : vector<16xi32> to vector<1xi32>
      %squeeze3A_304 = vector.extract %slice3A_303[0] : i32 from vector<1xi32>
      %mul3A_305 = arith.constant 16 : i32
      %mul3A_306 = arith.muli %scan3A_112, %mul3A_305 : i32
      %add3A_307 = arith.constant 11 : i32
      %add3A_308 = arith.addi %mul3A_306, %add3A_307 : i32
      %dma_start3A_309 = arith.constant 1 : i32
      %dma_start3A_310 = arith.constant 0 : i32
      %dma_start3A_311 = tpu.memref_slice %arg6[%dma_start3A_309, %add3A_308, %dma_start3A_310] : memref<2x128x32xf32, #tpu.memory_space<vmem>> -> memref<1x1x32xf32, #tpu.memory_space<vmem>>
      %dma_start3A_312 = tpu.memref_squeeze %dma_start3A_311 : memref<1x1x32xf32, #tpu.memory_space<vmem>> -> memref<1x32xf32, #tpu.memory_space<vmem>>
      %dma_start3A_313 = arith.constant 0 : i32
      %dma_start3A_314 = tpu.memref_slice %arg3[%squeeze3A_304, %dma_start3A_313] : memref<1000000x32xf32, #tpu.memory_space<hbm>> -> memref<1x32xf32, #tpu.memory_space<hbm>>
      %dma_start3A_315 = arith.constant 0 : i32
      %dma_start3A_316 = tpu.memref_slice %arg6[%dma_start3A_309, %add3A_308, %dma_start3A_315] : memref<2x128x32xf32, #tpu.memory_space<vmem>> -> memref<1x1x32xf32, #tpu.memory_space<vmem>>
      %dma_start3A_317 = tpu.memref_squeeze %dma_start3A_316 : memref<1x1x32xf32, #tpu.memory_space<vmem>> -> memref<1x32xf32, #tpu.memory_space<vmem>>
      %dma_start3A_318 = arith.constant 0 : i32
      %dma_start3A_319 = tpu.memref_slice %arg3[%squeeze3A_304, %dma_start3A_318] : memref<1000000x32xf32, #tpu.memory_space<hbm>> -> memref<1x32xf32, #tpu.memory_space<hbm>>
      tpu.enqueue_dma source(%dma_start3A_319 : memref<1x32xf32, #tpu.memory_space<hbm>>) target(%dma_start3A_317 : memref<1x32xf32, #tpu.memory_space<vmem>>) target_semaphore(%arg8 : memref<!tpu.dma_semaphore, #tpu.memory_space<semaphore_mem>>)
      %slice3A_320 = vector.extract_strided_slice %get3A_118 {offsets = [12], sizes = [1], strides = [1]} : vector<16xi32> to vector<1xi32>
      %squeeze3A_321 = vector.extract %slice3A_320[0] : i32 from vector<1xi32>
      %mul3A_322 = arith.constant 16 : i32
      %mul3A_323 = arith.muli %scan3A_112, %mul3A_322 : i32
      %add3A_324 = arith.constant 12 : i32
      %add3A_325 = arith.addi %mul3A_323, %add3A_324 : i32
      %dma_start3A_326 = arith.constant 1 : i32
      %dma_start3A_327 = arith.constant 0 : i32
      %dma_start3A_328 = tpu.memref_slice %arg6[%dma_start3A_326, %add3A_325, %dma_start3A_327] : memref<2x128x32xf32, #tpu.memory_space<vmem>> -> memref<1x1x32xf32, #tpu.memory_space<vmem>>
      %dma_start3A_329 = tpu.memref_squeeze %dma_start3A_328 : memref<1x1x32xf32, #tpu.memory_space<vmem>> -> memref<1x32xf32, #tpu.memory_space<vmem>>
      %dma_start3A_330 = arith.constant 0 : i32
      %dma_start3A_331 = tpu.memref_slice %arg3[%squeeze3A_321, %dma_start3A_330] : memref<1000000x32xf32, #tpu.memory_space<hbm>> -> memref<1x32xf32, #tpu.memory_space<hbm>>
      %dma_start3A_332 = arith.constant 0 : i32
      %dma_start3A_333 = tpu.memref_slice %arg6[%dma_start3A_326, %add3A_325, %dma_start3A_332] : memref<2x128x32xf32, #tpu.memory_space<vmem>> -> memref<1x1x32xf32, #tpu.memory_space<vmem>>
      %dma_start3A_334 = tpu.memref_squeeze %dma_start3A_333 : memref<1x1x32xf32, #tpu.memory_space<vmem>> -> memref<1x32xf32, #tpu.memory_space<vmem>>
      %dma_start3A_335 = arith.constant 0 : i32
      %dma_start3A_336 = tpu.memref_slice %arg3[%squeeze3A_321, %dma_start3A_335] : memref<1000000x32xf32, #tpu.memory_space<hbm>> -> memref<1x32xf32, #tpu.memory_space<hbm>>
      tpu.enqueue_dma source(%dma_start3A_336 : memref<1x32xf32, #tpu.memory_space<hbm>>) target(%dma_start3A_334 : memref<1x32xf32, #tpu.memory_space<vmem>>) target_semaphore(%arg8 : memref<!tpu.dma_semaphore, #tpu.memory_space<semaphore_mem>>)
      %slice3A_337 = vector.extract_strided_slice %get3A_118 {offsets = [13], sizes = [1], strides = [1]} : vector<16xi32> to vector<1xi32>
      %squeeze3A_338 = vector.extract %slice3A_337[0] : i32 from vector<1xi32>
      %mul3A_339 = arith.constant 16 : i32
      %mul3A_340 = arith.muli %scan3A_112, %mul3A_339 : i32
      %add3A_341 = arith.constant 13 : i32
      %add3A_342 = arith.addi %mul3A_340, %add3A_341 : i32
      %dma_start3A_343 = arith.constant 1 : i32
      %dma_start3A_344 = arith.constant 0 : i32
      %dma_start3A_345 = tpu.memref_slice %arg6[%dma_start3A_343, %add3A_342, %dma_start3A_344] : memref<2x128x32xf32, #tpu.memory_space<vmem>> -> memref<1x1x32xf32, #tpu.memory_space<vmem>>
      %dma_start3A_346 = tpu.memref_squeeze %dma_start3A_345 : memref<1x1x32xf32, #tpu.memory_space<vmem>> -> memref<1x32xf32, #tpu.memory_space<vmem>>
      %dma_start3A_347 = arith.constant 0 : i32
      %dma_start3A_348 = tpu.memref_slice %arg3[%squeeze3A_338, %dma_start3A_347] : memref<1000000x32xf32, #tpu.memory_space<hbm>> -> memref<1x32xf32, #tpu.memory_space<hbm>>
      %dma_start3A_349 = arith.constant 0 : i32
      %dma_start3A_350 = tpu.memref_slice %arg6[%dma_start3A_343, %add3A_342, %dma_start3A_349] : memref<2x128x32xf32, #tpu.memory_space<vmem>> -> memref<1x1x32xf32, #tpu.memory_space<vmem>>
      %dma_start3A_351 = tpu.memref_squeeze %dma_start3A_350 : memref<1x1x32xf32, #tpu.memory_space<vmem>> -> memref<1x32xf32, #tpu.memory_space<vmem>>
      %dma_start3A_352 = arith.constant 0 : i32
      %dma_start3A_353 = tpu.memref_slice %arg3[%squeeze3A_338, %dma_start3A_352] : memref<1000000x32xf32, #tpu.memory_space<hbm>> -> memref<1x32xf32, #tpu.memory_space<hbm>>
      tpu.enqueue_dma source(%dma_start3A_353 : memref<1x32xf32, #tpu.memory_space<hbm>>) target(%dma_start3A_351 : memref<1x32xf32, #tpu.memory_space<vmem>>) target_semaphore(%arg8 : memref<!tpu.dma_semaphore, #tpu.memory_space<semaphore_mem>>)
      %slice3A_354 = vector.extract_strided_slice %get3A_118 {offsets = [14], sizes = [1], strides = [1]} : vector<16xi32> to vector<1xi32>
      %squeeze3A_355 = vector.extract %slice3A_354[0] : i32 from vector<1xi32>
      %mul3A_356 = arith.constant 16 : i32
      %mul3A_357 = arith.muli %scan3A_112, %mul3A_356 : i32
      %add3A_358 = arith.constant 14 : i32
      %add3A_359 = arith.addi %mul3A_357, %add3A_358 : i32
      %dma_start3A_360 = arith.constant 1 : i32
      %dma_start3A_361 = arith.constant 0 : i32
      %dma_start3A_362 = tpu.memref_slice %arg6[%dma_start3A_360, %add3A_359, %dma_start3A_361] : memref<2x128x32xf32, #tpu.memory_space<vmem>> -> memref<1x1x32xf32, #tpu.memory_space<vmem>>
      %dma_start3A_363 = tpu.memref_squeeze %dma_start3A_362 : memref<1x1x32xf32, #tpu.memory_space<vmem>> -> memref<1x32xf32, #tpu.memory_space<vmem>>
      %dma_start3A_364 = arith.constant 0 : i32
      %dma_start3A_365 = tpu.memref_slice %arg3[%squeeze3A_355, %dma_start3A_364] : memref<1000000x32xf32, #tpu.memory_space<hbm>> -> memref<1x32xf32, #tpu.memory_space<hbm>>
      %dma_start3A_366 = arith.constant 0 : i32
      %dma_start3A_367 = tpu.memref_slice %arg6[%dma_start3A_360, %add3A_359, %dma_start3A_366] : memref<2x128x32xf32, #tpu.memory_space<vmem>> -> memref<1x1x32xf32, #tpu.memory_space<vmem>>
      %dma_start3A_368 = tpu.memref_squeeze %dma_start3A_367 : memref<1x1x32xf32, #tpu.memory_space<vmem>> -> memref<1x32xf32, #tpu.memory_space<vmem>>
      %dma_start3A_369 = arith.constant 0 : i32
      %dma_start3A_370 = tpu.memref_slice %arg3[%squeeze3A_355, %dma_start3A_369] : memref<1000000x32xf32, #tpu.memory_space<hbm>> -> memref<1x32xf32, #tpu.memory_space<hbm>>
      tpu.enqueue_dma source(%dma_start3A_370 : memref<1x32xf32, #tpu.memory_space<hbm>>) target(%dma_start3A_368 : memref<1x32xf32, #tpu.memory_space<vmem>>) target_semaphore(%arg8 : memref<!tpu.dma_semaphore, #tpu.memory_space<semaphore_mem>>)
      %slice3A_371 = vector.extract_strided_slice %get3A_118 {offsets = [15], sizes = [1], strides = [1]} : vector<16xi32> to vector<1xi32>
      %squeeze3A_372 = vector.extract %slice3A_371[0] : i32 from vector<1xi32>
      %mul3A_373 = arith.constant 16 : i32
      %mul3A_374 = arith.muli %scan3A_112, %mul3A_373 : i32
      %add3A_375 = arith.constant 15 : i32
      %add3A_376 = arith.addi %mul3A_374, %add3A_375 : i32
      %dma_start3A_377 = arith.constant 1 : i32
      %dma_start3A_378 = arith.constant 0 : i32
      %dma_start3A_379 = tpu.memref_slice %arg6[%dma_start3A_377, %add3A_376, %dma_start3A_378] : memref<2x128x32xf32, #tpu.memory_space<vmem>> -> memref<1x1x32xf32, #tpu.memory_space<vmem>>
      %dma_start3A_380 = tpu.memref_squeeze %dma_start3A_379 : memref<1x1x32xf32, #tpu.memory_space<vmem>> -> memref<1x32xf32, #tpu.memory_space<vmem>>
      %dma_start3A_381 = arith.constant 0 : i32
      %dma_start3A_382 = tpu.memref_slice %arg3[%squeeze3A_372, %dma_start3A_381] : memref<1000000x32xf32, #tpu.memory_space<hbm>> -> memref<1x32xf32, #tpu.memory_space<hbm>>
      %dma_start3A_383 = arith.constant 0 : i32
      %dma_start3A_384 = tpu.memref_slice %arg6[%dma_start3A_377, %add3A_376, %dma_start3A_383] : memref<2x128x32xf32, #tpu.memory_space<vmem>> -> memref<1x1x32xf32, #tpu.memory_space<vmem>>
      %dma_start3A_385 = tpu.memref_squeeze %dma_start3A_384 : memref<1x1x32xf32, #tpu.memory_space<vmem>> -> memref<1x32xf32, #tpu.memory_space<vmem>>
      %dma_start3A_386 = arith.constant 0 : i32
      %dma_start3A_387 = tpu.memref_slice %arg3[%squeeze3A_372, %dma_start3A_386] : memref<1000000x32xf32, #tpu.memory_space<hbm>> -> memref<1x32xf32, #tpu.memory_space<hbm>>
      tpu.enqueue_dma source(%dma_start3A_387 : memref<1x32xf32, #tpu.memory_space<hbm>>) target(%dma_start3A_385 : memref<1x32xf32, #tpu.memory_space<vmem>>) target_semaphore(%arg8 : memref<!tpu.dma_semaphore, #tpu.memory_space<semaphore_mem>>)
    }
    %scan3A_67 = arith.constant 8 : i32
    %mul3A_68 = arith.constant 4 : i32
    %mul3A_69 = arith.muli %add3A, %mul3A_68 : i32
    %add3A_70 = arith.constant 2 : i32
    %add3A_71 = arith.addi %mul3A_69, %add3A_70 : i32
    %dma_wait3A_72 = arith.constant 0 : i32
    %dma_wait3A_73 = arith.constant 0 : i32
    %dma_wait3A_74 = arith.constant 0 : i32
    %dma_wait3A_75 = tpu.memref_slice %arg6[%dma_wait3A_72, %dma_wait3A_73, %dma_wait3A_74] : memref<2x128x32xf32, #tpu.memory_space<vmem>> -> memref<1x128x32xf32, #tpu.memory_space<vmem>>
    %dma_wait3A_76 = tpu.memref_squeeze %dma_wait3A_75 : memref<1x128x32xf32, #tpu.memory_space<vmem>> -> memref<128x32xf32, #tpu.memory_space<vmem>>
    %dma_wait3A_77 = arith.constant 0 : i32
    %dma_wait3A_78 = arith.constant 0 : i32
    %dma_wait3A_79 = tpu.memref_slice %arg4[%add3A_71, %dma_wait3A_77, %dma_wait3A_78] : memref<128x128x32xf32, #tpu.memory_space<hbm>> -> memref<1x128x32xf32, #tpu.memory_space<hbm>>
    %dma_wait3A_80 = tpu.memref_squeeze %dma_wait3A_79 : memref<1x128x32xf32, #tpu.memory_space<hbm>> -> memref<128x32xf32, #tpu.memory_space<hbm>>
    %dma_wait3A_81 = arith.constant 0 : i32
    %dma_wait3A_82 = arith.constant 0 : i32
    %dma_wait3A_83 = tpu.memref_slice %arg6[%dma_wait3A_72, %dma_wait3A_81, %dma_wait3A_82] : memref<2x128x32xf32, #tpu.memory_space<vmem>> -> memref<1x128x32xf32, #tpu.memory_space<vmem>>
    %dma_wait3A_84 = tpu.memref_squeeze %dma_wait3A_83 : memref<1x128x32xf32, #tpu.memory_space<vmem>> -> memref<128x32xf32, #tpu.memory_space<vmem>>
    %dma_wait3A_85 = arith.constant 0 : i32
    %dma_wait3A_86 = arith.constant 0 : i32
    %dma_wait3A_87 = tpu.memref_slice %arg4[%add3A_71, %dma_wait3A_85, %dma_wait3A_86] : memref<128x128x32xf32, #tpu.memory_space<hbm>> -> memref<1x128x32xf32, #tpu.memory_space<hbm>>
    %dma_wait3A_88 = tpu.memref_squeeze %dma_wait3A_87 : memref<1x128x32xf32, #tpu.memory_space<hbm>> -> memref<128x32xf32, #tpu.memory_space<hbm>>
    tpu.wait_dma2 semaphore(%arg7 : memref<!tpu.dma_semaphore, #tpu.memory_space<semaphore_mem>>) src(%dma_wait3A_88 : memref<128x32xf32, #tpu.memory_space<hbm>>) dst(%dma_wait3A_84 : memref<128x32xf32, #tpu.memory_space<vmem>>)
    %run_scoped3A_89 = arith.constant 0 : i32
    "tpu.region"() ({
      %run_scoped3A_112 = tpu.sem_alloc : memref<!tpu.dma_semaphore, #tpu.memory_space<semaphore_mem>>
      %dma_start3A = arith.constant 0 : i32
      %dma_start3A_113 = arith.constant 0 : i32
      %dma_start3A_114 = tpu.memref_slice %arg6[%run_scoped3A_89, %dma_start3A, %dma_start3A_113] : memref<2x128x32xf32, #tpu.memory_space<vmem>> -> memref<1x128x32xf32, #tpu.memory_space<vmem>>
      %dma_start3A_115 = tpu.memref_squeeze %dma_start3A_114 : memref<1x128x32xf32, #tpu.memory_space<vmem>> -> memref<128x32xf32, #tpu.memory_space<vmem>>
      %dma_start3A_116 = arith.constant 0 : i32
      %dma_start3A_117 = arith.constant 0 : i32
      %dma_start3A_118 = tpu.memref_slice %arg4[%add3A_71, %dma_start3A_116, %dma_start3A_117] : memref<128x128x32xf32, #tpu.memory_space<hbm>> -> memref<1x128x32xf32, #tpu.memory_space<hbm>>
      %dma_start3A_119 = tpu.memref_squeeze %dma_start3A_118 : memref<1x128x32xf32, #tpu.memory_space<hbm>> -> memref<128x32xf32, #tpu.memory_space<hbm>>
      %dma_start3A_120 = arith.constant 0 : i32
      %dma_start3A_121 = arith.constant 0 : i32
      %dma_start3A_122 = tpu.memref_slice %arg4[%add3A_71, %dma_start3A_120, %dma_start3A_121] : memref<128x128x32xf32, #tpu.memory_space<hbm>> -> memref<1x128x32xf32, #tpu.memory_space<hbm>>
      %dma_start3A_123 = tpu.memref_squeeze %dma_start3A_122 : memref<1x128x32xf32, #tpu.memory_space<hbm>> -> memref<128x32xf32, #tpu.memory_space<hbm>>
      %dma_start3A_124 = arith.constant 0 : i32
      %dma_start3A_125 = arith.constant 0 : i32
      %dma_start3A_126 = tpu.memref_slice %arg6[%run_scoped3A_89, %dma_start3A_124, %dma_start3A_125] : memref<2x128x32xf32, #tpu.memory_space<vmem>> -> memref<1x128x32xf32, #tpu.memory_space<vmem>>
      %dma_start3A_127 = tpu.memref_squeeze %dma_start3A_126 : memref<1x128x32xf32, #tpu.memory_space<vmem>> -> memref<128x32xf32, #tpu.memory_space<vmem>>
      tpu.enqueue_dma source(%dma_start3A_127 : memref<128x32xf32, #tpu.memory_space<vmem>>) target(%dma_start3A_123 : memref<128x32xf32, #tpu.memory_space<hbm>>) target_semaphore(%run_scoped3A_112 : memref<!tpu.dma_semaphore, #tpu.memory_space<semaphore_mem>>)
      %dma_wait3A_128 = arith.constant 0 : i32
      %dma_wait3A_129 = arith.constant 0 : i32
      %dma_wait3A_130 = tpu.memref_slice %arg6[%run_scoped3A_89, %dma_wait3A_128, %dma_wait3A_129] : memref<2x128x32xf32, #tpu.memory_space<vmem>> -> memref<1x128x32xf32, #tpu.memory_space<vmem>>
      %dma_wait3A_131 = tpu.memref_squeeze %dma_wait3A_130 : memref<1x128x32xf32, #tpu.memory_space<vmem>> -> memref<128x32xf32, #tpu.memory_space<vmem>>
      %dma_wait3A_132 = arith.constant 0 : i32
      %dma_wait3A_133 = arith.constant 0 : i32
      %dma_wait3A_134 = tpu.memref_slice %arg4[%add3A_71, %dma_wait3A_132, %dma_wait3A_133] : memref<128x128x32xf32, #tpu.memory_space<hbm>> -> memref<1x128x32xf32, #tpu.memory_space<hbm>>
      %dma_wait3A_135 = tpu.memref_squeeze %dma_wait3A_134 : memref<1x128x32xf32, #tpu.memory_space<hbm>> -> memref<128x32xf32, #tpu.memory_space<hbm>>
      %dma_wait3A_136 = arith.constant 0 : i32
      %dma_wait3A_137 = arith.constant 0 : i32
      %dma_wait3A_138 = tpu.memref_slice %arg4[%add3A_71, %dma_wait3A_136, %dma_wait3A_137] : memref<128x128x32xf32, #tpu.memory_space<hbm>> -> memref<1x128x32xf32, #tpu.memory_space<hbm>>
      %dma_wait3A_139 = tpu.memref_squeeze %dma_wait3A_138 : memref<1x128x32xf32, #tpu.memory_space<hbm>> -> memref<128x32xf32, #tpu.memory_space<hbm>>
      %dma_wait3A_140 = arith.constant 0 : i32
      %dma_wait3A_141 = arith.constant 0 : i32
      %dma_wait3A_142 = tpu.memref_slice %arg6[%run_scoped3A_89, %dma_wait3A_140, %dma_wait3A_141] : memref<2x128x32xf32, #tpu.memory_space<vmem>> -> memref<1x128x32xf32, #tpu.memory_space<vmem>>
      %dma_wait3A_143 = tpu.memref_squeeze %dma_wait3A_142 : memref<1x128x32xf32, #tpu.memory_space<vmem>> -> memref<128x32xf32, #tpu.memory_space<vmem>>
      tpu.wait_dma2 semaphore(%run_scoped3A_112 : memref<!tpu.dma_semaphore, #tpu.memory_space<semaphore_mem>>) src(%dma_wait3A_143 : memref<128x32xf32, #tpu.memory_space<vmem>>) dst(%dma_wait3A_139 : memref<128x32xf32, #tpu.memory_space<hbm>>)
      tpu.yield
    }) : () -> ()
    %mul3A_90 = arith.constant 4 : i32
    %mul3A_91 = arith.muli %add3A, %mul3A_90 : i32
    %add3A_92 = arith.constant 3 : i32
    %add3A_93 = arith.addi %mul3A_91, %add3A_92 : i32
    %dma_wait3A_94 = arith.constant 1 : i32
    %dma_wait3A_95 = arith.constant 0 : i32
    %dma_wait3A_96 = arith.constant 0 : i32
    %dma_wait3A_97 = tpu.memref_slice %arg6[%dma_wait3A_94, %dma_wait3A_95, %dma_wait3A_96] : memref<2x128x32xf32, #tpu.memory_space<vmem>> -> memref<1x128x32xf32, #tpu.memory_space<vmem>>
    %dma_wait3A_98 = tpu.memref_squeeze %dma_wait3A_97 : memref<1x128x32xf32, #tpu.memory_space<vmem>> -> memref<128x32xf32, #tpu.memory_space<vmem>>
    %dma_wait3A_99 = arith.constant 0 : i32
    %dma_wait3A_100 = arith.constant 0 : i32
    %dma_wait3A_101 = tpu.memref_slice %arg4[%add3A_93, %dma_wait3A_99, %dma_wait3A_100] : memref<128x128x32xf32, #tpu.memory_space<hbm>> -> memref<1x128x32xf32, #tpu.memory_space<hbm>>
    %dma_wait3A_102 = tpu.memref_squeeze %dma_wait3A_101 : memref<1x128x32xf32, #tpu.memory_space<hbm>> -> memref<128x32xf32, #tpu.memory_space<hbm>>
    %dma_wait3A_103 = arith.constant 0 : i32
    %dma_wait3A_104 = arith.constant 0 : i32
    %dma_wait3A_105 = tpu.memref_slice %arg6[%dma_wait3A_94, %dma_wait3A_103, %dma_wait3A_104] : memref<2x128x32xf32, #tpu.memory_space<vmem>> -> memref<1x128x32xf32, #tpu.memory_space<vmem>>
    %dma_wait3A_106 = tpu.memref_squeeze %dma_wait3A_105 : memref<1x128x32xf32, #tpu.memory_space<vmem>> -> memref<128x32xf32, #tpu.memory_space<vmem>>
    %dma_wait3A_107 = arith.constant 0 : i32
    %dma_wait3A_108 = arith.constant 0 : i32
    %dma_wait3A_109 = tpu.memref_slice %arg4[%add3A_93, %dma_wait3A_107, %dma_wait3A_108] : memref<128x128x32xf32, #tpu.memory_space<hbm>> -> memref<1x128x32xf32, #tpu.memory_space<hbm>>
    %dma_wait3A_110 = tpu.memref_squeeze %dma_wait3A_109 : memref<1x128x32xf32, #tpu.memory_space<hbm>> -> memref<128x32xf32, #tpu.memory_space<hbm>>
    tpu.wait_dma2 semaphore(%arg8 : memref<!tpu.dma_semaphore, #tpu.memory_space<semaphore_mem>>) src(%dma_wait3A_110 : memref<128x32xf32, #tpu.memory_space<hbm>>) dst(%dma_wait3A_106 : memref<128x32xf32, #tpu.memory_space<vmem>>)
    %run_scoped3A_111 = arith.constant 1 : i32
    "tpu.region"() ({
      %run_scoped3A_112 = tpu.sem_alloc : memref<!tpu.dma_semaphore, #tpu.memory_space<semaphore_mem>>
      %dma_start3A = arith.constant 0 : i32
      %dma_start3A_113 = arith.constant 0 : i32
      %dma_start3A_114 = tpu.memref_slice %arg6[%run_scoped3A_111, %dma_start3A, %dma_start3A_113] : memref<2x128x32xf32, #tpu.memory_space<vmem>> -> memref<1x128x32xf32, #tpu.memory_space<vmem>>
      %dma_start3A_115 = tpu.memref_squeeze %dma_start3A_114 : memref<1x128x32xf32, #tpu.memory_space<vmem>> -> memref<128x32xf32, #tpu.memory_space<vmem>>
      %dma_start3A_116 = arith.constant 0 : i32
      %dma_start3A_117 = arith.constant 0 : i32
      %dma_start3A_118 = tpu.memref_slice %arg4[%add3A_93, %dma_start3A_116, %dma_start3A_117] : memref<128x128x32xf32, #tpu.memory_space<hbm>> -> memref<1x128x32xf32, #tpu.memory_space<hbm>>
      %dma_start3A_119 = tpu.memref_squeeze %dma_start3A_118 : memref<1x128x32xf32, #tpu.memory_space<hbm>> -> memref<128x32xf32, #tpu.memory_space<hbm>>
      %dma_start3A_120 = arith.constant 0 : i32
      %dma_start3A_121 = arith.constant 0 : i32
      %dma_start3A_122 = tpu.memref_slice %arg4[%add3A_93, %dma_start3A_120, %dma_start3A_121] : memref<128x128x32xf32, #tpu.memory_space<hbm>> -> memref<1x128x32xf32, #tpu.memory_space<hbm>>
      %dma_start3A_123 = tpu.memref_squeeze %dma_start3A_122 : memref<1x128x32xf32, #tpu.memory_space<hbm>> -> memref<128x32xf32, #tpu.memory_space<hbm>>
      %dma_start3A_124 = arith.constant 0 : i32
      %dma_start3A_125 = arith.constant 0 : i32
      %dma_start3A_126 = tpu.memref_slice %arg6[%run_scoped3A_111, %dma_start3A_124, %dma_start3A_125] : memref<2x128x32xf32, #tpu.memory_space<vmem>> -> memref<1x128x32xf32, #tpu.memory_space<vmem>>
      %dma_start3A_127 = tpu.memref_squeeze %dma_start3A_126 : memref<1x128x32xf32, #tpu.memory_space<vmem>> -> memref<128x32xf32, #tpu.memory_space<vmem>>
      tpu.enqueue_dma source(%dma_start3A_127 : memref<128x32xf32, #tpu.memory_space<vmem>>) target(%dma_start3A_123 : memref<128x32xf32, #tpu.memory_space<hbm>>) target_semaphore(%run_scoped3A_112 : memref<!tpu.dma_semaphore, #tpu.memory_space<semaphore_mem>>)
      %dma_wait3A_128 = arith.constant 0 : i32
      %dma_wait3A_129 = arith.constant 0 : i32
      %dma_wait3A_130 = tpu.memref_slice %arg6[%run_scoped3A_111, %dma_wait3A_128, %dma_wait3A_129] : memref<2x128x32xf32, #tpu.memory_space<vmem>> -> memref<1x128x32xf32, #tpu.memory_space<vmem>>
      %dma_wait3A_131 = tpu.memref_squeeze %dma_wait3A_130 : memref<1x128x32xf32, #tpu.memory_space<vmem>> -> memref<128x32xf32, #tpu.memory_space<vmem>>
      %dma_wait3A_132 = arith.constant 0 : i32
      %dma_wait3A_133 = arith.constant 0 : i32
      %dma_wait3A_134 = tpu.memref_slice %arg4[%add3A_93, %dma_wait3A_132, %dma_wait3A_133] : memref<128x128x32xf32, #tpu.memory_space<hbm>> -> memref<1x128x32xf32, #tpu.memory_space<hbm>>
      %dma_wait3A_135 = tpu.memref_squeeze %dma_wait3A_134 : memref<1x128x32xf32, #tpu.memory_space<hbm>> -> memref<128x32xf32, #tpu.memory_space<hbm>>
      %dma_wait3A_136 = arith.constant 0 : i32
      %dma_wait3A_137 = arith.constant 0 : i32
      %dma_wait3A_138 = tpu.memref_slice %arg4[%add3A_93, %dma_wait3A_136, %dma_wait3A_137] : memref<128x128x32xf32, #tpu.memory_space<hbm>> -> memref<1x128x32xf32, #tpu.memory_space<hbm>>
      %dma_wait3A_139 = tpu.memref_squeeze %dma_wait3A_138 : memref<1x128x32xf32, #tpu.memory_space<hbm>> -> memref<128x32xf32, #tpu.memory_space<hbm>>
      %dma_wait3A_140 = arith.constant 0 : i32
      %dma_wait3A_141 = arith.constant 0 : i32
      %dma_wait3A_142 = tpu.memref_slice %arg6[%run_scoped3A_111, %dma_wait3A_140, %dma_wait3A_141] : memref<2x128x32xf32, #tpu.memory_space<vmem>> -> memref<1x128x32xf32, #tpu.memory_space<vmem>>
      %dma_wait3A_143 = tpu.memref_squeeze %dma_wait3A_142 : memref<1x128x32xf32, #tpu.memory_space<vmem>> -> memref<128x32xf32, #tpu.memory_space<vmem>>
      tpu.wait_dma2 semaphore(%run_scoped3A_112 : memref<!tpu.dma_semaphore, #tpu.memory_space<semaphore_mem>>) src(%dma_wait3A_143 : memref<128x32xf32, #tpu.memory_space<vmem>>) dst(%dma_wait3A_139 : memref<128x32xf32, #tpu.memory_space<hbm>>)
      tpu.yield
    }) : () -> ()
    return
  }
}

module attributes {stable_mosaic.version = 14 : i64} {
  func.func @_mlp_body(%arg0: i32, %arg1: memref<2048x32xf32, #tpu.memory_space<vmem>>, %arg2: memref<2048x32xf32, #tpu.memory_space<vmem>>, %arg3: memref<64x64xf32, #tpu.memory_space<vmem>>, %arg4: memref<1x64xf32, #tpu.memory_space<vmem>>, %arg5: memref<64x1xf32, #tpu.memory_space<vmem>>, %arg6: memref<1x1xf32, #tpu.memory_space<vmem>>, %arg7: memref<2048x1xf32, #tpu.memory_space<vmem>>) attributes {dimension_semantics = [#tpu.dimension_semantics<arbitrary>], iteration_bounds = array<i64: 8>, scalar_prefetch = 0 : i64, scratch_operands = 0 : i64, tpu.core_type = #tpu.core_type<tc>, window_params = [{transform_indices = @transform_0, window_bounds = array<i64: 2048, 32>}, {transform_indices = @transform_1, window_bounds = array<i64: 2048, 32>}, {pipeline_mode = #tpu.pipeline_mode<synchronous>, transform_indices = @transform_2, window_bounds = array<i64: 64, 64>}, {pipeline_mode = #tpu.pipeline_mode<synchronous>, transform_indices = @transform_3, window_bounds = array<i64: 1, 64>}, {pipeline_mode = #tpu.pipeline_mode<synchronous>, transform_indices = @transform_4, window_bounds = array<i64: 64, 1>}, {pipeline_mode = #tpu.pipeline_mode<synchronous>, transform_indices = @transform_5, window_bounds = array<i64: 1, 1>}, {transform_indices = @transform_6, window_bounds = array<i64: 2048, 1>}]} {
    %get3A = arith.constant 0 : index
    %get3A_0 = arith.constant 0 : index
    %get3A_1 = vector.load %arg1[%get3A, %get3A_0] : memref<2048x32xf32, #tpu.memory_space<vmem>>, vector<2048x32xf32>
    %get3A_2 = arith.constant 0 : index
    %get3A_3 = arith.constant 0 : index
    %get3A_4 = vector.load %arg3[%get3A_2, %get3A_3] : memref<64x64xf32, #tpu.memory_space<vmem>>, vector<32x64xf32>
    %dot_general3A = arith.constant dense<0.000000e+00> : vector<2048x64xf32>
    %dot_general3A_5 = tpu.matmul %get3A_1, %get3A_4, %dot_general3A {dimension_numbers = #tpu.dot_dimension_numbers<[1], [0], [0], [1], [0, 0, 1, 1], [], []>, transpose_lhs_hint = false} : vector<2048x32xf32>, vector<32x64xf32>, vector<2048x64xf32> -> vector<2048x64xf32>
    %get3A_6 = arith.constant 0 : index
    %get3A_7 = arith.constant 0 : index
    %get3A_8 = vector.load %arg2[%get3A_6, %get3A_7] : memref<2048x32xf32, #tpu.memory_space<vmem>>, vector<2048x32xf32>
    %get3A_9 = arith.constant 32 : index
    %get3A_10 = arith.constant 0 : index
    %get3A_11 = vector.load %arg3[%get3A_9, %get3A_10] : memref<64x64xf32, #tpu.memory_space<vmem>>, vector<32x64xf32>
    %dot_general3A_12 = arith.constant dense<0.000000e+00> : vector<2048x64xf32>
    %dot_general3A_13 = tpu.matmul %get3A_8, %get3A_11, %dot_general3A_12 {dimension_numbers = #tpu.dot_dimension_numbers<[1], [0], [0], [1], [0, 0, 1, 1], [], []>, transpose_lhs_hint = false} : vector<2048x32xf32>, vector<32x64xf32>, vector<2048x64xf32> -> vector<2048x64xf32>
    %add3A = arith.addf %dot_general3A_5, %dot_general3A_13 : vector<2048x64xf32>
    %get3A_14 = arith.constant 0 : index
    %get3A_15 = arith.constant 0 : index
    %get3A_16 = vector.load %arg4[%get3A_14, %get3A_15] : memref<1x64xf32, #tpu.memory_space<vmem>>, vector<1x64xf32>
    %add3A_17 = vector.broadcast %get3A_16 : vector<1x64xf32> to vector<2048x64xf32>
    %add3A_18 = arith.addf %add3A, %add3A_17 : vector<2048x64xf32>
    %max3A = arith.constant 0.000000e+00 : f32
    %max3A_19 = vector.broadcast %max3A : f32 to vector<2048x64xf32>
    %max3A_20 = arith.maximumf %add3A_18, %max3A_19 : vector<2048x64xf32>
    %get3A_21 = arith.constant 0 : index
    %get3A_22 = arith.constant 0 : index
    %get3A_23 = vector.load %arg5[%get3A_21, %get3A_22] : memref<64x1xf32, #tpu.memory_space<vmem>>, vector<64x1xf32>
    %dot_general3A_24 = arith.constant dense<0.000000e+00> : vector<2048x1xf32>
    %dot_general3A_25 = tpu.matmul %max3A_20, %get3A_23, %dot_general3A_24 {dimension_numbers = #tpu.dot_dimension_numbers<[1], [0], [0], [1], [0, 0, 1, 1], [], []>, transpose_lhs_hint = false} : vector<2048x64xf32>, vector<64x1xf32>, vector<2048x1xf32> -> vector<2048x1xf32>
    %get3A_26 = arith.constant 0 : index
    %get3A_27 = arith.constant 0 : index
    %get3A_28 = vector.load %arg6[%get3A_26, %get3A_27] : memref<1x1xf32, #tpu.memory_space<vmem>>, vector<1x1xf32>
    %add3A_29 = vector.broadcast %get3A_28 : vector<1x1xf32> to vector<2048x1xf32>
    %add3A_30 = arith.addf %dot_general3A_25, %add3A_29 : vector<2048x1xf32>
    %logistic3A = arith.negf %add3A_30 : vector<2048x1xf32>
    %logistic3A_31 = math.exp %logistic3A : vector<2048x1xf32>
    %logistic3A_32 = arith.constant 1.000000e+00 : f32
    %logistic3A_33 = vector.broadcast %logistic3A_32 : f32 to vector<2048x1xf32>
    %logistic3A_34 = arith.addf %logistic3A_33, %logistic3A_31 : vector<2048x1xf32>
    %logistic3A_35 = arith.divf %logistic3A_33, %logistic3A_34 : vector<2048x1xf32>
    %mul3A = arith.constant 5.500000e+00 : f32
    %mul3A_36 = vector.broadcast %mul3A : f32 to vector<2048x1xf32>
    %mul3A_37 = arith.mulf %logistic3A_35, %mul3A_36 : vector<2048x1xf32>
    %swap3A = arith.constant 0 : index
    %swap3A_38 = arith.constant 0 : index
    %swap3A_39 = vector.load %arg7[%swap3A, %swap3A_38] : memref<2048x1xf32, #tpu.memory_space<vmem>>, vector<2048x1xf32>
    tpu.vector_store %arg7[%swap3A, %swap3A_38], %mul3A_37 {strides = array<i32>} : memref<2048x1xf32, #tpu.memory_space<vmem>>, vector<2048x1xf32>,
    return
  }
  func.func @transform_0(%arg0: i32) -> (i32, i32) {
    %c0_i32 = arith.constant 0 : i32
    %c0_i32_0 = arith.constant 0 : i32
    return %arg0, %c0_i32 : i32, i32
  }
  func.func @transform_1(%arg0: i32) -> (i32, i32) {
    %c0_i32 = arith.constant 0 : i32
    %c0_i32_0 = arith.constant 0 : i32
    return %arg0, %c0_i32 : i32, i32
  }
  func.func @transform_2(%arg0: i32) -> (i32, i32) {
    %c0_i32 = arith.constant 0 : i32
    %c0_i32_0 = arith.constant 0 : i32
    %c0_i32_1 = arith.constant 0 : i32
    return %c0_i32, %c0_i32_0 : i32, i32
  }
  func.func @transform_3(%arg0: i32) -> (i32, i32) {
    %c0_i32 = arith.constant 0 : i32
    %c0_i32_0 = arith.constant 0 : i32
    %c0_i32_1 = arith.constant 0 : i32
    return %c0_i32, %c0_i32_0 : i32, i32
  }
  func.func @transform_4(%arg0: i32) -> (i32, i32) {
    %c0_i32 = arith.constant 0 : i32
    %c0_i32_0 = arith.constant 0 : i32
    %c0_i32_1 = arith.constant 0 : i32
    return %c0_i32, %c0_i32_0 : i32, i32
  }
  func.func @transform_5(%arg0: i32) -> (i32, i32) {
    %c0_i32 = arith.constant 0 : i32
    %c0_i32_0 = arith.constant 0 : i32
    %c0_i32_1 = arith.constant 0 : i32
    return %c0_i32, %c0_i32_0 : i32, i32
  }
  func.func @transform_6(%arg0: i32) -> (i32, i32) {
    %c0_i32 = arith.constant 0 : i32
    %c0_i32_0 = arith.constant 0 : i32
    return %arg0, %c0_i32 : i32, i32
  }
}

</mosaic_0001>

<sc_bundles>
// kernel: kernel.5.cloned.1.call-start
scs
__scs_entry_jumppad:
0x0: {  	(pc) =	sbr.rel $0x88, $3  }
0x1: {  	(tag) =	ssettag $0x0;
	lr =	simm.s32 $0x1  }
0x2: {  	[smem:$0x3F9A] =	sst lr;
	_ =	strace $0xD0000000  }
0x3: {  	_ = 	snop  }
0x4: {  	_ = 	snop  }
0x5: {  	_ = 	snop  }
0x6: {  	_ = 	snop  }
0x7: {  	_ = 	snop  }
__scs_overlays_trampoline_lowered:
0x8: {  	[smem:$0x3FA9] =	sst s0  }
0x9: {  	[smem:$0x3FAA] =	sst s1  }
0xa: {  	[smem:$0x3FAB] =	sst s2  }
0xb: {  	[smem:$0x3FAC] =	sst s3  }
0xc: {  	[smem:$0x3FAD] =	sst s4  }
0xd: {  	[smem:$0x3FAE] =	sst s5  }
0xe: {  	[smem:$0x3FAF] =	sst s6  }
0xf: {  	[smem:$0x3FB0] =	sst s7  }
0x10: {  	[smem:$0x3FB1] =	sst s8  }
0x11: {  	[smem:$0x3FB2] =	sst s9;
	s0 =	simm.s32 @!p0 $0x0  }
0x12: {  	s1 =	sld [smem:$0x3F98];
	s0 =	simm.s32 @p0 $0x1  }
0x13: {  	[smem:$0x3FB3] =	sst s0;
	s0 =	simm.s32 @!p1 $0x0  }
0x14: {  	s2 =	sld [smem:$0x3F97];
	s0 =	simm.s32 @p1 $0x1  }
0x15: {  	[smem:$0x3FB4] =	sst s0;
	s0 =	simm.s32 @!p2 $0x0  }
0x16: {  	s3 =	sld [smem:$0x3FDB];
	s0 =	simm.s32 @p2 $0x1  }
0x17: {  	s4 =	simm.s32 $0x1BF5;
	[smem:$0x3FB6] =	sst s0  }
0x18: {  	s0 =	sld [smem:$0x3F99];
	_ =	swait.ge [sflag:s4], $0x0  }
0x19: {  	s7 =	sld [smem:$0x3F9A]  }
0x1a: {  	s8 =	sadd.s32 $0xFFFFE003, lr  }
0x1b: {  	s9 =	sadd.s32 $0xFFFFFEF7, lr;
	s5 =	simm.s32 $0xFFFFFFFF;
	p2 =	slt.u32 s8, $0xFFFFF086  }
0x1c: {  	p1 =	slt.u32 s9, $0xF7A;
	s5 =	simm.s32 @!p2 $0x0  }
0x1d: {  	s5 =	simm.s32 @p1 $0x1;
	p0 =	seq.s32 s7, s2  }
0x1e: {  	s7 =	smul.u32 @!p0 $0xF7A, s2;
	p2 =	seq.s32 @!p0 s5, $0x0  }
0x1f: {  	s9 =	smul.u32 $0xF7A, s1;
	s8 =	simm.s32 @!p0 $0x1BF5;
	p2 =	por !p2, p0  }
0x20: {  	[sflag:s8] =	ssyncset.s32 @!p0 $0xFFFFF086;
	s6 =	sadd.s32 @!p0 s3, s7;
	s7 =	simm.s32 @!p0 $0x108  }
0x21: {  	s3 =	sadd.s32 s3, s9;
	s6 =	sadd.s32 @!p0 $0x88, s6;
	s7 =	simm.s32 @p2 $0x1082  }
0x22: {  	[simem:s7], [sflag:s8] =	dma.local @!p0 [hbm:s6], $0xF7A  }
0x23: {  	s9 =	sor.u32 $0xD0000000, s2;
	s6 =	simm.s32 $0x108;
	_ =	swait.ge @!p0 [sflag:s8], $0x0  }
0x24: {  	s3 =	sadd.s32 $0x88, s3;
	s6 =	simm.s32 @!p1 $0x1082;
	[sflag:s4] =	ssyncset.s32 $0xFFFFF086  }
0x25: {  	[simem:s6], [sflag:s4] =	dma.local [hbm:s3], $0xF7A  }
0x26: {  	[smem:$0x3F9A] =	sst s1;
	(tag) =	ssettag s2;
	_ =	strace s9  }
0x27: {  	s1 =	sld [smem:$0x3FAA]  }
0x28: {  	s2 =	sld [smem:$0x3FAB]  }
0x29: {  	s4 =	sld [smem:$0x3FAD]  }
0x2a: {  	p0 =	seq.s32 s5, $0x0;
	s5 =	sld [smem:$0x3FAE]  }
0x2b: {  	s6 =	sld [smem:$0x3FAF]  }
0x2c: {  	s7 =	sld [smem:$0x3FB0]  }
0x2d: {  	s3 =	simm.s32 $0x108;
	s8 =	sld [smem:$0x3FB1]  }
0x2e: {  	s3 =	simm.s32 @!p0 $0x1082;
	s9 =	sld [smem:$0x3FB2]  }
0x2f: {  	lr =	sadd.s32 s0, s3;
	s0 =	sld [smem:$0x3FA9]  }
0x30: {  	s3 =	sld [smem:$0x3FAC]  }
0x31: {  	[smem:$0x3FB5] =	sst s10  }
0x32: {  	s10 =	sld [smem:$0x3FB3];
	_ =	sdelay $0x3  }
0x33: {  	p0 =	seq.s32 s10, $0x1;
	s10 =	sld [smem:$0x3FB5];
	_ =	sdelay $0x3  }
0x34: {  	[smem:$0x3FB5] =	sst s10  }
0x35: {  	s10 =	sld [smem:$0x3FB4];
	_ =	sdelay $0x3  }
0x36: {  	p1 =	seq.s32 s10, $0x1;
	s10 =	sld [smem:$0x3FB5];
	_ =	sdelay $0x3  }
0x37: {  	[smem:$0x3FB5] =	sst s10  }
0x38: {  	s10 =	sld [smem:$0x3FB6]  }
0x39: {  	_ = 	snop;
	(pc) =	sbr.ind lr, $3  }
0x3a: {  	_ = 	snop  }
0x3b: {  	_ = 	snop  }
0x3c: {  	p2 =	seq.s32 s10, $0x1;
	s10 =	sld [smem:$0x3FB5]  }
0x3d: {  	_ =	shalt  }
0x3e: {  	_ =	shalt  }
0x3f: {  	_ =	shalt  }
0x40: {  	_ =	shalt  }
0x41: {  	_ =	shalt  }
0x42: {  	_ =	shalt  }
0x43: {  	_ =	shalt  }
0x44: {  	_ =	shalt  }
0x45: {  	_ =	shalt  }
0x46: {  	_ =	shalt  }
0x47: {  	_ =	shalt  }
0x48: {  	_ =	shalt  }
0x49: {  	_ =	shalt  }
0x4a: {  	_ =	shalt  }
0x4b: {  	_ =	shalt  }
0x4c: {  	_ =	shalt  }
0x4d: {  	_ =	shalt  }
0x4e: {  	_ =	shalt  }
0x4f: {  	_ =	shalt  }
0x50: {  	_ =	shalt  }
0x51: {  	_ =	shalt  }
0x52: {  	_ =	shalt  }
0x53: {  	_ =	shalt  }
0x54: {  	_ =	shalt  }
0x55: {  	_ =	shalt  }
0x56: {  	_ =	shalt  }
0x57: {  	_ =	shalt  }
0x58: {  	_ =	shalt  }
0x59: {  	_ =	shalt  }
0x5a: {  	_ =	shalt  }
0x5b: {  	_ =	shalt  }
0x5c: {  	_ =	shalt  }
0x5d: {  	_ =	shalt  }
0x5e: {  	_ =	shalt  }
0x5f: {  	_ =	shalt  }
0x60: {  	_ =	shalt  }
0x61: {  	_ =	shalt  }
0x62: {  	_ =	shalt  }
0x63: {  	_ =	shalt  }
0x64: {  	_ =	shalt  }
0x65: {  	_ =	shalt  }
0x66: {  	_ =	shalt  }
0x67: {  	_ =	shalt  }
0x68: {  	_ =	shalt  }
0x69: {  	_ =	shalt  }
0x6a: {  	_ =	shalt  }
0x6b: {  	_ =	shalt  }
0x6c: {  	_ =	shalt  }
0x6d: {  	_ =	shalt  }
0x6e: {  	_ =	shalt  }
0x6f: {  	_ =	shalt  }
0x70: {  	_ =	shalt  }
0x71: {  	_ =	shalt  }
0x72: {  	_ =	shalt  }
0x73: {  	_ =	shalt  }
0x74: {  	_ =	shalt  }
0x75: {  	_ =	shalt  }
0x76: {  	_ =	shalt  }
0x77: {  	_ =	shalt  }
0x78: {  	_ =	shalt  }
0x79: {  	_ =	shalt  }
0x7a: {  	_ =	shalt  }
0x7b: {  	_ =	shalt  }
0x7c: {  	_ =	shalt  }
0x7d: {  	_ =	shalt  }
0x7e: {  	_ =	shalt  }
0x7f: {  	_ =	shalt  }
0x80: {  	_ =	shalt  }
0x81: {  	_ =	shalt  }
0x82: {  	_ =	shalt  }
0x83: {  	_ =	shalt  }
0x84: {  	_ =	shalt  }
0x85: {  	_ =	shalt  }
0x86: {  	_ =	shalt  }
0x87: {  	_ =	shalt  }
.Lfunc_end0:
.L_simem_size_0:
called_computation_lowered:
.L_overlay_start_0:
0x88: {  	s2 =	sld [smem:$0x3FD9]  }
0x89: {  	s3 =	sld [smem:$0x3FFE];
	_ =	sdelay $0x1  }
0x8a: {  	s1 =	srdreg.scid  }
0x8b: {  	s0 =	sand.u32 $0x1, s1  }
0x8c: {  	s16 =	sshll.u32 s0, $0xA;
	s2 =	sadd.s32 s3, s2  }
0x8d: {  	s2 =	sadd.s32 s2, s16  }
0x8e: {  	[smem:$0x3FC1] =	sst s2  }
0x8f: {  	_ = 	snop  }
0x90: {  	(tm) =	ssettm $0x1  }
0x91: {  	s17 =	sld [smem:$0x3FFB];
	_ =	sdelay $0x3  }
0x92: {  	_ =	strace s17  }
0x93: {  	s2 =	sld [smem:$0x3FFC];
	_ =	sdelay $0x3  }
0x94: {  	_ =	strace s2  }
0x95: {  	s2 =	sld [smem:$0x3FFD];
	_ =	sdelay $0x3  }
0x96: {  	_ =	strace s2  }
0x97: {  	_ =	strace $0x8FFFFFFF  }
0x98: {  	s18 =	sld [smem:$0x3FDB];
	_ =	sdelay $0x1  }
0x99: {  	s19 =	simm.s32 $_scs_section_size  }
0x9a: {  	s4 =	simm.s32 $_size__tile_overlayer_lowered;
	s5 =	simm.s32 $_tile_overlayer_lowered  }
0x9b: {  	s22 =	simm.s32 $0x1BFF;
	s21 =	sshll.u32 s5, $0x1;
	s2 =	sadd.s32 s19, s18  }
0x9c: {  	s6 =	simm.s32 $0x0;
	s20 =	sshll.u32 s4, $0x1;
	s4 =	sadd.s32 s21, s2  }
0x9d: {  	[timem:s6], [sflag:s22] =	dma.local [hbm:s4], s20  }
0x9e: {  	_ =	swait.ge [sflag:s22], s20  }
0x9f: {  	s3 =	ssub.s32 $0x0, s20;
	[sflag:s22] =	ssyncset.done $0x0  }
0xa0: {  	[sflag:s22] =	ssyncadd.s32 s3;
	_ =	sdelay $0x1  }
0xa1: {  	s23 =	simm.s32 $0x1B8B  }
0xa2: {  	_ =	swait.ge [sflag:s23], $0x1  }
0xa3: {  	[sflag:s23] =	ssyncset.done $0x0  }
0xa4: {  	s25 =	simm.s32 $0x1B8E;
	s24 =	sld [smem:$0x3FFE];
	[sflag:s23] =	ssyncadd.s32 $0xFFFFFFFF  }
0xa5: {  	s26 =	simm.s32 $execute0_lowered;
	[smem:$0x3FD2] =	sst s25  }
0xa6: {  	s4 =	sshll.u32 s26, $0x1;
	_ =	strace $0x80000046;
	[dreg:$0x1] =	wrdreg $0xFFFFFFFF  }
0xa7: {  	s28 =	simm.s32 $_size_execute0_lowered;
	s2 =	sadd.s32 s2, s4;
	[dreg:$0x0] =	wrdreg $0x0  }
0xa8: {  	s4 =	sshll.u32 s28, $0x1;
	[dreg:$0x2] =	wrdreg s2  }
0xa9: {  	[dreg:$0x3] =	wrdreg s4  }
0xaa: {  	[dreg:$0x4] =	wrdreg $0xC0  }
0xab: {  	_ =	task [dreg:s6], $0x5FFFF  }
0xac: {  	[dreg:$0x1] =	wrdreg $0xFFFFFFFF  }
0xad: {  	[dreg:$0x0] =	wrdreg $0x60  }
0xae: {  	[dreg:$0x2] =	wrdreg s24  }
0xaf: {  	[dreg:$0x3] =	wrdreg $0x9  }
0xb0: {  	_ =	task.clear_ibuf [dreg:s6], $0x4FFFF;
	_ =	strace $0x90000046  }
0xb1: {  	s29 =	simm.s32 $0x9;
	_ =	strace $0x80000048  }
0xb2: {  	_ =	swait.ge [sflag:s29], $0x1  }
0xb3: {  	[sflag:s29] =	ssyncadd.s32 $0xFFFFFFFF  }
0xb4: {  	_ =	strace $0x90000048  }
0xb5: {  	_ =	sfence  }
0xb6: {  	s30 =	sld [smem:$0x0];
	_ =	sdelay $0x2  }
0xb7: {  	s31 =	sshll.u32 s1, $0xD;
	s1 =	sshrl.u32 s1, $0x2  }
0xb8: {  	s3 =	sand.u32 $0x4000, s31;
	s1 =	sadd.s32 s1, s30  }
0xb9: {  	s0 =	sor.u32 s3, s0;
	s1 =	sshll.u32 s1, $0x11  }
0xba: {  	s0 =	sor.u32 s1, s0  }
0xbb: {  	s0 =	sadd.s32 $0x8F2B, s0  }
0xbc: {  	[sflag:s0] =	ssyncadd.remote.s32 $0x1  }
0xbd: {  	_ =	sfence.sel $0xFFFF  }
0xbe: {  	[dreg:$0x0] =	wrdreg $0xFFFFFFFF;
	(pc) =	sbr.abs _section_cstart, $3  }
0xbf: {  	[dreg:$0x1] =	wrdreg $0xFFFFFFFF  }
0xc0: {  	_ =	task.clear_ibuf [dreg:s6], $0x2FFFF;
	_ =	strace $0x9FFFFFFF  }
0xc1: {  	(tm) =	ssettm $0x7FFFFFFF  }
tec
execute0_lowered:
.L_overlay_start_1:
0x0: {  	(tag) =	ssettag $0x1  }
0x1: {  	s1 =	srdreg.scid;
	s0 =	stileid.u32  }
0x2: {  	s4 =	rddreg [dreg:$0x0];
	s2 =	simm.s32 $0x0;
	s10 =	simm.s32 $0x3  }
0x3: {  	s11 =	simm.s32 $0x1;
	s13 =	simm.s32 $0x2;
	s15 =	simm.s32 $0x0  }
0x4: {  	s5 =	sand.u32 $0x1, s1;
	s3 =	sshll.u32 s0, $0x1;
	[smem:$0x7FF] =	sst s2  }
0x5: {  	s6 =	sor.u32 s5, s3;
	_ =	strace $0x80000047;
	s5 =	ssub.s32 $0x2, s5  }
0x6: {  	s3 =	sshll.u32 s6, $0x6;
	s6 =	sshll.u32 s6, $0xD;
	s29 =	sshrl.u32 s5, $0x1  }
0x7: {  	s7 =	sadd.s32 s3, s4;
	s3 =	sadd.s32 $0x1A00, s4;
	s8 =	sadd.s32 s6, s4  }
0x8: {  	s9 =	ssub.s32 s5, s29;
	s30 =	sadd.s32 $0x1200, s7;
	s31 =	sadd.s32 $0xF43E00, s8  }
0x9: {  	s6 =	sadd.s32 $0xF44600, s8;
	s7 =	sadd.s32 $0xF44E00, s8;
	[dreg:$0x2] =	wrdreg s30  }
0xa: {  	s8 =	sadd.s32 $0xF45600, s8;
	s9 =	smax.u32 s9, $0x1;
	[dreg:$0x3] =	wrdreg s31  }
.LBB2_1:
0xb: {  	s0 =	rddreg [dreg:$0x2]  }
0xc: {  	[tilespmem:s2], [sflag:$0x3] =	stream.linear.gather [hbm4b:s0+s2], $0x200, $0x38;
	[tilespmem:$0x8200] =	vst v63  }
0xd: {  	_ =	swait.ge [sflag:s10], $0x200  }
0xe: {  	[sflag:s10] =	ssyncset.done $0x0  }
0xf: {  	[sflag:s10] =	ssyncadd.s32 $0xFFFFFE00  }
0x10: {  	v0 =	vld [tilespmem:s2+$0x0];
	_ =	sdelay $0x4  }
0x11: {  	v0 =	vshll.u32 v0, $0x4  }
0x12: {  	(v2sf) =	vpush v0, $0x0  }
0x13: {  	(v2sf) =	vpush v0, $0x1  }
0x14: {  	(v2sf) =	vpush v0, $0x2;
	_ =	sdelay $0x1  }
0x15: {  	(v2sf) =	vpush v0, $0x4;
	_ =	sdelay $0x1  }
0x16: {  	(v2sf) =	vpush v0, $0x3  }
0x17: {  	(v2sf) =	vpush v0, $0x5  }
0x18: {  	s18 =	simm.s32 $0x2000;
	s17 =	simm.s32 $0x0;
	s19 =	simm.s32 $0x0;
	(v2sf) =	vpush v0, $0x6  }
.LBB2_2:
0x19: {  	p0 =	sne.s32 s18, $0xE000  }
0x1a: {  	s30 =	sadd.s32 $0x280, s17;
	s23 =	sadd.s32 $0x780, s17;
	s20 =	smov.u32 s18  }
0x1b: {  	s18 =	sadd.s32 $0x2000, s18;
	s26 =	sadd.s32 $0x580, s17;
	s21 =	sadd.s32 $0x800, s17;
	(v2sf) =	vpush v0, $0x7  }
0x1c: {  	s29 =	sadd.s32 $0x480, s17;
	s24 =	sadd.s32 $0x600, s17;
	s22 =	sadd.s32 $0x880, s17  }
0x1d: {  	s31 =	sadd.s32 $0x200, s17;
	s1 =	sadd.s32 $0x400, s17;
	(v2sf) =	vpush v0, $0x8  }
0x1e: {  	s16 =	simm.s32 $0x0;
	s0 =	sadd.s32 $0x500, s17;
	s19 =	sadd.s32 $0x10, s19  }
0x1f: {  	s12 =	sadd.s32 $0x300, s17;
	s25 =	sadd.s32 $0x700, s17;
	s28 =	spop (v2sf);
	(v2sf) =	vpush v0, $0x9  }
0x20: {  	s14 =	sand.u32 $0x1FFFFFF0, s28;
	s28 =	sadd.s32 $0x680, s17;
	s4 =	spop (v2sf)  }
0x21: {  	s14 =	sadd.s32 s3, s14;
	s4 =	sand.u32 $0x1FFFFFF0, s4;
	s5 =	spop (v2sf);
	(v2sf) =	vpush v0, $0xA  }
0x22: {  	[tilespmem:s31], [sflag:$0x1] =	stream.linear.gather [hbm4b:s14+s16], $0x80, $0x38;
	[tilespmem:$0x8200] =	vst v63  }
0x23: {  	s4 =	sadd.s32 s3, s4;
	s14 =	sadd.s32 $0x380, s17;
	s31 =	spop (v2sf);
	(v2sf) =	vpush v0, $0xB  }
0x24: {  	[tilespmem:s30], [sflag:$0x1] =	stream.linear.gather [hbm4b:s4+s16], $0x80, $0x38;
	[tilespmem:$0x8200] =	vst v63  }
0x25: {  	s4 =	sand.u32 $0x1FFFFFF0, s5;
	s5 =	sand.u32 $0x1FFFFFF0, s31;
	s30 =	spop (v2sf);
	(v2sf) =	vpush v0, $0xC  }
0x26: {  	s4 =	sadd.s32 s3, s4;
	s30 =	sand.u32 $0x1FFFFFF0, s30;
	s31 =	spop (v2sf)  }
0x27: {  	[tilespmem:s12], [sflag:$0x1] =	stream.linear.gather [hbm4b:s4+s16], $0x80, $0x38;
	(v2sf) =	vpush v0, $0xD;
	[tilespmem:$0x8200] =	vst v63  }
0x28: {  	s4 =	sadd.s32 s3, s30;
	s12 =	sand.u32 $0x1FFFFFF0, s31;
	s30 =	spop (v2sf)  }
0x29: {  	[tilespmem:s14], [sflag:$0x1] =	stream.linear.gather [hbm4b:s4+s16], $0x80, $0x38;
	(v2sf) =	vpush v0, $0xE;
	[tilespmem:$0x8200] =	vst v63  }
0x2a: {  	s4 =	sadd.s32 s3, s5;
	s5 =	sand.u32 $0x1FFFFFF0, s30;
	s14 =	spop (v2sf)  }
0x2b: {  	[tilespmem:s1], [sflag:$0x1] =	stream.linear.gather [hbm4b:s4+s16], $0x80, $0x38;
	(v2sf) =	vpush v0, $0xF;
	[tilespmem:$0x8200] =	vst v63  }
0x2c: {  	s1 =	sadd.s32 s3, s12;
	s4 =	sand.u32 $0x1FFFFFF0, s14;
	s12 =	spop (v2sf)  }
0x2d: {  	[tilespmem:s29], [sflag:$0x1] =	stream.linear.gather [hbm4b:s1+s16], $0x80, $0x38;
	[tilespmem:$0x8200] =	vst v63  }
0x2e: {  	s1 =	sadd.s32 s3, s5;
	s5 =	sand.u32 $0x1FFFFFF0, s12;
	s12 =	spop (v2sf)  }
0x2f: {  	[tilespmem:s0], [sflag:$0x1] =	stream.linear.gather [hbm4b:s1+s16], $0x80, $0x38;
	[tilespmem:$0x8200] =	vst v63  }
0x30: {  	s0 =	sadd.s32 s3, s4;
	s1 =	sand.u32 $0x1FFFFFF0, s12;
	s4 =	spop (v2sf)  }
0x31: {  	[tilespmem:s26], [sflag:$0x1] =	stream.linear.gather [hbm4b:s0+s16], $0x80, $0x38;
	[tilespmem:$0x8200] =	vst v63  }
0x32: {  	s0 =	sadd.s32 s3, s5;
	s4 =	sand.u32 $0x1FFFFFF0, s4;
	s5 =	spop (v2sf)  }
0x33: {  	[tilespmem:s24], [sflag:$0x1] =	stream.linear.gather [hbm4b:s0+s16], $0x80, $0x38;
	[tilespmem:$0x8200] =	vst v63  }
0x34: {  	s0 =	sadd.s32 s3, s1;
	s1 =	sand.u32 $0x1FFFFFF0, s5;
	s5 =	spop (v2sf)  }
0x35: {  	[tilespmem:s28], [sflag:$0x1] =	stream.linear.gather [hbm4b:s0+s16], $0x80, $0x38;
	[tilespmem:$0x8200] =	vst v63  }
0x36: {  	s0 =	sadd.s32 s3, s4;
	s4 =	sand.u32 $0x1FFFFFF0, s5;
	s5 =	spop (v2sf)  }
0x37: {  	[tilespmem:s25], [sflag:$0x1] =	stream.linear.gather [hbm4b:s0+s16], $0x80, $0x38;
	[tilespmem:$0x8200] =	vst v63  }
0x38: {  	s0 =	sadd.s32 s3, s1;
	s1 =	sand.u32 $0x1FFFFFF0, s5;
	s5 =	spop (v2sf)  }
0x39: {  	[tilespmem:s23], [sflag:$0x1] =	stream.linear.gather [hbm4b:s0+s16], $0x80, $0x38;
	[tilespmem:$0x8200] =	vst v63  }
0x3a: {  	s0 =	sadd.s32 s3, s4;
	s4 =	sand.u32 $0x1FFFFFF0, s5;
	s5 =	spop (v2sf)  }
0x3b: {  	[tilespmem:s21], [sflag:$0x1] =	stream.linear.gather [hbm4b:s0+s16], $0x80, $0x38;
	[tilespmem:$0x8200] =	vst v63  }
0x3c: {  	s0 =	sadd.s32 s3, s1;
	s1 =	sand.u32 $0x1FFFFFF0, s5  }
0x3d: {  	[tilespmem:s22], [sflag:$0x1] =	stream.linear.gather [hbm4b:s0+s16], $0x80, $0x38;
	[tilespmem:$0x8200] =	vst v63  }
0x3e: {  	s4 =	sadd.s32 s3, s4;
	s0 =	sadd.s32 $0x900, s17  }
0x3f: {  	[tilespmem:s0], [sflag:$0x1] =	stream.linear.gather [hbm4b:s4+s16], $0x80, $0x38;
	[tilespmem:$0x8200] =	vst v63  }
0x40: {  	s1 =	sadd.s32 s3, s1;
	s0 =	sadd.s32 $0x980, s17  }
0x41: {  	[tilespmem:s0], [sflag:$0x1] =	stream.linear.gather [hbm4b:s1+s16], $0x80, $0x38;
	[tilespmem:$0x8200] =	vst v63  }
0x42: {  	v0 =	vld [tilespmem:s19+$0x0];
	_ =	sdelay $0x4  }
0x43: {  	v0 =	vshll.u32 v0, $0x4  }
0x44: {  	(v2sf) =	vpush v0, $0x0  }
0x45: {  	(v2sf) =	vpush v0, $0x1  }
0x46: {  	(v2sf) =	vpush v0, $0x2;
	_ =	sdelay $0x1  }
0x47: {  	(v2sf) =	vpush v0, $0x4  }
.Ltmp0:
0x48: {  	(pc) =	sbr.rel @p0 .LBB2_2-.Ltmp0, $3  }
0x49: {  	(v2sf) =	vpush v0, $0x3  }
0x4a: {  	(v2sf) =	vpush v0, $0x5;
	_ =	sdelay $0x1  }
0x4b: {  	s17 =	sshra.s32 s20, $0x2;
	(v2sf) =	vpush v0, $0x6  }
0x4c: {  	_ =	sdelay $0x1  }
0x4d: {  	s0 =	sadd.s32 $0x280, s17;
	s20 =	sadd.s32 $0x780, s17  }
0x4e: {  	s1 =	sadd.s32 $0x580, s17;
	s18 =	sadd.s32 $0x800, s17;
	(v2sf) =	vpush v0, $0x7;
	s4 =	sadd.s32 $0x480, s17  }
0x4f: {  	s5 =	sadd.s32 $0x600, s17;
	s19 =	sadd.s32 $0x880, s17;
	s12 =	sadd.s32 $0x200, s17  }
0x50: {  	s14 =	sadd.s32 $0x400, s17;
	s21 =	sadd.s32 $0x500, s17;
	(v2sf) =	vpush v0, $0x8;
	s22 =	spop (v2sf)  }
0x51: {  	s23 =	sadd.s32 $0x300, s17;
	s22 =	sand.u32 $0x1FFFFFF0, s22;
	s24 =	spop (v2sf)  }
0x52: {  	(v2sf) =	vpush v0, $0x9;
	s22 =	sadd.s32 s3, s22;
	s24 =	sand.u32 $0x1FFFFFF0, s24;
	s25 =	spop (v2sf)  }
0x53: {  	[tilespmem:s12], [sflag:$0x1] =	stream.linear.gather [hbm4b:s22+s16], $0x80, $0x38;
	[tilespmem:$0x8200] =	vst v63  }
0x54: {  	(v2sf) =	vpush v0, $0xA;
	s26 =	sadd.s32 s3, s24;
	s29 =	sand.u32 $0x1FFFFFF0, s25;
	s28 =	spop (v2sf)  }
0x55: {  	[tilespmem:s0], [sflag:$0x1] =	stream.linear.gather [hbm4b:s26+s16], $0x80, $0x38;
	[tilespmem:$0x8200] =	vst v63  }
0x56: {  	s12 =	sadd.s32 $0x700, s17;
	(v2sf) =	vpush v0, $0xB;
	s22 =	sadd.s32 s3, s29;
	s30 =	spop (v2sf)  }
0x57: {  	s0 =	sadd.s32 $0x680, s17;
	s26 =	sadd.s32 $0x380, s17;
	s25 =	sand.u32 $0x1FFFFFF0, s30  }
0x58: {  	(v2sf) =	vpush v0, $0xC;
	[tilespmem:s23], [sflag:$0x1] =	stream.linear.gather [hbm4b:s22+s16], $0x80, $0x38;
	[tilespmem:$0x8200] =	vst v63  }
0x59: {  	s31 =	sand.u32 $0x1FFFFFF0, s28;
	s28 =	spop (v2sf);
	s29 =	sadd.s32 s3, s25  }
0x5a: {  	(v2sf) =	vpush v0, $0xD;
	[tilespmem:s26], [sflag:$0x1] =	stream.linear.gather [hbm4b:s29+s16], $0x80, $0x38;
	[tilespmem:$0x8200] =	vst v63  }
0x5b: {  	s22 =	sadd.s32 s3, s31;
	s23 =	sand.u32 $0x1FFFFFF0, s28;
	s30 =	spop (v2sf)  }
0x5c: {  	(v2sf) =	vpush v0, $0xE;
	[tilespmem:s14], [sflag:$0x1] =	stream.linear.gather [hbm4b:s22+s16], $0x80, $0x38;
	[tilespmem:$0x8200] =	vst v63  }
0x5d: {  	s23 =	sadd.s32 s3, s23;
	s31 =	sand.u32 $0x1FFFFFF0, s30;
	s24 =	spop (v2sf)  }
0x5e: {  	(v2sf) =	vpush v0, $0xF;
	[tilespmem:s4], [sflag:$0x1] =	stream.linear.gather [hbm4b:s23+s16], $0x80, $0x38;
	[tilespmem:$0x8200] =	vst v63  }
0x5f: {  	s25 =	sand.u32 $0x1FFFFFF0, s24;
	s26 =	spop (v2sf);
	s14 =	sadd.s32 s3, s31  }
0x60: {  	[tilespmem:s21], [sflag:$0x1] =	stream.linear.gather [hbm4b:s14+s16], $0x80, $0x38;
	[tilespmem:$0x8200] =	vst v63  }
0x61: {  	s28 =	sand.u32 $0x1FFFFFF0, s26;
	s4 =	sadd.s32 s3, s25;
	s29 =	spop (v2sf)  }
0x62: {  	[tilespmem:s1], [sflag:$0x1] =	stream.linear.gather [hbm4b:s4+s16], $0x80, $0x38;
	[tilespmem:$0x8200] =	vst v63  }
0x63: {  	s14 =	sadd.s32 s3, s28;
	s30 =	sand.u32 $0x1FFFFFF0, s29;
	s31 =	spop (v2sf)  }
0x64: {  	[tilespmem:s5], [sflag:$0x1] =	stream.linear.gather [hbm4b:s14+s16], $0x80, $0x38;
	[tilespmem:$0x8200] =	vst v63  }
0x65: {  	s4 =	sand.u32 $0x1FFFFFF0, s31;
	s1 =	sadd.s32 s3, s30;
	s14 =	spop (v2sf)  }
0x66: {  	[tilespmem:s0], [sflag:$0x1] =	stream.linear.gather [hbm4b:s1+s16], $0x80, $0x38;
	[tilespmem:$0x8200] =	vst v63  }
0x67: {  	s4 =	sadd.s32 s3, s4;
	s21 =	sand.u32 $0x1FFFFFF0, s14;
	s22 =	spop (v2sf)  }
0x68: {  	[tilespmem:s12], [sflag:$0x1] =	stream.linear.gather [hbm4b:s4+s16], $0x80, $0x38;
	[tilespmem:$0x8200] =	vst v63  }
0x69: {  	s0 =	sadd.s32 s3, s21;
	s1 =	sand.u32 $0x1FFFFFF0, s22;
	s23 =	spop (v2sf)  }
0x6a: {  	[tilespmem:s20], [sflag:$0x1] =	stream.linear.gather [hbm4b:s0+s16], $0x80, $0x38;
	[tilespmem:$0x8200] =	vst v63  }
0x6b: {  	s24 =	sand.u32 $0x1FFFFFF0, s23;
	s1 =	sadd.s32 s3, s1;
	s25 =	spop (v2sf)  }
0x6c: {  	[tilespmem:s18], [sflag:$0x1] =	stream.linear.gather [hbm4b:s1+s16], $0x80, $0x38;
	[tilespmem:$0x8200] =	vst v63  }
0x6d: {  	s26 =	sand.u32 $0x1FFFFFF0, s25;
	s28 =	spop (v2sf);
	s0 =	sadd.s32 s3, s24  }
0x6e: {  	[tilespmem:s19], [sflag:$0x1] =	stream.linear.gather [hbm4b:s0+s16], $0x80, $0x38;
	[tilespmem:$0x8200] =	vst v63  }
0x6f: {  	s30 =	sadd.s32 $0x900, s17;
	s29 =	sand.u32 $0x1FFFFFF0, s28;
	s1 =	sadd.s32 s3, s26  }
0x70: {  	[tilespmem:s30], [sflag:$0x1] =	stream.linear.gather [hbm4b:s1+s16], $0x80, $0x38;
	[tilespmem:$0x8200] =	vst v63  }
0x71: {  	s31 =	sadd.s32 $0x980, s17;
	s17 =	simm.s32 $0x80;
	s0 =	sadd.s32 s3, s29  }
0x72: {  	[tilespmem:s31], [sflag:$0x1] =	stream.linear.gather [hbm4b:s0+s16], $0x80, $0x38;
	[tilespmem:$0x8200] =	vst v63  }
0x73: {  	v0 =	vld [tilespmem:s17+$0x0];
	_ =	sdelay $0x4  }
0x74: {  	v0 =	vshll.u32 v0, $0x4  }
0x75: {  	(v2sf) =	vpush v0, $0x0  }
0x76: {  	(v2sf) =	vpush v0, $0x1  }
0x77: {  	(v2sf) =	vpush v0, $0x2;
	_ =	sdelay $0x1  }
0x78: {  	(v2sf) =	vpush v0, $0x4;
	_ =	sdelay $0x1  }
0x79: {  	(v2sf) =	vpush v0, $0x3  }
0x7a: {  	(v2sf) =	vpush v0, $0x5  }
0x7b: {  	s18 =	simm.s32 $0x2000;
	s16 =	simm.s32 $0x0;
	(v2sf) =	vpush v0, $0x6  }
.LBB2_4:
0x7c: {  	p0 =	sne.s32 s18, $0xE000  }
0x7d: {  	s0 =	sadd.s32 $0x4280, s16;
	s22 =	sadd.s32 $0x4780, s16;
	s19 =	smov.u32 s18  }
0x7e: {  	s18 =	sadd.s32 $0x2000, s18;
	s25 =	sadd.s32 $0x4580, s16;
	s20 =	sadd.s32 $0x4800, s16;
	(v2sf) =	vpush v0, $0x7  }
0x7f: {  	s28 =	sadd.s32 $0x4480, s16;
	s24 =	sadd.s32 $0x4600, s16;
	s21 =	sadd.s32 $0x4880, s16  }
0x80: {  	s1 =	sadd.s32 $0x4200, s16;
	s4 =	sadd.s32 $0x4400, s16;
	(v2sf) =	vpush v0, $0x8  }
0x81: {  	s5 =	sadd.s32 $0x4500, s16;
	s17 =	sadd.s32 $0x10, s17  }
0x82: {  	s12 =	sadd.s32 $0x4300, s16;
	s23 =	sadd.s32 $0x4700, s16;
	s14 =	spop (v2sf);
	(v2sf) =	vpush v0, $0x9  }
0x83: {  	s26 =	sadd.s32 $0x4680, s16;
	s14 =	sand.u32 $0x1FFFFFF0, s14;
	s29 =	spop (v2sf)  }
0x84: {  	s14 =	sadd.s32 s3, s14;
	s29 =	sand.u32 $0x1FFFFFF0, s29;
	s30 =	spop (v2sf);
	(v2sf) =	vpush v0, $0xA  }
0x85: {  	[tilespmem:s1], [sflag:$0x2] =	stream.linear.gather [hbm4b:s14+s2], $0x80, $0x38;
	[tilespmem:$0x8200] =	vst v63  }
0x86: {  	s1 =	sadd.s32 s3, s29;
	s14 =	sadd.s32 $0x4380, s16;
	s29 =	spop (v2sf);
	(v2sf) =	vpush v0, $0xB  }
0x87: {  	[tilespmem:s0], [sflag:$0x2] =	stream.linear.gather [hbm4b:s1+s2], $0x80, $0x38;
	[tilespmem:$0x8200] =	vst v63  }
0x88: {  	s0 =	sand.u32 $0x1FFFFFF0, s30;
	s1 =	sand.u32 $0x1FFFFFF0, s29;
	s29 =	spop (v2sf);
	(v2sf) =	vpush v0, $0xC  }
0x89: {  	s0 =	sadd.s32 s3, s0;
	s29 =	sand.u32 $0x1FFFFFF0, s29;
	s30 =	spop (v2sf)  }
0x8a: {  	[tilespmem:s12], [sflag:$0x2] =	stream.linear.gather [hbm4b:s0+s2], $0x80, $0x38;
	(v2sf) =	vpush v0, $0xD;
	[tilespmem:$0x8200] =	vst v63  }
0x8b: {  	s0 =	sadd.s32 s3, s29;
	s12 =	sand.u32 $0x1FFFFFF0, s30;
	s29 =	spop (v2sf)  }
0x8c: {  	[tilespmem:s14], [sflag:$0x2] =	stream.linear.gather [hbm4b:s0+s2], $0x80, $0x38;
	(v2sf) =	vpush v0, $0xE;
	[tilespmem:$0x8200] =	vst v63  }
0x8d: {  	s0 =	sadd.s32 s3, s1;
	s1 =	sand.u32 $0x1FFFFFF0, s29;
	s14 =	spop (v2sf)  }
0x8e: {  	[tilespmem:s4], [sflag:$0x2] =	stream.linear.gather [hbm4b:s0+s2], $0x80, $0x38;
	(v2sf) =	vpush v0, $0xF;
	[tilespmem:$0x8200] =	vst v63  }
0x8f: {  	s0 =	sadd.s32 s3, s12;
	s4 =	sand.u32 $0x1FFFFFF0, s14;
	s12 =	spop (v2sf)  }
0x90: {  	[tilespmem:s28], [sflag:$0x2] =	stream.linear.gather [hbm4b:s0+s2], $0x80, $0x38;
	[tilespmem:$0x8200] =	vst v63  }
0x91: {  	s0 =	sadd.s32 s3, s1;
	s1 =	sand.u32 $0x1FFFFFF0, s12;
	s12 =	spop (v2sf)  }
0x92: {  	[tilespmem:s5], [sflag:$0x2] =	stream.linear.gather [hbm4b:s0+s2], $0x80, $0x38;
	[tilespmem:$0x8200] =	vst v63  }
0x93: {  	s0 =	sadd.s32 s3, s4;
	s4 =	sand.u32 $0x1FFFFFF0, s12;
	s5 =	spop (v2sf)  }
0x94: {  	[tilespmem:s25], [sflag:$0x2] =	stream.linear.gather [hbm4b:s0+s2], $0x80, $0x38;
	[tilespmem:$0x8200] =	vst v63  }
0x95: {  	s0 =	sadd.s32 s3, s1;
	s1 =	sand.u32 $0x1FFFFFF0, s5;
	s5 =	spop (v2sf)  }
0x96: {  	[tilespmem:s24], [sflag:$0x2] =	stream.linear.gather [hbm4b:s0+s2], $0x80, $0x38;
	[tilespmem:$0x8200] =	vst v63  }
0x97: {  	s0 =	sadd.s32 s3, s4;
	s4 =	sand.u32 $0x1FFFFFF0, s5;
	s5 =	spop (v2sf)  }
0x98: {  	[tilespmem:s26], [sflag:$0x2] =	stream.linear.gather [hbm4b:s0+s2], $0x80, $0x38;
	[tilespmem:$0x8200] =	vst v63  }
0x99: {  	s0 =	sadd.s32 s3, s1;
	s1 =	sand.u32 $0x1FFFFFF0, s5;
	s5 =	spop (v2sf)  }
0x9a: {  	[tilespmem:s23], [sflag:$0x2] =	stream.linear.gather [hbm4b:s0+s2], $0x80, $0x38;
	[tilespmem:$0x8200] =	vst v63  }
0x9b: {  	s0 =	sadd.s32 s3, s4;
	s4 =	sand.u32 $0x1FFFFFF0, s5;
	s5 =	spop (v2sf)  }
0x9c: {  	[tilespmem:s22], [sflag:$0x2] =	stream.linear.gather [hbm4b:s0+s2], $0x80, $0x38;
	[tilespmem:$0x8200] =	vst v63  }
0x9d: {  	s0 =	sadd.s32 s3, s1;
	s1 =	sand.u32 $0x1FFFFFF0, s5;
	s5 =	spop (v2sf)  }
0x9e: {  	[tilespmem:s20], [sflag:$0x2] =	stream.linear.gather [hbm4b:s0+s2], $0x80, $0x38;
	[tilespmem:$0x8200] =	vst v63  }
0x9f: {  	s0 =	sadd.s32 s3, s4;
	s4 =	sand.u32 $0x1FFFFFF0, s5  }
0xa0: {  	[tilespmem:s21], [sflag:$0x2] =	stream.linear.gather [hbm4b:s0+s2], $0x80, $0x38;
	[tilespmem:$0x8200] =	vst v63  }
0xa1: {  	s1 =	sadd.s32 s3, s1;
	s0 =	sadd.s32 $0x4900, s16  }
0xa2: {  	[tilespmem:s0], [sflag:$0x2] =	stream.linear.gather [hbm4b:s1+s2], $0x80, $0x38;
	[tilespmem:$0x8200] =	vst v63  }
0xa3: {  	s0 =	sadd.s32 $0x4980, s16;
	s1 =	sadd.s32 s3, s4  }
0xa4: {  	[tilespmem:s0], [sflag:$0x2] =	stream.linear.gather [hbm4b:s1+s2], $0x80, $0x38;
	[tilespmem:$0x8200] =	vst v63  }
0xa5: {  	v0 =	vld [tilespmem:s17+$0x0];
	_ =	sdelay $0x4  }
0xa6: {  	v0 =	vshll.u32 v0, $0x4  }
0xa7: {  	(v2sf) =	vpush v0, $0x0  }
0xa8: {  	(v2sf) =	vpush v0, $0x1  }
0xa9: {  	(v2sf) =	vpush v0, $0x2;
	_ =	sdelay $0x1  }
0xaa: {  	(v2sf) =	vpush v0, $0x4  }
.Ltmp1:
0xab: {  	(pc) =	sbr.rel @p0 .LBB2_4-.Ltmp1, $3  }
0xac: {  	(v2sf) =	vpush v0, $0x3  }
0xad: {  	(v2sf) =	vpush v0, $0x5;
	_ =	sdelay $0x1  }
0xae: {  	s16 =	sshra.s32 s19, $0x2;
	(v2sf) =	vpush v0, $0x6  }
0xaf: {  	_ =	sdelay $0x1  }
0xb0: {  	s0 =	sadd.s32 $0x4280, s16;
	s19 =	sadd.s32 $0x4780, s16  }
0xb1: {  	s1 =	sadd.s32 $0x4580, s16;
	s17 =	sadd.s32 $0x4800, s16;
	(v2sf) =	vpush v0, $0x7;
	s4 =	sadd.s32 $0x4480, s16  }
0xb2: {  	s5 =	sadd.s32 $0x4600, s16;
	s18 =	sadd.s32 $0x4880, s16;
	s12 =	sadd.s32 $0x4200, s16  }
0xb3: {  	s14 =	sadd.s32 $0x4400, s16;
	s20 =	sadd.s32 $0x4500, s16;
	(v2sf) =	vpush v0, $0x8;
	s21 =	spop (v2sf)  }
0xb4: {  	s22 =	sadd.s32 $0x4300, s16;
	s21 =	sand.u32 $0x1FFFFFF0, s21;
	s23 =	spop (v2sf)  }
0xb5: {  	(v2sf) =	vpush v0, $0x9;
	s21 =	sadd.s32 s3, s21;
	s23 =	sand.u32 $0x1FFFFFF0, s23;
	s24 =	spop (v2sf)  }
0xb6: {  	[tilespmem:s12], [sflag:$0x2] =	stream.linear.gather [hbm4b:s21+s2], $0x80, $0x38;
	[tilespmem:$0x8200] =	vst v63  }
0xb7: {  	s25 =	sadd.s32 $0x4380, s16;
	(v2sf) =	vpush v0, $0xA;
	s29 =	sadd.s32 s3, s23;
	s30 =	spop (v2sf)  }
0xb8: {  	[tilespmem:s0], [sflag:$0x2] =	stream.linear.gather [hbm4b:s29+s2], $0x80, $0x38;
	[tilespmem:$0x8200] =	vst v63  }
0xb9: {  	s12 =	sadd.s32 $0x4700, s16;
	s26 =	sand.u32 $0x1FFFFFF0, s24;
	(v2sf) =	vpush v0, $0xB;
	s28 =	spop (v2sf)  }
0xba: {  	s21 =	sadd.s32 s3, s26;
	s0 =	sadd.s32 $0x4680, s16;
	s24 =	sand.u32 $0x1FFFFFF0, s28  }
0xbb: {  	(v2sf) =	vpush v0, $0xC;
	[tilespmem:s22], [sflag:$0x2] =	stream.linear.gather [hbm4b:s21+s2], $0x80, $0x38;
	[tilespmem:$0x8200] =	vst v63  }
0xbc: {  	s29 =	sand.u32 $0x1FFFFFF0, s30;
	s30 =	spop (v2sf);
	s26 =	sadd.s32 s3, s24  }
0xbd: {  	(v2sf) =	vpush v0, $0xD;
	[tilespmem:s25], [sflag:$0x2] =	stream.linear.gather [hbm4b:s26+s2], $0x80, $0x38;
	[tilespmem:$0x8200] =	vst v63  }
0xbe: {  	s21 =	sadd.s32 s3, s29;
	s22 =	sand.u32 $0x1FFFFFF0, s30;
	s28 =	spop (v2sf)  }
0xbf: {  	(v2sf) =	vpush v0, $0xE;
	[tilespmem:s14], [sflag:$0x2] =	stream.linear.gather [hbm4b:s21+s2], $0x80, $0x38;
	[tilespmem:$0x8200] =	vst v63  }
0xc0: {  	s22 =	sadd.s32 s3, s22;
	s29 =	sand.u32 $0x1FFFFFF0, s28;
	s30 =	spop (v2sf)  }
0xc1: {  	(v2sf) =	vpush v0, $0xF;
	[tilespmem:s4], [sflag:$0x2] =	stream.linear.gather [hbm4b:s22+s2], $0x80, $0x38;
	[tilespmem:$0x8200] =	vst v63  }
0xc2: {  	s23 =	sand.u32 $0x1FFFFFF0, s30;
	s24 =	spop (v2sf);
	s14 =	sadd.s32 s3, s29  }
0xc3: {  	[tilespmem:s20], [sflag:$0x2] =	stream.linear.gather [hbm4b:s14+s2], $0x80, $0x38;
	[tilespmem:$0x8200] =	vst v63  }
0xc4: {  	s25 =	sand.u32 $0x1FFFFFF0, s24;
	s4 =	sadd.s32 s3, s23;
	s26 =	spop (v2sf)  }
0xc5: {  	[tilespmem:s1], [sflag:$0x2] =	stream.linear.gather [hbm4b:s4+s2], $0x80, $0x38;
	[tilespmem:$0x8200] =	vst v63  }
0xc6: {  	s14 =	sadd.s32 s3, s25;
	s28 =	sand.u32 $0x1FFFFFF0, s26;
	s29 =	spop (v2sf)  }
0xc7: {  	[tilespmem:s5], [sflag:$0x2] =	stream.linear.gather [hbm4b:s14+s2], $0x80, $0x38;
	[tilespmem:$0x8200] =	vst v63  }
0xc8: {  	s4 =	sand.u32 $0x1FFFFFF0, s29;
	s1 =	sadd.s32 s3, s28;
	s30 =	spop (v2sf)  }
0xc9: {  	[tilespmem:s0], [sflag:$0x2] =	stream.linear.gather [hbm4b:s1+s2], $0x80, $0x38;
	[tilespmem:$0x8200] =	vst v63  }
0xca: {  	s4 =	sadd.s32 s3, s4;
	s5 =	sand.u32 $0x1FFFFFF0, s30;
	s14 =	spop (v2sf)  }
0xcb: {  	[tilespmem:s12], [sflag:$0x2] =	stream.linear.gather [hbm4b:s4+s2], $0x80, $0x38;
	[tilespmem:$0x8200] =	vst v63  }
0xcc: {  	s0 =	sadd.s32 s3, s5;
	s1 =	sand.u32 $0x1FFFFFF0, s14;
	s20 =	spop (v2sf)  }
0xcd: {  	[tilespmem:s19], [sflag:$0x2] =	stream.linear.gather [hbm4b:s0+s2], $0x80, $0x38;
	[tilespmem:$0x8200] =	vst v63  }
0xce: {  	s21 =	sand.u32 $0x1FFFFFF0, s20;
	s1 =	sadd.s32 s3, s1;
	s22 =	spop (v2sf)  }
0xcf: {  	[tilespmem:s17], [sflag:$0x2] =	stream.linear.gather [hbm4b:s1+s2], $0x80, $0x38;
	[tilespmem:$0x8200] =	vst v63  }
0xd0: {  	s23 =	sand.u32 $0x1FFFFFF0, s22;
	s24 =	spop (v2sf);
	s0 =	sadd.s32 s3, s21  }
0xd1: {  	[tilespmem:s18], [sflag:$0x2] =	stream.linear.gather [hbm4b:s0+s2], $0x80, $0x38;
	[tilespmem:$0x8200] =	vst v63  }
0xd2: {  	s26 =	sadd.s32 $0x4900, s16;
	s25 =	sand.u32 $0x1FFFFFF0, s24;
	s1 =	sadd.s32 s3, s23  }
0xd3: {  	[tilespmem:s26], [sflag:$0x2] =	stream.linear.gather [hbm4b:s1+s2], $0x80, $0x38;
	[tilespmem:$0x8200] =	vst v63  }
0xd4: {  	s28 =	sadd.s32 $0x4980, s16;
	s0 =	sadd.s32 s3, s25  }
0xd5: {  	[tilespmem:s28], [sflag:$0x2] =	stream.linear.gather [hbm4b:s0+s2], $0x80, $0x38;
	[tilespmem:$0x8200] =	vst v63  }
0xd6: {  	_ =	swait.ge [sflag:s11], $0x4000  }
0xd7: {  	s31 =	simm.s32 $0x200;
	[sflag:s11] =	ssyncset.done $0x0  }
0xd8: {  	s29 =	simm.s32 $0x0;
	s30 =	rddreg [dreg:$0x3];
	[sflag:s11] =	ssyncadd.s32 $0xFFFFC000  }
0xd9: {  	[hbm4b:s30+s29] =	stream.linear.scatter [tilespmem:s31], [sflag:$0x3], $0x4000, $0x38;
	[tilespmem:$0x8200] =	vst v63  }
0xda: {  	_ =	swait.ge [sflag:s10], $0x4000  }
0xdb: {  	[sflag:s10] =	ssyncset.done $0x0  }
0xdc: {  	s17 =	simm.s32 $0x100;
	[sflag:s10] =	ssyncadd.s32 $0xFFFFC000  }
0xdd: {  	v0 =	vld [tilespmem:s17+$0x0];
	_ =	sdelay $0x4  }
0xde: {  	v0 =	vshll.u32 v0, $0x4  }
0xdf: {  	(v2sf) =	vpush v0, $0x0  }
0xe0: {  	(v2sf) =	vpush v0, $0x1  }
0xe1: {  	(v2sf) =	vpush v0, $0x2;
	_ =	sdelay $0x1  }
0xe2: {  	(v2sf) =	vpush v0, $0x4;
	_ =	sdelay $0x1  }
0xe3: {  	(v2sf) =	vpush v0, $0x3  }
0xe4: {  	(v2sf) =	vpush v0, $0x5  }
0xe5: {  	s16 =	simm.s32 $0x0;
	s18 =	simm.s32 $0x2000;
	(v2sf) =	vpush v0, $0x6  }
.LBB2_6:
0xe6: {  	p0 =	sne.s32 s18, $0xE000  }
0xe7: {  	s0 =	sadd.s32 $0x280, s16;
	s22 =	sadd.s32 $0x780, s16;
	s19 =	smov.u32 s18  }
0xe8: {  	s18 =	sadd.s32 $0x2000, s18;
	s25 =	sadd.s32 $0x580, s16;
	s20 =	sadd.s32 $0x800, s16;
	(v2sf) =	vpush v0, $0x7  }
0xe9: {  	s28 =	sadd.s32 $0x480, s16;
	s24 =	sadd.s32 $0x600, s16;
	s21 =	sadd.s32 $0x880, s16  }
0xea: {  	s1 =	sadd.s32 $0x200, s16;
	s4 =	sadd.s32 $0x400, s16;
	(v2sf) =	vpush v0, $0x8  }
0xeb: {  	s5 =	sadd.s32 $0x500, s16;
	s17 =	sadd.s32 $0x10, s17  }
0xec: {  	s12 =	sadd.s32 $0x300, s16;
	s23 =	sadd.s32 $0x700, s16;
	s14 =	spop (v2sf);
	(v2sf) =	vpush v0, $0x9  }
0xed: {  	s26 =	sadd.s32 $0x680, s16;
	s14 =	sand.u32 $0x1FFFFFF0, s14;
	s29 =	spop (v2sf)  }
0xee: {  	s14 =	sadd.s32 s3, s14;
	s29 =	sand.u32 $0x1FFFFFF0, s29;
	s30 =	spop (v2sf);
	(v2sf) =	vpush v0, $0xA  }
0xef: {  	[tilespmem:s1], [sflag:$0x1] =	stream.linear.gather [hbm4b:s14+s2], $0x80, $0x38;
	[tilespmem:$0x8200] =	vst v63  }
0xf0: {  	s1 =	sadd.s32 s3, s29;
	s14 =	sadd.s32 $0x380, s16;
	s29 =	spop (v2sf);
	(v2sf) =	vpush v0, $0xB  }
0xf1: {  	[tilespmem:s0], [sflag:$0x1] =	stream.linear.gather [hbm4b:s1+s2], $0x80, $0x38;
	[tilespmem:$0x8200] =	vst v63  }
0xf2: {  	s0 =	sand.u32 $0x1FFFFFF0, s30;
	s1 =	sand.u32 $0x1FFFFFF0, s29;
	s29 =	spop (v2sf);
	(v2sf) =	vpush v0, $0xC  }
0xf3: {  	s0 =	sadd.s32 s3, s0;
	s29 =	sand.u32 $0x1FFFFFF0, s29;
	s30 =	spop (v2sf)  }
0xf4: {  	[tilespmem:s12], [sflag:$0x1] =	stream.linear.gather [hbm4b:s0+s2], $0x80, $0x38;
	(v2sf) =	vpush v0, $0xD;
	[tilespmem:$0x8200] =	vst v63  }
0xf5: {  	s0 =	sadd.s32 s3, s29;
	s12 =	sand.u32 $0x1FFFFFF0, s30;
	s29 =	spop (v2sf)  }
0xf6: {  	[tilespmem:s14], [sflag:$0x1] =	stream.linear.gather [hbm4b:s0+s2], $0x80, $0x38;
	(v2sf) =	vpush v0, $0xE;
	[tilespmem:$0x8200] =	vst v63  }
0xf7: {  	s0 =	sadd.s32 s3, s1;
	s1 =	sand.u32 $0x1FFFFFF0, s29;
	s14 =	spop (v2sf)  }
0xf8: {  	[tilespmem:s4], [sflag:$0x1] =	stream.linear.gather [hbm4b:s0+s2], $0x80, $0x38;
	(v2sf) =	vpush v0, $0xF;
	[tilespmem:$0x8200] =	vst v63  }
0xf9: {  	s0 =	sadd.s32 s3, s12;
	s4 =	sand.u32 $0x1FFFFFF0, s14;
	s12 =	spop (v2sf)  }
0xfa: {  	[tilespmem:s28], [sflag:$0x1] =	stream.linear.gather [hbm4b:s0+s2], $0x80, $0x38;
	[tilespmem:$0x8200] =	vst v63  }
0xfb: {  	s0 =	sadd.s32 s3, s1;
	s1 =	sand.u32 $0x1FFFFFF0, s12;
	s12 =	spop (v2sf)  }
0xfc: {  	[tilespmem:s5], [sflag:$0x1] =	stream.linear.gather [hbm4b:s0+s2], $0x80, $0x38;
	[tilespmem:$0x8200] =	vst v63  }
0xfd: {  	s0 =	sadd.s32 s3, s4;
	s4 =	sand.u32 $0x1FFFFFF0, s12;
	s5 =	spop (v2sf)  }
0xfe: {  	[tilespmem:s25], [sflag:$0x1] =	stream.linear.gather [hbm4b:s0+s2], $0x80, $0x38;
	[tilespmem:$0x8200] =	vst v63  }
0xff: {  	s0 =	sadd.s32 s3, s1;
	s1 =	sand.u32 $0x1FFFFFF0, s5;
	s5 =	spop (v2sf)  }
0x100: {  	[tilespmem:s24], [sflag:$0x1] =	stream.linear.gather [hbm4b:s0+s2], $0x80, $0x38;
	[tilespmem:$0x8200] =	vst v63  }
0x101: {  	s0 =	sadd.s32 s3, s4;
	s4 =	sand.u32 $0x1FFFFFF0, s5;
	s5 =	spop (v2sf)  }
0x102: {  	[tilespmem:s26], [sflag:$0x1] =	stream.linear.gather [hbm4b:s0+s2], $0x80, $0x38;
	[tilespmem:$0x8200] =	vst v63  }
0x103: {  	s0 =	sadd.s32 s3, s1;
	s1 =	sand.u32 $0x1FFFFFF0, s5;
	s5 =	spop (v2sf)  }
0x104: {  	[tilespmem:s23], [sflag:$0x1] =	stream.linear.gather [hbm4b:s0+s2], $0x80, $0x38;
	[tilespmem:$0x8200] =	vst v63  }
0x105: {  	s0 =	sadd.s32 s3, s4;
	s4 =	sand.u32 $0x1FFFFFF0, s5;
	s5 =	spop (v2sf)  }
0x106: {  	[tilespmem:s22], [sflag:$0x1] =	stream.linear.gather [hbm4b:s0+s2], $0x80, $0x38;
	[tilespmem:$0x8200] =	vst v63  }
0x107: {  	s0 =	sadd.s32 s3, s1;
	s1 =	sand.u32 $0x1FFFFFF0, s5;
	s5 =	spop (v2sf)  }
0x108: {  	[tilespmem:s20], [sflag:$0x1] =	stream.linear.gather [hbm4b:s0+s2], $0x80, $0x38;
	[tilespmem:$0x8200] =	vst v63  }
0x109: {  	s0 =	sadd.s32 s3, s4;
	s4 =	sand.u32 $0x1FFFFFF0, s5  }
0x10a: {  	[tilespmem:s21], [sflag:$0x1] =	stream.linear.gather [hbm4b:s0+s2], $0x80, $0x38;
	[tilespmem:$0x8200] =	vst v63  }
0x10b: {  	s1 =	sadd.s32 s3, s1;
	s0 =	sadd.s32 $0x900, s16  }
0x10c: {  	[tilespmem:s0], [sflag:$0x1] =	stream.linear.gather [hbm4b:s1+s2], $0x80, $0x38;
	[tilespmem:$0x8200] =	vst v63  }
0x10d: {  	s0 =	sadd.s32 $0x980, s16;
	s1 =	sadd.s32 s3, s4  }
0x10e: {  	[tilespmem:s0], [sflag:$0x1] =	stream.linear.gather [hbm4b:s1+s2], $0x80, $0x38;
	[tilespmem:$0x8200] =	vst v63  }
0x10f: {  	v0 =	vld [tilespmem:s17+$0x0];
	_ =	sdelay $0x4  }
0x110: {  	v0 =	vshll.u32 v0, $0x4  }
0x111: {  	(v2sf) =	vpush v0, $0x0  }
0x112: {  	(v2sf) =	vpush v0, $0x1  }
0x113: {  	(v2sf) =	vpush v0, $0x2;
	_ =	sdelay $0x1  }
0x114: {  	(v2sf) =	vpush v0, $0x4  }
.Ltmp2:
0x115: {  	(pc) =	sbr.rel @p0 .LBB2_6-.Ltmp2, $3  }
0x116: {  	(v2sf) =	vpush v0, $0x3  }
0x117: {  	(v2sf) =	vpush v0, $0x5;
	_ =	sdelay $0x1  }
0x118: {  	s16 =	sshra.s32 s19, $0x2;
	(v2sf) =	vpush v0, $0x6  }
0x119: {  	_ =	sdelay $0x1  }
0x11a: {  	s0 =	sadd.s32 $0x280, s16;
	s19 =	sadd.s32 $0x780, s16  }
0x11b: {  	s1 =	sadd.s32 $0x580, s16;
	s17 =	sadd.s32 $0x800, s16;
	(v2sf) =	vpush v0, $0x7;
	s4 =	sadd.s32 $0x480, s16  }
0x11c: {  	s5 =	sadd.s32 $0x600, s16;
	s18 =	sadd.s32 $0x880, s16;
	s12 =	sadd.s32 $0x200, s16  }
0x11d: {  	s14 =	sadd.s32 $0x400, s16;
	s20 =	sadd.s32 $0x500, s16;
	(v2sf) =	vpush v0, $0x8;
	s21 =	spop (v2sf)  }
0x11e: {  	s22 =	sadd.s32 $0x300, s16;
	s21 =	sand.u32 $0x1FFFFFF0, s21;
	s23 =	spop (v2sf)  }
0x11f: {  	(v2sf) =	vpush v0, $0x9;
	s21 =	sadd.s32 s3, s21;
	s23 =	sand.u32 $0x1FFFFFF0, s23;
	s24 =	spop (v2sf)  }
0x120: {  	[tilespmem:s12], [sflag:$0x1] =	stream.linear.gather [hbm4b:s21+s2], $0x80, $0x38;
	[tilespmem:$0x8200] =	vst v63  }
0x121: {  	s25 =	sadd.s32 $0x380, s16;
	(v2sf) =	vpush v0, $0xA;
	s29 =	sadd.s32 s3, s23;
	s30 =	spop (v2sf)  }
0x122: {  	[tilespmem:s0], [sflag:$0x1] =	stream.linear.gather [hbm4b:s29+s2], $0x80, $0x38;
	[tilespmem:$0x8200] =	vst v63  }
0x123: {  	s12 =	sadd.s32 $0x700, s16;
	s26 =	sand.u32 $0x1FFFFFF0, s24;
	(v2sf) =	vpush v0, $0xB;
	s28 =	spop (v2sf)  }
0x124: {  	s21 =	sadd.s32 s3, s26;
	s0 =	sadd.s32 $0x680, s16;
	s24 =	sand.u32 $0x1FFFFFF0, s28  }
0x125: {  	(v2sf) =	vpush v0, $0xC;
	[tilespmem:s22], [sflag:$0x1] =	stream.linear.gather [hbm4b:s21+s2], $0x80, $0x38;
	[tilespmem:$0x8200] =	vst v63  }
0x126: {  	s29 =	sand.u32 $0x1FFFFFF0, s30;
	s30 =	spop (v2sf);
	s26 =	sadd.s32 s3, s24  }
0x127: {  	(v2sf) =	vpush v0, $0xD;
	[tilespmem:s25], [sflag:$0x1] =	stream.linear.gather [hbm4b:s26+s2], $0x80, $0x38;
	[tilespmem:$0x8200] =	vst v63  }
0x128: {  	s21 =	sadd.s32 s3, s29;
	s22 =	sand.u32 $0x1FFFFFF0, s30;
	s28 =	spop (v2sf)  }
0x129: {  	(v2sf) =	vpush v0, $0xE;
	[tilespmem:s14], [sflag:$0x1] =	stream.linear.gather [hbm4b:s21+s2], $0x80, $0x38;
	[tilespmem:$0x8200] =	vst v63  }
0x12a: {  	s22 =	sadd.s32 s3, s22;
	s29 =	sand.u32 $0x1FFFFFF0, s28;
	s30 =	spop (v2sf)  }
0x12b: {  	(v2sf) =	vpush v0, $0xF;
	[tilespmem:s4], [sflag:$0x1] =	stream.linear.gather [hbm4b:s22+s2], $0x80, $0x38;
	[tilespmem:$0x8200] =	vst v63  }
0x12c: {  	s23 =	sand.u32 $0x1FFFFFF0, s30;
	s24 =	spop (v2sf);
	s14 =	sadd.s32 s3, s29  }
0x12d: {  	[tilespmem:s20], [sflag:$0x1] =	stream.linear.gather [hbm4b:s14+s2], $0x80, $0x38;
	[tilespmem:$0x8200] =	vst v63  }
0x12e: {  	s25 =	sand.u32 $0x1FFFFFF0, s24;
	s4 =	sadd.s32 s3, s23;
	s26 =	spop (v2sf)  }
0x12f: {  	[tilespmem:s1], [sflag:$0x1] =	stream.linear.gather [hbm4b:s4+s2], $0x80, $0x38;
	[tilespmem:$0x8200] =	vst v63  }
0x130: {  	s14 =	sadd.s32 s3, s25;
	s28 =	sand.u32 $0x1FFFFFF0, s26;
	s29 =	spop (v2sf)  }
0x131: {  	[tilespmem:s5], [sflag:$0x1] =	stream.linear.gather [hbm4b:s14+s2], $0x80, $0x38;
	[tilespmem:$0x8200] =	vst v63  }
0x132: {  	s4 =	sand.u32 $0x1FFFFFF0, s29;
	s1 =	sadd.s32 s3, s28;
	s30 =	spop (v2sf)  }
0x133: {  	[tilespmem:s0], [sflag:$0x1] =	stream.linear.gather [hbm4b:s1+s2], $0x80, $0x38;
	[tilespmem:$0x8200] =	vst v63  }
0x134: {  	s4 =	sadd.s32 s3, s4;
	s5 =	sand.u32 $0x1FFFFFF0, s30;
	s14 =	spop (v2sf)  }
0x135: {  	[tilespmem:s12], [sflag:$0x1] =	stream.linear.gather [hbm4b:s4+s2], $0x80, $0x38;
	[tilespmem:$0x8200] =	vst v63  }
0x136: {  	s0 =	sadd.s32 s3, s5;
	s1 =	sand.u32 $0x1FFFFFF0, s14;
	s20 =	spop (v2sf)  }
0x137: {  	[tilespmem:s19], [sflag:$0x1] =	stream.linear.gather [hbm4b:s0+s2], $0x80, $0x38;
	[tilespmem:$0x8200] =	vst v63  }
0x138: {  	s21 =	sand.u32 $0x1FFFFFF0, s20;
	s1 =	sadd.s32 s3, s1;
	s22 =	spop (v2sf)  }
0x139: {  	[tilespmem:s17], [sflag:$0x1] =	stream.linear.gather [hbm4b:s1+s2], $0x80, $0x38;
	[tilespmem:$0x8200] =	vst v63  }
0x13a: {  	s23 =	sand.u32 $0x1FFFFFF0, s22;
	s24 =	spop (v2sf);
	s0 =	sadd.s32 s3, s21  }
0x13b: {  	[tilespmem:s18], [sflag:$0x1] =	stream.linear.gather [hbm4b:s0+s2], $0x80, $0x38;
	[tilespmem:$0x8200] =	vst v63  }
0x13c: {  	s26 =	sadd.s32 $0x900, s16;
	s25 =	sand.u32 $0x1FFFFFF0, s24;
	s1 =	sadd.s32 s3, s23  }
0x13d: {  	[tilespmem:s26], [sflag:$0x1] =	stream.linear.gather [hbm4b:s1+s2], $0x80, $0x38;
	[tilespmem:$0x8200] =	vst v63  }
0x13e: {  	s28 =	sadd.s32 $0x980, s16;
	s0 =	sadd.s32 s3, s25  }
0x13f: {  	[tilespmem:s28], [sflag:$0x1] =	stream.linear.gather [hbm4b:s0+s2], $0x80, $0x38;
	[tilespmem:$0x8200] =	vst v63  }
0x140: {  	_ =	swait.ge [sflag:s13], $0x4000  }
0x141: {  	[sflag:s13] =	ssyncset.done $0x0  }
0x142: {  	s29 =	simm.s32 $0x0;
	s30 =	simm.s32 $0x4200;
	[sflag:s13] =	ssyncadd.s32 $0xFFFFC000  }
0x143: {  	[hbm4b:s6+s29] =	stream.linear.scatter [tilespmem:s30], [sflag:$0x3], $0x4000, $0x38;
	[tilespmem:$0x8200] =	vst v63  }
0x144: {  	_ =	swait.ge [sflag:s10], $0x4000  }
0x145: {  	[sflag:s10] =	ssyncset.done $0x0  }
0x146: {  	s17 =	simm.s32 $0x180;
	[sflag:s10] =	ssyncadd.s32 $0xFFFFC000  }
0x147: {  	v0 =	vld [tilespmem:s17+$0x0];
	_ =	sdelay $0x4  }
0x148: {  	v0 =	vshll.u32 v0, $0x4  }
0x149: {  	(v2sf) =	vpush v0, $0x0  }
0x14a: {  	(v2sf) =	vpush v0, $0x1  }
0x14b: {  	(v2sf) =	vpush v0, $0x2;
	_ =	sdelay $0x1  }
0x14c: {  	(v2sf) =	vpush v0, $0x4;
	_ =	sdelay $0x1  }
0x14d: {  	(v2sf) =	vpush v0, $0x3  }
0x14e: {  	(v2sf) =	vpush v0, $0x5  }
0x14f: {  	s16 =	simm.s32 $0x0;
	s18 =	simm.s32 $0x2000;
	(v2sf) =	vpush v0, $0x6  }
.LBB2_8:
0x150: {  	p0 =	sne.s32 s18, $0xE000  }
0x151: {  	s0 =	sadd.s32 $0x4280, s16;
	s22 =	sadd.s32 $0x4780, s16;
	s19 =	smov.u32 s18  }
0x152: {  	s18 =	sadd.s32 $0x2000, s18;
	s25 =	sadd.s32 $0x4580, s16;
	s20 =	sadd.s32 $0x4800, s16;
	(v2sf) =	vpush v0, $0x7  }
0x153: {  	s28 =	sadd.s32 $0x4480, s16;
	s24 =	sadd.s32 $0x4600, s16;
	s21 =	sadd.s32 $0x4880, s16  }
0x154: {  	s1 =	sadd.s32 $0x4200, s16;
	s4 =	sadd.s32 $0x4400, s16;
	(v2sf) =	vpush v0, $0x8  }
0x155: {  	s5 =	sadd.s32 $0x4500, s16;
	s17 =	sadd.s32 $0x10, s17  }
0x156: {  	s12 =	sadd.s32 $0x4300, s16;
	s23 =	sadd.s32 $0x4700, s16;
	s14 =	spop (v2sf);
	(v2sf) =	vpush v0, $0x9  }
0x157: {  	s26 =	sadd.s32 $0x4680, s16;
	s14 =	sand.u32 $0x1FFFFFF0, s14;
	s29 =	spop (v2sf)  }
0x158: {  	s14 =	sadd.s32 s3, s14;
	s29 =	sand.u32 $0x1FFFFFF0, s29;
	s30 =	spop (v2sf);
	(v2sf) =	vpush v0, $0xA  }
0x159: {  	[tilespmem:s1], [sflag:$0x2] =	stream.linear.gather [hbm4b:s14+s2], $0x80, $0x38;
	[tilespmem:$0x8200] =	vst v63  }
0x15a: {  	s1 =	sadd.s32 s3, s29;
	s14 =	sadd.s32 $0x4380, s16;
	s29 =	spop (v2sf);
	(v2sf) =	vpush v0, $0xB  }
0x15b: {  	[tilespmem:s0], [sflag:$0x2] =	stream.linear.gather [hbm4b:s1+s2], $0x80, $0x38;
	[tilespmem:$0x8200] =	vst v63  }
0x15c: {  	s0 =	sand.u32 $0x1FFFFFF0, s30;
	s1 =	sand.u32 $0x1FFFFFF0, s29;
	s29 =	spop (v2sf);
	(v2sf) =	vpush v0, $0xC  }
0x15d: {  	s0 =	sadd.s32 s3, s0;
	s29 =	sand.u32 $0x1FFFFFF0, s29;
	s30 =	spop (v2sf)  }
0x15e: {  	[tilespmem:s12], [sflag:$0x2] =	stream.linear.gather [hbm4b:s0+s2], $0x80, $0x38;
	(v2sf) =	vpush v0, $0xD;
	[tilespmem:$0x8200] =	vst v63  }
0x15f: {  	s0 =	sadd.s32 s3, s29;
	s12 =	sand.u32 $0x1FFFFFF0, s30;
	s29 =	spop (v2sf)  }
0x160: {  	[tilespmem:s14], [sflag:$0x2] =	stream.linear.gather [hbm4b:s0+s2], $0x80, $0x38;
	(v2sf) =	vpush v0, $0xE;
	[tilespmem:$0x8200] =	vst v63  }
0x161: {  	s0 =	sadd.s32 s3, s1;
	s1 =	sand.u32 $0x1FFFFFF0, s29;
	s14 =	spop (v2sf)  }
0x162: {  	[tilespmem:s4], [sflag:$0x2] =	stream.linear.gather [hbm4b:s0+s2], $0x80, $0x38;
	(v2sf) =	vpush v0, $0xF;
	[tilespmem:$0x8200] =	vst v63  }
0x163: {  	s0 =	sadd.s32 s3, s12;
	s4 =	sand.u32 $0x1FFFFFF0, s14;
	s12 =	spop (v2sf)  }
0x164: {  	[tilespmem:s28], [sflag:$0x2] =	stream.linear.gather [hbm4b:s0+s2], $0x80, $0x38;
	[tilespmem:$0x8200] =	vst v63  }
0x165: {  	s0 =	sadd.s32 s3, s1;
	s1 =	sand.u32 $0x1FFFFFF0, s12;
	s12 =	spop (v2sf)  }
0x166: {  	[tilespmem:s5], [sflag:$0x2] =	stream.linear.gather [hbm4b:s0+s2], $0x80, $0x38;
	[tilespmem:$0x8200] =	vst v63  }
0x167: {  	s0 =	sadd.s32 s3, s4;
	s4 =	sand.u32 $0x1FFFFFF0, s12;
	s5 =	spop (v2sf)  }
0x168: {  	[tilespmem:s25], [sflag:$0x2] =	stream.linear.gather [hbm4b:s0+s2], $0x80, $0x38;
	[tilespmem:$0x8200] =	vst v63  }
0x169: {  	s0 =	sadd.s32 s3, s1;
	s1 =	sand.u32 $0x1FFFFFF0, s5;
	s5 =	spop (v2sf)  }
0x16a: {  	[tilespmem:s24], [sflag:$0x2] =	stream.linear.gather [hbm4b:s0+s2], $0x80, $0x38;
	[tilespmem:$0x8200] =	vst v63  }
0x16b: {  	s0 =	sadd.s32 s3, s4;
	s4 =	sand.u32 $0x1FFFFFF0, s5;
	s5 =	spop (v2sf)  }
0x16c: {  	[tilespmem:s26], [sflag:$0x2] =	stream.linear.gather [hbm4b:s0+s2], $0x80, $0x38;
	[tilespmem:$0x8200] =	vst v63  }
0x16d: {  	s0 =	sadd.s32 s3, s1;
	s1 =	sand.u32 $0x1FFFFFF0, s5;
	s5 =	spop (v2sf)  }
0x16e: {  	[tilespmem:s23], [sflag:$0x2] =	stream.linear.gather [hbm4b:s0+s2], $0x80, $0x38;
	[tilespmem:$0x8200] =	vst v63  }
0x16f: {  	s0 =	sadd.s32 s3, s4;
	s4 =	sand.u32 $0x1FFFFFF0, s5;
	s5 =	spop (v2sf)  }
0x170: {  	[tilespmem:s22], [sflag:$0x2] =	stream.linear.gather [hbm4b:s0+s2], $0x80, $0x38;
	[tilespmem:$0x8200] =	vst v63  }
0x171: {  	s0 =	sadd.s32 s3, s1;
	s1 =	sand.u32 $0x1FFFFFF0, s5;
	s5 =	spop (v2sf)  }
0x172: {  	[tilespmem:s20], [sflag:$0x2] =	stream.linear.gather [hbm4b:s0+s2], $0x80, $0x38;
	[tilespmem:$0x8200] =	vst v63  }
0x173: {  	s0 =	sadd.s32 s3, s4;
	s4 =	sand.u32 $0x1FFFFFF0, s5  }
0x174: {  	[tilespmem:s21], [sflag:$0x2] =	stream.linear.gather [hbm4b:s0+s2], $0x80, $0x38;
	[tilespmem:$0x8200] =	vst v63  }
0x175: {  	s1 =	sadd.s32 s3, s1;
	s0 =	sadd.s32 $0x4900, s16  }
0x176: {  	[tilespmem:s0], [sflag:$0x2] =	stream.linear.gather [hbm4b:s1+s2], $0x80, $0x38;
	[tilespmem:$0x8200] =	vst v63  }
0x177: {  	s0 =	sadd.s32 $0x4980, s16;
	s1 =	sadd.s32 s3, s4  }
0x178: {  	[tilespmem:s0], [sflag:$0x2] =	stream.linear.gather [hbm4b:s1+s2], $0x80, $0x38;
	[tilespmem:$0x8200] =	vst v63  }
0x179: {  	v0 =	vld [tilespmem:s17+$0x0];
	_ =	sdelay $0x4  }
0x17a: {  	v0 =	vshll.u32 v0, $0x4  }
0x17b: {  	(v2sf) =	vpush v0, $0x0  }
0x17c: {  	(v2sf) =	vpush v0, $0x1  }
0x17d: {  	(v2sf) =	vpush v0, $0x2;
	_ =	sdelay $0x1  }
0x17e: {  	(v2sf) =	vpush v0, $0x4  }
.Ltmp3:
0x17f: {  	(pc) =	sbr.rel @p0 .LBB2_8-.Ltmp3, $3  }
0x180: {  	(v2sf) =	vpush v0, $0x3  }
0x181: {  	(v2sf) =	vpush v0, $0x5;
	_ =	sdelay $0x1  }
0x182: {  	s16 =	sshra.s32 s19, $0x2;
	(v2sf) =	vpush v0, $0x6  }
0x183: {  	_ =	sdelay $0x5  }
0x184: {  	s0 =	spop (v2sf)  }
0x185: {  	s1 =	spop (v2sf)  }
0x186: {  	s18 =	spop (v2sf)  }
0x187: {  	s21 =	spop (v2sf);
	(v2sf) =	vpush v0, $0x7  }
0x188: {  	s0 =	sand.u32 $0x1FFFFFF0, s0  }
0x189: {  	s4 =	sadd.s32 $0x4200, s16;
	s0 =	sadd.s32 s3, s0  }
0x18a: {  	[tilespmem:s4], [sflag:$0x2] =	stream.linear.gather [hbm4b:s0+s2], $0x80, $0x38;
	[tilespmem:$0x8200] =	vst v63  }
0x18b: {  	s1 =	sand.u32 $0x1FFFFFF0, s1;
	s22 =	spop (v2sf);
	(v2sf) =	vpush v0, $0x8  }
0x18c: {  	s17 =	sadd.s32 $0x4280, s16;
	s1 =	sadd.s32 s3, s1  }
0x18d: {  	[tilespmem:s17], [sflag:$0x2] =	stream.linear.gather [hbm4b:s1+s2], $0x80, $0x38;
	[tilespmem:$0x8200] =	vst v63  }
0x18e: {  	s19 =	sand.u32 $0x1FFFFFF0, s18;
	s26 =	spop (v2sf);
	(v2sf) =	vpush v0, $0x9  }
0x18f: {  	s20 =	sadd.s32 $0x4300, s16;
	s0 =	sadd.s32 s3, s19  }
0x190: {  	[tilespmem:s20], [sflag:$0x2] =	stream.linear.gather [hbm4b:s0+s2], $0x80, $0x38;
	[tilespmem:$0x8200] =	vst v63  }
0x191: {  	s0 =	sand.u32 $0x1FFFFFF0, s22;
	s29 =	spop (v2sf);
	(v2sf) =	vpush v0, $0xA  }
0x192: {  	s23 =	sadd.s32 $0x4380, s16;
	s24 =	sand.u32 $0x1FFFFFF0, s21;
	s0 =	sadd.s32 s3, s0  }
0x193: {  	[tilespmem:s23], [sflag:$0x2] =	stream.linear.gather [hbm4b:s0+s2], $0x80, $0x38;
	[tilespmem:$0x8200] =	vst v63  }
0x194: {  	s25 =	sadd.s32 $0x4400, s16;
	s0 =	sadd.s32 s3, s24  }
0x195: {  	[tilespmem:s25], [sflag:$0x2] =	stream.linear.gather [hbm4b:s0+s2], $0x80, $0x38;
	[tilespmem:$0x8200] =	vst v63  }
0x196: {  	s0 =	sand.u32 $0x1FFFFFF0, s26;
	s1 =	spop (v2sf);
	(v2sf) =	vpush v0, $0xB  }
0x197: {  	s28 =	sadd.s32 $0x4480, s16;
	s0 =	sadd.s32 s3, s0  }
0x198: {  	[tilespmem:s28], [sflag:$0x2] =	stream.linear.gather [hbm4b:s0+s2], $0x80, $0x38;
	[tilespmem:$0x8200] =	vst v63  }
0x199: {  	s0 =	sand.u32 $0x1FFFFFF0, s29  }
0x19a: {  	s30 =	sadd.s32 $0x4500, s16;
	s0 =	sadd.s32 s3, s0;
	s5 =	spop (v2sf);
	(v2sf) =	vpush v0, $0xC  }
0x19b: {  	[tilespmem:s30], [sflag:$0x2] =	stream.linear.gather [hbm4b:s0+s2], $0x80, $0x38;
	[tilespmem:$0x8200] =	vst v63  }
0x19c: {  	s0 =	sand.u32 $0x1FFFFFF0, s1  }
0x19d: {  	s4 =	sadd.s32 $0x4580, s16;
	s0 =	sadd.s32 s3, s0;
	s14 =	spop (v2sf);
	(v2sf) =	vpush v0, $0xD  }
0x19e: {  	[tilespmem:s4], [sflag:$0x2] =	stream.linear.gather [hbm4b:s0+s2], $0x80, $0x38;
	[tilespmem:$0x8200] =	vst v63  }
0x19f: {  	s0 =	sand.u32 $0x1FFFFFF0, s5  }
0x1a0: {  	s12 =	sadd.s32 $0x4600, s16;
	s0 =	sadd.s32 s3, s0;
	s18 =	spop (v2sf);
	(v2sf) =	vpush v0, $0xE  }
0x1a1: {  	[tilespmem:s12], [sflag:$0x2] =	stream.linear.gather [hbm4b:s0+s2], $0x80, $0x38;
	[tilespmem:$0x8200] =	vst v63  }
0x1a2: {  	s0 =	sand.u32 $0x1FFFFFF0, s14  }
0x1a3: {  	s17 =	sadd.s32 $0x4680, s16;
	s0 =	sadd.s32 s3, s0  }
0x1a4: {  	[tilespmem:s17], [sflag:$0x2] =	stream.linear.gather [hbm4b:s0+s2], $0x80, $0x38;
	[tilespmem:$0x8200] =	vst v63  }
0x1a5: {  	s0 =	sand.u32 $0x1FFFFFF0, s18;
	s20 =	spop (v2sf);
	(v2sf) =	vpush v0, $0xF  }
0x1a6: {  	s19 =	sadd.s32 $0x4700, s16;
	s0 =	sadd.s32 s3, s0  }
0x1a7: {  	[tilespmem:s19], [sflag:$0x2] =	stream.linear.gather [hbm4b:s0+s2], $0x80, $0x38;
	[tilespmem:$0x8200] =	vst v63  }
0x1a8: {  	s0 =	sand.u32 $0x1FFFFFF0, s20  }
0x1a9: {  	s21 =	sadd.s32 $0x4780, s16;
	s0 =	sadd.s32 s3, s0;
	s22 =	spop (v2sf)  }
0x1aa: {  	[tilespmem:s21], [sflag:$0x2] =	stream.linear.gather [hbm4b:s0+s2], $0x80, $0x38;
	[tilespmem:$0x8200] =	vst v63  }
0x1ab: {  	s0 =	sand.u32 $0x1FFFFFF0, s22  }
0x1ac: {  	s23 =	sadd.s32 $0x4800, s16;
	s24 =	spop (v2sf);
	s0 =	sadd.s32 s3, s0  }
0x1ad: {  	[tilespmem:s23], [sflag:$0x2] =	stream.linear.gather [hbm4b:s0+s2], $0x80, $0x38;
	[tilespmem:$0x8200] =	vst v63  }
0x1ae: {  	s0 =	sand.u32 $0x1FFFFFF0, s24  }
0x1af: {  	s25 =	sadd.s32 $0x4880, s16;
	s26 =	spop (v2sf);
	s0 =	sadd.s32 s3, s0  }
0x1b0: {  	[tilespmem:s25], [sflag:$0x2] =	stream.linear.gather [hbm4b:s0+s2], $0x80, $0x38;
	[tilespmem:$0x8200] =	vst v63  }
0x1b1: {  	s0 =	sand.u32 $0x1FFFFFF0, s26  }
0x1b2: {  	s28 =	sadd.s32 $0x4900, s16;
	s0 =	sadd.s32 s3, s0  }
0x1b3: {  	[tilespmem:s28], [sflag:$0x2] =	stream.linear.gather [hbm4b:s0+s2], $0x80, $0x38;
	[tilespmem:$0x8200] =	vst v63  }
0x1b4: {  	s29 =	spop (v2sf)  }
0x1b5: {  	s0 =	sand.u32 $0x1FFFFFF0, s29  }
0x1b6: {  	s30 =	sadd.s32 $0x4980, s16;
	s0 =	sadd.s32 s3, s0  }
0x1b7: {  	[tilespmem:s30], [sflag:$0x2] =	stream.linear.gather [hbm4b:s0+s2], $0x80, $0x38;
	[tilespmem:$0x8200] =	vst v63  }
0x1b8: {  	_ =	swait.ge [sflag:s11], $0x4000  }
0x1b9: {  	[sflag:s11] =	ssyncset.done $0x0  }
0x1ba: {  	[sflag:s11] =	ssyncadd.s32 $0xFFFFC000  }
0x1bb: {  	[hbm4b:s7+s2] =	stream.linear.scatter [tilespmem:s31], [sflag:$0x3], $0x4000, $0x38;
	[tilespmem:$0x8200] =	vst v63  }
0x1bc: {  	_ =	swait.ge [sflag:s10], $0x4000  }
0x1bd: {  	[sflag:s10] =	ssyncset.done $0x0  }
0x1be: {  	[sflag:s10] =	ssyncadd.s32 $0xFFFFC000  }
0x1bf: {  	s15 =	sadd.s32 $0x1, s15;
	_ =	swait.ge [sflag:s13], $0x4000  }
0x1c0: {  	p0 =	sne.s32 s15, s9;
	[sflag:s13] =	ssyncset.done $0x0  }
.Ltmp4:
0x1c1: {  	s31 =	simm.s32 $0x4200;
	[sflag:s13] =	ssyncadd.s32 $0xFFFFC000;
	(pc) =	sbr.rel @p0 .LBB2_1-.Ltmp4, $4  }
0x1c2: {  	[hbm4b:s8+s2] =	stream.linear.scatter [tilespmem:s31], [sflag:$0x3], $0x4000, $0x38;
	[tilespmem:$0x8200] =	vst v63  }
0x1c3: {  	_ =	swait.ge [sflag:s10], $0x4000  }
0x1c4: {  	[sflag:s10] =	ssyncset.done $0x0  }
0x1c5: {  	[sflag:s10] =	ssyncadd.s32 $0xFFFFC000  }
0x1c6: {  	_ =	sfence.sel $0x180000  }
0x1c7: {  	[bflag:$0x0] =	sbarrier.arrive $0xFFFF  }
0x1c8: {  	_ =	strace $0x90000047  }
0x1c9: {  	s0 =	stileid.u32;
	[bflag:$0x2] =	sbarrier.arrive $0xFFFF  }
0x1ca: {  	p0 =	sne.s32 s0, $0x0;
	s0 =	rddreg [dreg:$0x1]  }
0x1cb: {  	s0 =	sadd.s32 @!p0 $0x100000, s0  }
0x1cc: {  	[sflag:s0] =	ssyncadd.tile.s32 @!p0 $0x1;
	_ =	shalt  }
.Lfunc_end2:
_tile_overlayer_lowered:
.L_overlay_start_2:
0x1cd: {  	(tag) =	ssettag $0x2  }
0x1ce: {  	s0 =	rddreg [dreg:$0x0];
	s2 =	stileid.u32  }
0x1cf: {  	s1 =	rddreg [dreg:$0x1];
	p0 =	sne.s32 s2, $0x0  }
0x1d0: {  	s3 =	rddreg [dreg:$0x2];
	[bflag:$0x3] =	sbarrier.arrive $0xFFFF;
	s2 =	simm.s32 @!p0 $0x1C03  }
0x1d1: {  	[timem:s3], [sflag:s2] =	dma.local @!p0 [hbm:s0], s1  }
0x1d2: {  	s0 =	simm.s32 @!p0 $0x3  }
0x1d3: {  	_ =	swait.ge @!p0 [sflag:s0], s1  }
0x1d4: {  	s1 =	ssub.s32 @!p0 $0x0, s1;
	[sflag:s0] =	ssyncset.done @!p0 $0x0  }
0x1d5: {  	[sflag:s0] =	ssyncadd.s32 @!p0 s1  }
0x1d6: {  	[bflag:$0x3] =	sbarrier.arrive $0xFFFF  }
0x1d7: {  	_ =	shalt  }

// kernel: kernel.8.cloned.1.call-start
scs
__scs_entry_jumppad:
0x0: {  	(pc) =	sbr.rel $0x88, $3  }
0x1: {  	(tag) =	ssettag $0x0;
	lr =	simm.s32 $0x1  }
0x2: {  	[smem:$0x3F9A] =	sst lr;
	_ =	strace $0xD0000000  }
0x3: {  	_ = 	snop  }
0x4: {  	_ = 	snop  }
0x5: {  	_ = 	snop  }
0x6: {  	_ = 	snop  }
0x7: {  	_ = 	snop  }
__scs_overlays_trampoline_lowered:
0x8: {  	[smem:$0x3FA9] =	sst s0  }
0x9: {  	[smem:$0x3FAA] =	sst s1  }
0xa: {  	[smem:$0x3FAB] =	sst s2  }
0xb: {  	[smem:$0x3FAC] =	sst s3  }
0xc: {  	[smem:$0x3FAD] =	sst s4  }
0xd: {  	[smem:$0x3FAE] =	sst s5  }
0xe: {  	[smem:$0x3FAF] =	sst s6  }
0xf: {  	[smem:$0x3FB0] =	sst s7  }
0x10: {  	[smem:$0x3FB1] =	sst s8  }
0x11: {  	[smem:$0x3FB2] =	sst s9;
	s0 =	simm.s32 @!p0 $0x0  }
0x12: {  	s1 =	sld [smem:$0x3F98];
	s0 =	simm.s32 @p0 $0x1  }
0x13: {  	[smem:$0x3FB3] =	sst s0;
	s0 =	simm.s32 @!p1 $0x0  }
0x14: {  	s2 =	sld [smem:$0x3F97];
	s0 =	simm.s32 @p1 $0x1  }
0x15: {  	[smem:$0x3FB4] =	sst s0;
	s0 =	simm.s32 @!p2 $0x0  }
0x16: {  	s3 =	sld [smem:$0x3FDB];
	s0 =	simm.s32 @p2 $0x1  }
0x17: {  	s4 =	simm.s32 $0x1BF5;
	[smem:$0x3FB6] =	sst s0  }
0x18: {  	s0 =	sld [smem:$0x3F99];
	_ =	swait.ge [sflag:s4], $0x0  }
0x19: {  	s7 =	sld [smem:$0x3F9A]  }
0x1a: {  	s8 =	sadd.s32 $0xFFFFE003, lr  }
0x1b: {  	s9 =	sadd.s32 $0xFFFFFEF7, lr;
	s5 =	simm.s32 $0xFFFFFFFF;
	p2 =	slt.u32 s8, $0xFFFFF086  }
0x1c: {  	p1 =	slt.u32 s9, $0xF7A;
	s5 =	simm.s32 @!p2 $0x0  }
0x1d: {  	s5 =	simm.s32 @p1 $0x1;
	p0 =	seq.s32 s7, s2  }
0x1e: {  	s7 =	smul.u32 @!p0 $0xF7A, s2;
	p2 =	seq.s32 @!p0 s5, $0x0  }
0x1f: {  	s9 =	smul.u32 $0xF7A, s1;
	s8 =	simm.s32 @!p0 $0x1BF5;
	p2 =	por !p2, p0  }
0x20: {  	[sflag:s8] =	ssyncset.s32 @!p0 $0xFFFFF086;
	s6 =	sadd.s32 @!p0 s3, s7;
	s7 =	simm.s32 @!p0 $0x108  }
0x21: {  	s3 =	sadd.s32 s3, s9;
	s6 =	sadd.s32 @!p0 $0x88, s6;
	s7 =	simm.s32 @p2 $0x1082  }
0x22: {  	[simem:s7], [sflag:s8] =	dma.local @!p0 [hbm:s6], $0xF7A  }
0x23: {  	s9 =	sor.u32 $0xD0000000, s2;
	s6 =	simm.s32 $0x108;
	_ =	swait.ge @!p0 [sflag:s8], $0x0  }
0x24: {  	s3 =	sadd.s32 $0x88, s3;
	s6 =	simm.s32 @!p1 $0x1082;
	[sflag:s4] =	ssyncset.s32 $0xFFFFF086  }
0x25: {  	[simem:s6], [sflag:s4] =	dma.local [hbm:s3], $0xF7A  }
0x26: {  	[smem:$0x3F9A] =	sst s1;
	(tag) =	ssettag s2;
	_ =	strace s9  }
0x27: {  	s1 =	sld [smem:$0x3FAA]  }
0x28: {  	s2 =	sld [smem:$0x3FAB]  }
0x29: {  	s4 =	sld [smem:$0x3FAD]  }
0x2a: {  	p0 =	seq.s32 s5, $0x0;
	s5 =	sld [smem:$0x3FAE]  }
0x2b: {  	s6 =	sld [smem:$0x3FAF]  }
0x2c: {  	s7 =	sld [smem:$0x3FB0]  }
0x2d: {  	s3 =	simm.s32 $0x108;
	s8 =	sld [smem:$0x3FB1]  }
0x2e: {  	s3 =	simm.s32 @!p0 $0x1082;
	s9 =	sld [smem:$0x3FB2]  }
0x2f: {  	lr =	sadd.s32 s0, s3;
	s0 =	sld [smem:$0x3FA9]  }
0x30: {  	s3 =	sld [smem:$0x3FAC]  }
0x31: {  	[smem:$0x3FB5] =	sst s10  }
0x32: {  	s10 =	sld [smem:$0x3FB3];
	_ =	sdelay $0x3  }
0x33: {  	p0 =	seq.s32 s10, $0x1;
	s10 =	sld [smem:$0x3FB5];
	_ =	sdelay $0x3  }
0x34: {  	[smem:$0x3FB5] =	sst s10  }
0x35: {  	s10 =	sld [smem:$0x3FB4];
	_ =	sdelay $0x3  }
0x36: {  	p1 =	seq.s32 s10, $0x1;
	s10 =	sld [smem:$0x3FB5];
	_ =	sdelay $0x3  }
0x37: {  	[smem:$0x3FB5] =	sst s10  }
0x38: {  	s10 =	sld [smem:$0x3FB6]  }
0x39: {  	_ = 	snop;
	(pc) =	sbr.ind lr, $3  }
0x3a: {  	_ = 	snop  }
0x3b: {  	_ = 	snop  }
0x3c: {  	p2 =	seq.s32 s10, $0x1;
	s10 =	sld [smem:$0x3FB5]  }
0x3d: {  	_ =	shalt  }
0x3e: {  	_ =	shalt  }
0x3f: {  	_ =	shalt  }
0x40: {  	_ =	shalt  }
0x41: {  	_ =	shalt  }
0x42: {  	_ =	shalt  }
0x43: {  	_ =	shalt  }
0x44: {  	_ =	shalt  }
0x45: {  	_ =	shalt  }
0x46: {  	_ =	shalt  }
0x47: {  	_ =	shalt  }
0x48: {  	_ =	shalt  }
0x49: {  	_ =	shalt  }
0x4a: {  	_ =	shalt  }
0x4b: {  	_ =	shalt  }
0x4c: {  	_ =	shalt  }
0x4d: {  	_ =	shalt  }
0x4e: {  	_ =	shalt  }
0x4f: {  	_ =	shalt  }
0x50: {  	_ =	shalt  }
0x51: {  	_ =	shalt  }
0x52: {  	_ =	shalt  }
0x53: {  	_ =	shalt  }
0x54: {  	_ =	shalt  }
0x55: {  	_ =	shalt  }
0x56: {  	_ =	shalt  }
0x57: {  	_ =	shalt  }
0x58: {  	_ =	shalt  }
0x59: {  	_ =	shalt  }
0x5a: {  	_ =	shalt  }
0x5b: {  	_ =	shalt  }
0x5c: {  	_ =	shalt  }
0x5d: {  	_ =	shalt  }
0x5e: {  	_ =	shalt  }
0x5f: {  	_ =	shalt  }
0x60: {  	_ =	shalt  }
0x61: {  	_ =	shalt  }
0x62: {  	_ =	shalt  }
0x63: {  	_ =	shalt  }
0x64: {  	_ =	shalt  }
0x65: {  	_ =	shalt  }
0x66: {  	_ =	shalt  }
0x67: {  	_ =	shalt  }
0x68: {  	_ =	shalt  }
0x69: {  	_ =	shalt  }
0x6a: {  	_ =	shalt  }
0x6b: {  	_ =	shalt  }
0x6c: {  	_ =	shalt  }
0x6d: {  	_ =	shalt  }
0x6e: {  	_ =	shalt  }
0x6f: {  	_ =	shalt  }
0x70: {  	_ =	shalt  }
0x71: {  	_ =	shalt  }
0x72: {  	_ =	shalt  }
0x73: {  	_ =	shalt  }
0x74: {  	_ =	shalt  }
0x75: {  	_ =	shalt  }
0x76: {  	_ =	shalt  }
0x77: {  	_ =	shalt  }
0x78: {  	_ =	shalt  }
0x79: {  	_ =	shalt  }
0x7a: {  	_ =	shalt  }
0x7b: {  	_ =	shalt  }
0x7c: {  	_ =	shalt  }
0x7d: {  	_ =	shalt  }
0x7e: {  	_ =	shalt  }
0x7f: {  	_ =	shalt  }
0x80: {  	_ =	shalt  }
0x81: {  	_ =	shalt  }
0x82: {  	_ =	shalt  }
0x83: {  	_ =	shalt  }
0x84: {  	_ =	shalt  }
0x85: {  	_ =	shalt  }
0x86: {  	_ =	shalt  }
0x87: {  	_ =	shalt  }
.Lfunc_end0:
.L_simem_size_0:
called_computation.1_lowered:
.L_overlay_start_0:
0x88: {  	s2 =	sld [smem:$0x3FD9]  }
0x89: {  	s3 =	sld [smem:$0x3FFE];
	_ =	sdelay $0x1  }
0x8a: {  	s1 =	srdreg.scid  }
0x8b: {  	s0 =	sand.u32 $0x1, s1  }
0x8c: {  	s17 =	sshll.u32 s0, $0xA;
	s2 =	sadd.s32 s3, s2  }
0x8d: {  	s2 =	sadd.s32 s2, s17  }
0x8e: {  	[smem:$0x3FC1] =	sst s2  }
0x8f: {  	_ = 	snop  }
0x90: {  	s18 =	sld [smem:$0x3FD0];
	(tm) =	ssettm $0x1  }
0x91: {  	s19 =	sld [smem:$0x3FFB];
	_ =	sdelay $0x3  }
0x92: {  	_ =	strace s19  }
0x93: {  	s2 =	sld [smem:$0x3FFC];
	_ =	sdelay $0x3  }
0x94: {  	_ =	strace s2  }
0x95: {  	s2 =	sld [smem:$0x3FFD];
	_ =	sdelay $0x3  }
0x96: {  	_ =	strace s2  }
0x97: {  	_ =	strace $0x8FFFFFFF  }
0x98: {  	s20 =	sld [smem:$0x3FDB];
	_ =	sdelay $0x1  }
0x99: {  	s4 =	simm.s32 $_scs_section_size  }
0x9a: {  	s5 =	simm.s32 $_size__tile_overlayer_lowered;
	s6 =	simm.s32 $_tile_overlayer_lowered  }
0x9b: {  	s7 =	simm.s32 $0x1BFF;
	s21 =	sshll.u32 s6, $0x1;
	s4 =	sadd.s32 s4, s20  }
0x9c: {  	s22 =	simm.s32 $0x0;
	s5 =	sshll.u32 s5, $0x1;
	s6 =	sadd.s32 s21, s4  }
0x9d: {  	[timem:s22], [sflag:s7] =	dma.local [hbm:s6], s5  }
0x9e: {  	_ =	swait.ge [sflag:s7], s5  }
0x9f: {  	s5 =	ssub.s32 $0x0, s5;
	[sflag:s7] =	ssyncset.done $0x0  }
0xa0: {  	[sflag:s7] =	ssyncadd.s32 s5;
	_ =	sdelay $0x1  }
0xa1: {  	s23 =	simm.s32 $0x1B8B  }
0xa2: {  	_ =	swait.ge [sflag:s23], $0x1  }
0xa3: {  	[sflag:s23] =	ssyncset.done $0x0  }
0xa4: {  	[sflag:s23] =	ssyncadd.s32 $0xFFFFFFFF  }
0xa5: {  	s5 =	sld [smem:$0x0]  }
0xa6: {  	s6 =	sand.u32 $0xFFFFFFFE, s1  }
0xa7: {  	p0 =	sne.s32 s1, s6  }
0xa8: {  	s6 =	sshll.u32 @p0 s6, $0xE  }
0xa9: {  	s6 =	sadd.s32 @p0 $0x11B8D, s6;
	s7 =	sshll.u32 @p0 s5, $0x11  }
0xaa: {  	s6 =	sor.u32 @p0 s7, s6  }
0xab: {  	[sflag:s6] =	ssyncadd.remote.s32 @p0 $0x1;
	_ =	sdelay $0x1  }
0xac: {  	s6 =	simm.s32 @p0 $0x1B8D  }
0xad: {  	_ =	swait.eq @p0 [sflag:s6], $0x1  }
0xae: {  	[sflag:s6] =	ssyncadd.s32 @p0 $0xFFFFFFFF  }
0xaf: {  	s7 =	sshll.u32 @!p0 s1, $0xE  }
0xb0: {  	s7 =	sor.u32 @!p0 $0x4000, s7;
	s6 =	simm.s32 @!p0 $0x1B8D  }
0xb1: {  	s5 =	sshll.u32 @!p0 s5, $0x11;
	s7 =	sadd.s32 @!p0 $0x11B8D, s7;
	_ =	swait.eq @!p0 [sflag:s6], $0x1  }
0xb2: {  	s5 =	sor.u32 @!p0 s5, s7;
	[sflag:s6] =	ssyncadd.s32 @!p0 $0xFFFFFFFF  }
0xb3: {  	s25 =	simm.s32 $0x1B8E;
	s24 =	sld [smem:$0x3FFE];
	[sflag:s5] =	ssyncadd.remote.s32 @!p0 $0x1  }
0xb4: {  	s26 =	simm.s32 $execute0_lowered;
	[smem:$0x3FD2] =	sst s25  }
0xb5: {  	s6 =	sshll.u32 s26, $0x1;
	_ =	strace $0x80000049;
	[dreg:$0x1] =	wrdreg $0xFFFFFFFF  }
0xb6: {  	s28 =	simm.s32 $_size_execute0_lowered;
	s4 =	sadd.s32 s4, s6;
	[dreg:$0x0] =	wrdreg $0x0  }
0xb7: {  	s6 =	sshll.u32 s28, $0x1;
	[dreg:$0x2] =	wrdreg s4  }
0xb8: {  	[dreg:$0x3] =	wrdreg s6  }
0xb9: {  	[dreg:$0x4] =	wrdreg $0xC0  }
0xba: {  	_ =	task [dreg:s22], $0x5FFFF  }
0xbb: {  	[dreg:$0x1] =	wrdreg $0xFFFFFFFF  }
0xbc: {  	[dreg:$0x0] =	wrdreg $0x60  }
0xbd: {  	[dreg:$0x2] =	wrdreg s18  }
0xbe: {  	[dreg:$0x3] =	wrdreg s24  }
0xbf: {  	[dreg:$0x4] =	wrdreg $0xA  }
0xc0: {  	_ =	task.clear_ibuf [dreg:s22], $0x5FFFF;
	_ =	strace $0x90000049  }
0xc1: {  	s29 =	simm.s32 $0xA;
	_ =	strace $0x8000004B  }
0xc2: {  	_ =	swait.ge [sflag:s29], $0x1  }
0xc3: {  	[sflag:s29] =	ssyncadd.s32 $0xFFFFFFFF  }
0xc4: {  	_ =	strace $0x9000004B  }
0xc5: {  	_ =	sfence  }
0xc6: {  	s30 =	sld [smem:$0x0];
	_ =	sdelay $0x2  }
0xc7: {  	s31 =	sshll.u32 s1, $0xD;
	s1 =	sshrl.u32 s1, $0x2  }
0xc8: {  	s4 =	sand.u32 $0x4000, s31;
	s1 =	sadd.s32 s1, s30  }
0xc9: {  	s0 =	sor.u32 s4, s0;
	s1 =	sshll.u32 s1, $0x11  }
0xca: {  	s0 =	sor.u32 s1, s0  }
0xcb: {  	s0 =	sadd.s32 $0x8F2B, s0  }
0xcc: {  	[sflag:s0] =	ssyncadd.remote.s32 $0x1  }
0xcd: {  	_ =	sfence.sel $0xFFFF  }
0xce: {  	[dreg:$0x0] =	wrdreg $0xFFFFFFFF;
	(pc) =	sbr.abs _section_cstart, $3  }
0xcf: {  	[dreg:$0x1] =	wrdreg $0xFFFFFFFF  }
0xd0: {  	_ =	task.clear_ibuf [dreg:s22], $0x2FFFF;
	_ =	strace $0x9FFFFFFF  }
0xd1: {  	(tm) =	ssettm $0x7FFFFFFF  }
tec
execute0_lowered:
.L_overlay_start_1:
0x0: {  	(tag) =	ssettag $0x1  }
0x1: {  	s4 =	rddreg [dreg:$0x0]  }
0x2: {  	s5 =	rddreg [dreg:$0x1]  }
0x3: {  	s2 =	simm.s32 $0x0;
	s3 =	srdreg.scid;
	s0 =	stileid.u32  }
0x4: {  	s10 =	simm.s32 $0x3;
	s11 =	simm.s32 $0x1;
	s13 =	simm.s32 $0x2  }
0x5: {  	[smem:$0x7FF] =	sst s2;
	s3 =	sand.u32 $0x1, s3;
	s6 =	sshll.u32 s0, $0x1  }
0x6: {  	s15 =	simm.s32 $0x0;
	_ =	strace $0x8000004A;
	s6 =	sor.u32 s3, s6  }
0x7: {  	s7 =	ssub.s32 $0x2, s3;
	s3 =	sadd.s32 $0xF83E00, s5;
	s8 =	sshll.u32 s6, $0xD  }
0x8: {  	s9 =	sshrl.u32 s7, $0x1;
	s29 =	sshll.u32 s6, $0x6;
	s8 =	sadd.s32 s8, s5  }
0x9: {  	s9 =	ssub.s32 s7, s9;
	s30 =	sadd.s32 s4, s29;
	s31 =	sadd.s32 $0x1EC6200, s8  }
0xa: {  	[dreg:$0x3] =	wrdreg s30;
	s6 =	sadd.s32 $0x1EC6A00, s8;
	s7 =	sadd.s32 $0x1EC7200, s8  }
0xb: {  	s8 =	sadd.s32 $0x1EC7A00, s8;
	s9 =	smax.u32 s9, $0x1;
	[dreg:$0x4] =	wrdreg s31  }
.LBB2_1:
0xc: {  	s0 =	rddreg [dreg:$0x3]  }
0xd: {  	[tilespmem:s2], [sflag:$0x3] =	stream.linear.gather [hbm4b:s0+s2], $0x200, $0x38;
	[tilespmem:$0x8200] =	vst v63  }
0xe: {  	_ =	swait.ge [sflag:s10], $0x200  }
0xf: {  	[sflag:s10] =	ssyncset.done $0x0  }
0x10: {  	[sflag:s10] =	ssyncadd.s32 $0xFFFFFE00  }
0x11: {  	v0 =	vld [tilespmem:s2+$0x0];
	_ =	sdelay $0x4  }
0x12: {  	v0 =	vshll.u32 v0, $0x4  }
0x13: {  	(v2sf) =	vpush v0, $0x0  }
0x14: {  	(v2sf) =	vpush v0, $0x1  }
0x15: {  	(v2sf) =	vpush v0, $0x2;
	_ =	sdelay $0x1  }
0x16: {  	(v2sf) =	vpush v0, $0x4;
	_ =	sdelay $0x1  }
0x17: {  	(v2sf) =	vpush v0, $0x3  }
0x18: {  	(v2sf) =	vpush v0, $0x5  }
0x19: {  	s18 =	simm.s32 $0x2000;
	s17 =	simm.s32 $0x0;
	s19 =	simm.s32 $0x0;
	(v2sf) =	vpush v0, $0x6  }
.LBB2_2:
0x1a: {  	p0 =	sne.s32 s18, $0xE000  }
0x1b: {  	s30 =	sadd.s32 $0x280, s17;
	s23 =	sadd.s32 $0x780, s17;
	s20 =	smov.u32 s18  }
0x1c: {  	s18 =	sadd.s32 $0x2000, s18;
	s26 =	sadd.s32 $0x580, s17;
	s21 =	sadd.s32 $0x800, s17;
	(v2sf) =	vpush v0, $0x7  }
0x1d: {  	s29 =	sadd.s32 $0x480, s17;
	s24 =	sadd.s32 $0x600, s17;
	s22 =	sadd.s32 $0x880, s17  }
0x1e: {  	s31 =	sadd.s32 $0x200, s17;
	s0 =	sadd.s32 $0x400, s17;
	(v2sf) =	vpush v0, $0x8  }
0x1f: {  	s16 =	simm.s32 $0x0;
	s1 =	sadd.s32 $0x500, s17;
	s19 =	sadd.s32 $0x10, s19  }
0x20: {  	s12 =	sadd.s32 $0x300, s17;
	s25 =	sadd.s32 $0x700, s17;
	s28 =	spop (v2sf);
	(v2sf) =	vpush v0, $0x9  }
0x21: {  	s14 =	sand.u32 $0x1FFFFFF0, s28;
	s28 =	sadd.s32 $0x680, s17;
	s4 =	spop (v2sf)  }
0x22: {  	s14 =	sadd.s32 s3, s14;
	s4 =	sand.u32 $0x1FFFFFF0, s4;
	s5 =	spop (v2sf);
	(v2sf) =	vpush v0, $0xA  }
0x23: {  	[tilespmem:s31], [sflag:$0x1] =	stream.linear.gather [hbm4b:s14+s16], $0x80, $0x38;
	[tilespmem:$0x8200] =	vst v63  }
0x24: {  	s4 =	sadd.s32 s3, s4;
	s14 =	sadd.s32 $0x380, s17;
	s31 =	spop (v2sf);
	(v2sf) =	vpush v0, $0xB  }
0x25: {  	[tilespmem:s30], [sflag:$0x1] =	stream.linear.gather [hbm4b:s4+s16], $0x80, $0x38;
	[tilespmem:$0x8200] =	vst v63  }
0x26: {  	s4 =	sand.u32 $0x1FFFFFF0, s5;
	s5 =	sand.u32 $0x1FFFFFF0, s31;
	s30 =	spop (v2sf);
	(v2sf) =	vpush v0, $0xC  }
0x27: {  	s4 =	sadd.s32 s3, s4;
	s30 =	sand.u32 $0x1FFFFFF0, s30;
	s31 =	spop (v2sf)  }
0x28: {  	[tilespmem:s12], [sflag:$0x1] =	stream.linear.gather [hbm4b:s4+s16], $0x80, $0x38;
	(v2sf) =	vpush v0, $0xD;
	[tilespmem:$0x8200] =	vst v63  }
0x29: {  	s4 =	sadd.s32 s3, s30;
	s12 =	sand.u32 $0x1FFFFFF0, s31;
	s30 =	spop (v2sf)  }
0x2a: {  	[tilespmem:s14], [sflag:$0x1] =	stream.linear.gather [hbm4b:s4+s16], $0x80, $0x38;
	(v2sf) =	vpush v0, $0xE;
	[tilespmem:$0x8200] =	vst v63  }
0x2b: {  	s4 =	sadd.s32 s3, s5;
	s5 =	sand.u32 $0x1FFFFFF0, s30;
	s14 =	spop (v2sf)  }
0x2c: {  	[tilespmem:s0], [sflag:$0x1] =	stream.linear.gather [hbm4b:s4+s16], $0x80, $0x38;
	(v2sf) =	vpush v0, $0xF;
	[tilespmem:$0x8200] =	vst v63  }
0x2d: {  	s0 =	sadd.s32 s3, s12;
	s4 =	sand.u32 $0x1FFFFFF0, s14;
	s12 =	spop (v2sf)  }
0x2e: {  	[tilespmem:s29], [sflag:$0x1] =	stream.linear.gather [hbm4b:s0+s16], $0x80, $0x38;
	[tilespmem:$0x8200] =	vst v63  }
0x2f: {  	s0 =	sadd.s32 s3, s5;
	s5 =	sand.u32 $0x1FFFFFF0, s12;
	s12 =	spop (v2sf)  }
0x30: {  	[tilespmem:s1], [sflag:$0x1] =	stream.linear.gather [hbm4b:s0+s16], $0x80, $0x38;
	[tilespmem:$0x8200] =	vst v63  }
0x31: {  	s0 =	sadd.s32 s3, s4;
	s1 =	sand.u32 $0x1FFFFFF0, s12;
	s4 =	spop (v2sf)  }
0x32: {  	[tilespmem:s26], [sflag:$0x1] =	stream.linear.gather [hbm4b:s0+s16], $0x80, $0x38;
	[tilespmem:$0x8200] =	vst v63  }
0x33: {  	s0 =	sadd.s32 s3, s5;
	s4 =	sand.u32 $0x1FFFFFF0, s4;
	s5 =	spop (v2sf)  }
0x34: {  	[tilespmem:s24], [sflag:$0x1] =	stream.linear.gather [hbm4b:s0+s16], $0x80, $0x38;
	[tilespmem:$0x8200] =	vst v63  }
0x35: {  	s0 =	sadd.s32 s3, s1;
	s1 =	sand.u32 $0x1FFFFFF0, s5;
	s5 =	spop (v2sf)  }
0x36: {  	[tilespmem:s28], [sflag:$0x1] =	stream.linear.gather [hbm4b:s0+s16], $0x80, $0x38;
	[tilespmem:$0x8200] =	vst v63  }
0x37: {  	s0 =	sadd.s32 s3, s4;
	s4 =	sand.u32 $0x1FFFFFF0, s5;
	s5 =	spop (v2sf)  }
0x38: {  	[tilespmem:s25], [sflag:$0x1] =	stream.linear.gather [hbm4b:s0+s16], $0x80, $0x38;
	[tilespmem:$0x8200] =	vst v63  }
0x39: {  	s0 =	sadd.s32 s3, s1;
	s1 =	sand.u32 $0x1FFFFFF0, s5;
	s5 =	spop (v2sf)  }
0x3a: {  	[tilespmem:s23], [sflag:$0x1] =	stream.linear.gather [hbm4b:s0+s16], $0x80, $0x38;
	[tilespmem:$0x8200] =	vst v63  }
0x3b: {  	s0 =	sadd.s32 s3, s4;
	s4 =	sand.u32 $0x1FFFFFF0, s5;
	s5 =	spop (v2sf)  }
0x3c: {  	[tilespmem:s21], [sflag:$0x1] =	stream.linear.gather [hbm4b:s0+s16], $0x80, $0x38;
	[tilespmem:$0x8200] =	vst v63  }
0x3d: {  	s0 =	sadd.s32 s3, s1;
	s1 =	sand.u32 $0x1FFFFFF0, s5  }
0x3e: {  	[tilespmem:s22], [sflag:$0x1] =	stream.linear.gather [hbm4b:s0+s16], $0x80, $0x38;
	[tilespmem:$0x8200] =	vst v63  }
0x3f: {  	s4 =	sadd.s32 s3, s4;
	s0 =	sadd.s32 $0x900, s17  }
0x40: {  	[tilespmem:s0], [sflag:$0x1] =	stream.linear.gather [hbm4b:s4+s16], $0x80, $0x38;
	[tilespmem:$0x8200] =	vst v63  }
0x41: {  	s1 =	sadd.s32 s3, s1;
	s0 =	sadd.s32 $0x980, s17  }
0x42: {  	[tilespmem:s0], [sflag:$0x1] =	stream.linear.gather [hbm4b:s1+s16], $0x80, $0x38;
	[tilespmem:$0x8200] =	vst v63  }
0x43: {  	v0 =	vld [tilespmem:s19+$0x0];
	_ =	sdelay $0x4  }
0x44: {  	v0 =	vshll.u32 v0, $0x4  }
0x45: {  	(v2sf) =	vpush v0, $0x0  }
0x46: {  	(v2sf) =	vpush v0, $0x1  }
0x47: {  	(v2sf) =	vpush v0, $0x2;
	_ =	sdelay $0x1  }
0x48: {  	(v2sf) =	vpush v0, $0x4  }
.Ltmp0:
0x49: {  	(pc) =	sbr.rel @p0 .LBB2_2-.Ltmp0, $3  }
0x4a: {  	(v2sf) =	vpush v0, $0x3  }
0x4b: {  	(v2sf) =	vpush v0, $0x5;
	_ =	sdelay $0x1  }
0x4c: {  	s17 =	sshra.s32 s20, $0x2;
	(v2sf) =	vpush v0, $0x6  }
0x4d: {  	_ =	sdelay $0x1  }
0x4e: {  	s0 =	sadd.s32 $0x280, s17;
	s20 =	sadd.s32 $0x780, s17  }
0x4f: {  	s1 =	sadd.s32 $0x580, s17;
	s18 =	sadd.s32 $0x800, s17;
	(v2sf) =	vpush v0, $0x7;
	s4 =	sadd.s32 $0x480, s17  }
0x50: {  	s5 =	sadd.s32 $0x600, s17;
	s19 =	sadd.s32 $0x880, s17;
	s12 =	sadd.s32 $0x200, s17  }
0x51: {  	s14 =	sadd.s32 $0x400, s17;
	s21 =	sadd.s32 $0x500, s17;
	(v2sf) =	vpush v0, $0x8;
	s22 =	spop (v2sf)  }
0x52: {  	s23 =	sadd.s32 $0x300, s17;
	s22 =	sand.u32 $0x1FFFFFF0, s22;
	s24 =	spop (v2sf)  }
0x53: {  	(v2sf) =	vpush v0, $0x9;
	s22 =	sadd.s32 s3, s22;
	s24 =	sand.u32 $0x1FFFFFF0, s24;
	s25 =	spop (v2sf)  }
0x54: {  	[tilespmem:s12], [sflag:$0x1] =	stream.linear.gather [hbm4b:s22+s16], $0x80, $0x38;
	[tilespmem:$0x8200] =	vst v63  }
0x55: {  	(v2sf) =	vpush v0, $0xA;
	s26 =	sadd.s32 s3, s24;
	s29 =	sand.u32 $0x1FFFFFF0, s25;
	s28 =	spop (v2sf)  }
0x56: {  	[tilespmem:s0], [sflag:$0x1] =	stream.linear.gather [hbm4b:s26+s16], $0x80, $0x38;
	[tilespmem:$0x8200] =	vst v63  }
0x57: {  	s12 =	sadd.s32 $0x700, s17;
	(v2sf) =	vpush v0, $0xB;
	s22 =	sadd.s32 s3, s29;
	s30 =	spop (v2sf)  }
0x58: {  	s0 =	sadd.s32 $0x680, s17;
	s26 =	sadd.s32 $0x380, s17;
	s25 =	sand.u32 $0x1FFFFFF0, s30  }
0x59: {  	(v2sf) =	vpush v0, $0xC;
	[tilespmem:s23], [sflag:$0x1] =	stream.linear.gather [hbm4b:s22+s16], $0x80, $0x38;
	[tilespmem:$0x8200] =	vst v63  }
0x5a: {  	s31 =	sand.u32 $0x1FFFFFF0, s28;
	s28 =	spop (v2sf);
	s29 =	sadd.s32 s3, s25  }
0x5b: {  	(v2sf) =	vpush v0, $0xD;
	[tilespmem:s26], [sflag:$0x1] =	stream.linear.gather [hbm4b:s29+s16], $0x80, $0x38;
	[tilespmem:$0x8200] =	vst v63  }
0x5c: {  	s22 =	sadd.s32 s3, s31;
	s23 =	sand.u32 $0x1FFFFFF0, s28;
	s30 =	spop (v2sf)  }
0x5d: {  	(v2sf) =	vpush v0, $0xE;
	[tilespmem:s14], [sflag:$0x1] =	stream.linear.gather [hbm4b:s22+s16], $0x80, $0x38;
	[tilespmem:$0x8200] =	vst v63  }
0x5e: {  	s23 =	sadd.s32 s3, s23;
	s31 =	sand.u32 $0x1FFFFFF0, s30;
	s24 =	spop (v2sf)  }
0x5f: {  	(v2sf) =	vpush v0, $0xF;
	[tilespmem:s4], [sflag:$0x1] =	stream.linear.gather [hbm4b:s23+s16], $0x80, $0x38;
	[tilespmem:$0x8200] =	vst v63  }
0x60: {  	s25 =	sand.u32 $0x1FFFFFF0, s24;
	s26 =	spop (v2sf);
	s14 =	sadd.s32 s3, s31  }
0x61: {  	[tilespmem:s21], [sflag:$0x1] =	stream.linear.gather [hbm4b:s14+s16], $0x80, $0x38;
	[tilespmem:$0x8200] =	vst v63  }
0x62: {  	s28 =	sand.u32 $0x1FFFFFF0, s26;
	s4 =	sadd.s32 s3, s25;
	s29 =	spop (v2sf)  }
0x63: {  	[tilespmem:s1], [sflag:$0x1] =	stream.linear.gather [hbm4b:s4+s16], $0x80, $0x38;
	[tilespmem:$0x8200] =	vst v63  }
0x64: {  	s14 =	sadd.s32 s3, s28;
	s30 =	sand.u32 $0x1FFFFFF0, s29;
	s31 =	spop (v2sf)  }
0x65: {  	[tilespmem:s5], [sflag:$0x1] =	stream.linear.gather [hbm4b:s14+s16], $0x80, $0x38;
	[tilespmem:$0x8200] =	vst v63  }
0x66: {  	s4 =	sand.u32 $0x1FFFFFF0, s31;
	s1 =	sadd.s32 s3, s30;
	s14 =	spop (v2sf)  }
0x67: {  	[tilespmem:s0], [sflag:$0x1] =	stream.linear.gather [hbm4b:s1+s16], $0x80, $0x38;
	[tilespmem:$0x8200] =	vst v63  }
0x68: {  	s4 =	sadd.s32 s3, s4;
	s21 =	sand.u32 $0x1FFFFFF0, s14;
	s22 =	spop (v2sf)  }
0x69: {  	[tilespmem:s12], [sflag:$0x1] =	stream.linear.gather [hbm4b:s4+s16], $0x80, $0x38;
	[tilespmem:$0x8200] =	vst v63  }
0x6a: {  	s0 =	sadd.s32 s3, s21;
	s1 =	sand.u32 $0x1FFFFFF0, s22;
	s23 =	spop (v2sf)  }
0x6b: {  	[tilespmem:s20], [sflag:$0x1] =	stream.linear.gather [hbm4b:s0+s16], $0x80, $0x38;
	[tilespmem:$0x8200] =	vst v63  }
0x6c: {  	s24 =	sand.u32 $0x1FFFFFF0, s23;
	s1 =	sadd.s32 s3, s1;
	s25 =	spop (v2sf)  }
0x6d: {  	[tilespmem:s18], [sflag:$0x1] =	stream.linear.gather [hbm4b:s1+s16], $0x80, $0x38;
	[tilespmem:$0x8200] =	vst v63  }
0x6e: {  	s26 =	sand.u32 $0x1FFFFFF0, s25;
	s28 =	spop (v2sf);
	s0 =	sadd.s32 s3, s24  }
0x6f: {  	[tilespmem:s19], [sflag:$0x1] =	stream.linear.gather [hbm4b:s0+s16], $0x80, $0x38;
	[tilespmem:$0x8200] =	vst v63  }
0x70: {  	s30 =	sadd.s32 $0x900, s17;
	s29 =	sand.u32 $0x1FFFFFF0, s28;
	s1 =	sadd.s32 s3, s26  }
0x71: {  	[tilespmem:s30], [sflag:$0x1] =	stream.linear.gather [hbm4b:s1+s16], $0x80, $0x38;
	[tilespmem:$0x8200] =	vst v63  }
0x72: {  	s31 =	sadd.s32 $0x980, s17;
	s17 =	simm.s32 $0x80;
	s0 =	sadd.s32 s3, s29  }
0x73: {  	[tilespmem:s31], [sflag:$0x1] =	stream.linear.gather [hbm4b:s0+s16], $0x80, $0x38;
	[tilespmem:$0x8200] =	vst v63  }
0x74: {  	v0 =	vld [tilespmem:s17+$0x0];
	_ =	sdelay $0x4  }
0x75: {  	v0 =	vshll.u32 v0, $0x4  }
0x76: {  	(v2sf) =	vpush v0, $0x0  }
0x77: {  	(v2sf) =	vpush v0, $0x1  }
0x78: {  	(v2sf) =	vpush v0, $0x2;
	_ =	sdelay $0x1  }
0x79: {  	(v2sf) =	vpush v0, $0x4;
	_ =	sdelay $0x1  }
0x7a: {  	(v2sf) =	vpush v0, $0x3  }
0x7b: {  	(v2sf) =	vpush v0, $0x5  }
0x7c: {  	s18 =	simm.s32 $0x2000;
	s16 =	simm.s32 $0x0;
	(v2sf) =	vpush v0, $0x6  }
.LBB2_4:
0x7d: {  	p0 =	sne.s32 s18, $0xE000  }
0x7e: {  	s0 =	sadd.s32 $0x4280, s16;
	s22 =	sadd.s32 $0x4780, s16;
	s19 =	smov.u32 s18  }
0x7f: {  	s18 =	sadd.s32 $0x2000, s18;
	s25 =	sadd.s32 $0x4580, s16;
	s20 =	sadd.s32 $0x4800, s16;
	(v2sf) =	vpush v0, $0x7  }
0x80: {  	s28 =	sadd.s32 $0x4480, s16;
	s24 =	sadd.s32 $0x4600, s16;
	s21 =	sadd.s32 $0x4880, s16  }
0x81: {  	s1 =	sadd.s32 $0x4200, s16;
	s4 =	sadd.s32 $0x4400, s16;
	(v2sf) =	vpush v0, $0x8  }
0x82: {  	s5 =	sadd.s32 $0x4500, s16;
	s17 =	sadd.s32 $0x10, s17  }
0x83: {  	s12 =	sadd.s32 $0x4300, s16;
	s23 =	sadd.s32 $0x4700, s16;
	s14 =	spop (v2sf);
	(v2sf) =	vpush v0, $0x9  }
0x84: {  	s26 =	sadd.s32 $0x4680, s16;
	s14 =	sand.u32 $0x1FFFFFF0, s14;
	s29 =	spop (v2sf)  }
0x85: {  	s14 =	sadd.s32 s3, s14;
	s29 =	sand.u32 $0x1FFFFFF0, s29;
	s30 =	spop (v2sf);
	(v2sf) =	vpush v0, $0xA  }
0x86: {  	[tilespmem:s1], [sflag:$0x2] =	stream.linear.gather [hbm4b:s14+s2], $0x80, $0x38;
	[tilespmem:$0x8200] =	vst v63  }
0x87: {  	s1 =	sadd.s32 s3, s29;
	s14 =	sadd.s32 $0x4380, s16;
	s29 =	spop (v2sf);
	(v2sf) =	vpush v0, $0xB  }
0x88: {  	[tilespmem:s0], [sflag:$0x2] =	stream.linear.gather [hbm4b:s1+s2], $0x80, $0x38;
	[tilespmem:$0x8200] =	vst v63  }
0x89: {  	s0 =	sand.u32 $0x1FFFFFF0, s30;
	s1 =	sand.u32 $0x1FFFFFF0, s29;
	s29 =	spop (v2sf);
	(v2sf) =	vpush v0, $0xC  }
0x8a: {  	s0 =	sadd.s32 s3, s0;
	s29 =	sand.u32 $0x1FFFFFF0, s29;
	s30 =	spop (v2sf)  }
0x8b: {  	[tilespmem:s12], [sflag:$0x2] =	stream.linear.gather [hbm4b:s0+s2], $0x80, $0x38;
	(v2sf) =	vpush v0, $0xD;
	[tilespmem:$0x8200] =	vst v63  }
0x8c: {  	s0 =	sadd.s32 s3, s29;
	s12 =	sand.u32 $0x1FFFFFF0, s30;
	s29 =	spop (v2sf)  }
0x8d: {  	[tilespmem:s14], [sflag:$0x2] =	stream.linear.gather [hbm4b:s0+s2], $0x80, $0x38;
	(v2sf) =	vpush v0, $0xE;
	[tilespmem:$0x8200] =	vst v63  }
0x8e: {  	s0 =	sadd.s32 s3, s1;
	s1 =	sand.u32 $0x1FFFFFF0, s29;
	s14 =	spop (v2sf)  }
0x8f: {  	[tilespmem:s4], [sflag:$0x2] =	stream.linear.gather [hbm4b:s0+s2], $0x80, $0x38;
	(v2sf) =	vpush v0, $0xF;
	[tilespmem:$0x8200] =	vst v63  }
0x90: {  	s0 =	sadd.s32 s3, s12;
	s4 =	sand.u32 $0x1FFFFFF0, s14;
	s12 =	spop (v2sf)  }
0x91: {  	[tilespmem:s28], [sflag:$0x2] =	stream.linear.gather [hbm4b:s0+s2], $0x80, $0x38;
	[tilespmem:$0x8200] =	vst v63  }
0x92: {  	s0 =	sadd.s32 s3, s1;
	s1 =	sand.u32 $0x1FFFFFF0, s12;
	s12 =	spop (v2sf)  }
0x93: {  	[tilespmem:s5], [sflag:$0x2] =	stream.linear.gather [hbm4b:s0+s2], $0x80, $0x38;
	[tilespmem:$0x8200] =	vst v63  }
0x94: {  	s0 =	sadd.s32 s3, s4;
	s4 =	sand.u32 $0x1FFFFFF0, s12;
	s5 =	spop (v2sf)  }
0x95: {  	[tilespmem:s25], [sflag:$0x2] =	stream.linear.gather [hbm4b:s0+s2], $0x80, $0x38;
	[tilespmem:$0x8200] =	vst v63  }
0x96: {  	s0 =	sadd.s32 s3, s1;
	s1 =	sand.u32 $0x1FFFFFF0, s5;
	s5 =	spop (v2sf)  }
0x97: {  	[tilespmem:s24], [sflag:$0x2] =	stream.linear.gather [hbm4b:s0+s2], $0x80, $0x38;
	[tilespmem:$0x8200] =	vst v63  }
0x98: {  	s0 =	sadd.s32 s3, s4;
	s4 =	sand.u32 $0x1FFFFFF0, s5;
	s5 =	spop (v2sf)  }
0x99: {  	[tilespmem:s26], [sflag:$0x2] =	stream.linear.gather [hbm4b:s0+s2], $0x80, $0x38;
	[tilespmem:$0x8200] =	vst v63  }
0x9a: {  	s0 =	sadd.s32 s3, s1;
	s1 =	sand.u32 $0x1FFFFFF0, s5;
	s5 =	spop (v2sf)  }
0x9b: {  	[tilespmem:s23], [sflag:$0x2] =	stream.linear.gather [hbm4b:s0+s2], $0x80, $0x38;
	[tilespmem:$0x8200] =	vst v63  }
0x9c: {  	s0 =	sadd.s32 s3, s4;
	s4 =	sand.u32 $0x1FFFFFF0, s5;
	s5 =	spop (v2sf)  }
0x9d: {  	[tilespmem:s22], [sflag:$0x2] =	stream.linear.gather [hbm4b:s0+s2], $0x80, $0x38;
	[tilespmem:$0x8200] =	vst v63  }
0x9e: {  	s0 =	sadd.s32 s3, s1;
	s1 =	sand.u32 $0x1FFFFFF0, s5;
	s5 =	spop (v2sf)  }
0x9f: {  	[tilespmem:s20], [sflag:$0x2] =	stream.linear.gather [hbm4b:s0+s2], $0x80, $0x38;
	[tilespmem:$0x8200] =	vst v63  }
0xa0: {  	s0 =	sadd.s32 s3, s4;
	s4 =	sand.u32 $0x1FFFFFF0, s5  }
0xa1: {  	[tilespmem:s21], [sflag:$0x2] =	stream.linear.gather [hbm4b:s0+s2], $0x80, $0x38;
	[tilespmem:$0x8200] =	vst v63  }
0xa2: {  	s1 =	sadd.s32 s3, s1;
	s0 =	sadd.s32 $0x4900, s16  }
0xa3: {  	[tilespmem:s0], [sflag:$0x2] =	stream.linear.gather [hbm4b:s1+s2], $0x80, $0x38;
	[tilespmem:$0x8200] =	vst v63  }
0xa4: {  	s0 =	sadd.s32 $0x4980, s16;
	s1 =	sadd.s32 s3, s4  }
0xa5: {  	[tilespmem:s0], [sflag:$0x2] =	stream.linear.gather [hbm4b:s1+s2], $0x80, $0x38;
	[tilespmem:$0x8200] =	vst v63  }
0xa6: {  	v0 =	vld [tilespmem:s17+$0x0];
	_ =	sdelay $0x4  }
0xa7: {  	v0 =	vshll.u32 v0, $0x4  }
0xa8: {  	(v2sf) =	vpush v0, $0x0  }
0xa9: {  	(v2sf) =	vpush v0, $0x1  }
0xaa: {  	(v2sf) =	vpush v0, $0x2;
	_ =	sdelay $0x1  }
0xab: {  	(v2sf) =	vpush v0, $0x4  }
.Ltmp1:
0xac: {  	(pc) =	sbr.rel @p0 .LBB2_4-.Ltmp1, $3  }
0xad: {  	(v2sf) =	vpush v0, $0x3  }
0xae: {  	(v2sf) =	vpush v0, $0x5;
	_ =	sdelay $0x1  }
0xaf: {  	s16 =	sshra.s32 s19, $0x2;
	(v2sf) =	vpush v0, $0x6  }
0xb0: {  	_ =	sdelay $0x1  }
0xb1: {  	s0 =	sadd.s32 $0x4280, s16;
	s19 =	sadd.s32 $0x4780, s16  }
0xb2: {  	s1 =	sadd.s32 $0x4580, s16;
	s17 =	sadd.s32 $0x4800, s16;
	(v2sf) =	vpush v0, $0x7;
	s4 =	sadd.s32 $0x4480, s16  }
0xb3: {  	s5 =	sadd.s32 $0x4600, s16;
	s18 =	sadd.s32 $0x4880, s16;
	s12 =	sadd.s32 $0x4200, s16  }
0xb4: {  	s14 =	sadd.s32 $0x4400, s16;
	s20 =	sadd.s32 $0x4500, s16;
	(v2sf) =	vpush v0, $0x8;
	s21 =	spop (v2sf)  }
0xb5: {  	s22 =	sadd.s32 $0x4300, s16;
	s21 =	sand.u32 $0x1FFFFFF0, s21;
	s23 =	spop (v2sf)  }
0xb6: {  	(v2sf) =	vpush v0, $0x9;
	s21 =	sadd.s32 s3, s21;
	s23 =	sand.u32 $0x1FFFFFF0, s23;
	s24 =	spop (v2sf)  }
0xb7: {  	[tilespmem:s12], [sflag:$0x2] =	stream.linear.gather [hbm4b:s21+s2], $0x80, $0x38;
	[tilespmem:$0x8200] =	vst v63  }
0xb8: {  	s25 =	sadd.s32 $0x4380, s16;
	(v2sf) =	vpush v0, $0xA;
	s29 =	sadd.s32 s3, s23;
	s30 =	spop (v2sf)  }
0xb9: {  	[tilespmem:s0], [sflag:$0x2] =	stream.linear.gather [hbm4b:s29+s2], $0x80, $0x38;
	[tilespmem:$0x8200] =	vst v63  }
0xba: {  	s12 =	sadd.s32 $0x4700, s16;
	s26 =	sand.u32 $0x1FFFFFF0, s24;
	(v2sf) =	vpush v0, $0xB;
	s28 =	spop (v2sf)  }
0xbb: {  	s21 =	sadd.s32 s3, s26;
	s0 =	sadd.s32 $0x4680, s16;
	s24 =	sand.u32 $0x1FFFFFF0, s28  }
0xbc: {  	(v2sf) =	vpush v0, $0xC;
	[tilespmem:s22], [sflag:$0x2] =	stream.linear.gather [hbm4b:s21+s2], $0x80, $0x38;
	[tilespmem:$0x8200] =	vst v63  }
0xbd: {  	s29 =	sand.u32 $0x1FFFFFF0, s30;
	s30 =	spop (v2sf);
	s26 =	sadd.s32 s3, s24  }
0xbe: {  	(v2sf) =	vpush v0, $0xD;
	[tilespmem:s25], [sflag:$0x2] =	stream.linear.gather [hbm4b:s26+s2], $0x80, $0x38;
	[tilespmem:$0x8200] =	vst v63  }
0xbf: {  	s21 =	sadd.s32 s3, s29;
	s22 =	sand.u32 $0x1FFFFFF0, s30;
	s28 =	spop (v2sf)  }
0xc0: {  	(v2sf) =	vpush v0, $0xE;
	[tilespmem:s14], [sflag:$0x2] =	stream.linear.gather [hbm4b:s21+s2], $0x80, $0x38;
	[tilespmem:$0x8200] =	vst v63  }
0xc1: {  	s22 =	sadd.s32 s3, s22;
	s29 =	sand.u32 $0x1FFFFFF0, s28;
	s30 =	spop (v2sf)  }
0xc2: {  	(v2sf) =	vpush v0, $0xF;
	[tilespmem:s4], [sflag:$0x2] =	stream.linear.gather [hbm4b:s22+s2], $0x80, $0x38;
	[tilespmem:$0x8200] =	vst v63  }
0xc3: {  	s23 =	sand.u32 $0x1FFFFFF0, s30;
	s24 =	spop (v2sf);
	s14 =	sadd.s32 s3, s29  }
0xc4: {  	[tilespmem:s20], [sflag:$0x2] =	stream.linear.gather [hbm4b:s14+s2], $0x80, $0x38;
	[tilespmem:$0x8200] =	vst v63  }
0xc5: {  	s25 =	sand.u32 $0x1FFFFFF0, s24;
	s4 =	sadd.s32 s3, s23;
	s26 =	spop (v2sf)  }
0xc6: {  	[tilespmem:s1], [sflag:$0x2] =	stream.linear.gather [hbm4b:s4+s2], $0x80, $0x38;
	[tilespmem:$0x8200] =	vst v63  }
0xc7: {  	s14 =	sadd.s32 s3, s25;
	s28 =	sand.u32 $0x1FFFFFF0, s26;
	s29 =	spop (v2sf)  }
0xc8: {  	[tilespmem:s5], [sflag:$0x2] =	stream.linear.gather [hbm4b:s14+s2], $0x80, $0x38;
	[tilespmem:$0x8200] =	vst v63  }
0xc9: {  	s4 =	sand.u32 $0x1FFFFFF0, s29;
	s1 =	sadd.s32 s3, s28;
	s30 =	spop (v2sf)  }
0xca: {  	[tilespmem:s0], [sflag:$0x2] =	stream.linear.gather [hbm4b:s1+s2], $0x80, $0x38;
	[tilespmem:$0x8200] =	vst v63  }
0xcb: {  	s4 =	sadd.s32 s3, s4;
	s5 =	sand.u32 $0x1FFFFFF0, s30;
	s14 =	spop (v2sf)  }
0xcc: {  	[tilespmem:s12], [sflag:$0x2] =	stream.linear.gather [hbm4b:s4+s2], $0x80, $0x38;
	[tilespmem:$0x8200] =	vst v63  }
0xcd: {  	s0 =	sadd.s32 s3, s5;
	s1 =	sand.u32 $0x1FFFFFF0, s14;
	s20 =	spop (v2sf)  }
0xce: {  	[tilespmem:s19], [sflag:$0x2] =	stream.linear.gather [hbm4b:s0+s2], $0x80, $0x38;
	[tilespmem:$0x8200] =	vst v63  }
0xcf: {  	s21 =	sand.u32 $0x1FFFFFF0, s20;
	s1 =	sadd.s32 s3, s1;
	s22 =	spop (v2sf)  }
0xd0: {  	[tilespmem:s17], [sflag:$0x2] =	stream.linear.gather [hbm4b:s1+s2], $0x80, $0x38;
	[tilespmem:$0x8200] =	vst v63  }
0xd1: {  	s23 =	sand.u32 $0x1FFFFFF0, s22;
	s24 =	spop (v2sf);
	s0 =	sadd.s32 s3, s21  }
0xd2: {  	[tilespmem:s18], [sflag:$0x2] =	stream.linear.gather [hbm4b:s0+s2], $0x80, $0x38;
	[tilespmem:$0x8200] =	vst v63  }
0xd3: {  	s26 =	sadd.s32 $0x4900, s16;
	s25 =	sand.u32 $0x1FFFFFF0, s24;
	s1 =	sadd.s32 s3, s23  }
0xd4: {  	[tilespmem:s26], [sflag:$0x2] =	stream.linear.gather [hbm4b:s1+s2], $0x80, $0x38;
	[tilespmem:$0x8200] =	vst v63  }
0xd5: {  	s28 =	sadd.s32 $0x4980, s16;
	s0 =	sadd.s32 s3, s25  }
0xd6: {  	[tilespmem:s28], [sflag:$0x2] =	stream.linear.gather [hbm4b:s0+s2], $0x80, $0x38;
	[tilespmem:$0x8200] =	vst v63  }
0xd7: {  	_ =	swait.ge [sflag:s11], $0x4000  }
0xd8: {  	s31 =	simm.s32 $0x200;
	[sflag:s11] =	ssyncset.done $0x0  }
0xd9: {  	s29 =	simm.s32 $0x0;
	s30 =	rddreg [dreg:$0x4];
	[sflag:s11] =	ssyncadd.s32 $0xFFFFC000  }
0xda: {  	[hbm4b:s30+s29] =	stream.linear.scatter [tilespmem:s31], [sflag:$0x3], $0x4000, $0x38;
	[tilespmem:$0x8200] =	vst v63  }
0xdb: {  	_ =	swait.ge [sflag:s10], $0x4000  }
0xdc: {  	[sflag:s10] =	ssyncset.done $0x0  }
0xdd: {  	s17 =	simm.s32 $0x100;
	[sflag:s10] =	ssyncadd.s32 $0xFFFFC000  }
0xde: {  	v0 =	vld [tilespmem:s17+$0x0];
	_ =	sdelay $0x4  }
0xdf: {  	v0 =	vshll.u32 v0, $0x4  }
0xe0: {  	(v2sf) =	vpush v0, $0x0  }
0xe1: {  	(v2sf) =	vpush v0, $0x1  }
0xe2: {  	(v2sf) =	vpush v0, $0x2;
	_ =	sdelay $0x1  }
0xe3: {  	(v2sf) =	vpush v0, $0x4;
	_ =	sdelay $0x1  }
0xe4: {  	(v2sf) =	vpush v0, $0x3  }
0xe5: {  	(v2sf) =	vpush v0, $0x5  }
0xe6: {  	s16 =	simm.s32 $0x0;
	s18 =	simm.s32 $0x2000;
	(v2sf) =	vpush v0, $0x6  }
.LBB2_6:
0xe7: {  	p0 =	sne.s32 s18, $0xE000  }
0xe8: {  	s0 =	sadd.s32 $0x280, s16;
	s22 =	sadd.s32 $0x780, s16;
	s19 =	smov.u32 s18  }
0xe9: {  	s18 =	sadd.s32 $0x2000, s18;
	s25 =	sadd.s32 $0x580, s16;
	s20 =	sadd.s32 $0x800, s16;
	(v2sf) =	vpush v0, $0x7  }
0xea: {  	s28 =	sadd.s32 $0x480, s16;
	s24 =	sadd.s32 $0x600, s16;
	s21 =	sadd.s32 $0x880, s16  }
0xeb: {  	s1 =	sadd.s32 $0x200, s16;
	s4 =	sadd.s32 $0x400, s16;
	(v2sf) =	vpush v0, $0x8  }
0xec: {  	s5 =	sadd.s32 $0x500, s16;
	s17 =	sadd.s32 $0x10, s17  }
0xed: {  	s12 =	sadd.s32 $0x300, s16;
	s23 =	sadd.s32 $0x700, s16;
	s14 =	spop (v2sf);
	(v2sf) =	vpush v0, $0x9  }
0xee: {  	s26 =	sadd.s32 $0x680, s16;
	s14 =	sand.u32 $0x1FFFFFF0, s14;
	s29 =	spop (v2sf)  }
0xef: {  	s14 =	sadd.s32 s3, s14;
	s29 =	sand.u32 $0x1FFFFFF0, s29;
	s30 =	spop (v2sf);
	(v2sf) =	vpush v0, $0xA  }
0xf0: {  	[tilespmem:s1], [sflag:$0x1] =	stream.linear.gather [hbm4b:s14+s2], $0x80, $0x38;
	[tilespmem:$0x8200] =	vst v63  }
0xf1: {  	s1 =	sadd.s32 s3, s29;
	s14 =	sadd.s32 $0x380, s16;
	s29 =	spop (v2sf);
	(v2sf) =	vpush v0, $0xB  }
0xf2: {  	[tilespmem:s0], [sflag:$0x1] =	stream.linear.gather [hbm4b:s1+s2], $0x80, $0x38;
	[tilespmem:$0x8200] =	vst v63  }
0xf3: {  	s0 =	sand.u32 $0x1FFFFFF0, s30;
	s1 =	sand.u32 $0x1FFFFFF0, s29;
	s29 =	spop (v2sf);
	(v2sf) =	vpush v0, $0xC  }
0xf4: {  	s0 =	sadd.s32 s3, s0;
	s29 =	sand.u32 $0x1FFFFFF0, s29;
	s30 =	spop (v2sf)  }
0xf5: {  	[tilespmem:s12], [sflag:$0x1] =	stream.linear.gather [hbm4b:s0+s2], $0x80, $0x38;
	(v2sf) =	vpush v0, $0xD;
	[tilespmem:$0x8200] =	vst v63  }
0xf6: {  	s0 =	sadd.s32 s3, s29;
	s12 =	sand.u32 $0x1FFFFFF0, s30;
	s29 =	spop (v2sf)  }
0xf7: {  	[tilespmem:s14], [sflag:$0x1] =	stream.linear.gather [hbm4b:s0+s2], $0x80, $0x38;
	(v2sf) =	vpush v0, $0xE;
	[tilespmem:$0x8200] =	vst v63  }
0xf8: {  	s0 =	sadd.s32 s3, s1;
	s1 =	sand.u32 $0x1FFFFFF0, s29;
	s14 =	spop (v2sf)  }
0xf9: {  	[tilespmem:s4], [sflag:$0x1] =	stream.linear.gather [hbm4b:s0+s2], $0x80, $0x38;
	(v2sf) =	vpush v0, $0xF;
	[tilespmem:$0x8200] =	vst v63  }
0xfa: {  	s0 =	sadd.s32 s3, s12;
	s4 =	sand.u32 $0x1FFFFFF0, s14;
	s12 =	spop (v2sf)  }
0xfb: {  	[tilespmem:s28], [sflag:$0x1] =	stream.linear.gather [hbm4b:s0+s2], $0x80, $0x38;
	[tilespmem:$0x8200] =	vst v63  }
0xfc: {  	s0 =	sadd.s32 s3, s1;
	s1 =	sand.u32 $0x1FFFFFF0, s12;
	s12 =	spop (v2sf)  }
0xfd: {  	[tilespmem:s5], [sflag:$0x1] =	stream.linear.gather [hbm4b:s0+s2], $0x80, $0x38;
	[tilespmem:$0x8200] =	vst v63  }
0xfe: {  	s0 =	sadd.s32 s3, s4;
	s4 =	sand.u32 $0x1FFFFFF0, s12;
	s5 =	spop (v2sf)  }
0xff: {  	[tilespmem:s25], [sflag:$0x1] =	stream.linear.gather [hbm4b:s0+s2], $0x80, $0x38;
	[tilespmem:$0x8200] =	vst v63  }
0x100: {  	s0 =	sadd.s32 s3, s1;
	s1 =	sand.u32 $0x1FFFFFF0, s5;
	s5 =	spop (v2sf)  }
0x101: {  	[tilespmem:s24], [sflag:$0x1] =	stream.linear.gather [hbm4b:s0+s2], $0x80, $0x38;
	[tilespmem:$0x8200] =	vst v63  }
0x102: {  	s0 =	sadd.s32 s3, s4;
	s4 =	sand.u32 $0x1FFFFFF0, s5;
	s5 =	spop (v2sf)  }
0x103: {  	[tilespmem:s26], [sflag:$0x1] =	stream.linear.gather [hbm4b:s0+s2], $0x80, $0x38;
	[tilespmem:$0x8200] =	vst v63  }
0x104: {  	s0 =	sadd.s32 s3, s1;
	s1 =	sand.u32 $0x1FFFFFF0, s5;
	s5 =	spop (v2sf)  }
0x105: {  	[tilespmem:s23], [sflag:$0x1] =	stream.linear.gather [hbm4b:s0+s2], $0x80, $0x38;
	[tilespmem:$0x8200] =	vst v63  }
0x106: {  	s0 =	sadd.s32 s3, s4;
	s4 =	sand.u32 $0x1FFFFFF0, s5;
	s5 =	spop (v2sf)  }
0x107: {  	[tilespmem:s22], [sflag:$0x1] =	stream.linear.gather [hbm4b:s0+s2], $0x80, $0x38;
	[tilespmem:$0x8200] =	vst v63  }
0x108: {  	s0 =	sadd.s32 s3, s1;
	s1 =	sand.u32 $0x1FFFFFF0, s5;
	s5 =	spop (v2sf)  }
0x109: {  	[tilespmem:s20], [sflag:$0x1] =	stream.linear.gather [hbm4b:s0+s2], $0x80, $0x38;
	[tilespmem:$0x8200] =	vst v63  }
0x10a: {  	s0 =	sadd.s32 s3, s4;
	s4 =	sand.u32 $0x1FFFFFF0, s5  }
0x10b: {  	[tilespmem:s21], [sflag:$0x1] =	stream.linear.gather [hbm4b:s0+s2], $0x80, $0x38;
	[tilespmem:$0x8200] =	vst v63  }
0x10c: {  	s1 =	sadd.s32 s3, s1;
	s0 =	sadd.s32 $0x900, s16  }
0x10d: {  	[tilespmem:s0], [sflag:$0x1] =	stream.linear.gather [hbm4b:s1+s2], $0x80, $0x38;
	[tilespmem:$0x8200] =	vst v63  }
0x10e: {  	s0 =	sadd.s32 $0x980, s16;
	s1 =	sadd.s32 s3, s4  }
0x10f: {  	[tilespmem:s0], [sflag:$0x1] =	stream.linear.gather [hbm4b:s1+s2], $0x80, $0x38;
	[tilespmem:$0x8200] =	vst v63  }
0x110: {  	v0 =	vld [tilespmem:s17+$0x0];
	_ =	sdelay $0x4  }
0x111: {  	v0 =	vshll.u32 v0, $0x4  }
0x112: {  	(v2sf) =	vpush v0, $0x0  }
0x113: {  	(v2sf) =	vpush v0, $0x1  }
0x114: {  	(v2sf) =	vpush v0, $0x2;
	_ =	sdelay $0x1  }
0x115: {  	(v2sf) =	vpush v0, $0x4  }
.Ltmp2:
0x116: {  	(pc) =	sbr.rel @p0 .LBB2_6-.Ltmp2, $3  }
0x117: {  	(v2sf) =	vpush v0, $0x3  }
0x118: {  	(v2sf) =	vpush v0, $0x5;
	_ =	sdelay $0x1  }
0x119: {  	s16 =	sshra.s32 s19, $0x2;
	(v2sf) =	vpush v0, $0x6  }
0x11a: {  	_ =	sdelay $0x1  }
0x11b: {  	s0 =	sadd.s32 $0x280, s16;
	s19 =	sadd.s32 $0x780, s16  }
0x11c: {  	s1 =	sadd.s32 $0x580, s16;
	s17 =	sadd.s32 $0x800, s16;
	(v2sf) =	vpush v0, $0x7;
	s4 =	sadd.s32 $0x480, s16  }
0x11d: {  	s5 =	sadd.s32 $0x600, s16;
	s18 =	sadd.s32 $0x880, s16;
	s12 =	sadd.s32 $0x200, s16  }
0x11e: {  	s14 =	sadd.s32 $0x400, s16;
	s20 =	sadd.s32 $0x500, s16;
	(v2sf) =	vpush v0, $0x8;
	s21 =	spop (v2sf)  }
0x11f: {  	s22 =	sadd.s32 $0x300, s16;
	s21 =	sand.u32 $0x1FFFFFF0, s21;
	s23 =	spop (v2sf)  }
0x120: {  	(v2sf) =	vpush v0, $0x9;
	s21 =	sadd.s32 s3, s21;
	s23 =	sand.u32 $0x1FFFFFF0, s23;
	s24 =	spop (v2sf)  }
0x121: {  	[tilespmem:s12], [sflag:$0x1] =	stream.linear.gather [hbm4b:s21+s2], $0x80, $0x38;
	[tilespmem:$0x8200] =	vst v63  }
0x122: {  	s25 =	sadd.s32 $0x380, s16;
	(v2sf) =	vpush v0, $0xA;
	s29 =	sadd.s32 s3, s23;
	s30 =	spop (v2sf)  }
0x123: {  	[tilespmem:s0], [sflag:$0x1] =	stream.linear.gather [hbm4b:s29+s2], $0x80, $0x38;
	[tilespmem:$0x8200] =	vst v63  }
0x124: {  	s12 =	sadd.s32 $0x700, s16;
	s26 =	sand.u32 $0x1FFFFFF0, s24;
	(v2sf) =	vpush v0, $0xB;
	s28 =	spop (v2sf)  }
0x125: {  	s21 =	sadd.s32 s3, s26;
	s0 =	sadd.s32 $0x680, s16;
	s24 =	sand.u32 $0x1FFFFFF0, s28  }
0x126: {  	(v2sf) =	vpush v0, $0xC;
	[tilespmem:s22], [sflag:$0x1] =	stream.linear.gather [hbm4b:s21+s2], $0x80, $0x38;
	[tilespmem:$0x8200] =	vst v63  }
0x127: {  	s29 =	sand.u32 $0x1FFFFFF0, s30;
	s30 =	spop (v2sf);
	s26 =	sadd.s32 s3, s24  }
0x128: {  	(v2sf) =	vpush v0, $0xD;
	[tilespmem:s25], [sflag:$0x1] =	stream.linear.gather [hbm4b:s26+s2], $0x80, $0x38;
	[tilespmem:$0x8200] =	vst v63  }
0x129: {  	s21 =	sadd.s32 s3, s29;
	s22 =	sand.u32 $0x1FFFFFF0, s30;
	s28 =	spop (v2sf)  }
0x12a: {  	(v2sf) =	vpush v0, $0xE;
	[tilespmem:s14], [sflag:$0x1] =	stream.linear.gather [hbm4b:s21+s2], $0x80, $0x38;
	[tilespmem:$0x8200] =	vst v63  }
0x12b: {  	s22 =	sadd.s32 s3, s22;
	s29 =	sand.u32 $0x1FFFFFF0, s28;
	s30 =	spop (v2sf)  }
0x12c: {  	(v2sf) =	vpush v0, $0xF;
	[tilespmem:s4], [sflag:$0x1] =	stream.linear.gather [hbm4b:s22+s2], $0x80, $0x38;
	[tilespmem:$0x8200] =	vst v63  }
0x12d: {  	s23 =	sand.u32 $0x1FFFFFF0, s30;
	s24 =	spop (v2sf);
	s14 =	sadd.s32 s3, s29  }
0x12e: {  	[tilespmem:s20], [sflag:$0x1] =	stream.linear.gather [hbm4b:s14+s2], $0x80, $0x38;
	[tilespmem:$0x8200] =	vst v63  }
0x12f: {  	s25 =	sand.u32 $0x1FFFFFF0, s24;
	s4 =	sadd.s32 s3, s23;
	s26 =	spop (v2sf)  }
0x130: {  	[tilespmem:s1], [sflag:$0x1] =	stream.linear.gather [hbm4b:s4+s2], $0x80, $0x38;
	[tilespmem:$0x8200] =	vst v63  }
0x131: {  	s14 =	sadd.s32 s3, s25;
	s28 =	sand.u32 $0x1FFFFFF0, s26;
	s29 =	spop (v2sf)  }
0x132: {  	[tilespmem:s5], [sflag:$0x1] =	stream.linear.gather [hbm4b:s14+s2], $0x80, $0x38;
	[tilespmem:$0x8200] =	vst v63  }
0x133: {  	s4 =	sand.u32 $0x1FFFFFF0, s29;
	s1 =	sadd.s32 s3, s28;
	s30 =	spop (v2sf)  }
0x134: {  	[tilespmem:s0], [sflag:$0x1] =	stream.linear.gather [hbm4b:s1+s2], $0x80, $0x38;
	[tilespmem:$0x8200] =	vst v63  }
0x135: {  	s4 =	sadd.s32 s3, s4;
	s5 =	sand.u32 $0x1FFFFFF0, s30;
	s14 =	spop (v2sf)  }
0x136: {  	[tilespmem:s12], [sflag:$0x1] =	stream.linear.gather [hbm4b:s4+s2], $0x80, $0x38;
	[tilespmem:$0x8200] =	vst v63  }
0x137: {  	s0 =	sadd.s32 s3, s5;
	s1 =	sand.u32 $0x1FFFFFF0, s14;
	s20 =	spop (v2sf)  }
0x138: {  	[tilespmem:s19], [sflag:$0x1] =	stream.linear.gather [hbm4b:s0+s2], $0x80, $0x38;
	[tilespmem:$0x8200] =	vst v63  }
0x139: {  	s21 =	sand.u32 $0x1FFFFFF0, s20;
	s1 =	sadd.s32 s3, s1;
	s22 =	spop (v2sf)  }
0x13a: {  	[tilespmem:s17], [sflag:$0x1] =	stream.linear.gather [hbm4b:s1+s2], $0x80, $0x38;
	[tilespmem:$0x8200] =	vst v63  }
0x13b: {  	s23 =	sand.u32 $0x1FFFFFF0, s22;
	s24 =	spop (v2sf);
	s0 =	sadd.s32 s3, s21  }
0x13c: {  	[tilespmem:s18], [sflag:$0x1] =	stream.linear.gather [hbm4b:s0+s2], $0x80, $0x38;
	[tilespmem:$0x8200] =	vst v63  }
0x13d: {  	s26 =	sadd.s32 $0x900, s16;
	s25 =	sand.u32 $0x1FFFFFF0, s24;
	s1 =	sadd.s32 s3, s23  }
0x13e: {  	[tilespmem:s26], [sflag:$0x1] =	stream.linear.gather [hbm4b:s1+s2], $0x80, $0x38;
	[tilespmem:$0x8200] =	vst v63  }
0x13f: {  	s28 =	sadd.s32 $0x980, s16;
	s0 =	sadd.s32 s3, s25  }
0x140: {  	[tilespmem:s28], [sflag:$0x1] =	stream.linear.gather [hbm4b:s0+s2], $0x80, $0x38;
	[tilespmem:$0x8200] =	vst v63  }
0x141: {  	_ =	swait.ge [sflag:s13], $0x4000  }
0x142: {  	[sflag:s13] =	ssyncset.done $0x0  }
0x143: {  	s29 =	simm.s32 $0x0;
	s30 =	simm.s32 $0x4200;
	[sflag:s13] =	ssyncadd.s32 $0xFFFFC000  }
0x144: {  	[hbm4b:s6+s29] =	stream.linear.scatter [tilespmem:s30], [sflag:$0x3], $0x4000, $0x38;
	[tilespmem:$0x8200] =	vst v63  }
0x145: {  	_ =	swait.ge [sflag:s10], $0x4000  }
0x146: {  	[sflag:s10] =	ssyncset.done $0x0  }
0x147: {  	s17 =	simm.s32 $0x180;
	[sflag:s10] =	ssyncadd.s32 $0xFFFFC000  }
0x148: {  	v0 =	vld [tilespmem:s17+$0x0];
	_ =	sdelay $0x4  }
0x149: {  	v0 =	vshll.u32 v0, $0x4  }
0x14a: {  	(v2sf) =	vpush v0, $0x0  }
0x14b: {  	(v2sf) =	vpush v0, $0x1  }
0x14c: {  	(v2sf) =	vpush v0, $0x2;
	_ =	sdelay $0x1  }
0x14d: {  	(v2sf) =	vpush v0, $0x4;
	_ =	sdelay $0x1  }
0x14e: {  	(v2sf) =	vpush v0, $0x3  }
0x14f: {  	(v2sf) =	vpush v0, $0x5  }
0x150: {  	s16 =	simm.s32 $0x0;
	s18 =	simm.s32 $0x2000;
	(v2sf) =	vpush v0, $0x6  }
.LBB2_8:
0x151: {  	p0 =	sne.s32 s18, $0xE000  }
0x152: {  	s0 =	sadd.s32 $0x4280, s16;
	s22 =	sadd.s32 $0x4780, s16;
	s19 =	smov.u32 s18  }
0x153: {  	s18 =	sadd.s32 $0x2000, s18;
	s25 =	sadd.s32 $0x4580, s16;
	s20 =	sadd.s32 $0x4800, s16;
	(v2sf) =	vpush v0, $0x7  }
0x154: {  	s28 =	sadd.s32 $0x4480, s16;
	s24 =	sadd.s32 $0x4600, s16;
	s21 =	sadd.s32 $0x4880, s16  }
0x155: {  	s1 =	sadd.s32 $0x4200, s16;
	s4 =	sadd.s32 $0x4400, s16;
	(v2sf) =	vpush v0, $0x8  }
0x156: {  	s5 =	sadd.s32 $0x4500, s16;
	s17 =	sadd.s32 $0x10, s17  }
0x157: {  	s12 =	sadd.s32 $0x4300, s16;
	s23 =	sadd.s32 $0x4700, s16;
	s14 =	spop (v2sf);
	(v2sf) =	vpush v0, $0x9  }
0x158: {  	s26 =	sadd.s32 $0x4680, s16;
	s14 =	sand.u32 $0x1FFFFFF0, s14;
	s29 =	spop (v2sf)  }
0x159: {  	s14 =	sadd.s32 s3, s14;
	s29 =	sand.u32 $0x1FFFFFF0, s29;
	s30 =	spop (v2sf);
	(v2sf) =	vpush v0, $0xA  }
0x15a: {  	[tilespmem:s1], [sflag:$0x2] =	stream.linear.gather [hbm4b:s14+s2], $0x80, $0x38;
	[tilespmem:$0x8200] =	vst v63  }
0x15b: {  	s1 =	sadd.s32 s3, s29;
	s14 =	sadd.s32 $0x4380, s16;
	s29 =	spop (v2sf);
	(v2sf) =	vpush v0, $0xB  }
0x15c: {  	[tilespmem:s0], [sflag:$0x2] =	stream.linear.gather [hbm4b:s1+s2], $0x80, $0x38;
	[tilespmem:$0x8200] =	vst v63  }
0x15d: {  	s0 =	sand.u32 $0x1FFFFFF0, s30;
	s1 =	sand.u32 $0x1FFFFFF0, s29;
	s29 =	spop (v2sf);
	(v2sf) =	vpush v0, $0xC  }
0x15e: {  	s0 =	sadd.s32 s3, s0;
	s29 =	sand.u32 $0x1FFFFFF0, s29;
	s30 =	spop (v2sf)  }
0x15f: {  	[tilespmem:s12], [sflag:$0x2] =	stream.linear.gather [hbm4b:s0+s2], $0x80, $0x38;
	(v2sf) =	vpush v0, $0xD;
	[tilespmem:$0x8200] =	vst v63  }
0x160: {  	s0 =	sadd.s32 s3, s29;
	s12 =	sand.u32 $0x1FFFFFF0, s30;
	s29 =	spop (v2sf)  }
0x161: {  	[tilespmem:s14], [sflag:$0x2] =	stream.linear.gather [hbm4b:s0+s2], $0x80, $0x38;
	(v2sf) =	vpush v0, $0xE;
	[tilespmem:$0x8200] =	vst v63  }
0x162: {  	s0 =	sadd.s32 s3, s1;
	s1 =	sand.u32 $0x1FFFFFF0, s29;
	s14 =	spop (v2sf)  }
0x163: {  	[tilespmem:s4], [sflag:$0x2] =	stream.linear.gather [hbm4b:s0+s2], $0x80, $0x38;
	(v2sf) =	vpush v0, $0xF;
	[tilespmem:$0x8200] =	vst v63  }
0x164: {  	s0 =	sadd.s32 s3, s12;
	s4 =	sand.u32 $0x1FFFFFF0, s14;
	s12 =	spop (v2sf)  }
0x165: {  	[tilespmem:s28], [sflag:$0x2] =	stream.linear.gather [hbm4b:s0+s2], $0x80, $0x38;
	[tilespmem:$0x8200] =	vst v63  }
0x166: {  	s0 =	sadd.s32 s3, s1;
	s1 =	sand.u32 $0x1FFFFFF0, s12;
	s12 =	spop (v2sf)  }
0x167: {  	[tilespmem:s5], [sflag:$0x2] =	stream.linear.gather [hbm4b:s0+s2], $0x80, $0x38;
	[tilespmem:$0x8200] =	vst v63  }
0x168: {  	s0 =	sadd.s32 s3, s4;
	s4 =	sand.u32 $0x1FFFFFF0, s12;
	s5 =	spop (v2sf)  }
0x169: {  	[tilespmem:s25], [sflag:$0x2] =	stream.linear.gather [hbm4b:s0+s2], $0x80, $0x38;
	[tilespmem:$0x8200] =	vst v63  }
0x16a: {  	s0 =	sadd.s32 s3, s1;
	s1 =	sand.u32 $0x1FFFFFF0, s5;
	s5 =	spop (v2sf)  }
0x16b: {  	[tilespmem:s24], [sflag:$0x2] =	stream.linear.gather [hbm4b:s0+s2], $0x80, $0x38;
	[tilespmem:$0x8200] =	vst v63  }
0x16c: {  	s0 =	sadd.s32 s3, s4;
	s4 =	sand.u32 $0x1FFFFFF0, s5;
	s5 =	spop (v2sf)  }
0x16d: {  	[tilespmem:s26], [sflag:$0x2] =	stream.linear.gather [hbm4b:s0+s2], $0x80, $0x38;
	[tilespmem:$0x8200] =	vst v63  }
0x16e: {  	s0 =	sadd.s32 s3, s1;
	s1 =	sand.u32 $0x1FFFFFF0, s5;
	s5 =	spop (v2sf)  }
0x16f: {  	[tilespmem:s23], [sflag:$0x2] =	stream.linear.gather [hbm4b:s0+s2], $0x80, $0x38;
	[tilespmem:$0x8200] =	vst v63  }
0x170: {  	s0 =	sadd.s32 s3, s4;
	s4 =	sand.u32 $0x1FFFFFF0, s5;
	s5 =	spop (v2sf)  }
0x171: {  	[tilespmem:s22], [sflag:$0x2] =	stream.linear.gather [hbm4b:s0+s2], $0x80, $0x38;
	[tilespmem:$0x8200] =	vst v63  }
0x172: {  	s0 =	sadd.s32 s3, s1;
	s1 =	sand.u32 $0x1FFFFFF0, s5;
	s5 =	spop (v2sf)  }
0x173: {  	[tilespmem:s20], [sflag:$0x2] =	stream.linear.gather [hbm4b:s0+s2], $0x80, $0x38;
	[tilespmem:$0x8200] =	vst v63  }
0x174: {  	s0 =	sadd.s32 s3, s4;
	s4 =	sand.u32 $0x1FFFFFF0, s5  }
0x175: {  	[tilespmem:s21], [sflag:$0x2] =	stream.linear.gather [hbm4b:s0+s2], $0x80, $0x38;
	[tilespmem:$0x8200] =	vst v63  }
0x176: {  	s1 =	sadd.s32 s3, s1;
	s0 =	sadd.s32 $0x4900, s16  }
0x177: {  	[tilespmem:s0], [sflag:$0x2] =	stream.linear.gather [hbm4b:s1+s2], $0x80, $0x38;
	[tilespmem:$0x8200] =	vst v63  }
0x178: {  	s0 =	sadd.s32 $0x4980, s16;
	s1 =	sadd.s32 s3, s4  }
0x179: {  	[tilespmem:s0], [sflag:$0x2] =	stream.linear.gather [hbm4b:s1+s2], $0x80, $0x38;
	[tilespmem:$0x8200] =	vst v63  }
0x17a: {  	v0 =	vld [tilespmem:s17+$0x0];
	_ =	sdelay $0x4  }
0x17b: {  	v0 =	vshll.u32 v0, $0x4  }
0x17c: {  	(v2sf) =	vpush v0, $0x0  }
0x17d: {  	(v2sf) =	vpush v0, $0x1  }
0x17e: {  	(v2sf) =	vpush v0, $0x2;
	_ =	sdelay $0x1  }
0x17f: {  	(v2sf) =	vpush v0, $0x4  }
.Ltmp3:
0x180: {  	(pc) =	sbr.rel @p0 .LBB2_8-.Ltmp3, $3  }
0x181: {  	(v2sf) =	vpush v0, $0x3  }
0x182: {  	(v2sf) =	vpush v0, $0x5;
	_ =	sdelay $0x1  }
0x183: {  	s16 =	sshra.s32 s19, $0x2;
	(v2sf) =	vpush v0, $0x6  }
0x184: {  	_ =	sdelay $0x5  }
0x185: {  	s0 =	spop (v2sf)  }
0x186: {  	s1 =	spop (v2sf)  }
0x187: {  	s18 =	spop (v2sf)  }
0x188: {  	s21 =	spop (v2sf);
	(v2sf) =	vpush v0, $0x7  }
0x189: {  	s0 =	sand.u32 $0x1FFFFFF0, s0  }
0x18a: {  	s4 =	sadd.s32 $0x4200, s16;
	s0 =	sadd.s32 s3, s0  }
0x18b: {  	[tilespmem:s4], [sflag:$0x2] =	stream.linear.gather [hbm4b:s0+s2], $0x80, $0x38;
	[tilespmem:$0x8200] =	vst v63  }
0x18c: {  	s1 =	sand.u32 $0x1FFFFFF0, s1;
	s22 =	spop (v2sf);
	(v2sf) =	vpush v0, $0x8  }
0x18d: {  	s17 =	sadd.s32 $0x4280, s16;
	s1 =	sadd.s32 s3, s1  }
0x18e: {  	[tilespmem:s17], [sflag:$0x2] =	stream.linear.gather [hbm4b:s1+s2], $0x80, $0x38;
	[tilespmem:$0x8200] =	vst v63  }
0x18f: {  	s19 =	sand.u32 $0x1FFFFFF0, s18;
	s26 =	spop (v2sf);
	(v2sf) =	vpush v0, $0x9  }
0x190: {  	s20 =	sadd.s32 $0x4300, s16;
	s0 =	sadd.s32 s3, s19  }
0x191: {  	[tilespmem:s20], [sflag:$0x2] =	stream.linear.gather [hbm4b:s0+s2], $0x80, $0x38;
	[tilespmem:$0x8200] =	vst v63  }
0x192: {  	s0 =	sand.u32 $0x1FFFFFF0, s22;
	s29 =	spop (v2sf);
	(v2sf) =	vpush v0, $0xA  }
0x193: {  	s23 =	sadd.s32 $0x4380, s16;
	s24 =	sand.u32 $0x1FFFFFF0, s21;
	s0 =	sadd.s32 s3, s0  }
0x194: {  	[tilespmem:s23], [sflag:$0x2] =	stream.linear.gather [hbm4b:s0+s2], $0x80, $0x38;
	[tilespmem:$0x8200] =	vst v63  }
0x195: {  	s25 =	sadd.s32 $0x4400, s16;
	s0 =	sadd.s32 s3, s24  }
0x196: {  	[tilespmem:s25], [sflag:$0x2] =	stream.linear.gather [hbm4b:s0+s2], $0x80, $0x38;
	[tilespmem:$0x8200] =	vst v63  }
0x197: {  	s0 =	sand.u32 $0x1FFFFFF0, s26;
	s1 =	spop (v2sf);
	(v2sf) =	vpush v0, $0xB  }
0x198: {  	s28 =	sadd.s32 $0x4480, s16;
	s0 =	sadd.s32 s3, s0  }
0x199: {  	[tilespmem:s28], [sflag:$0x2] =	stream.linear.gather [hbm4b:s0+s2], $0x80, $0x38;
	[tilespmem:$0x8200] =	vst v63  }
0x19a: {  	s0 =	sand.u32 $0x1FFFFFF0, s29  }
0x19b: {  	s30 =	sadd.s32 $0x4500, s16;
	s0 =	sadd.s32 s3, s0;
	s5 =	spop (v2sf);
	(v2sf) =	vpush v0, $0xC  }
0x19c: {  	[tilespmem:s30], [sflag:$0x2] =	stream.linear.gather [hbm4b:s0+s2], $0x80, $0x38;
	[tilespmem:$0x8200] =	vst v63  }
0x19d: {  	s0 =	sand.u32 $0x1FFFFFF0, s1  }
0x19e: {  	s4 =	sadd.s32 $0x4580, s16;
	s0 =	sadd.s32 s3, s0;
	s14 =	spop (v2sf);
	(v2sf) =	vpush v0, $0xD  }
0x19f: {  	[tilespmem:s4], [sflag:$0x2] =	stream.linear.gather [hbm4b:s0+s2], $0x80, $0x38;
	[tilespmem:$0x8200] =	vst v63  }
0x1a0: {  	s0 =	sand.u32 $0x1FFFFFF0, s5  }
0x1a1: {  	s12 =	sadd.s32 $0x4600, s16;
	s0 =	sadd.s32 s3, s0;
	s18 =	spop (v2sf);
	(v2sf) =	vpush v0, $0xE  }
0x1a2: {  	[tilespmem:s12], [sflag:$0x2] =	stream.linear.gather [hbm4b:s0+s2], $0x80, $0x38;
	[tilespmem:$0x8200] =	vst v63  }
0x1a3: {  	s0 =	sand.u32 $0x1FFFFFF0, s14  }
0x1a4: {  	s17 =	sadd.s32 $0x4680, s16;
	s0 =	sadd.s32 s3, s0  }
0x1a5: {  	[tilespmem:s17], [sflag:$0x2] =	stream.linear.gather [hbm4b:s0+s2], $0x80, $0x38;
	[tilespmem:$0x8200] =	vst v63  }
0x1a6: {  	s0 =	sand.u32 $0x1FFFFFF0, s18;
	s20 =	spop (v2sf);
	(v2sf) =	vpush v0, $0xF  }
0x1a7: {  	s19 =	sadd.s32 $0x4700, s16;
	s0 =	sadd.s32 s3, s0  }
0x1a8: {  	[tilespmem:s19], [sflag:$0x2] =	stream.linear.gather [hbm4b:s0+s2], $0x80, $0x38;
	[tilespmem:$0x8200] =	vst v63  }
0x1a9: {  	s0 =	sand.u32 $0x1FFFFFF0, s20  }
0x1aa: {  	s21 =	sadd.s32 $0x4780, s16;
	s0 =	sadd.s32 s3, s0;
	s22 =	spop (v2sf)  }
0x1ab: {  	[tilespmem:s21], [sflag:$0x2] =	stream.linear.gather [hbm4b:s0+s2], $0x80, $0x38;
	[tilespmem:$0x8200] =	vst v63  }
0x1ac: {  	s0 =	sand.u32 $0x1FFFFFF0, s22  }
0x1ad: {  	s23 =	sadd.s32 $0x4800, s16;
	s24 =	spop (v2sf);
	s0 =	sadd.s32 s3, s0  }
0x1ae: {  	[tilespmem:s23], [sflag:$0x2] =	stream.linear.gather [hbm4b:s0+s2], $0x80, $0x38;
	[tilespmem:$0x8200] =	vst v63  }
0x1af: {  	s0 =	sand.u32 $0x1FFFFFF0, s24  }
0x1b0: {  	s25 =	sadd.s32 $0x4880, s16;
	s26 =	spop (v2sf);
	s0 =	sadd.s32 s3, s0  }
0x1b1: {  	[tilespmem:s25], [sflag:$0x2] =	stream.linear.gather [hbm4b:s0+s2], $0x80, $0x38;
	[tilespmem:$0x8200] =	vst v63  }
0x1b2: {  	s0 =	sand.u32 $0x1FFFFFF0, s26  }
0x1b3: {  	s28 =	sadd.s32 $0x4900, s16;
	s0 =	sadd.s32 s3, s0  }
0x1b4: {  	[tilespmem:s28], [sflag:$0x2] =	stream.linear.gather [hbm4b:s0+s2], $0x80, $0x38;
	[tilespmem:$0x8200] =	vst v63  }
0x1b5: {  	s29 =	spop (v2sf)  }
0x1b6: {  	s0 =	sand.u32 $0x1FFFFFF0, s29  }
0x1b7: {  	s30 =	sadd.s32 $0x4980, s16;
	s0 =	sadd.s32 s3, s0  }
0x1b8: {  	[tilespmem:s30], [sflag:$0x2] =	stream.linear.gather [hbm4b:s0+s2], $0x80, $0x38;
	[tilespmem:$0x8200] =	vst v63  }
0x1b9: {  	_ =	swait.ge [sflag:s11], $0x4000  }
0x1ba: {  	[sflag:s11] =	ssyncset.done $0x0  }
0x1bb: {  	[sflag:s11] =	ssyncadd.s32 $0xFFFFC000  }
0x1bc: {  	[hbm4b:s7+s2] =	stream.linear.scatter [tilespmem:s31], [sflag:$0x3], $0x4000, $0x38;
	[tilespmem:$0x8200] =	vst v63  }
0x1bd: {  	_ =	swait.ge [sflag:s10], $0x4000  }
0x1be: {  	[sflag:s10] =	ssyncset.done $0x0  }
0x1bf: {  	[sflag:s10] =	ssyncadd.s32 $0xFFFFC000  }
0x1c0: {  	s15 =	sadd.s32 $0x1, s15;
	_ =	swait.ge [sflag:s13], $0x4000  }
0x1c1: {  	p0 =	sne.s32 s15, s9;
	[sflag:s13] =	ssyncset.done $0x0  }
.Ltmp4:
0x1c2: {  	s31 =	simm.s32 $0x4200;
	[sflag:s13] =	ssyncadd.s32 $0xFFFFC000;
	(pc) =	sbr.rel @p0 .LBB2_1-.Ltmp4, $4  }
0x1c3: {  	[hbm4b:s8+s2] =	stream.linear.scatter [tilespmem:s31], [sflag:$0x3], $0x4000, $0x38;
	[tilespmem:$0x8200] =	vst v63  }
0x1c4: {  	_ =	swait.ge [sflag:s10], $0x4000  }
0x1c5: {  	[sflag:s10] =	ssyncset.done $0x0  }
0x1c6: {  	[sflag:s10] =	ssyncadd.s32 $0xFFFFC000  }
0x1c7: {  	_ =	sfence.sel $0x180000  }
0x1c8: {  	[bflag:$0x0] =	sbarrier.arrive $0xFFFF  }
0x1c9: {  	_ =	strace $0x9000004A  }
0x1ca: {  	s0 =	stileid.u32;
	[bflag:$0x2] =	sbarrier.arrive $0xFFFF  }
0x1cb: {  	p0 =	sne.s32 s0, $0x0;
	s0 =	rddreg [dreg:$0x2]  }
0x1cc: {  	s0 =	sadd.s32 @!p0 $0x100000, s0  }
0x1cd: {  	[sflag:s0] =	ssyncadd.tile.s32 @!p0 $0x1;
	_ =	shalt  }
.Lfunc_end2:
_tile_overlayer_lowered:
.L_overlay_start_2:
0x1ce: {  	(tag) =	ssettag $0x2  }
0x1cf: {  	s0 =	rddreg [dreg:$0x0];
	s2 =	stileid.u32  }
0x1d0: {  	s1 =	rddreg [dreg:$0x1];
	p0 =	sne.s32 s2, $0x0  }
0x1d1: {  	s3 =	rddreg [dreg:$0x2];
	[bflag:$0x3] =	sbarrier.arrive $0xFFFF;
	s2 =	simm.s32 @!p0 $0x1C03  }
0x1d2: {  	[timem:s3], [sflag:s2] =	dma.local @!p0 [hbm:s0], s1  }
0x1d3: {  	s0 =	simm.s32 @!p0 $0x3  }
0x1d4: {  	_ =	swait.ge @!p0 [sflag:s0], s1  }
0x1d5: {  	s1 =	ssub.s32 @!p0 $0x0, s1;
	[sflag:s0] =	ssyncset.done @!p0 $0x0  }
0x1d6: {  	[sflag:s0] =	ssyncadd.s32 @!p0 s1  }
0x1d7: {  	[bflag:$0x3] =	sbarrier.arrive $0xFFFF  }
0x1d8: {  	_ =	shalt  }

</sc_bundles>
